<compile_context>
chip_gen: v7x
topology: tpu7x:2x2x1
jax: 0.10.2.dev20260603
libtpu: 0.0.44.dev20260713+nightly
codegen_flags: <defaults>
</compile_context>

<pallas_src>
import functools

import jax
import jax.numpy as jnp
from jax import lax
from jax.experimental import pallas as pl
from jax.experimental.pallas import tpu as pltpu
from jax.experimental.pallas import tpu_sc as plsc

_B = 16384
_F = 32
_N = 1000000
_NW = 32
_BPW = _B // _NW
_NCHUNK = 4
_CHUNK = _BPW // _NCHUNK
_PACK = 4
_NPACK = _N // _PACK
_GPC = _CHUNK // 16

_PB = 8000
_CB = _PB * _PACK
_PGRID = -(-_N // _CB)
_NPROWS = _PB * _PGRID


def _pack_body(x_ref, o_ref):
    y = x_ref[...].T
    o_ref[...] = jnp.concatenate(
        [y[k * _PB:(k + 1) * _PB] for k in range(_PACK)], axis=1)


_tc_pack = pl.pallas_call(
    _pack_body,
    grid=(_PGRID,),
    in_specs=[pl.BlockSpec((_F, _CB), lambda c: (0, c))],
    out_specs=pl.BlockSpec((_PB, _PACK * _F), lambda c: (c, 0)),
    out_shape=jax.ShapeDtypeStruct((_NPROWS, _PACK * _F), jnp.float32),
)


def _sc_body(up_ref, ud_ref, ip_ref, id_ref, uemb_ref, iemb_ref, wb_ref,
             out_ref, upix, udiv, ipix, idiv, ubuf, ibuf, wbv, outv, sem):
    nc = 2
    wid = lax.axis_index("s") * nc + lax.axis_index("c")

    pltpu.sync_copy(up_ref.at[wid], upix)
    pltpu.sync_copy(ud_ref.at[wid], udiv)
    pltpu.sync_copy(ip_ref.at[wid], ipix)
    pltpu.sync_copy(id_ref.at[wid], idiv)
    pltpu.sync_copy(wb_ref, wbv)

    def fire(j):
        slot = j % 2
        return (
            pltpu.async_copy(uemb_ref.at[upix.at[j]], ubuf.at[slot], sem),
            pltpu.async_copy(iemb_ref.at[ipix.at[j]], ibuf.at[slot], sem),
        )

    iot = lax.iota(jnp.int32, 16)
    w_vec = wbv[pl.ds(0, 16)]
    b_vec = wbv[pl.ds(16, 16)]

    pending = fire(0)
    for j in range(_NCHUNK):
        nxt = fire(j + 1) if j + 1 < _NCHUNK else None
        for cp in pending:
            cp.wait()
        slot = j % 2

        def group(g, carry, j=j, slot=slot):
            rows = g * 16 + iot
            du = udiv[j, pl.ds(g * 16, 16)]
            di = idiv[j, pl.ds(g * 16, 16)]
            acc = jnp.zeros((16,), jnp.float32)
            for f in range(_F):
                u = plsc.load_gather(ubuf, [jnp.full((16,), slot, jnp.int32),
                                            rows, du * _F + f])
                i = plsc.load_gather(ibuf, [jnp.full((16,), slot, jnp.int32),
                                            rows, di * _F + f])
                d = u - i
                acc = acc + d * d
            half = acc * 0.5
            bits = plsc.bitcast(acc, jnp.int32)
            bits = jnp.int32(0x5F3759DF) - (bits >> 1)
            y = plsc.bitcast(bits, jnp.float32)
            for _ in range(3):
                y = y * (1.5 - half * y * y)
            p2 = acc * y
            outv[pl.ds(j * _CHUNK + g * 16, 16)] = p2 * w_vec + b_vec
            return carry

        lax.fori_loop(0, _GPC, group, 0)
        pending = nxt

    pltpu.sync_copy(outv, out_ref.at[pl.ds(wid * _BPW, _BPW)])


@functools.partial(
    pl.kernel,
    mesh=plsc.VectorSubcoreMesh(core_axis_name="c", subcore_axis_name="s"),
    out_type=jax.ShapeDtypeStruct((_B,), jnp.float32),
    compiler_params=pltpu.CompilerParams(
        needs_layout_passes=False, use_tc_tiling_on_sc=True),
    scratch_types=[
        pltpu.VMEM((_NCHUNK, _CHUNK), jnp.int32),
        pltpu.VMEM((_NCHUNK, _CHUNK), jnp.int32),
        pltpu.VMEM((_NCHUNK, _CHUNK), jnp.int32),
        pltpu.VMEM((_NCHUNK, _CHUNK), jnp.int32),
        pltpu.VMEM((2, _CHUNK, _PACK * _F), jnp.float32),
        pltpu.VMEM((2, _CHUNK, _PACK * _F), jnp.float32),
        pltpu.VMEM((32,), jnp.float32),
        pltpu.VMEM((_BPW,), jnp.float32),
        pltpu.SemaphoreType.DMA,
    ],
)
def _sc_rating(up_ref, ud_ref, ip_ref, id_ref, uemb_ref, iemb_ref, wb_ref,
               out_ref, upix, udiv, ipix, idiv, ubuf, ibuf, wbv, outv, sem):
    _sc_body(up_ref, ud_ref, ip_ref, id_ref, uemb_ref, iemb_ref, wb_ref,
             out_ref, upix, udiv, ipix, idiv, ubuf, ibuf, wbv, outv, sem)


def kernel(user, item, user_emb, item_emb, lin_w, lin_b):
    user = user.astype(jnp.int32)
    item = item.astype(jnp.int32)
    up = ((user // _CB) * _PB + user % _PB).reshape(_NW, _NCHUNK, _CHUNK)
    ud = ((user % _CB) // _PB).reshape(_NW, _NCHUNK, _CHUNK)
    ip = ((item // _CB) * _PB + item % _PB).reshape(_NW, _NCHUNK, _CHUNK)
    idv = ((item % _CB) // _PB).reshape(_NW, _NCHUNK, _CHUNK)
    wb = jnp.concatenate([jnp.full((16,), lin_w.reshape(()), jnp.float32),
                          jnp.full((16,), lin_b.reshape(()), jnp.float32)])
    packed_u = _tc_pack(user_emb.T)
    packed_i = _tc_pack(item_emb.T)
    return _sc_rating(up, ud, ip, idv, packed_u, packed_i, wb)

# --- scband reference (transcript-rebuilt; emitter-appended) ---
"""Pipeline reference for scband-sco-r-10900626997541 (READ-ONLY COPY).

The authoritative reference and input builder live on the scoring server;
editing this copy changes nothing except your own understanding.
"""

import jax, jax.numpy as jnp
import numpy as np

N_USERS = 1000000
N_ITEMS = 1000000
N_FACTORS = 32
BATCH = 16384


def setup_inputs(seed: int = 0) -> dict:
    key = jax.random.key(seed)
    k_u, k_i, k_ue, k_ie, k_w, k_b = jax.random.split(key, 6)
    user = jax.random.randint(k_u, (BATCH,), 0, N_USERS, dtype=jnp.int64 if jax.config.jax_enable_x64 else jnp.int32)
    item = jax.random.randint(k_i, (BATCH,), 0, N_ITEMS, dtype=jnp.int64 if jax.config.jax_enable_x64 else jnp.int32)
    # init matches torch: 0.1 * uniform[0,1)
    user_emb = 0.1 * jax.random.uniform(k_ue, (N_USERS, N_FACTORS), dtype=jnp.float32)
    item_emb = 0.1 * jax.random.uniform(k_ie, (N_ITEMS, N_FACTORS), dtype=jnp.float32)
    # nn.Linear(1, 1): weight [1,1], bias [1]
    lin_w = jax.random.uniform(k_w, (1, 1), dtype=jnp.float32, minval=-1.0, maxval=1.0)
    lin_b = jax.random.uniform(k_b, (1,), dtype=jnp.float32, minval=-1.0, maxval=1.0)
    return {"user": user, "item": item, "user_emb": user_emb, "item_emb": item_emb, "lin_w": lin_w, "lin_b": lin_b}


def reference(user, item, user_emb, item_emb, lin_w, lin_b):
    u_src = jnp.take(user_emb, user, axis=0)          # [B, F] gather
    i_src = jnp.take(item_emb, item, axis=0)          # [B, F] gather
    diff = u_src - i_src
    p2 = jnp.sqrt(jnp.sum(diff * diff, axis=1)).reshape(-1, 1)  # L2 norm per row, [B, 1]
    rating = (p2 @ lin_w.T + lin_b).reshape(-1)       # Linear(1,1), [B]
    return rating

if __name__ == "__main__":
    import jax
    _d = setup_inputs()
    print(jax.jit(kernel)(*tuple(_d.values())))

</pallas_src>

<mosaic_0001>
#map = affine_map<(d0, d1) -> (0, 0, 0)>
#map1 = affine_map<(d0, d1) -> (0, 0)>
#map2 = affine_map<(d0, d1) -> (0)>
module attributes {stable_mosaic.version = 14 : i64} {
  func.func @_sc_rating(%arg0: i32, %arg1: i32, %arg2: memref<32x4x128xi32, #tpu.memory_space<hbm>>, %arg3: memref<32x4x128xi32, #tpu.memory_space<hbm>>, %arg4: memref<32x4x128xi32, #tpu.memory_space<hbm>>, %arg5: memref<32x4x128xi32, #tpu.memory_space<hbm>>, %arg6: memref<256000x128xf32, #tpu.memory_space<hbm>>, %arg7: memref<256000x128xf32, #tpu.memory_space<hbm>>, %arg8: memref<32xf32, #tpu.memory_space<hbm>>, %arg9: memref<16384xf32, #tpu.memory_space<hbm>>, %arg10: memref<4x128xi32, #tpu.memory_space<vmem>>, %arg11: memref<4x128xi32, #tpu.memory_space<vmem>>, %arg12: memref<4x128xi32, #tpu.memory_space<vmem>>, %arg13: memref<4x128xi32, #tpu.memory_space<vmem>>, %arg14: memref<2x128x128xf32, #tpu.memory_space<vmem>>, %arg15: memref<2x128x128xf32, #tpu.memory_space<vmem>>, %arg16: memref<32xf32, #tpu.memory_space<vmem>>, %arg17: memref<512xf32, #tpu.memory_space<vmem>>, %arg18: memref<!tpu.dma_semaphore, #tpu.memory_space<semaphore_mem>>) attributes {dimension_semantics = [#tpu.dimension_semantics<core_parallel>, #tpu.dimension_semantics<subcore_parallel>], iteration_bounds = array<i64: 2, 16>, scalar_prefetch = 0 : i64, scratch_operands = 9 : i64, tpu.core_type = #tpu.core_type<sc_vector_subcore>, window_params = [{transform_indices = #map}, {transform_indices = #map}, {transform_indices = #map}, {transform_indices = #map}, {transform_indices = #map1}, {transform_indices = #map1}, {transform_indices = #map2}, {transform_indices = #map2}]} {
    %mul3A = arith.constant 2 : i32
    %mul3A_0 = arith.muli %arg1, %mul3A : i32
    %add3A = arith.addi %mul3A_0, %arg0 : i32
    "tpu.region"() ({
      %run_scoped3A = tpu.sem_alloc : memref<!tpu.dma_semaphore, #tpu.memory_space<semaphore_mem>>
      %dma_start3A_219 = arith.constant 0 : i32
      %dma_start3A_220 = arith.constant 0 : i32
      %dma_start3A_221 = tpu.memref_slice %arg2[%add3A, %dma_start3A_219, %dma_start3A_220] : memref<32x4x128xi32, #tpu.memory_space<hbm>> -> memref<1x4x128xi32, #tpu.memory_space<hbm>>
      %dma_start3A_222 = tpu.memref_squeeze %dma_start3A_221 : memref<1x4x128xi32, #tpu.memory_space<hbm>> -> memref<4x128xi32, #tpu.memory_space<hbm>>
      %dma_start3A_223 = arith.constant 0 : i32
      %dma_start3A_224 = arith.constant 0 : i32
      %dma_start3A_225 = tpu.memref_slice %arg2[%add3A, %dma_start3A_223, %dma_start3A_224] : memref<32x4x128xi32, #tpu.memory_space<hbm>> -> memref<1x4x128xi32, #tpu.memory_space<hbm>>
      %dma_start3A_226 = tpu.memref_squeeze %dma_start3A_225 : memref<1x4x128xi32, #tpu.memory_space<hbm>> -> memref<4x128xi32, #tpu.memory_space<hbm>>
      tpu.enqueue_dma source(%dma_start3A_226 : memref<4x128xi32, #tpu.memory_space<hbm>>) target(%arg10 : memref<4x128xi32, #tpu.memory_space<vmem>>) target_semaphore(%run_scoped3A : memref<!tpu.dma_semaphore, #tpu.memory_space<semaphore_mem>>)
      %dma_wait3A_227 = arith.constant 0 : i32
      %dma_wait3A_228 = arith.constant 0 : i32
      %dma_wait3A_229 = tpu.memref_slice %arg2[%add3A, %dma_wait3A_227, %dma_wait3A_228] : memref<32x4x128xi32, #tpu.memory_space<hbm>> -> memref<1x4x128xi32, #tpu.memory_space<hbm>>
      %dma_wait3A_230 = tpu.memref_squeeze %dma_wait3A_229 : memref<1x4x128xi32, #tpu.memory_space<hbm>> -> memref<4x128xi32, #tpu.memory_space<hbm>>
      %dma_wait3A_231 = arith.constant 0 : i32
      %dma_wait3A_232 = arith.constant 0 : i32
      %dma_wait3A_233 = tpu.memref_slice %arg2[%add3A, %dma_wait3A_231, %dma_wait3A_232] : memref<32x4x128xi32, #tpu.memory_space<hbm>> -> memref<1x4x128xi32, #tpu.memory_space<hbm>>
      %dma_wait3A_234 = tpu.memref_squeeze %dma_wait3A_233 : memref<1x4x128xi32, #tpu.memory_space<hbm>> -> memref<4x128xi32, #tpu.memory_space<hbm>>
      tpu.wait_dma2 semaphore(%run_scoped3A : memref<!tpu.dma_semaphore, #tpu.memory_space<semaphore_mem>>) src(%dma_wait3A_234 : memref<4x128xi32, #tpu.memory_space<hbm>>) dst(%arg10 : memref<4x128xi32, #tpu.memory_space<vmem>>)
      tpu.yield
    }) : () -> ()
    "tpu.region"() ({
      %run_scoped3A = tpu.sem_alloc : memref<!tpu.dma_semaphore, #tpu.memory_space<semaphore_mem>>
      %dma_start3A_219 = arith.constant 0 : i32
      %dma_start3A_220 = arith.constant 0 : i32
      %dma_start3A_221 = tpu.memref_slice %arg3[%add3A, %dma_start3A_219, %dma_start3A_220] : memref<32x4x128xi32, #tpu.memory_space<hbm>> -> memref<1x4x128xi32, #tpu.memory_space<hbm>>
      %dma_start3A_222 = tpu.memref_squeeze %dma_start3A_221 : memref<1x4x128xi32, #tpu.memory_space<hbm>> -> memref<4x128xi32, #tpu.memory_space<hbm>>
      %dma_start3A_223 = arith.constant 0 : i32
      %dma_start3A_224 = arith.constant 0 : i32
      %dma_start3A_225 = tpu.memref_slice %arg3[%add3A, %dma_start3A_223, %dma_start3A_224] : memref<32x4x128xi32, #tpu.memory_space<hbm>> -> memref<1x4x128xi32, #tpu.memory_space<hbm>>
      %dma_start3A_226 = tpu.memref_squeeze %dma_start3A_225 : memref<1x4x128xi32, #tpu.memory_space<hbm>> -> memref<4x128xi32, #tpu.memory_space<hbm>>
      tpu.enqueue_dma source(%dma_start3A_226 : memref<4x128xi32, #tpu.memory_space<hbm>>) target(%arg11 : memref<4x128xi32, #tpu.memory_space<vmem>>) target_semaphore(%run_scoped3A : memref<!tpu.dma_semaphore, #tpu.memory_space<semaphore_mem>>)
      %dma_wait3A_227 = arith.constant 0 : i32
      %dma_wait3A_228 = arith.constant 0 : i32
      %dma_wait3A_229 = tpu.memref_slice %arg3[%add3A, %dma_wait3A_227, %dma_wait3A_228] : memref<32x4x128xi32, #tpu.memory_space<hbm>> -> memref<1x4x128xi32, #tpu.memory_space<hbm>>
      %dma_wait3A_230 = tpu.memref_squeeze %dma_wait3A_229 : memref<1x4x128xi32, #tpu.memory_space<hbm>> -> memref<4x128xi32, #tpu.memory_space<hbm>>
      %dma_wait3A_231 = arith.constant 0 : i32
      %dma_wait3A_232 = arith.constant 0 : i32
      %dma_wait3A_233 = tpu.memref_slice %arg3[%add3A, %dma_wait3A_231, %dma_wait3A_232] : memref<32x4x128xi32, #tpu.memory_space<hbm>> -> memref<1x4x128xi32, #tpu.memory_space<hbm>>
      %dma_wait3A_234 = tpu.memref_squeeze %dma_wait3A_233 : memref<1x4x128xi32, #tpu.memory_space<hbm>> -> memref<4x128xi32, #tpu.memory_space<hbm>>
      tpu.wait_dma2 semaphore(%run_scoped3A : memref<!tpu.dma_semaphore, #tpu.memory_space<semaphore_mem>>) src(%dma_wait3A_234 : memref<4x128xi32, #tpu.memory_space<hbm>>) dst(%arg11 : memref<4x128xi32, #tpu.memory_space<vmem>>)
      tpu.yield
    }) : () -> ()
    "tpu.region"() ({
      %run_scoped3A = tpu.sem_alloc : memref<!tpu.dma_semaphore, #tpu.memory_space<semaphore_mem>>
      %dma_start3A_219 = arith.constant 0 : i32
      %dma_start3A_220 = arith.constant 0 : i32
      %dma_start3A_221 = tpu.memref_slice %arg4[%add3A, %dma_start3A_219, %dma_start3A_220] : memref<32x4x128xi32, #tpu.memory_space<hbm>> -> memref<1x4x128xi32, #tpu.memory_space<hbm>>
      %dma_start3A_222 = tpu.memref_squeeze %dma_start3A_221 : memref<1x4x128xi32, #tpu.memory_space<hbm>> -> memref<4x128xi32, #tpu.memory_space<hbm>>
      %dma_start3A_223 = arith.constant 0 : i32
      %dma_start3A_224 = arith.constant 0 : i32
      %dma_start3A_225 = tpu.memref_slice %arg4[%add3A, %dma_start3A_223, %dma_start3A_224] : memref<32x4x128xi32, #tpu.memory_space<hbm>> -> memref<1x4x128xi32, #tpu.memory_space<hbm>>
      %dma_start3A_226 = tpu.memref_squeeze %dma_start3A_225 : memref<1x4x128xi32, #tpu.memory_space<hbm>> -> memref<4x128xi32, #tpu.memory_space<hbm>>
      tpu.enqueue_dma source(%dma_start3A_226 : memref<4x128xi32, #tpu.memory_space<hbm>>) target(%arg12 : memref<4x128xi32, #tpu.memory_space<vmem>>) target_semaphore(%run_scoped3A : memref<!tpu.dma_semaphore, #tpu.memory_space<semaphore_mem>>)
      %dma_wait3A_227 = arith.constant 0 : i32
      %dma_wait3A_228 = arith.constant 0 : i32
      %dma_wait3A_229 = tpu.memref_slice %arg4[%add3A, %dma_wait3A_227, %dma_wait3A_228] : memref<32x4x128xi32, #tpu.memory_space<hbm>> -> memref<1x4x128xi32, #tpu.memory_space<hbm>>
      %dma_wait3A_230 = tpu.memref_squeeze %dma_wait3A_229 : memref<1x4x128xi32, #tpu.memory_space<hbm>> -> memref<4x128xi32, #tpu.memory_space<hbm>>
      %dma_wait3A_231 = arith.constant 0 : i32
      %dma_wait3A_232 = arith.constant 0 : i32
      %dma_wait3A_233 = tpu.memref_slice %arg4[%add3A, %dma_wait3A_231, %dma_wait3A_232] : memref<32x4x128xi32, #tpu.memory_space<hbm>> -> memref<1x4x128xi32, #tpu.memory_space<hbm>>
      %dma_wait3A_234 = tpu.memref_squeeze %dma_wait3A_233 : memref<1x4x128xi32, #tpu.memory_space<hbm>> -> memref<4x128xi32, #tpu.memory_space<hbm>>
      tpu.wait_dma2 semaphore(%run_scoped3A : memref<!tpu.dma_semaphore, #tpu.memory_space<semaphore_mem>>) src(%dma_wait3A_234 : memref<4x128xi32, #tpu.memory_space<hbm>>) dst(%arg12 : memref<4x128xi32, #tpu.memory_space<vmem>>)
      tpu.yield
    }) : () -> ()
    "tpu.region"() ({
      %run_scoped3A = tpu.sem_alloc : memref<!tpu.dma_semaphore, #tpu.memory_space<semaphore_mem>>
      %dma_start3A_219 = arith.constant 0 : i32
      %dma_start3A_220 = arith.constant 0 : i32
      %dma_start3A_221 = tpu.memref_slice %arg5[%add3A, %dma_start3A_219, %dma_start3A_220] : memref<32x4x128xi32, #tpu.memory_space<hbm>> -> memref<1x4x128xi32, #tpu.memory_space<hbm>>
      %dma_start3A_222 = tpu.memref_squeeze %dma_start3A_221 : memref<1x4x128xi32, #tpu.memory_space<hbm>> -> memref<4x128xi32, #tpu.memory_space<hbm>>
      %dma_start3A_223 = arith.constant 0 : i32
      %dma_start3A_224 = arith.constant 0 : i32
      %dma_start3A_225 = tpu.memref_slice %arg5[%add3A, %dma_start3A_223, %dma_start3A_224] : memref<32x4x128xi32, #tpu.memory_space<hbm>> -> memref<1x4x128xi32, #tpu.memory_space<hbm>>
      %dma_start3A_226 = tpu.memref_squeeze %dma_start3A_225 : memref<1x4x128xi32, #tpu.memory_space<hbm>> -> memref<4x128xi32, #tpu.memory_space<hbm>>
      tpu.enqueue_dma source(%dma_start3A_226 : memref<4x128xi32, #tpu.memory_space<hbm>>) target(%arg13 : memref<4x128xi32, #tpu.memory_space<vmem>>) target_semaphore(%run_scoped3A : memref<!tpu.dma_semaphore, #tpu.memory_space<semaphore_mem>>)
      %dma_wait3A_227 = arith.constant 0 : i32
      %dma_wait3A_228 = arith.constant 0 : i32
      %dma_wait3A_229 = tpu.memref_slice %arg5[%add3A, %dma_wait3A_227, %dma_wait3A_228] : memref<32x4x128xi32, #tpu.memory_space<hbm>> -> memref<1x4x128xi32, #tpu.memory_space<hbm>>
      %dma_wait3A_230 = tpu.memref_squeeze %dma_wait3A_229 : memref<1x4x128xi32, #tpu.memory_space<hbm>> -> memref<4x128xi32, #tpu.memory_space<hbm>>
      %dma_wait3A_231 = arith.constant 0 : i32
      %dma_wait3A_232 = arith.constant 0 : i32
      %dma_wait3A_233 = tpu.memref_slice %arg5[%add3A, %dma_wait3A_231, %dma_wait3A_232] : memref<32x4x128xi32, #tpu.memory_space<hbm>> -> memref<1x4x128xi32, #tpu.memory_space<hbm>>
      %dma_wait3A_234 = tpu.memref_squeeze %dma_wait3A_233 : memref<1x4x128xi32, #tpu.memory_space<hbm>> -> memref<4x128xi32, #tpu.memory_space<hbm>>
      tpu.wait_dma2 semaphore(%run_scoped3A : memref<!tpu.dma_semaphore, #tpu.memory_space<semaphore_mem>>) src(%dma_wait3A_234 : memref<4x128xi32, #tpu.memory_space<hbm>>) dst(%arg13 : memref<4x128xi32, #tpu.memory_space<vmem>>)
      tpu.yield
    }) : () -> ()
    "tpu.region"() ({
      %run_scoped3A = tpu.sem_alloc : memref<!tpu.dma_semaphore, #tpu.memory_space<semaphore_mem>>
      tpu.enqueue_dma source(%arg8 : memref<32xf32, #tpu.memory_space<hbm>>) target(%arg16 : memref<32xf32, #tpu.memory_space<vmem>>) target_semaphore(%run_scoped3A : memref<!tpu.dma_semaphore, #tpu.memory_space<semaphore_mem>>)
      tpu.wait_dma2 semaphore(%run_scoped3A : memref<!tpu.dma_semaphore, #tpu.memory_space<semaphore_mem>>) src(%arg8 : memref<32xf32, #tpu.memory_space<hbm>>) dst(%arg16 : memref<32xf32, #tpu.memory_space<vmem>>)
      tpu.yield
    }) : () -> ()
    %iota3A = tpu.iota {dimensions = array<i32: 0>} : vector<16xi32>
    %get3A = arith.constant 0 : index
    %get3A_1 = tpu.vector_load %arg16[%get3A] {strides = array<i32>} : memref<32xf32, #tpu.memory_space<vmem>>, vector<16xf32>,
    %get3A_2 = arith.constant 16 : index
    %get3A_3 = tpu.vector_load %arg16[%get3A_2] {strides = array<i32>} : memref<32xf32, #tpu.memory_space<vmem>>, vector<16xf32>,
    %dma_start3A = arith.constant 0 : i32
    %dma_start3A_4 = arith.constant 0 : i32
    %dma_start3A_5 = arith.constant 0 : i32
    %dma_start3A_6 = arith.constant 0 : i32
    %dma_start3A_7 = tpu.memref_slice %arg14[%dma_start3A_4, %dma_start3A_5, %dma_start3A_6] : memref<2x128x128xf32, #tpu.memory_space<vmem>> -> memref<1x128x128xf32, #tpu.memory_space<vmem>>
    %dma_start3A_8 = tpu.memref_squeeze %dma_start3A_7 : memref<1x128x128xf32, #tpu.memory_space<vmem>> -> memref<128x128xf32, #tpu.memory_space<vmem>>
    %dma_start3A_9 = arith.constant 0 : i32
    %dma_start3A_10 = tpu.memref_slice %arg10[%dma_start3A, %dma_start3A_9] : memref<4x128xi32, #tpu.memory_space<vmem>> -> memref<1x128xi32, #tpu.memory_space<vmem>>
    %dma_start3A_11 = tpu.memref_squeeze %dma_start3A_10 : memref<1x128xi32, #tpu.memory_space<vmem>> -> memref<128xi32, #tpu.memory_space<vmem>>
    %dma_start3A_12 = arith.constant 0 : i32
    %dma_start3A_13 = arith.constant 0 : i32
    %dma_start3A_14 = tpu.memref_slice %arg6[%dma_start3A_12, %dma_start3A_13] : memref<256000x128xf32, #tpu.memory_space<hbm>> -> memref<256000x128xf32, #tpu.memory_space<hbm>>
    tpu.enqueue_indirect_dma source(%dma_start3A_14 : memref<256000x128xf32, #tpu.memory_space<hbm>>) target(%dma_start3A_8 : memref<128x128xf32, #tpu.memory_space<vmem>>) offsets(%dma_start3A_11 : memref<128xi32, #tpu.memory_space<vmem>>) semaphore(%arg18 : memref<!tpu.dma_semaphore, #tpu.memory_space<semaphore_mem>>)
    %dma_start3A_15 = arith.constant 0 : i32
    %dma_start3A_16 = arith.constant 0 : i32
    %dma_start3A_17 = arith.constant 0 : i32
    %dma_start3A_18 = arith.constant 0 : i32
    %dma_start3A_19 = tpu.memref_slice %arg15[%dma_start3A_16, %dma_start3A_17, %dma_start3A_18] : memref<2x128x128xf32, #tpu.memory_space<vmem>> -> memref<1x128x128xf32, #tpu.memory_space<vmem>>
    %dma_start3A_20 = tpu.memref_squeeze %dma_start3A_19 : memref<1x128x128xf32, #tpu.memory_space<vmem>> -> memref<128x128xf32, #tpu.memory_space<vmem>>
    %dma_start3A_21 = arith.constant 0 : i32
    %dma_start3A_22 = tpu.memref_slice %arg12[%dma_start3A_15, %dma_start3A_21] : memref<4x128xi32, #tpu.memory_space<vmem>> -> memref<1x128xi32, #tpu.memory_space<vmem>>
    %dma_start3A_23 = tpu.memref_squeeze %dma_start3A_22 : memref<1x128xi32, #tpu.memory_space<vmem>> -> memref<128xi32, #tpu.memory_space<vmem>>
    %dma_start3A_24 = arith.constant 0 : i32
    %dma_start3A_25 = arith.constant 0 : i32
    %dma_start3A_26 = tpu.memref_slice %arg7[%dma_start3A_24, %dma_start3A_25] : memref<256000x128xf32, #tpu.memory_space<hbm>> -> memref<256000x128xf32, #tpu.memory_space<hbm>>
    tpu.enqueue_indirect_dma source(%dma_start3A_26 : memref<256000x128xf32, #tpu.memory_space<hbm>>) target(%dma_start3A_20 : memref<128x128xf32, #tpu.memory_space<vmem>>) offsets(%dma_start3A_23 : memref<128xi32, #tpu.memory_space<vmem>>) semaphore(%arg18 : memref<!tpu.dma_semaphore, #tpu.memory_space<semaphore_mem>>)
    %dma_start3A_27 = arith.constant 1 : i32
    %dma_start3A_28 = arith.constant 1 : i32
    %dma_start3A_29 = arith.constant 0 : i32
    %dma_start3A_30 = arith.constant 0 : i32
    %dma_start3A_31 = tpu.memref_slice %arg14[%dma_start3A_28, %dma_start3A_29, %dma_start3A_30] : memref<2x128x128xf32, #tpu.memory_space<vmem>> -> memref<1x128x128xf32, #tpu.memory_space<vmem>>
    %dma_start3A_32 = tpu.memref_squeeze %dma_start3A_31 : memref<1x128x128xf32, #tpu.memory_space<vmem>> -> memref<128x128xf32, #tpu.memory_space<vmem>>
    %dma_start3A_33 = arith.constant 0 : i32
    %dma_start3A_34 = tpu.memref_slice %arg10[%dma_start3A_27, %dma_start3A_33] : memref<4x128xi32, #tpu.memory_space<vmem>> -> memref<1x128xi32, #tpu.memory_space<vmem>>
    %dma_start3A_35 = tpu.memref_squeeze %dma_start3A_34 : memref<1x128xi32, #tpu.memory_space<vmem>> -> memref<128xi32, #tpu.memory_space<vmem>>
    %dma_start3A_36 = arith.constant 0 : i32
    %dma_start3A_37 = arith.constant 0 : i32
    %dma_start3A_38 = tpu.memref_slice %arg6[%dma_start3A_36, %dma_start3A_37] : memref<256000x128xf32, #tpu.memory_space<hbm>> -> memref<256000x128xf32, #tpu.memory_space<hbm>>
    tpu.enqueue_indirect_dma source(%dma_start3A_38 : memref<256000x128xf32, #tpu.memory_space<hbm>>) target(%dma_start3A_32 : memref<128x128xf32, #tpu.memory_space<vmem>>) offsets(%dma_start3A_35 : memref<128xi32, #tpu.memory_space<vmem>>) semaphore(%arg18 : memref<!tpu.dma_semaphore, #tpu.memory_space<semaphore_mem>>)
    %dma_start3A_39 = arith.constant 1 : i32
    %dma_start3A_40 = arith.constant 1 : i32
    %dma_start3A_41 = arith.constant 0 : i32
    %dma_start3A_42 = arith.constant 0 : i32
    %dma_start3A_43 = tpu.memref_slice %arg15[%dma_start3A_40, %dma_start3A_41, %dma_start3A_42] : memref<2x128x128xf32, #tpu.memory_space<vmem>> -> memref<1x128x128xf32, #tpu.memory_space<vmem>>
    %dma_start3A_44 = tpu.memref_squeeze %dma_start3A_43 : memref<1x128x128xf32, #tpu.memory_space<vmem>> -> memref<128x128xf32, #tpu.memory_space<vmem>>
    %dma_start3A_45 = arith.constant 0 : i32
    %dma_start3A_46 = tpu.memref_slice %arg12[%dma_start3A_39, %dma_start3A_45] : memref<4x128xi32, #tpu.memory_space<vmem>> -> memref<1x128xi32, #tpu.memory_space<vmem>>
    %dma_start3A_47 = tpu.memref_squeeze %dma_start3A_46 : memref<1x128xi32, #tpu.memory_space<vmem>> -> memref<128xi32, #tpu.memory_space<vmem>>
    %dma_start3A_48 = arith.constant 0 : i32
    %dma_start3A_49 = arith.constant 0 : i32
    %dma_start3A_50 = tpu.memref_slice %arg7[%dma_start3A_48, %dma_start3A_49] : memref<256000x128xf32, #tpu.memory_space<hbm>> -> memref<256000x128xf32, #tpu.memory_space<hbm>>
    tpu.enqueue_indirect_dma source(%dma_start3A_50 : memref<256000x128xf32, #tpu.memory_space<hbm>>) target(%dma_start3A_44 : memref<128x128xf32, #tpu.memory_space<vmem>>) offsets(%dma_start3A_47 : memref<128xi32, #tpu.memory_space<vmem>>) semaphore(%arg18 : memref<!tpu.dma_semaphore, #tpu.memory_space<semaphore_mem>>)
    %dma_wait3A = arith.constant 0 : i32
    %dma_wait3A_51 = arith.constant 0 : i32
    %dma_wait3A_52 = arith.constant 0 : i32
    %dma_wait3A_53 = arith.constant 0 : i32
    %dma_wait3A_54 = tpu.memref_slice %arg14[%dma_wait3A_51, %dma_wait3A_52, %dma_wait3A_53] : memref<2x128x128xf32, #tpu.memory_space<vmem>> -> memref<1x128x128xf32, #tpu.memory_space<vmem>>
    %dma_wait3A_55 = tpu.memref_squeeze %dma_wait3A_54 : memref<1x128x128xf32, #tpu.memory_space<vmem>> -> memref<128x128xf32, #tpu.memory_space<vmem>>
    %dma_wait3A_56 = arith.constant 0 : i32
    %dma_wait3A_57 = tpu.memref_slice %arg10[%dma_wait3A, %dma_wait3A_56] : memref<4x128xi32, #tpu.memory_space<vmem>> -> memref<1x128xi32, #tpu.memory_space<vmem>>
    %dma_wait3A_58 = tpu.memref_squeeze %dma_wait3A_57 : memref<1x128xi32, #tpu.memory_space<vmem>> -> memref<128xi32, #tpu.memory_space<vmem>>
    %dma_wait3A_59 = arith.constant 0 : i32
    %dma_wait3A_60 = arith.constant 0 : i32
    %dma_wait3A_61 = tpu.memref_slice %arg6[%dma_wait3A_59, %dma_wait3A_60] : memref<256000x128xf32, #tpu.memory_space<hbm>> -> memref<256000x128xf32, #tpu.memory_space<hbm>>
    tpu.wait_indirect_dma semaphore(%arg18 : memref<!tpu.dma_semaphore, #tpu.memory_space<semaphore_mem>>) src(%dma_wait3A_61 : memref<256000x128xf32, #tpu.memory_space<hbm>>) dst(%dma_wait3A_55 : memref<128x128xf32, #tpu.memory_space<vmem>>)
    %dma_wait3A_62 = arith.constant 0 : i32
    %dma_wait3A_63 = arith.constant 0 : i32
    %dma_wait3A_64 = arith.constant 0 : i32
    %dma_wait3A_65 = arith.constant 0 : i32
    %dma_wait3A_66 = tpu.memref_slice %arg15[%dma_wait3A_63, %dma_wait3A_64, %dma_wait3A_65] : memref<2x128x128xf32, #tpu.memory_space<vmem>> -> memref<1x128x128xf32, #tpu.memory_space<vmem>>
    %dma_wait3A_67 = tpu.memref_squeeze %dma_wait3A_66 : memref<1x128x128xf32, #tpu.memory_space<vmem>> -> memref<128x128xf32, #tpu.memory_space<vmem>>
    %dma_wait3A_68 = arith.constant 0 : i32
    %dma_wait3A_69 = tpu.memref_slice %arg12[%dma_wait3A_62, %dma_wait3A_68] : memref<4x128xi32, #tpu.memory_space<vmem>> -> memref<1x128xi32, #tpu.memory_space<vmem>>
    %dma_wait3A_70 = tpu.memref_squeeze %dma_wait3A_69 : memref<1x128xi32, #tpu.memory_space<vmem>> -> memref<128xi32, #tpu.memory_space<vmem>>
    %dma_wait3A_71 = arith.constant 0 : i32
    %dma_wait3A_72 = arith.constant 0 : i32
    %dma_wait3A_73 = tpu.memref_slice %arg7[%dma_wait3A_71, %dma_wait3A_72] : memref<256000x128xf32, #tpu.memory_space<hbm>> -> memref<256000x128xf32, #tpu.memory_space<hbm>>
    tpu.wait_indirect_dma semaphore(%arg18 : memref<!tpu.dma_semaphore, #tpu.memory_space<semaphore_mem>>) src(%dma_wait3A_73 : memref<256000x128xf32, #tpu.memory_space<hbm>>) dst(%dma_wait3A_67 : memref<128x128xf32, #tpu.memory_space<vmem>>)
    %scan3A = arith.constant 0 : i32
    %scan3A_74 = arith.constant 0 : i32
    %scan3A_75 = arith.constant 8 : i32
    %scan3A_76 = arith.addi %scan3A_74, %scan3A_75 : i32
    %scan3A_77 = arith.constant 1 : i32
    scf.for %scan3A_219 = %scan3A_74 to %scan3A_76 step %scan3A_77  : i32 {
      %mul3A_220 = arith.constant 16 : i32
      %mul3A_221 = arith.muli %scan3A_219, %mul3A_220 : i32
      %add3A_222 = vector.broadcast %mul3A_221 : i32 to vector<16xi32>
      %add3A_223 = arith.addi %add3A_222, %iota3A : vector<16xi32>
      %mul3A_224 = arith.constant 16 : i32
      %mul3A_225 = arith.muli %scan3A_219, %mul3A_224 : i32
      %get3A_226 = arith.constant 0 : i32
      %get3A_227 = arith.index_cast %get3A_226 : i32 to index
      %get3A_228 = arith.index_cast %mul3A_225 : i32 to index
      %get3A_229 = tpu.vector_load %arg11[%get3A_227, %get3A_228] {strides = array<i32>} : memref<4x128xi32, #tpu.memory_space<vmem>>, vector<16xi32>,
      %mul3A_230 = arith.constant 16 : i32
      %mul3A_231 = arith.muli %scan3A_219, %mul3A_230 : i32
      %get3A_232 = arith.constant 0 : i32
      %get3A_233 = arith.index_cast %get3A_232 : i32 to index
      %get3A_234 = arith.index_cast %mul3A_231 : i32 to index
      %get3A_235 = tpu.vector_load %arg13[%get3A_233, %get3A_234] {strides = array<i32>} : memref<4x128xi32, #tpu.memory_space<vmem>>, vector<16xi32>,
      %broadcast_in_dim3A = arith.constant 0.000000e+00 : f32
      %broadcast_in_dim3A_236 = vector.broadcast %broadcast_in_dim3A : f32 to vector<16xf32>
      %broadcast_in_dim3A_237 = arith.constant 0 : i32
      %broadcast_in_dim3A_238 = vector.broadcast %broadcast_in_dim3A_237 : i32 to vector<16xi32>
      %mul3A_239 = arith.constant 32 : i32
      %mul3A_240 = vector.broadcast %mul3A_239 : i32 to vector<16xi32>
      %mul3A_241 = arith.muli %get3A_229, %mul3A_240 : vector<16xi32>
      %add3A_242 = arith.constant 0 : i32
      %add3A_243 = vector.broadcast %add3A_242 : i32 to vector<16xi32>
      %add3A_244 = arith.addi %mul3A_241, %add3A_243 : vector<16xi32>
      %gather3A = tpu.vector_load_idx %arg14[%broadcast_in_dim3A_238, %add3A_223, %add3A_244] : memref<2x128x128xf32, #tpu.memory_space<vmem>>[vector<16xi32>, vector<16xi32>, vector<16xi32>], vector<16xf32>,
      %broadcast_in_dim3A_245 = arith.constant 0 : i32
      %broadcast_in_dim3A_246 = vector.broadcast %broadcast_in_dim3A_245 : i32 to vector<16xi32>
      %mul3A_247 = arith.constant 32 : i32
      %mul3A_248 = vector.broadcast %mul3A_247 : i32 to vector<16xi32>
      %mul3A_249 = arith.muli %get3A_235, %mul3A_248 : vector<16xi32>
      %add3A_250 = arith.constant 0 : i32
      %add3A_251 = vector.broadcast %add3A_250 : i32 to vector<16xi32>
      %add3A_252 = arith.addi %mul3A_249, %add3A_251 : vector<16xi32>
      %gather3A_253 = tpu.vector_load_idx %arg15[%broadcast_in_dim3A_246, %add3A_223, %add3A_252] : memref<2x128x128xf32, #tpu.memory_space<vmem>>[vector<16xi32>, vector<16xi32>, vector<16xi32>], vector<16xf32>,
      %sub3A = arith.subf %gather3A, %gather3A_253 : vector<16xf32>
      %mul3A_254 = arith.mulf %sub3A, %sub3A : vector<16xf32>
      %add3A_255 = arith.addf %broadcast_in_dim3A_236, %mul3A_254 : vector<16xf32>
      %broadcast_in_dim3A_256 = arith.constant 0 : i32
      %broadcast_in_dim3A_257 = vector.broadcast %broadcast_in_dim3A_256 : i32 to vector<16xi32>
      %mul3A_258 = arith.constant 32 : i32
      %mul3A_259 = vector.broadcast %mul3A_258 : i32 to vector<16xi32>
      %mul3A_260 = arith.muli %get3A_229, %mul3A_259 : vector<16xi32>
      %add3A_261 = arith.constant 1 : i32
      %add3A_262 = vector.broadcast %add3A_261 : i32 to vector<16xi32>
      %add3A_263 = arith.addi %mul3A_260, %add3A_262 : vector<16xi32>
      %gather3A_264 = tpu.vector_load_idx %arg14[%broadcast_in_dim3A_257, %add3A_223, %add3A_263] : memref<2x128x128xf32, #tpu.memory_space<vmem>>[vector<16xi32>, vector<16xi32>, vector<16xi32>], vector<16xf32>,
      %broadcast_in_dim3A_265 = arith.constant 0 : i32
      %broadcast_in_dim3A_266 = vector.broadcast %broadcast_in_dim3A_265 : i32 to vector<16xi32>
      %mul3A_267 = arith.constant 32 : i32
      %mul3A_268 = vector.broadcast %mul3A_267 : i32 to vector<16xi32>
      %mul3A_269 = arith.muli %get3A_235, %mul3A_268 : vector<16xi32>
      %add3A_270 = arith.constant 1 : i32
      %add3A_271 = vector.broadcast %add3A_270 : i32 to vector<16xi32>
      %add3A_272 = arith.addi %mul3A_269, %add3A_271 : vector<16xi32>
      %gather3A_273 = tpu.vector_load_idx %arg15[%broadcast_in_dim3A_266, %add3A_223, %add3A_272] : memref<2x128x128xf32, #tpu.memory_space<vmem>>[vector<16xi32>, vector<16xi32>, vector<16xi32>], vector<16xf32>,
      %sub3A_274 = arith.subf %gather3A_264, %gather3A_273 : vector<16xf32>
      %mul3A_275 = arith.mulf %sub3A_274, %sub3A_274 : vector<16xf32>
      %add3A_276 = arith.addf %add3A_255, %mul3A_275 : vector<16xf32>
      %broadcast_in_dim3A_277 = arith.constant 0 : i32
      %broadcast_in_dim3A_278 = vector.broadcast %broadcast_in_dim3A_277 : i32 to vector<16xi32>
      %mul3A_279 = arith.constant 32 : i32
      %mul3A_280 = vector.broadcast %mul3A_279 : i32 to vector<16xi32>
      %mul3A_281 = arith.muli %get3A_229, %mul3A_280 : vector<16xi32>
      %add3A_282 = arith.constant 2 : i32
      %add3A_283 = vector.broadcast %add3A_282 : i32 to vector<16xi32>
      %add3A_284 = arith.addi %mul3A_281, %add3A_283 : vector<16xi32>
      %gather3A_285 = tpu.vector_load_idx %arg14[%broadcast_in_dim3A_278, %add3A_223, %add3A_284] : memref<2x128x128xf32, #tpu.memory_space<vmem>>[vector<16xi32>, vector<16xi32>, vector<16xi32>], vector<16xf32>,
      %broadcast_in_dim3A_286 = arith.constant 0 : i32
      %broadcast_in_dim3A_287 = vector.broadcast %broadcast_in_dim3A_286 : i32 to vector<16xi32>
      %mul3A_288 = arith.constant 32 : i32
      %mul3A_289 = vector.broadcast %mul3A_288 : i32 to vector<16xi32>
      %mul3A_290 = arith.muli %get3A_235, %mul3A_289 : vector<16xi32>
      %add3A_291 = arith.constant 2 : i32
      %add3A_292 = vector.broadcast %add3A_291 : i32 to vector<16xi32>
      %add3A_293 = arith.addi %mul3A_290, %add3A_292 : vector<16xi32>
      %gather3A_294 = tpu.vector_load_idx %arg15[%broadcast_in_dim3A_287, %add3A_223, %add3A_293] : memref<2x128x128xf32, #tpu.memory_space<vmem>>[vector<16xi32>, vector<16xi32>, vector<16xi32>], vector<16xf32>,
      %sub3A_295 = arith.subf %gather3A_285, %gather3A_294 : vector<16xf32>
      %mul3A_296 = arith.mulf %sub3A_295, %sub3A_295 : vector<16xf32>
      %add3A_297 = arith.addf %add3A_276, %mul3A_296 : vector<16xf32>
      %broadcast_in_dim3A_298 = arith.constant 0 : i32
      %broadcast_in_dim3A_299 = vector.broadcast %broadcast_in_dim3A_298 : i32 to vector<16xi32>
      %mul3A_300 = arith.constant 32 : i32
      %mul3A_301 = vector.broadcast %mul3A_300 : i32 to vector<16xi32>
      %mul3A_302 = arith.muli %get3A_229, %mul3A_301 : vector<16xi32>
      %add3A_303 = arith.constant 3 : i32
      %add3A_304 = vector.broadcast %add3A_303 : i32 to vector<16xi32>
      %add3A_305 = arith.addi %mul3A_302, %add3A_304 : vector<16xi32>
      %gather3A_306 = tpu.vector_load_idx %arg14[%broadcast_in_dim3A_299, %add3A_223, %add3A_305] : memref<2x128x128xf32, #tpu.memory_space<vmem>>[vector<16xi32>, vector<16xi32>, vector<16xi32>], vector<16xf32>,
      %broadcast_in_dim3A_307 = arith.constant 0 : i32
      %broadcast_in_dim3A_308 = vector.broadcast %broadcast_in_dim3A_307 : i32 to vector<16xi32>
      %mul3A_309 = arith.constant 32 : i32
      %mul3A_310 = vector.broadcast %mul3A_309 : i32 to vector<16xi32>
      %mul3A_311 = arith.muli %get3A_235, %mul3A_310 : vector<16xi32>
      %add3A_312 = arith.constant 3 : i32
      %add3A_313 = vector.broadcast %add3A_312 : i32 to vector<16xi32>
      %add3A_314 = arith.addi %mul3A_311, %add3A_313 : vector<16xi32>
      %gather3A_315 = tpu.vector_load_idx %arg15[%broadcast_in_dim3A_308, %add3A_223, %add3A_314] : memref<2x128x128xf32, #tpu.memory_space<vmem>>[vector<16xi32>, vector<16xi32>, vector<16xi32>], vector<16xf32>,
      %sub3A_316 = arith.subf %gather3A_306, %gather3A_315 : vector<16xf32>
      %mul3A_317 = arith.mulf %sub3A_316, %sub3A_316 : vector<16xf32>
      %add3A_318 = arith.addf %add3A_297, %mul3A_317 : vector<16xf32>
      %broadcast_in_dim3A_319 = arith.constant 0 : i32
      %broadcast_in_dim3A_320 = vector.broadcast %broadcast_in_dim3A_319 : i32 to vector<16xi32>
      %mul3A_321 = arith.constant 32 : i32
      %mul3A_322 = vector.broadcast %mul3A_321 : i32 to vector<16xi32>
      %mul3A_323 = arith.muli %get3A_229, %mul3A_322 : vector<16xi32>
      %add3A_324 = arith.constant 4 : i32
      %add3A_325 = vector.broadcast %add3A_324 : i32 to vector<16xi32>
      %add3A_326 = arith.addi %mul3A_323, %add3A_325 : vector<16xi32>
      %gather3A_327 = tpu.vector_load_idx %arg14[%broadcast_in_dim3A_320, %add3A_223, %add3A_326] : memref<2x128x128xf32, #tpu.memory_space<vmem>>[vector<16xi32>, vector<16xi32>, vector<16xi32>], vector<16xf32>,
      %broadcast_in_dim3A_328 = arith.constant 0 : i32
      %broadcast_in_dim3A_329 = vector.broadcast %broadcast_in_dim3A_328 : i32 to vector<16xi32>
      %mul3A_330 = arith.constant 32 : i32
      %mul3A_331 = vector.broadcast %mul3A_330 : i32 to vector<16xi32>
      %mul3A_332 = arith.muli %get3A_235, %mul3A_331 : vector<16xi32>
      %add3A_333 = arith.constant 4 : i32
      %add3A_334 = vector.broadcast %add3A_333 : i32 to vector<16xi32>
      %add3A_335 = arith.addi %mul3A_332, %add3A_334 : vector<16xi32>
      %gather3A_336 = tpu.vector_load_idx %arg15[%broadcast_in_dim3A_329, %add3A_223, %add3A_335] : memref<2x128x128xf32, #tpu.memory_space<vmem>>[vector<16xi32>, vector<16xi32>, vector<16xi32>], vector<16xf32>,
      %sub3A_337 = arith.subf %gather3A_327, %gather3A_336 : vector<16xf32>
      %mul3A_338 = arith.mulf %sub3A_337, %sub3A_337 : vector<16xf32>
      %add3A_339 = arith.addf %add3A_318, %mul3A_338 : vector<16xf32>
      %broadcast_in_dim3A_340 = arith.constant 0 : i32
      %broadcast_in_dim3A_341 = vector.broadcast %broadcast_in_dim3A_340 : i32 to vector<16xi32>
      %mul3A_342 = arith.constant 32 : i32
      %mul3A_343 = vector.broadcast %mul3A_342 : i32 to vector<16xi32>
      %mul3A_344 = arith.muli %get3A_229, %mul3A_343 : vector<16xi32>
      %add3A_345 = arith.constant 5 : i32
      %add3A_346 = vector.broadcast %add3A_345 : i32 to vector<16xi32>
      %add3A_347 = arith.addi %mul3A_344, %add3A_346 : vector<16xi32>
      %gather3A_348 = tpu.vector_load_idx %arg14[%broadcast_in_dim3A_341, %add3A_223, %add3A_347] : memref<2x128x128xf32, #tpu.memory_space<vmem>>[vector<16xi32>, vector<16xi32>, vector<16xi32>], vector<16xf32>,
      %broadcast_in_dim3A_349 = arith.constant 0 : i32
      %broadcast_in_dim3A_350 = vector.broadcast %broadcast_in_dim3A_349 : i32 to vector<16xi32>
      %mul3A_351 = arith.constant 32 : i32
      %mul3A_352 = vector.broadcast %mul3A_351 : i32 to vector<16xi32>
      %mul3A_353 = arith.muli %get3A_235, %mul3A_352 : vector<16xi32>
      %add3A_354 = arith.constant 5 : i32
      %add3A_355 = vector.broadcast %add3A_354 : i32 to vector<16xi32>
      %add3A_356 = arith.addi %mul3A_353, %add3A_355 : vector<16xi32>
      %gather3A_357 = tpu.vector_load_idx %arg15[%broadcast_in_dim3A_350, %add3A_223, %add3A_356] : memref<2x128x128xf32, #tpu.memory_space<vmem>>[vector<16xi32>, vector<16xi32>, vector<16xi32>], vector<16xf32>,
      %sub3A_358 = arith.subf %gather3A_348, %gather3A_357 : vector<16xf32>
      %mul3A_359 = arith.mulf %sub3A_358, %sub3A_358 : vector<16xf32>
      %add3A_360 = arith.addf %add3A_339, %mul3A_359 : vector<16xf32>
      %broadcast_in_dim3A_361 = arith.constant 0 : i32
      %broadcast_in_dim3A_362 = vector.broadcast %broadcast_in_dim3A_361 : i32 to vector<16xi32>
      %mul3A_363 = arith.constant 32 : i32
      %mul3A_364 = vector.broadcast %mul3A_363 : i32 to vector<16xi32>
      %mul3A_365 = arith.muli %get3A_229, %mul3A_364 : vector<16xi32>
      %add3A_366 = arith.constant 6 : i32
      %add3A_367 = vector.broadcast %add3A_366 : i32 to vector<16xi32>
      %add3A_368 = arith.addi %mul3A_365, %add3A_367 : vector<16xi32>
      %gather3A_369 = tpu.vector_load_idx %arg14[%broadcast_in_dim3A_362, %add3A_223, %add3A_368] : memref<2x128x128xf32, #tpu.memory_space<vmem>>[vector<16xi32>, vector<16xi32>, vector<16xi32>], vector<16xf32>,
      %broadcast_in_dim3A_370 = arith.constant 0 : i32
      %broadcast_in_dim3A_371 = vector.broadcast %broadcast_in_dim3A_370 : i32 to vector<16xi32>
      %mul3A_372 = arith.constant 32 : i32
      %mul3A_373 = vector.broadcast %mul3A_372 : i32 to vector<16xi32>
      %mul3A_374 = arith.muli %get3A_235, %mul3A_373 : vector<16xi32>
      %add3A_375 = arith.constant 6 : i32
      %add3A_376 = vector.broadcast %add3A_375 : i32 to vector<16xi32>
      %add3A_377 = arith.addi %mul3A_374, %add3A_376 : vector<16xi32>
      %gather3A_378 = tpu.vector_load_idx %arg15[%broadcast_in_dim3A_371, %add3A_223, %add3A_377] : memref<2x128x128xf32, #tpu.memory_space<vmem>>[vector<16xi32>, vector<16xi32>, vector<16xi32>], vector<16xf32>,
      %sub3A_379 = arith.subf %gather3A_369, %gather3A_378 : vector<16xf32>
      %mul3A_380 = arith.mulf %sub3A_379, %sub3A_379 : vector<16xf32>
      %add3A_381 = arith.addf %add3A_360, %mul3A_380 : vector<16xf32>
      %broadcast_in_dim3A_382 = arith.constant 0 : i32
      %broadcast_in_dim3A_383 = vector.broadcast %broadcast_in_dim3A_382 : i32 to vector<16xi32>
      %mul3A_384 = arith.constant 32 : i32
      %mul3A_385 = vector.broadcast %mul3A_384 : i32 to vector<16xi32>
      %mul3A_386 = arith.muli %get3A_229, %mul3A_385 : vector<16xi32>
      %add3A_387 = arith.constant 7 : i32
      %add3A_388 = vector.broadcast %add3A_387 : i32 to vector<16xi32>
      %add3A_389 = arith.addi %mul3A_386, %add3A_388 : vector<16xi32>
      %gather3A_390 = tpu.vector_load_idx %arg14[%broadcast_in_dim3A_383, %add3A_223, %add3A_389] : memref<2x128x128xf32, #tpu.memory_space<vmem>>[vector<16xi32>, vector<16xi32>, vector<16xi32>], vector<16xf32>,
      %broadcast_in_dim3A_391 = arith.constant 0 : i32
      %broadcast_in_dim3A_392 = vector.broadcast %broadcast_in_dim3A_391 : i32 to vector<16xi32>
      %mul3A_393 = arith.constant 32 : i32
      %mul3A_394 = vector.broadcast %mul3A_393 : i32 to vector<16xi32>
      %mul3A_395 = arith.muli %get3A_235, %mul3A_394 : vector<16xi32>
      %add3A_396 = arith.constant 7 : i32
      %add3A_397 = vector.broadcast %add3A_396 : i32 to vector<16xi32>
      %add3A_398 = arith.addi %mul3A_395, %add3A_397 : vector<16xi32>
      %gather3A_399 = tpu.vector_load_idx %arg15[%broadcast_in_dim3A_392, %add3A_223, %add3A_398] : memref<2x128x128xf32, #tpu.memory_space<vmem>>[vector<16xi32>, vector<16xi32>, vector<16xi32>], vector<16xf32>,
      %sub3A_400 = arith.subf %gather3A_390, %gather3A_399 : vector<16xf32>
      %mul3A_401 = arith.mulf %sub3A_400, %sub3A_400 : vector<16xf32>
      %add3A_402 = arith.addf %add3A_381, %mul3A_401 : vector<16xf32>
      %broadcast_in_dim3A_403 = arith.constant 0 : i32
      %broadcast_in_dim3A_404 = vector.broadcast %broadcast_in_dim3A_403 : i32 to vector<16xi32>
      %mul3A_405 = arith.constant 32 : i32
      %mul3A_406 = vector.broadcast %mul3A_405 : i32 to vector<16xi32>
      %mul3A_407 = arith.muli %get3A_229, %mul3A_406 : vector<16xi32>
      %add3A_408 = arith.constant 8 : i32
      %add3A_409 = vector.broadcast %add3A_408 : i32 to vector<16xi32>
      %add3A_410 = arith.addi %mul3A_407, %add3A_409 : vector<16xi32>
      %gather3A_411 = tpu.vector_load_idx %arg14[%broadcast_in_dim3A_404, %add3A_223, %add3A_410] : memref<2x128x128xf32, #tpu.memory_space<vmem>>[vector<16xi32>, vector<16xi32>, vector<16xi32>], vector<16xf32>,
      %broadcast_in_dim3A_412 = arith.constant 0 : i32
      %broadcast_in_dim3A_413 = vector.broadcast %broadcast_in_dim3A_412 : i32 to vector<16xi32>
      %mul3A_414 = arith.constant 32 : i32
      %mul3A_415 = vector.broadcast %mul3A_414 : i32 to vector<16xi32>
      %mul3A_416 = arith.muli %get3A_235, %mul3A_415 : vector<16xi32>
      %add3A_417 = arith.constant 8 : i32
      %add3A_418 = vector.broadcast %add3A_417 : i32 to vector<16xi32>
      %add3A_419 = arith.addi %mul3A_416, %add3A_418 : vector<16xi32>
      %gather3A_420 = tpu.vector_load_idx %arg15[%broadcast_in_dim3A_413, %add3A_223, %add3A_419] : memref<2x128x128xf32, #tpu.memory_space<vmem>>[vector<16xi32>, vector<16xi32>, vector<16xi32>], vector<16xf32>,
      %sub3A_421 = arith.subf %gather3A_411, %gather3A_420 : vector<16xf32>
      %mul3A_422 = arith.mulf %sub3A_421, %sub3A_421 : vector<16xf32>
      %add3A_423 = arith.addf %add3A_402, %mul3A_422 : vector<16xf32>
      %broadcast_in_dim3A_424 = arith.constant 0 : i32
      %broadcast_in_dim3A_425 = vector.broadcast %broadcast_in_dim3A_424 : i32 to vector<16xi32>
      %mul3A_426 = arith.constant 32 : i32
      %mul3A_427 = vector.broadcast %mul3A_426 : i32 to vector<16xi32>
      %mul3A_428 = arith.muli %get3A_229, %mul3A_427 : vector<16xi32>
      %add3A_429 = arith.constant 9 : i32
      %add3A_430 = vector.broadcast %add3A_429 : i32 to vector<16xi32>
      %add3A_431 = arith.addi %mul3A_428, %add3A_430 : vector<16xi32>
      %gather3A_432 = tpu.vector_load_idx %arg14[%broadcast_in_dim3A_425, %add3A_223, %add3A_431] : memref<2x128x128xf32, #tpu.memory_space<vmem>>[vector<16xi32>, vector<16xi32>, vector<16xi32>], vector<16xf32>,
      %broadcast_in_dim3A_433 = arith.constant 0 : i32
      %broadcast_in_dim3A_434 = vector.broadcast %broadcast_in_dim3A_433 : i32 to vector<16xi32>
      %mul3A_435 = arith.constant 32 : i32
      %mul3A_436 = vector.broadcast %mul3A_435 : i32 to vector<16xi32>
      %mul3A_437 = arith.muli %get3A_235, %mul3A_436 : vector<16xi32>
      %add3A_438 = arith.constant 9 : i32
      %add3A_439 = vector.broadcast %add3A_438 : i32 to vector<16xi32>
      %add3A_440 = arith.addi %mul3A_437, %add3A_439 : vector<16xi32>
      %gather3A_441 = tpu.vector_load_idx %arg15[%broadcast_in_dim3A_434, %add3A_223, %add3A_440] : memref<2x128x128xf32, #tpu.memory_space<vmem>>[vector<16xi32>, vector<16xi32>, vector<16xi32>], vector<16xf32>,
      %sub3A_442 = arith.subf %gather3A_432, %gather3A_441 : vector<16xf32>
      %mul3A_443 = arith.mulf %sub3A_442, %sub3A_442 : vector<16xf32>
      %add3A_444 = arith.addf %add3A_423, %mul3A_443 : vector<16xf32>
      %broadcast_in_dim3A_445 = arith.constant 0 : i32
      %broadcast_in_dim3A_446 = vector.broadcast %broadcast_in_dim3A_445 : i32 to vector<16xi32>
      %mul3A_447 = arith.constant 32 : i32
      %mul3A_448 = vector.broadcast %mul3A_447 : i32 to vector<16xi32>
      %mul3A_449 = arith.muli %get3A_229, %mul3A_448 : vector<16xi32>
      %add3A_450 = arith.constant 10 : i32
      %add3A_451 = vector.broadcast %add3A_450 : i32 to vector<16xi32>
      %add3A_452 = arith.addi %mul3A_449, %add3A_451 : vector<16xi32>
      %gather3A_453 = tpu.vector_load_idx %arg14[%broadcast_in_dim3A_446, %add3A_223, %add3A_452] : memref<2x128x128xf32, #tpu.memory_space<vmem>>[vector<16xi32>, vector<16xi32>, vector<16xi32>], vector<16xf32>,
      %broadcast_in_dim3A_454 = arith.constant 0 : i32
      %broadcast_in_dim3A_455 = vector.broadcast %broadcast_in_dim3A_454 : i32 to vector<16xi32>
      %mul3A_456 = arith.constant 32 : i32
      %mul3A_457 = vector.broadcast %mul3A_456 : i32 to vector<16xi32>
      %mul3A_458 = arith.muli %get3A_235, %mul3A_457 : vector<16xi32>
      %add3A_459 = arith.constant 10 : i32
      %add3A_460 = vector.broadcast %add3A_459 : i32 to vector<16xi32>
      %add3A_461 = arith.addi %mul3A_458, %add3A_460 : vector<16xi32>
      %gather3A_462 = tpu.vector_load_idx %arg15[%broadcast_in_dim3A_455, %add3A_223, %add3A_461] : memref<2x128x128xf32, #tpu.memory_space<vmem>>[vector<16xi32>, vector<16xi32>, vector<16xi32>], vector<16xf32>,
      %sub3A_463 = arith.subf %gather3A_453, %gather3A_462 : vector<16xf32>
      %mul3A_464 = arith.mulf %sub3A_463, %sub3A_463 : vector<16xf32>
      %add3A_465 = arith.addf %add3A_444, %mul3A_464 : vector<16xf32>
      %broadcast_in_dim3A_466 = arith.constant 0 : i32
      %broadcast_in_dim3A_467 = vector.broadcast %broadcast_in_dim3A_466 : i32 to vector<16xi32>
      %mul3A_468 = arith.constant 32 : i32
      %mul3A_469 = vector.broadcast %mul3A_468 : i32 to vector<16xi32>
      %mul3A_470 = arith.muli %get3A_229, %mul3A_469 : vector<16xi32>
      %add3A_471 = arith.constant 11 : i32
      %add3A_472 = vector.broadcast %add3A_471 : i32 to vector<16xi32>
      %add3A_473 = arith.addi %mul3A_470, %add3A_472 : vector<16xi32>
      %gather3A_474 = tpu.vector_load_idx %arg14[%broadcast_in_dim3A_467, %add3A_223, %add3A_473] : memref<2x128x128xf32, #tpu.memory_space<vmem>>[vector<16xi32>, vector<16xi32>, vector<16xi32>], vector<16xf32>,
      %broadcast_in_dim3A_475 = arith.constant 0 : i32
      %broadcast_in_dim3A_476 = vector.broadcast %broadcast_in_dim3A_475 : i32 to vector<16xi32>
      %mul3A_477 = arith.constant 32 : i32
      %mul3A_478 = vector.broadcast %mul3A_477 : i32 to vector<16xi32>
      %mul3A_479 = arith.muli %get3A_235, %mul3A_478 : vector<16xi32>
      %add3A_480 = arith.constant 11 : i32
      %add3A_481 = vector.broadcast %add3A_480 : i32 to vector<16xi32>
      %add3A_482 = arith.addi %mul3A_479, %add3A_481 : vector<16xi32>
      %gather3A_483 = tpu.vector_load_idx %arg15[%broadcast_in_dim3A_476, %add3A_223, %add3A_482] : memref<2x128x128xf32, #tpu.memory_space<vmem>>[vector<16xi32>, vector<16xi32>, vector<16xi32>], vector<16xf32>,
      %sub3A_484 = arith.subf %gather3A_474, %gather3A_483 : vector<16xf32>
      %mul3A_485 = arith.mulf %sub3A_484, %sub3A_484 : vector<16xf32>
      %add3A_486 = arith.addf %add3A_465, %mul3A_485 : vector<16xf32>
      %broadcast_in_dim3A_487 = arith.constant 0 : i32
      %broadcast_in_dim3A_488 = vector.broadcast %broadcast_in_dim3A_487 : i32 to vector<16xi32>
      %mul3A_489 = arith.constant 32 : i32
      %mul3A_490 = vector.broadcast %mul3A_489 : i32 to vector<16xi32>
      %mul3A_491 = arith.muli %get3A_229, %mul3A_490 : vector<16xi32>
      %add3A_492 = arith.constant 12 : i32
      %add3A_493 = vector.broadcast %add3A_492 : i32 to vector<16xi32>
      %add3A_494 = arith.addi %mul3A_491, %add3A_493 : vector<16xi32>
      %gather3A_495 = tpu.vector_load_idx %arg14[%broadcast_in_dim3A_488, %add3A_223, %add3A_494] : memref<2x128x128xf32, #tpu.memory_space<vmem>>[vector<16xi32>, vector<16xi32>, vector<16xi32>], vector<16xf32>,
      %broadcast_in_dim3A_496 = arith.constant 0 : i32
      %broadcast_in_dim3A_497 = vector.broadcast %broadcast_in_dim3A_496 : i32 to vector<16xi32>
      %mul3A_498 = arith.constant 32 : i32
      %mul3A_499 = vector.broadcast %mul3A_498 : i32 to vector<16xi32>
      %mul3A_500 = arith.muli %get3A_235, %mul3A_499 : vector<16xi32>
      %add3A_501 = arith.constant 12 : i32
      %add3A_502 = vector.broadcast %add3A_501 : i32 to vector<16xi32>
      %add3A_503 = arith.addi %mul3A_500, %add3A_502 : vector<16xi32>
      %gather3A_504 = tpu.vector_load_idx %arg15[%broadcast_in_dim3A_497, %add3A_223, %add3A_503] : memref<2x128x128xf32, #tpu.memory_space<vmem>>[vector<16xi32>, vector<16xi32>, vector<16xi32>], vector<16xf32>,
      %sub3A_505 = arith.subf %gather3A_495, %gather3A_504 : vector<16xf32>
      %mul3A_506 = arith.mulf %sub3A_505, %sub3A_505 : vector<16xf32>
      %add3A_507 = arith.addf %add3A_486, %mul3A_506 : vector<16xf32>
      %broadcast_in_dim3A_508 = arith.constant 0 : i32
      %broadcast_in_dim3A_509 = vector.broadcast %broadcast_in_dim3A_508 : i32 to vector<16xi32>
      %mul3A_510 = arith.constant 32 : i32
      %mul3A_511 = vector.broadcast %mul3A_510 : i32 to vector<16xi32>
      %mul3A_512 = arith.muli %get3A_229, %mul3A_511 : vector<16xi32>
      %add3A_513 = arith.constant 13 : i32
      %add3A_514 = vector.broadcast %add3A_513 : i32 to vector<16xi32>
      %add3A_515 = arith.addi %mul3A_512, %add3A_514 : vector<16xi32>
      %gather3A_516 = tpu.vector_load_idx %arg14[%broadcast_in_dim3A_509, %add3A_223, %add3A_515] : memref<2x128x128xf32, #tpu.memory_space<vmem>>[vector<16xi32>, vector<16xi32>, vector<16xi32>], vector<16xf32>,
      %broadcast_in_dim3A_517 = arith.constant 0 : i32
      %broadcast_in_dim3A_518 = vector.broadcast %broadcast_in_dim3A_517 : i32 to vector<16xi32>
      %mul3A_519 = arith.constant 32 : i32
      %mul3A_520 = vector.broadcast %mul3A_519 : i32 to vector<16xi32>
      %mul3A_521 = arith.muli %get3A_235, %mul3A_520 : vector<16xi32>
      %add3A_522 = arith.constant 13 : i32
      %add3A_523 = vector.broadcast %add3A_522 : i32 to vector<16xi32>
      %add3A_524 = arith.addi %mul3A_521, %add3A_523 : vector<16xi32>
      %gather3A_525 = tpu.vector_load_idx %arg15[%broadcast_in_dim3A_518, %add3A_223, %add3A_524] : memref<2x128x128xf32, #tpu.memory_space<vmem>>[vector<16xi32>, vector<16xi32>, vector<16xi32>], vector<16xf32>,
      %sub3A_526 = arith.subf %gather3A_516, %gather3A_525 : vector<16xf32>
      %mul3A_527 = arith.mulf %sub3A_526, %sub3A_526 : vector<16xf32>
      %add3A_528 = arith.addf %add3A_507, %mul3A_527 : vector<16xf32>
      %broadcast_in_dim3A_529 = arith.constant 0 : i32
      %broadcast_in_dim3A_530 = vector.broadcast %broadcast_in_dim3A_529 : i32 to vector<16xi32>
      %mul3A_531 = arith.constant 32 : i32
      %mul3A_532 = vector.broadcast %mul3A_531 : i32 to vector<16xi32>
      %mul3A_533 = arith.muli %get3A_229, %mul3A_532 : vector<16xi32>
      %add3A_534 = arith.constant 14 : i32
      %add3A_535 = vector.broadcast %add3A_534 : i32 to vector<16xi32>
      %add3A_536 = arith.addi %mul3A_533, %add3A_535 : vector<16xi32>
      %gather3A_537 = tpu.vector_load_idx %arg14[%broadcast_in_dim3A_530, %add3A_223, %add3A_536] : memref<2x128x128xf32, #tpu.memory_space<vmem>>[vector<16xi32>, vector<16xi32>, vector<16xi32>], vector<16xf32>,
      %broadcast_in_dim3A_538 = arith.constant 0 : i32
      %broadcast_in_dim3A_539 = vector.broadcast %broadcast_in_dim3A_538 : i32 to vector<16xi32>
      %mul3A_540 = arith.constant 32 : i32
      %mul3A_541 = vector.broadcast %mul3A_540 : i32 to vector<16xi32>
      %mul3A_542 = arith.muli %get3A_235, %mul3A_541 : vector<16xi32>
      %add3A_543 = arith.constant 14 : i32
      %add3A_544 = vector.broadcast %add3A_543 : i32 to vector<16xi32>
      %add3A_545 = arith.addi %mul3A_542, %add3A_544 : vector<16xi32>
      %gather3A_546 = tpu.vector_load_idx %arg15[%broadcast_in_dim3A_539, %add3A_223, %add3A_545] : memref<2x128x128xf32, #tpu.memory_space<vmem>>[vector<16xi32>, vector<16xi32>, vector<16xi32>], vector<16xf32>,
      %sub3A_547 = arith.subf %gather3A_537, %gather3A_546 : vector<16xf32>
      %mul3A_548 = arith.mulf %sub3A_547, %sub3A_547 : vector<16xf32>
      %add3A_549 = arith.addf %add3A_528, %mul3A_548 : vector<16xf32>
      %broadcast_in_dim3A_550 = arith.constant 0 : i32
      %broadcast_in_dim3A_551 = vector.broadcast %broadcast_in_dim3A_550 : i32 to vector<16xi32>
      %mul3A_552 = arith.constant 32 : i32
      %mul3A_553 = vector.broadcast %mul3A_552 : i32 to vector<16xi32>
      %mul3A_554 = arith.muli %get3A_229, %mul3A_553 : vector<16xi32>
      %add3A_555 = arith.constant 15 : i32
      %add3A_556 = vector.broadcast %add3A_555 : i32 to vector<16xi32>
      %add3A_557 = arith.addi %mul3A_554, %add3A_556 : vector<16xi32>
      %gather3A_558 = tpu.vector_load_idx %arg14[%broadcast_in_dim3A_551, %add3A_223, %add3A_557] : memref<2x128x128xf32, #tpu.memory_space<vmem>>[vector<16xi32>, vector<16xi32>, vector<16xi32>], vector<16xf32>,
      %broadcast_in_dim3A_559 = arith.constant 0 : i32
      %broadcast_in_dim3A_560 = vector.broadcast %broadcast_in_dim3A_559 : i32 to vector<16xi32>
      %mul3A_561 = arith.constant 32 : i32
      %mul3A_562 = vector.broadcast %mul3A_561 : i32 to vector<16xi32>
      %mul3A_563 = arith.muli %get3A_235, %mul3A_562 : vector<16xi32>
      %add3A_564 = arith.constant 15 : i32
      %add3A_565 = vector.broadcast %add3A_564 : i32 to vector<16xi32>
      %add3A_566 = arith.addi %mul3A_563, %add3A_565 : vector<16xi32>
      %gather3A_567 = tpu.vector_load_idx %arg15[%broadcast_in_dim3A_560, %add3A_223, %add3A_566] : memref<2x128x128xf32, #tpu.memory_space<vmem>>[vector<16xi32>, vector<16xi32>, vector<16xi32>], vector<16xf32>,
      %sub3A_568 = arith.subf %gather3A_558, %gather3A_567 : vector<16xf32>
      %mul3A_569 = arith.mulf %sub3A_568, %sub3A_568 : vector<16xf32>
      %add3A_570 = arith.addf %add3A_549, %mul3A_569 : vector<16xf32>
      %broadcast_in_dim3A_571 = arith.constant 0 : i32
      %broadcast_in_dim3A_572 = vector.broadcast %broadcast_in_dim3A_571 : i32 to vector<16xi32>
      %mul3A_573 = arith.constant 32 : i32
      %mul3A_574 = vector.broadcast %mul3A_573 : i32 to vector<16xi32>
      %mul3A_575 = arith.muli %get3A_229, %mul3A_574 : vector<16xi32>
      %add3A_576 = arith.constant 16 : i32
      %add3A_577 = vector.broadcast %add3A_576 : i32 to vector<16xi32>
      %add3A_578 = arith.addi %mul3A_575, %add3A_577 : vector<16xi32>
      %gather3A_579 = tpu.vector_load_idx %arg14[%broadcast_in_dim3A_572, %add3A_223, %add3A_578] : memref<2x128x128xf32, #tpu.memory_space<vmem>>[vector<16xi32>, vector<16xi32>, vector<16xi32>], vector<16xf32>,
      %broadcast_in_dim3A_580 = arith.constant 0 : i32
      %broadcast_in_dim3A_581 = vector.broadcast %broadcast_in_dim3A_580 : i32 to vector<16xi32>
      %mul3A_582 = arith.constant 32 : i32
      %mul3A_583 = vector.broadcast %mul3A_582 : i32 to vector<16xi32>
      %mul3A_584 = arith.muli %get3A_235, %mul3A_583 : vector<16xi32>
      %add3A_585 = arith.constant 16 : i32
      %add3A_586 = vector.broadcast %add3A_585 : i32 to vector<16xi32>
      %add3A_587 = arith.addi %mul3A_584, %add3A_586 : vector<16xi32>
      %gather3A_588 = tpu.vector_load_idx %arg15[%broadcast_in_dim3A_581, %add3A_223, %add3A_587] : memref<2x128x128xf32, #tpu.memory_space<vmem>>[vector<16xi32>, vector<16xi32>, vector<16xi32>], vector<16xf32>,
      %sub3A_589 = arith.subf %gather3A_579, %gather3A_588 : vector<16xf32>
      %mul3A_590 = arith.mulf %sub3A_589, %sub3A_589 : vector<16xf32>
      %add3A_591 = arith.addf %add3A_570, %mul3A_590 : vector<16xf32>
      %broadcast_in_dim3A_592 = arith.constant 0 : i32
      %broadcast_in_dim3A_593 = vector.broadcast %broadcast_in_dim3A_592 : i32 to vector<16xi32>
      %mul3A_594 = arith.constant 32 : i32
      %mul3A_595 = vector.broadcast %mul3A_594 : i32 to vector<16xi32>
      %mul3A_596 = arith.muli %get3A_229, %mul3A_595 : vector<16xi32>
      %add3A_597 = arith.constant 17 : i32
      %add3A_598 = vector.broadcast %add3A_597 : i32 to vector<16xi32>
      %add3A_599 = arith.addi %mul3A_596, %add3A_598 : vector<16xi32>
      %gather3A_600 = tpu.vector_load_idx %arg14[%broadcast_in_dim3A_593, %add3A_223, %add3A_599] : memref<2x128x128xf32, #tpu.memory_space<vmem>>[vector<16xi32>, vector<16xi32>, vector<16xi32>], vector<16xf32>,
      %broadcast_in_dim3A_601 = arith.constant 0 : i32
      %broadcast_in_dim3A_602 = vector.broadcast %broadcast_in_dim3A_601 : i32 to vector<16xi32>
      %mul3A_603 = arith.constant 32 : i32
      %mul3A_604 = vector.broadcast %mul3A_603 : i32 to vector<16xi32>
      %mul3A_605 = arith.muli %get3A_235, %mul3A_604 : vector<16xi32>
      %add3A_606 = arith.constant 17 : i32
      %add3A_607 = vector.broadcast %add3A_606 : i32 to vector<16xi32>
      %add3A_608 = arith.addi %mul3A_605, %add3A_607 : vector<16xi32>
      %gather3A_609 = tpu.vector_load_idx %arg15[%broadcast_in_dim3A_602, %add3A_223, %add3A_608] : memref<2x128x128xf32, #tpu.memory_space<vmem>>[vector<16xi32>, vector<16xi32>, vector<16xi32>], vector<16xf32>,
      %sub3A_610 = arith.subf %gather3A_600, %gather3A_609 : vector<16xf32>
      %mul3A_611 = arith.mulf %sub3A_610, %sub3A_610 : vector<16xf32>
      %add3A_612 = arith.addf %add3A_591, %mul3A_611 : vector<16xf32>
      %broadcast_in_dim3A_613 = arith.constant 0 : i32
      %broadcast_in_dim3A_614 = vector.broadcast %broadcast_in_dim3A_613 : i32 to vector<16xi32>
      %mul3A_615 = arith.constant 32 : i32
      %mul3A_616 = vector.broadcast %mul3A_615 : i32 to vector<16xi32>
      %mul3A_617 = arith.muli %get3A_229, %mul3A_616 : vector<16xi32>
      %add3A_618 = arith.constant 18 : i32
      %add3A_619 = vector.broadcast %add3A_618 : i32 to vector<16xi32>
      %add3A_620 = arith.addi %mul3A_617, %add3A_619 : vector<16xi32>
      %gather3A_621 = tpu.vector_load_idx %arg14[%broadcast_in_dim3A_614, %add3A_223, %add3A_620] : memref<2x128x128xf32, #tpu.memory_space<vmem>>[vector<16xi32>, vector<16xi32>, vector<16xi32>], vector<16xf32>,
      %broadcast_in_dim3A_622 = arith.constant 0 : i32
      %broadcast_in_dim3A_623 = vector.broadcast %broadcast_in_dim3A_622 : i32 to vector<16xi32>
      %mul3A_624 = arith.constant 32 : i32
      %mul3A_625 = vector.broadcast %mul3A_624 : i32 to vector<16xi32>
      %mul3A_626 = arith.muli %get3A_235, %mul3A_625 : vector<16xi32>
      %add3A_627 = arith.constant 18 : i32
      %add3A_628 = vector.broadcast %add3A_627 : i32 to vector<16xi32>
      %add3A_629 = arith.addi %mul3A_626, %add3A_628 : vector<16xi32>
      %gather3A_630 = tpu.vector_load_idx %arg15[%broadcast_in_dim3A_623, %add3A_223, %add3A_629] : memref<2x128x128xf32, #tpu.memory_space<vmem>>[vector<16xi32>, vector<16xi32>, vector<16xi32>], vector<16xf32>,
      %sub3A_631 = arith.subf %gather3A_621, %gather3A_630 : vector<16xf32>
      %mul3A_632 = arith.mulf %sub3A_631, %sub3A_631 : vector<16xf32>
      %add3A_633 = arith.addf %add3A_612, %mul3A_632 : vector<16xf32>
      %broadcast_in_dim3A_634 = arith.constant 0 : i32
      %broadcast_in_dim3A_635 = vector.broadcast %broadcast_in_dim3A_634 : i32 to vector<16xi32>
      %mul3A_636 = arith.constant 32 : i32
      %mul3A_637 = vector.broadcast %mul3A_636 : i32 to vector<16xi32>
      %mul3A_638 = arith.muli %get3A_229, %mul3A_637 : vector<16xi32>
      %add3A_639 = arith.constant 19 : i32
      %add3A_640 = vector.broadcast %add3A_639 : i32 to vector<16xi32>
      %add3A_641 = arith.addi %mul3A_638, %add3A_640 : vector<16xi32>
      %gather3A_642 = tpu.vector_load_idx %arg14[%broadcast_in_dim3A_635, %add3A_223, %add3A_641] : memref<2x128x128xf32, #tpu.memory_space<vmem>>[vector<16xi32>, vector<16xi32>, vector<16xi32>], vector<16xf32>,
      %broadcast_in_dim3A_643 = arith.constant 0 : i32
      %broadcast_in_dim3A_644 = vector.broadcast %broadcast_in_dim3A_643 : i32 to vector<16xi32>
      %mul3A_645 = arith.constant 32 : i32
      %mul3A_646 = vector.broadcast %mul3A_645 : i32 to vector<16xi32>
      %mul3A_647 = arith.muli %get3A_235, %mul3A_646 : vector<16xi32>
      %add3A_648 = arith.constant 19 : i32
      %add3A_649 = vector.broadcast %add3A_648 : i32 to vector<16xi32>
      %add3A_650 = arith.addi %mul3A_647, %add3A_649 : vector<16xi32>
      %gather3A_651 = tpu.vector_load_idx %arg15[%broadcast_in_dim3A_644, %add3A_223, %add3A_650] : memref<2x128x128xf32, #tpu.memory_space<vmem>>[vector<16xi32>, vector<16xi32>, vector<16xi32>], vector<16xf32>,
      %sub3A_652 = arith.subf %gather3A_642, %gather3A_651 : vector<16xf32>
      %mul3A_653 = arith.mulf %sub3A_652, %sub3A_652 : vector<16xf32>
      %add3A_654 = arith.addf %add3A_633, %mul3A_653 : vector<16xf32>
      %broadcast_in_dim3A_655 = arith.constant 0 : i32
      %broadcast_in_dim3A_656 = vector.broadcast %broadcast_in_dim3A_655 : i32 to vector<16xi32>
      %mul3A_657 = arith.constant 32 : i32
      %mul3A_658 = vector.broadcast %mul3A_657 : i32 to vector<16xi32>
      %mul3A_659 = arith.muli %get3A_229, %mul3A_658 : vector<16xi32>
      %add3A_660 = arith.constant 20 : i32
      %add3A_661 = vector.broadcast %add3A_660 : i32 to vector<16xi32>
      %add3A_662 = arith.addi %mul3A_659, %add3A_661 : vector<16xi32>
      %gather3A_663 = tpu.vector_load_idx %arg14[%broadcast_in_dim3A_656, %add3A_223, %add3A_662] : memref<2x128x128xf32, #tpu.memory_space<vmem>>[vector<16xi32>, vector<16xi32>, vector<16xi32>], vector<16xf32>,
      %broadcast_in_dim3A_664 = arith.constant 0 : i32
      %broadcast_in_dim3A_665 = vector.broadcast %broadcast_in_dim3A_664 : i32 to vector<16xi32>
      %mul3A_666 = arith.constant 32 : i32
      %mul3A_667 = vector.broadcast %mul3A_666 : i32 to vector<16xi32>
      %mul3A_668 = arith.muli %get3A_235, %mul3A_667 : vector<16xi32>
      %add3A_669 = arith.constant 20 : i32
      %add3A_670 = vector.broadcast %add3A_669 : i32 to vector<16xi32>
      %add3A_671 = arith.addi %mul3A_668, %add3A_670 : vector<16xi32>
      %gather3A_672 = tpu.vector_load_idx %arg15[%broadcast_in_dim3A_665, %add3A_223, %add3A_671] : memref<2x128x128xf32, #tpu.memory_space<vmem>>[vector<16xi32>, vector<16xi32>, vector<16xi32>], vector<16xf32>,
      %sub3A_673 = arith.subf %gather3A_663, %gather3A_672 : vector<16xf32>
      %mul3A_674 = arith.mulf %sub3A_673, %sub3A_673 : vector<16xf32>
      %add3A_675 = arith.addf %add3A_654, %mul3A_674 : vector<16xf32>
      %broadcast_in_dim3A_676 = arith.constant 0 : i32
      %broadcast_in_dim3A_677 = vector.broadcast %broadcast_in_dim3A_676 : i32 to vector<16xi32>
      %mul3A_678 = arith.constant 32 : i32
      %mul3A_679 = vector.broadcast %mul3A_678 : i32 to vector<16xi32>
      %mul3A_680 = arith.muli %get3A_229, %mul3A_679 : vector<16xi32>
      %add3A_681 = arith.constant 21 : i32
      %add3A_682 = vector.broadcast %add3A_681 : i32 to vector<16xi32>
      %add3A_683 = arith.addi %mul3A_680, %add3A_682 : vector<16xi32>
      %gather3A_684 = tpu.vector_load_idx %arg14[%broadcast_in_dim3A_677, %add3A_223, %add3A_683] : memref<2x128x128xf32, #tpu.memory_space<vmem>>[vector<16xi32>, vector<16xi32>, vector<16xi32>], vector<16xf32>,
      %broadcast_in_dim3A_685 = arith.constant 0 : i32
      %broadcast_in_dim3A_686 = vector.broadcast %broadcast_in_dim3A_685 : i32 to vector<16xi32>
      %mul3A_687 = arith.constant 32 : i32
      %mul3A_688 = vector.broadcast %mul3A_687 : i32 to vector<16xi32>
      %mul3A_689 = arith.muli %get3A_235, %mul3A_688 : vector<16xi32>
      %add3A_690 = arith.constant 21 : i32
      %add3A_691 = vector.broadcast %add3A_690 : i32 to vector<16xi32>
      %add3A_692 = arith.addi %mul3A_689, %add3A_691 : vector<16xi32>
      %gather3A_693 = tpu.vector_load_idx %arg15[%broadcast_in_dim3A_686, %add3A_223, %add3A_692] : memref<2x128x128xf32, #tpu.memory_space<vmem>>[vector<16xi32>, vector<16xi32>, vector<16xi32>], vector<16xf32>,
      %sub3A_694 = arith.subf %gather3A_684, %gather3A_693 : vector<16xf32>
      %mul3A_695 = arith.mulf %sub3A_694, %sub3A_694 : vector<16xf32>
      %add3A_696 = arith.addf %add3A_675, %mul3A_695 : vector<16xf32>
      %broadcast_in_dim3A_697 = arith.constant 0 : i32
      %broadcast_in_dim3A_698 = vector.broadcast %broadcast_in_dim3A_697 : i32 to vector<16xi32>
      %mul3A_699 = arith.constant 32 : i32
      %mul3A_700 = vector.broadcast %mul3A_699 : i32 to vector<16xi32>
      %mul3A_701 = arith.muli %get3A_229, %mul3A_700 : vector<16xi32>
      %add3A_702 = arith.constant 22 : i32
      %add3A_703 = vector.broadcast %add3A_702 : i32 to vector<16xi32>
      %add3A_704 = arith.addi %mul3A_701, %add3A_703 : vector<16xi32>
      %gather3A_705 = tpu.vector_load_idx %arg14[%broadcast_in_dim3A_698, %add3A_223, %add3A_704] : memref<2x128x128xf32, #tpu.memory_space<vmem>>[vector<16xi32>, vector<16xi32>, vector<16xi32>], vector<16xf32>,
      %broadcast_in_dim3A_706 = arith.constant 0 : i32
      %broadcast_in_dim3A_707 = vector.broadcast %broadcast_in_dim3A_706 : i32 to vector<16xi32>
      %mul3A_708 = arith.constant 32 : i32
      %mul3A_709 = vector.broadcast %mul3A_708 : i32 to vector<16xi32>
      %mul3A_710 = arith.muli %get3A_235, %mul3A_709 : vector<16xi32>
      %add3A_711 = arith.constant 22 : i32
      %add3A_712 = vector.broadcast %add3A_711 : i32 to vector<16xi32>
      %add3A_713 = arith.addi %mul3A_710, %add3A_712 : vector<16xi32>
      %gather3A_714 = tpu.vector_load_idx %arg15[%broadcast_in_dim3A_707, %add3A_223, %add3A_713] : memref<2x128x128xf32, #tpu.memory_space<vmem>>[vector<16xi32>, vector<16xi32>, vector<16xi32>], vector<16xf32>,
      %sub3A_715 = arith.subf %gather3A_705, %gather3A_714 : vector<16xf32>
      %mul3A_716 = arith.mulf %sub3A_715, %sub3A_715 : vector<16xf32>
      %add3A_717 = arith.addf %add3A_696, %mul3A_716 : vector<16xf32>
      %broadcast_in_dim3A_718 = arith.constant 0 : i32
      %broadcast_in_dim3A_719 = vector.broadcast %broadcast_in_dim3A_718 : i32 to vector<16xi32>
      %mul3A_720 = arith.constant 32 : i32
      %mul3A_721 = vector.broadcast %mul3A_720 : i32 to vector<16xi32>
      %mul3A_722 = arith.muli %get3A_229, %mul3A_721 : vector<16xi32>
      %add3A_723 = arith.constant 23 : i32
      %add3A_724 = vector.broadcast %add3A_723 : i32 to vector<16xi32>
      %add3A_725 = arith.addi %mul3A_722, %add3A_724 : vector<16xi32>
      %gather3A_726 = tpu.vector_load_idx %arg14[%broadcast_in_dim3A_719, %add3A_223, %add3A_725] : memref<2x128x128xf32, #tpu.memory_space<vmem>>[vector<16xi32>, vector<16xi32>, vector<16xi32>], vector<16xf32>,
      %broadcast_in_dim3A_727 = arith.constant 0 : i32
      %broadcast_in_dim3A_728 = vector.broadcast %broadcast_in_dim3A_727 : i32 to vector<16xi32>
      %mul3A_729 = arith.constant 32 : i32
      %mul3A_730 = vector.broadcast %mul3A_729 : i32 to vector<16xi32>
      %mul3A_731 = arith.muli %get3A_235, %mul3A_730 : vector<16xi32>
      %add3A_732 = arith.constant 23 : i32
      %add3A_733 = vector.broadcast %add3A_732 : i32 to vector<16xi32>
      %add3A_734 = arith.addi %mul3A_731, %add3A_733 : vector<16xi32>
      %gather3A_735 = tpu.vector_load_idx %arg15[%broadcast_in_dim3A_728, %add3A_223, %add3A_734] : memref<2x128x128xf32, #tpu.memory_space<vmem>>[vector<16xi32>, vector<16xi32>, vector<16xi32>], vector<16xf32>,
      %sub3A_736 = arith.subf %gather3A_726, %gather3A_735 : vector<16xf32>
      %mul3A_737 = arith.mulf %sub3A_736, %sub3A_736 : vector<16xf32>
      %add3A_738 = arith.addf %add3A_717, %mul3A_737 : vector<16xf32>
      %broadcast_in_dim3A_739 = arith.constant 0 : i32
      %broadcast_in_dim3A_740 = vector.broadcast %broadcast_in_dim3A_739 : i32 to vector<16xi32>
      %mul3A_741 = arith.constant 32 : i32
      %mul3A_742 = vector.broadcast %mul3A_741 : i32 to vector<16xi32>
      %mul3A_743 = arith.muli %get3A_229, %mul3A_742 : vector<16xi32>
      %add3A_744 = arith.constant 24 : i32
      %add3A_745 = vector.broadcast %add3A_744 : i32 to vector<16xi32>
      %add3A_746 = arith.addi %mul3A_743, %add3A_745 : vector<16xi32>
      %gather3A_747 = tpu.vector_load_idx %arg14[%broadcast_in_dim3A_740, %add3A_223, %add3A_746] : memref<2x128x128xf32, #tpu.memory_space<vmem>>[vector<16xi32>, vector<16xi32>, vector<16xi32>], vector<16xf32>,
      %broadcast_in_dim3A_748 = arith.constant 0 : i32
      %broadcast_in_dim3A_749 = vector.broadcast %broadcast_in_dim3A_748 : i32 to vector<16xi32>
      %mul3A_750 = arith.constant 32 : i32
      %mul3A_751 = vector.broadcast %mul3A_750 : i32 to vector<16xi32>
      %mul3A_752 = arith.muli %get3A_235, %mul3A_751 : vector<16xi32>
      %add3A_753 = arith.constant 24 : i32
      %add3A_754 = vector.broadcast %add3A_753 : i32 to vector<16xi32>
      %add3A_755 = arith.addi %mul3A_752, %add3A_754 : vector<16xi32>
      %gather3A_756 = tpu.vector_load_idx %arg15[%broadcast_in_dim3A_749, %add3A_223, %add3A_755] : memref<2x128x128xf32, #tpu.memory_space<vmem>>[vector<16xi32>, vector<16xi32>, vector<16xi32>], vector<16xf32>,
      %sub3A_757 = arith.subf %gather3A_747, %gather3A_756 : vector<16xf32>
      %mul3A_758 = arith.mulf %sub3A_757, %sub3A_757 : vector<16xf32>
      %add3A_759 = arith.addf %add3A_738, %mul3A_758 : vector<16xf32>
      %broadcast_in_dim3A_760 = arith.constant 0 : i32
      %broadcast_in_dim3A_761 = vector.broadcast %broadcast_in_dim3A_760 : i32 to vector<16xi32>
      %mul3A_762 = arith.constant 32 : i32
      %mul3A_763 = vector.broadcast %mul3A_762 : i32 to vector<16xi32>
      %mul3A_764 = arith.muli %get3A_229, %mul3A_763 : vector<16xi32>
      %add3A_765 = arith.constant 25 : i32
      %add3A_766 = vector.broadcast %add3A_765 : i32 to vector<16xi32>
      %add3A_767 = arith.addi %mul3A_764, %add3A_766 : vector<16xi32>
      %gather3A_768 = tpu.vector_load_idx %arg14[%broadcast_in_dim3A_761, %add3A_223, %add3A_767] : memref<2x128x128xf32, #tpu.memory_space<vmem>>[vector<16xi32>, vector<16xi32>, vector<16xi32>], vector<16xf32>,
      %broadcast_in_dim3A_769 = arith.constant 0 : i32
      %broadcast_in_dim3A_770 = vector.broadcast %broadcast_in_dim3A_769 : i32 to vector<16xi32>
      %mul3A_771 = arith.constant 32 : i32
      %mul3A_772 = vector.broadcast %mul3A_771 : i32 to vector<16xi32>
      %mul3A_773 = arith.muli %get3A_235, %mul3A_772 : vector<16xi32>
      %add3A_774 = arith.constant 25 : i32
      %add3A_775 = vector.broadcast %add3A_774 : i32 to vector<16xi32>
      %add3A_776 = arith.addi %mul3A_773, %add3A_775 : vector<16xi32>
      %gather3A_777 = tpu.vector_load_idx %arg15[%broadcast_in_dim3A_770, %add3A_223, %add3A_776] : memref<2x128x128xf32, #tpu.memory_space<vmem>>[vector<16xi32>, vector<16xi32>, vector<16xi32>], vector<16xf32>,
      %sub3A_778 = arith.subf %gather3A_768, %gather3A_777 : vector<16xf32>
      %mul3A_779 = arith.mulf %sub3A_778, %sub3A_778 : vector<16xf32>
      %add3A_780 = arith.addf %add3A_759, %mul3A_779 : vector<16xf32>
      %broadcast_in_dim3A_781 = arith.constant 0 : i32
      %broadcast_in_dim3A_782 = vector.broadcast %broadcast_in_dim3A_781 : i32 to vector<16xi32>
      %mul3A_783 = arith.constant 32 : i32
      %mul3A_784 = vector.broadcast %mul3A_783 : i32 to vector<16xi32>
      %mul3A_785 = arith.muli %get3A_229, %mul3A_784 : vector<16xi32>
      %add3A_786 = arith.constant 26 : i32
      %add3A_787 = vector.broadcast %add3A_786 : i32 to vector<16xi32>
      %add3A_788 = arith.addi %mul3A_785, %add3A_787 : vector<16xi32>
      %gather3A_789 = tpu.vector_load_idx %arg14[%broadcast_in_dim3A_782, %add3A_223, %add3A_788] : memref<2x128x128xf32, #tpu.memory_space<vmem>>[vector<16xi32>, vector<16xi32>, vector<16xi32>], vector<16xf32>,
      %broadcast_in_dim3A_790 = arith.constant 0 : i32
      %broadcast_in_dim3A_791 = vector.broadcast %broadcast_in_dim3A_790 : i32 to vector<16xi32>
      %mul3A_792 = arith.constant 32 : i32
      %mul3A_793 = vector.broadcast %mul3A_792 : i32 to vector<16xi32>
      %mul3A_794 = arith.muli %get3A_235, %mul3A_793 : vector<16xi32>
      %add3A_795 = arith.constant 26 : i32
      %add3A_796 = vector.broadcast %add3A_795 : i32 to vector<16xi32>
      %add3A_797 = arith.addi %mul3A_794, %add3A_796 : vector<16xi32>
      %gather3A_798 = tpu.vector_load_idx %arg15[%broadcast_in_dim3A_791, %add3A_223, %add3A_797] : memref<2x128x128xf32, #tpu.memory_space<vmem>>[vector<16xi32>, vector<16xi32>, vector<16xi32>], vector<16xf32>,
      %sub3A_799 = arith.subf %gather3A_789, %gather3A_798 : vector<16xf32>
      %mul3A_800 = arith.mulf %sub3A_799, %sub3A_799 : vector<16xf32>
      %add3A_801 = arith.addf %add3A_780, %mul3A_800 : vector<16xf32>
      %broadcast_in_dim3A_802 = arith.constant 0 : i32
      %broadcast_in_dim3A_803 = vector.broadcast %broadcast_in_dim3A_802 : i32 to vector<16xi32>
      %mul3A_804 = arith.constant 32 : i32
      %mul3A_805 = vector.broadcast %mul3A_804 : i32 to vector<16xi32>
      %mul3A_806 = arith.muli %get3A_229, %mul3A_805 : vector<16xi32>
      %add3A_807 = arith.constant 27 : i32
      %add3A_808 = vector.broadcast %add3A_807 : i32 to vector<16xi32>
      %add3A_809 = arith.addi %mul3A_806, %add3A_808 : vector<16xi32>
      %gather3A_810 = tpu.vector_load_idx %arg14[%broadcast_in_dim3A_803, %add3A_223, %add3A_809] : memref<2x128x128xf32, #tpu.memory_space<vmem>>[vector<16xi32>, vector<16xi32>, vector<16xi32>], vector<16xf32>,
      %broadcast_in_dim3A_811 = arith.constant 0 : i32
      %broadcast_in_dim3A_812 = vector.broadcast %broadcast_in_dim3A_811 : i32 to vector<16xi32>
      %mul3A_813 = arith.constant 32 : i32
      %mul3A_814 = vector.broadcast %mul3A_813 : i32 to vector<16xi32>
      %mul3A_815 = arith.muli %get3A_235, %mul3A_814 : vector<16xi32>
      %add3A_816 = arith.constant 27 : i32
      %add3A_817 = vector.broadcast %add3A_816 : i32 to vector<16xi32>
      %add3A_818 = arith.addi %mul3A_815, %add3A_817 : vector<16xi32>
      %gather3A_819 = tpu.vector_load_idx %arg15[%broadcast_in_dim3A_812, %add3A_223, %add3A_818] : memref<2x128x128xf32, #tpu.memory_space<vmem>>[vector<16xi32>, vector<16xi32>, vector<16xi32>], vector<16xf32>,
      %sub3A_820 = arith.subf %gather3A_810, %gather3A_819 : vector<16xf32>
      %mul3A_821 = arith.mulf %sub3A_820, %sub3A_820 : vector<16xf32>
      %add3A_822 = arith.addf %add3A_801, %mul3A_821 : vector<16xf32>
      %broadcast_in_dim3A_823 = arith.constant 0 : i32
      %broadcast_in_dim3A_824 = vector.broadcast %broadcast_in_dim3A_823 : i32 to vector<16xi32>
      %mul3A_825 = arith.constant 32 : i32
      %mul3A_826 = vector.broadcast %mul3A_825 : i32 to vector<16xi32>
      %mul3A_827 = arith.muli %get3A_229, %mul3A_826 : vector<16xi32>
      %add3A_828 = arith.constant 28 : i32
      %add3A_829 = vector.broadcast %add3A_828 : i32 to vector<16xi32>
      %add3A_830 = arith.addi %mul3A_827, %add3A_829 : vector<16xi32>
      %gather3A_831 = tpu.vector_load_idx %arg14[%broadcast_in_dim3A_824, %add3A_223, %add3A_830] : memref<2x128x128xf32, #tpu.memory_space<vmem>>[vector<16xi32>, vector<16xi32>, vector<16xi32>], vector<16xf32>,
      %broadcast_in_dim3A_832 = arith.constant 0 : i32
      %broadcast_in_dim3A_833 = vector.broadcast %broadcast_in_dim3A_832 : i32 to vector<16xi32>
      %mul3A_834 = arith.constant 32 : i32
      %mul3A_835 = vector.broadcast %mul3A_834 : i32 to vector<16xi32>
      %mul3A_836 = arith.muli %get3A_235, %mul3A_835 : vector<16xi32>
      %add3A_837 = arith.constant 28 : i32
      %add3A_838 = vector.broadcast %add3A_837 : i32 to vector<16xi32>
      %add3A_839 = arith.addi %mul3A_836, %add3A_838 : vector<16xi32>
      %gather3A_840 = tpu.vector_load_idx %arg15[%broadcast_in_dim3A_833, %add3A_223, %add3A_839] : memref<2x128x128xf32, #tpu.memory_space<vmem>>[vector<16xi32>, vector<16xi32>, vector<16xi32>], vector<16xf32>,
      %sub3A_841 = arith.subf %gather3A_831, %gather3A_840 : vector<16xf32>
      %mul3A_842 = arith.mulf %sub3A_841, %sub3A_841 : vector<16xf32>
      %add3A_843 = arith.addf %add3A_822, %mul3A_842 : vector<16xf32>
      %broadcast_in_dim3A_844 = arith.constant 0 : i32
      %broadcast_in_dim3A_845 = vector.broadcast %broadcast_in_dim3A_844 : i32 to vector<16xi32>
      %mul3A_846 = arith.constant 32 : i32
      %mul3A_847 = vector.broadcast %mul3A_846 : i32 to vector<16xi32>
      %mul3A_848 = arith.muli %get3A_229, %mul3A_847 : vector<16xi32>
      %add3A_849 = arith.constant 29 : i32
      %add3A_850 = vector.broadcast %add3A_849 : i32 to vector<16xi32>
      %add3A_851 = arith.addi %mul3A_848, %add3A_850 : vector<16xi32>
      %gather3A_852 = tpu.vector_load_idx %arg14[%broadcast_in_dim3A_845, %add3A_223, %add3A_851] : memref<2x128x128xf32, #tpu.memory_space<vmem>>[vector<16xi32>, vector<16xi32>, vector<16xi32>], vector<16xf32>,
      %broadcast_in_dim3A_853 = arith.constant 0 : i32
      %broadcast_in_dim3A_854 = vector.broadcast %broadcast_in_dim3A_853 : i32 to vector<16xi32>
      %mul3A_855 = arith.constant 32 : i32
      %mul3A_856 = vector.broadcast %mul3A_855 : i32 to vector<16xi32>
      %mul3A_857 = arith.muli %get3A_235, %mul3A_856 : vector<16xi32>
      %add3A_858 = arith.constant 29 : i32
      %add3A_859 = vector.broadcast %add3A_858 : i32 to vector<16xi32>
      %add3A_860 = arith.addi %mul3A_857, %add3A_859 : vector<16xi32>
      %gather3A_861 = tpu.vector_load_idx %arg15[%broadcast_in_dim3A_854, %add3A_223, %add3A_860] : memref<2x128x128xf32, #tpu.memory_space<vmem>>[vector<16xi32>, vector<16xi32>, vector<16xi32>], vector<16xf32>,
      %sub3A_862 = arith.subf %gather3A_852, %gather3A_861 : vector<16xf32>
      %mul3A_863 = arith.mulf %sub3A_862, %sub3A_862 : vector<16xf32>
      %add3A_864 = arith.addf %add3A_843, %mul3A_863 : vector<16xf32>
      %broadcast_in_dim3A_865 = arith.constant 0 : i32
      %broadcast_in_dim3A_866 = vector.broadcast %broadcast_in_dim3A_865 : i32 to vector<16xi32>
      %mul3A_867 = arith.constant 32 : i32
      %mul3A_868 = vector.broadcast %mul3A_867 : i32 to vector<16xi32>
      %mul3A_869 = arith.muli %get3A_229, %mul3A_868 : vector<16xi32>
      %add3A_870 = arith.constant 30 : i32
      %add3A_871 = vector.broadcast %add3A_870 : i32 to vector<16xi32>
      %add3A_872 = arith.addi %mul3A_869, %add3A_871 : vector<16xi32>
      %gather3A_873 = tpu.vector_load_idx %arg14[%broadcast_in_dim3A_866, %add3A_223, %add3A_872] : memref<2x128x128xf32, #tpu.memory_space<vmem>>[vector<16xi32>, vector<16xi32>, vector<16xi32>], vector<16xf32>,
      %broadcast_in_dim3A_874 = arith.constant 0 : i32
      %broadcast_in_dim3A_875 = vector.broadcast %broadcast_in_dim3A_874 : i32 to vector<16xi32>
      %mul3A_876 = arith.constant 32 : i32
      %mul3A_877 = vector.broadcast %mul3A_876 : i32 to vector<16xi32>
      %mul3A_878 = arith.muli %get3A_235, %mul3A_877 : vector<16xi32>
      %add3A_879 = arith.constant 30 : i32
      %add3A_880 = vector.broadcast %add3A_879 : i32 to vector<16xi32>
      %add3A_881 = arith.addi %mul3A_878, %add3A_880 : vector<16xi32>
      %gather3A_882 = tpu.vector_load_idx %arg15[%broadcast_in_dim3A_875, %add3A_223, %add3A_881] : memref<2x128x128xf32, #tpu.memory_space<vmem>>[vector<16xi32>, vector<16xi32>, vector<16xi32>], vector<16xf32>,
      %sub3A_883 = arith.subf %gather3A_873, %gather3A_882 : vector<16xf32>
      %mul3A_884 = arith.mulf %sub3A_883, %sub3A_883 : vector<16xf32>
      %add3A_885 = arith.addf %add3A_864, %mul3A_884 : vector<16xf32>
      %broadcast_in_dim3A_886 = arith.constant 0 : i32
      %broadcast_in_dim3A_887 = vector.broadcast %broadcast_in_dim3A_886 : i32 to vector<16xi32>
      %mul3A_888 = arith.constant 32 : i32
      %mul3A_889 = vector.broadcast %mul3A_888 : i32 to vector<16xi32>
      %mul3A_890 = arith.muli %get3A_229, %mul3A_889 : vector<16xi32>
      %add3A_891 = arith.constant 31 : i32
      %add3A_892 = vector.broadcast %add3A_891 : i32 to vector<16xi32>
      %add3A_893 = arith.addi %mul3A_890, %add3A_892 : vector<16xi32>
      %gather3A_894 = tpu.vector_load_idx %arg14[%broadcast_in_dim3A_887, %add3A_223, %add3A_893] : memref<2x128x128xf32, #tpu.memory_space<vmem>>[vector<16xi32>, vector<16xi32>, vector<16xi32>], vector<16xf32>,
      %broadcast_in_dim3A_895 = arith.constant 0 : i32
      %broadcast_in_dim3A_896 = vector.broadcast %broadcast_in_dim3A_895 : i32 to vector<16xi32>
      %mul3A_897 = arith.constant 32 : i32
      %mul3A_898 = vector.broadcast %mul3A_897 : i32 to vector<16xi32>
      %mul3A_899 = arith.muli %get3A_235, %mul3A_898 : vector<16xi32>
      %add3A_900 = arith.constant 31 : i32
      %add3A_901 = vector.broadcast %add3A_900 : i32 to vector<16xi32>
      %add3A_902 = arith.addi %mul3A_899, %add3A_901 : vector<16xi32>
      %gather3A_903 = tpu.vector_load_idx %arg15[%broadcast_in_dim3A_896, %add3A_223, %add3A_902] : memref<2x128x128xf32, #tpu.memory_space<vmem>>[vector<16xi32>, vector<16xi32>, vector<16xi32>], vector<16xf32>,
      %sub3A_904 = arith.subf %gather3A_894, %gather3A_903 : vector<16xf32>
      %mul3A_905 = arith.mulf %sub3A_904, %sub3A_904 : vector<16xf32>
      %add3A_906 = arith.addf %add3A_885, %mul3A_905 : vector<16xf32>
      %mul3A_907 = arith.constant 5.000000e-01 : f32
      %mul3A_908 = vector.broadcast %mul3A_907 : f32 to vector<16xf32>
      %mul3A_909 = arith.mulf %add3A_906, %mul3A_908 : vector<16xf32>
      %bitcast3A = vector.bitcast %add3A_906 : vector<16xf32> to vector<16xi32>
      %shift_right_arithmetic3A = arith.constant 1 : i32
      %shift_right_arithmetic3A_910 = vector.broadcast %shift_right_arithmetic3A : i32 to vector<16xi32>
      %shift_right_arithmetic3A_911 = arith.shrsi %bitcast3A, %shift_right_arithmetic3A_910 : vector<16xi32>
      %sub3A_912 = arith.constant 1597463007 : i32
      %sub3A_913 = vector.broadcast %sub3A_912 : i32 to vector<16xi32>
      %sub3A_914 = arith.subi %sub3A_913, %shift_right_arithmetic3A_911 : vector<16xi32>
      %bitcast3A_915 = vector.bitcast %sub3A_914 : vector<16xi32> to vector<16xf32>
      %mul3A_916 = arith.mulf %mul3A_909, %bitcast3A_915 : vector<16xf32>
      %mul3A_917 = arith.mulf %mul3A_916, %bitcast3A_915 : vector<16xf32>
      %sub3A_918 = arith.constant 1.500000e+00 : f32
      %sub3A_919 = vector.broadcast %sub3A_918 : f32 to vector<16xf32>
      %sub3A_920 = arith.subf %sub3A_919, %mul3A_917 : vector<16xf32>
      %mul3A_921 = arith.mulf %bitcast3A_915, %sub3A_920 : vector<16xf32>
      %mul3A_922 = arith.mulf %mul3A_909, %mul3A_921 : vector<16xf32>
      %mul3A_923 = arith.mulf %mul3A_922, %mul3A_921 : vector<16xf32>
      %sub3A_924 = arith.constant 1.500000e+00 : f32
      %sub3A_925 = vector.broadcast %sub3A_924 : f32 to vector<16xf32>
      %sub3A_926 = arith.subf %sub3A_925, %mul3A_923 : vector<16xf32>
      %mul3A_927 = arith.mulf %mul3A_921, %sub3A_926 : vector<16xf32>
      %mul3A_928 = arith.mulf %mul3A_909, %mul3A_927 : vector<16xf32>
      %mul3A_929 = arith.mulf %mul3A_928, %mul3A_927 : vector<16xf32>
      %sub3A_930 = arith.constant 1.500000e+00 : f32
      %sub3A_931 = vector.broadcast %sub3A_930 : f32 to vector<16xf32>
      %sub3A_932 = arith.subf %sub3A_931, %mul3A_929 : vector<16xf32>
      %mul3A_933 = arith.mulf %mul3A_927, %sub3A_932 : vector<16xf32>
      %mul3A_934 = arith.mulf %add3A_906, %mul3A_933 : vector<16xf32>
      %mul3A_935 = arith.mulf %mul3A_934, %get3A_1 : vector<16xf32>
      %add3A_936 = arith.addf %mul3A_935, %get3A_3 : vector<16xf32>
      %mul3A_937 = arith.constant 16 : i32
      %mul3A_938 = arith.muli %scan3A_219, %mul3A_937 : i32
      %add3A_939 = arith.constant 0 : i32
      %add3A_940 = arith.addi %add3A_939, %mul3A_938 : i32
      %swap3A = arith.index_cast %add3A_940 : i32 to index
      %swap3A_941 = tpu.vector_load %arg17[%swap3A] {strides = array<i32>} : memref<512xf32, #tpu.memory_space<vmem>>, vector<16xf32>,
      tpu.vector_store %arg17[%swap3A], %add3A_936 {strides = array<i32>} : memref<512xf32, #tpu.memory_space<vmem>>, vector<16xf32>,
    }
    %scan3A_78 = arith.constant 8 : i32
    %dma_start3A_79 = arith.constant 2 : i32
    %dma_start3A_80 = arith.constant 0 : i32
    %dma_start3A_81 = arith.constant 0 : i32
    %dma_start3A_82 = arith.constant 0 : i32
    %dma_start3A_83 = tpu.memref_slice %arg14[%dma_start3A_80, %dma_start3A_81, %dma_start3A_82] : memref<2x128x128xf32, #tpu.memory_space<vmem>> -> memref<1x128x128xf32, #tpu.memory_space<vmem>>
    %dma_start3A_84 = tpu.memref_squeeze %dma_start3A_83 : memref<1x128x128xf32, #tpu.memory_space<vmem>> -> memref<128x128xf32, #tpu.memory_space<vmem>>
    %dma_start3A_85 = arith.constant 0 : i32
    %dma_start3A_86 = tpu.memref_slice %arg10[%dma_start3A_79, %dma_start3A_85] : memref<4x128xi32, #tpu.memory_space<vmem>> -> memref<1x128xi32, #tpu.memory_space<vmem>>
    %dma_start3A_87 = tpu.memref_squeeze %dma_start3A_86 : memref<1x128xi32, #tpu.memory_space<vmem>> -> memref<128xi32, #tpu.memory_space<vmem>>
    %dma_start3A_88 = arith.constant 0 : i32
    %dma_start3A_89 = arith.constant 0 : i32
    %dma_start3A_90 = tpu.memref_slice %arg6[%dma_start3A_88, %dma_start3A_89] : memref<256000x128xf32, #tpu.memory_space<hbm>> -> memref<256000x128xf32, #tpu.memory_space<hbm>>
    tpu.enqueue_indirect_dma source(%dma_start3A_90 : memref<256000x128xf32, #tpu.memory_space<hbm>>) target(%dma_start3A_84 : memref<128x128xf32, #tpu.memory_space<vmem>>) offsets(%dma_start3A_87 : memref<128xi32, #tpu.memory_space<vmem>>) semaphore(%arg18 : memref<!tpu.dma_semaphore, #tpu.memory_space<semaphore_mem>>)
    %dma_start3A_91 = arith.constant 2 : i32
    %dma_start3A_92 = arith.constant 0 : i32
    %dma_start3A_93 = arith.constant 0 : i32
    %dma_start3A_94 = arith.constant 0 : i32
    %dma_start3A_95 = tpu.memref_slice %arg15[%dma_start3A_92, %dma_start3A_93, %dma_start3A_94] : memref<2x128x128xf32, #tpu.memory_space<vmem>> -> memref<1x128x128xf32, #tpu.memory_space<vmem>>
    %dma_start3A_96 = tpu.memref_squeeze %dma_start3A_95 : memref<1x128x128xf32, #tpu.memory_space<vmem>> -> memref<128x128xf32, #tpu.memory_space<vmem>>
    %dma_start3A_97 = arith.constant 0 : i32
    %dma_start3A_98 = tpu.memref_slice %arg12[%dma_start3A_91, %dma_start3A_97] : memref<4x128xi32, #tpu.memory_space<vmem>> -> memref<1x128xi32, #tpu.memory_space<vmem>>
    %dma_start3A_99 = tpu.memref_squeeze %dma_start3A_98 : memref<1x128xi32, #tpu.memory_space<vmem>> -> memref<128xi32, #tpu.memory_space<vmem>>
    %dma_start3A_100 = arith.constant 0 : i32
    %dma_start3A_101 = arith.constant 0 : i32
    %dma_start3A_102 = tpu.memref_slice %arg7[%dma_start3A_100, %dma_start3A_101] : memref<256000x128xf32, #tpu.memory_space<hbm>> -> memref<256000x128xf32, #tpu.memory_space<hbm>>
    tpu.enqueue_indirect_dma source(%dma_start3A_102 : memref<256000x128xf32, #tpu.memory_space<hbm>>) target(%dma_start3A_96 : memref<128x128xf32, #tpu.memory_space<vmem>>) offsets(%dma_start3A_99 : memref<128xi32, #tpu.memory_space<vmem>>) semaphore(%arg18 : memref<!tpu.dma_semaphore, #tpu.memory_space<semaphore_mem>>)
    %dma_wait3A_103 = arith.constant 1 : i32
    %dma_wait3A_104 = arith.constant 1 : i32
    %dma_wait3A_105 = arith.constant 0 : i32
    %dma_wait3A_106 = arith.constant 0 : i32
    %dma_wait3A_107 = tpu.memref_slice %arg14[%dma_wait3A_104, %dma_wait3A_105, %dma_wait3A_106] : memref<2x128x128xf32, #tpu.memory_space<vmem>> -> memref<1x128x128xf32, #tpu.memory_space<vmem>>
    %dma_wait3A_108 = tpu.memref_squeeze %dma_wait3A_107 : memref<1x128x128xf32, #tpu.memory_space<vmem>> -> memref<128x128xf32, #tpu.memory_space<vmem>>
    %dma_wait3A_109 = arith.constant 0 : i32
    %dma_wait3A_110 = tpu.memref_slice %arg10[%dma_wait3A_103, %dma_wait3A_109] : memref<4x128xi32, #tpu.memory_space<vmem>> -> memref<1x128xi32, #tpu.memory_space<vmem>>
    %dma_wait3A_111 = tpu.memref_squeeze %dma_wait3A_110 : memref<1x128xi32, #tpu.memory_space<vmem>> -> memref<128xi32, #tpu.memory_space<vmem>>
    %dma_wait3A_112 = arith.constant 0 : i32
    %dma_wait3A_113 = arith.constant 0 : i32
    %dma_wait3A_114 = tpu.memref_slice %arg6[%dma_wait3A_112, %dma_wait3A_113] : memref<256000x128xf32, #tpu.memory_space<hbm>> -> memref<256000x128xf32, #tpu.memory_space<hbm>>
    tpu.wait_indirect_dma semaphore(%arg18 : memref<!tpu.dma_semaphore, #tpu.memory_space<semaphore_mem>>) src(%dma_wait3A_114 : memref<256000x128xf32, #tpu.memory_space<hbm>>) dst(%dma_wait3A_108 : memref<128x128xf32, #tpu.memory_space<vmem>>)
    %dma_wait3A_115 = arith.constant 1 : i32
    %dma_wait3A_116 = arith.constant 1 : i32
    %dma_wait3A_117 = arith.constant 0 : i32
    %dma_wait3A_118 = arith.constant 0 : i32
    %dma_wait3A_119 = tpu.memref_slice %arg15[%dma_wait3A_116, %dma_wait3A_117, %dma_wait3A_118] : memref<2x128x128xf32, #tpu.memory_space<vmem>> -> memref<1x128x128xf32, #tpu.memory_space<vmem>>
    %dma_wait3A_120 = tpu.memref_squeeze %dma_wait3A_119 : memref<1x128x128xf32, #tpu.memory_space<vmem>> -> memref<128x128xf32, #tpu.memory_space<vmem>>
    %dma_wait3A_121 = arith.constant 0 : i32
    %dma_wait3A_122 = tpu.memref_slice %arg12[%dma_wait3A_115, %dma_wait3A_121] : memref<4x128xi32, #tpu.memory_space<vmem>> -> memref<1x128xi32, #tpu.memory_space<vmem>>
    %dma_wait3A_123 = tpu.memref_squeeze %dma_wait3A_122 : memref<1x128xi32, #tpu.memory_space<vmem>> -> memref<128xi32, #tpu.memory_space<vmem>>
    %dma_wait3A_124 = arith.constant 0 : i32
    %dma_wait3A_125 = arith.constant 0 : i32
    %dma_wait3A_126 = tpu.memref_slice %arg7[%dma_wait3A_124, %dma_wait3A_125] : memref<256000x128xf32, #tpu.memory_space<hbm>> -> memref<256000x128xf32, #tpu.memory_space<hbm>>
    tpu.wait_indirect_dma semaphore(%arg18 : memref<!tpu.dma_semaphore, #tpu.memory_space<semaphore_mem>>) src(%dma_wait3A_126 : memref<256000x128xf32, #tpu.memory_space<hbm>>) dst(%dma_wait3A_120 : memref<128x128xf32, #tpu.memory_space<vmem>>)
    %scan3A_127 = arith.constant 0 : i32
    %scan3A_128 = arith.constant 0 : i32
    %scan3A_129 = arith.constant 8 : i32
    %scan3A_130 = arith.addi %scan3A_128, %scan3A_129 : i32
    %scan3A_131 = arith.constant 1 : i32
    scf.for %scan3A_219 = %scan3A_128 to %scan3A_130 step %scan3A_131  : i32 {
      %mul3A_220 = arith.constant 16 : i32
      %mul3A_221 = arith.muli %scan3A_219, %mul3A_220 : i32
      %add3A_222 = vector.broadcast %mul3A_221 : i32 to vector<16xi32>
      %add3A_223 = arith.addi %add3A_222, %iota3A : vector<16xi32>
      %mul3A_224 = arith.constant 16 : i32
      %mul3A_225 = arith.muli %scan3A_219, %mul3A_224 : i32
      %get3A_226 = arith.constant 1 : i32
      %get3A_227 = arith.index_cast %get3A_226 : i32 to index
      %get3A_228 = arith.index_cast %mul3A_225 : i32 to index
      %get3A_229 = tpu.vector_load %arg11[%get3A_227, %get3A_228] {strides = array<i32>} : memref<4x128xi32, #tpu.memory_space<vmem>>, vector<16xi32>,
      %mul3A_230 = arith.constant 16 : i32
      %mul3A_231 = arith.muli %scan3A_219, %mul3A_230 : i32
      %get3A_232 = arith.constant 1 : i32
      %get3A_233 = arith.index_cast %get3A_232 : i32 to index
      %get3A_234 = arith.index_cast %mul3A_231 : i32 to index
      %get3A_235 = tpu.vector_load %arg13[%get3A_233, %get3A_234] {strides = array<i32>} : memref<4x128xi32, #tpu.memory_space<vmem>>, vector<16xi32>,
      %broadcast_in_dim3A = arith.constant 0.000000e+00 : f32
      %broadcast_in_dim3A_236 = vector.broadcast %broadcast_in_dim3A : f32 to vector<16xf32>
      %broadcast_in_dim3A_237 = arith.constant 1 : i32
      %broadcast_in_dim3A_238 = vector.broadcast %broadcast_in_dim3A_237 : i32 to vector<16xi32>
      %mul3A_239 = arith.constant 32 : i32
      %mul3A_240 = vector.broadcast %mul3A_239 : i32 to vector<16xi32>
      %mul3A_241 = arith.muli %get3A_229, %mul3A_240 : vector<16xi32>
      %add3A_242 = arith.constant 0 : i32
      %add3A_243 = vector.broadcast %add3A_242 : i32 to vector<16xi32>
      %add3A_244 = arith.addi %mul3A_241, %add3A_243 : vector<16xi32>
      %gather3A = tpu.vector_load_idx %arg14[%broadcast_in_dim3A_238, %add3A_223, %add3A_244] : memref<2x128x128xf32, #tpu.memory_space<vmem>>[vector<16xi32>, vector<16xi32>, vector<16xi32>], vector<16xf32>,
      %broadcast_in_dim3A_245 = arith.constant 1 : i32
      %broadcast_in_dim3A_246 = vector.broadcast %broadcast_in_dim3A_245 : i32 to vector<16xi32>
      %mul3A_247 = arith.constant 32 : i32
      %mul3A_248 = vector.broadcast %mul3A_247 : i32 to vector<16xi32>
      %mul3A_249 = arith.muli %get3A_235, %mul3A_248 : vector<16xi32>
      %add3A_250 = arith.constant 0 : i32
      %add3A_251 = vector.broadcast %add3A_250 : i32 to vector<16xi32>
      %add3A_252 = arith.addi %mul3A_249, %add3A_251 : vector<16xi32>
      %gather3A_253 = tpu.vector_load_idx %arg15[%broadcast_in_dim3A_246, %add3A_223, %add3A_252] : memref<2x128x128xf32, #tpu.memory_space<vmem>>[vector<16xi32>, vector<16xi32>, vector<16xi32>], vector<16xf32>,
      %sub3A = arith.subf %gather3A, %gather3A_253 : vector<16xf32>
      %mul3A_254 = arith.mulf %sub3A, %sub3A : vector<16xf32>
      %add3A_255 = arith.addf %broadcast_in_dim3A_236, %mul3A_254 : vector<16xf32>
      %broadcast_in_dim3A_256 = arith.constant 1 : i32
      %broadcast_in_dim3A_257 = vector.broadcast %broadcast_in_dim3A_256 : i32 to vector<16xi32>
      %mul3A_258 = arith.constant 32 : i32
      %mul3A_259 = vector.broadcast %mul3A_258 : i32 to vector<16xi32>
      %mul3A_260 = arith.muli %get3A_229, %mul3A_259 : vector<16xi32>
      %add3A_261 = arith.constant 1 : i32
      %add3A_262 = vector.broadcast %add3A_261 : i32 to vector<16xi32>
      %add3A_263 = arith.addi %mul3A_260, %add3A_262 : vector<16xi32>
      %gather3A_264 = tpu.vector_load_idx %arg14[%broadcast_in_dim3A_257, %add3A_223, %add3A_263] : memref<2x128x128xf32, #tpu.memory_space<vmem>>[vector<16xi32>, vector<16xi32>, vector<16xi32>], vector<16xf32>,
      %broadcast_in_dim3A_265 = arith.constant 1 : i32
      %broadcast_in_dim3A_266 = vector.broadcast %broadcast_in_dim3A_265 : i32 to vector<16xi32>
      %mul3A_267 = arith.constant 32 : i32
      %mul3A_268 = vector.broadcast %mul3A_267 : i32 to vector<16xi32>
      %mul3A_269 = arith.muli %get3A_235, %mul3A_268 : vector<16xi32>
      %add3A_270 = arith.constant 1 : i32
      %add3A_271 = vector.broadcast %add3A_270 : i32 to vector<16xi32>
      %add3A_272 = arith.addi %mul3A_269, %add3A_271 : vector<16xi32>
      %gather3A_273 = tpu.vector_load_idx %arg15[%broadcast_in_dim3A_266, %add3A_223, %add3A_272] : memref<2x128x128xf32, #tpu.memory_space<vmem>>[vector<16xi32>, vector<16xi32>, vector<16xi32>], vector<16xf32>,
      %sub3A_274 = arith.subf %gather3A_264, %gather3A_273 : vector<16xf32>
      %mul3A_275 = arith.mulf %sub3A_274, %sub3A_274 : vector<16xf32>
      %add3A_276 = arith.addf %add3A_255, %mul3A_275 : vector<16xf32>
      %broadcast_in_dim3A_277 = arith.constant 1 : i32
      %broadcast_in_dim3A_278 = vector.broadcast %broadcast_in_dim3A_277 : i32 to vector<16xi32>
      %mul3A_279 = arith.constant 32 : i32
      %mul3A_280 = vector.broadcast %mul3A_279 : i32 to vector<16xi32>
      %mul3A_281 = arith.muli %get3A_229, %mul3A_280 : vector<16xi32>
      %add3A_282 = arith.constant 2 : i32
      %add3A_283 = vector.broadcast %add3A_282 : i32 to vector<16xi32>
      %add3A_284 = arith.addi %mul3A_281, %add3A_283 : vector<16xi32>
      %gather3A_285 = tpu.vector_load_idx %arg14[%broadcast_in_dim3A_278, %add3A_223, %add3A_284] : memref<2x128x128xf32, #tpu.memory_space<vmem>>[vector<16xi32>, vector<16xi32>, vector<16xi32>], vector<16xf32>,
      %broadcast_in_dim3A_286 = arith.constant 1 : i32
      %broadcast_in_dim3A_287 = vector.broadcast %broadcast_in_dim3A_286 : i32 to vector<16xi32>
      %mul3A_288 = arith.constant 32 : i32
      %mul3A_289 = vector.broadcast %mul3A_288 : i32 to vector<16xi32>
      %mul3A_290 = arith.muli %get3A_235, %mul3A_289 : vector<16xi32>
      %add3A_291 = arith.constant 2 : i32
      %add3A_292 = vector.broadcast %add3A_291 : i32 to vector<16xi32>
      %add3A_293 = arith.addi %mul3A_290, %add3A_292 : vector<16xi32>
      %gather3A_294 = tpu.vector_load_idx %arg15[%broadcast_in_dim3A_287, %add3A_223, %add3A_293] : memref<2x128x128xf32, #tpu.memory_space<vmem>>[vector<16xi32>, vector<16xi32>, vector<16xi32>], vector<16xf32>,
      %sub3A_295 = arith.subf %gather3A_285, %gather3A_294 : vector<16xf32>
      %mul3A_296 = arith.mulf %sub3A_295, %sub3A_295 : vector<16xf32>
      %add3A_297 = arith.addf %add3A_276, %mul3A_296 : vector<16xf32>
      %broadcast_in_dim3A_298 = arith.constant 1 : i32
      %broadcast_in_dim3A_299 = vector.broadcast %broadcast_in_dim3A_298 : i32 to vector<16xi32>
      %mul3A_300 = arith.constant 32 : i32
      %mul3A_301 = vector.broadcast %mul3A_300 : i32 to vector<16xi32>
      %mul3A_302 = arith.muli %get3A_229, %mul3A_301 : vector<16xi32>
      %add3A_303 = arith.constant 3 : i32
      %add3A_304 = vector.broadcast %add3A_303 : i32 to vector<16xi32>
      %add3A_305 = arith.addi %mul3A_302, %add3A_304 : vector<16xi32>
      %gather3A_306 = tpu.vector_load_idx %arg14[%broadcast_in_dim3A_299, %add3A_223, %add3A_305] : memref<2x128x128xf32, #tpu.memory_space<vmem>>[vector<16xi32>, vector<16xi32>, vector<16xi32>], vector<16xf32>,
      %broadcast_in_dim3A_307 = arith.constant 1 : i32
      %broadcast_in_dim3A_308 = vector.broadcast %broadcast_in_dim3A_307 : i32 to vector<16xi32>
      %mul3A_309 = arith.constant 32 : i32
      %mul3A_310 = vector.broadcast %mul3A_309 : i32 to vector<16xi32>
      %mul3A_311 = arith.muli %get3A_235, %mul3A_310 : vector<16xi32>
      %add3A_312 = arith.constant 3 : i32
      %add3A_313 = vector.broadcast %add3A_312 : i32 to vector<16xi32>
      %add3A_314 = arith.addi %mul3A_311, %add3A_313 : vector<16xi32>
      %gather3A_315 = tpu.vector_load_idx %arg15[%broadcast_in_dim3A_308, %add3A_223, %add3A_314] : memref<2x128x128xf32, #tpu.memory_space<vmem>>[vector<16xi32>, vector<16xi32>, vector<16xi32>], vector<16xf32>,
      %sub3A_316 = arith.subf %gather3A_306, %gather3A_315 : vector<16xf32>
      %mul3A_317 = arith.mulf %sub3A_316, %sub3A_316 : vector<16xf32>
      %add3A_318 = arith.addf %add3A_297, %mul3A_317 : vector<16xf32>
      %broadcast_in_dim3A_319 = arith.constant 1 : i32
      %broadcast_in_dim3A_320 = vector.broadcast %broadcast_in_dim3A_319 : i32 to vector<16xi32>
      %mul3A_321 = arith.constant 32 : i32
      %mul3A_322 = vector.broadcast %mul3A_321 : i32 to vector<16xi32>
      %mul3A_323 = arith.muli %get3A_229, %mul3A_322 : vector<16xi32>
      %add3A_324 = arith.constant 4 : i32
      %add3A_325 = vector.broadcast %add3A_324 : i32 to vector<16xi32>
      %add3A_326 = arith.addi %mul3A_323, %add3A_325 : vector<16xi32>
      %gather3A_327 = tpu.vector_load_idx %arg14[%broadcast_in_dim3A_320, %add3A_223, %add3A_326] : memref<2x128x128xf32, #tpu.memory_space<vmem>>[vector<16xi32>, vector<16xi32>, vector<16xi32>], vector<16xf32>,
      %broadcast_in_dim3A_328 = arith.constant 1 : i32
      %broadcast_in_dim3A_329 = vector.broadcast %broadcast_in_dim3A_328 : i32 to vector<16xi32>
      %mul3A_330 = arith.constant 32 : i32
      %mul3A_331 = vector.broadcast %mul3A_330 : i32 to vector<16xi32>
      %mul3A_332 = arith.muli %get3A_235, %mul3A_331 : vector<16xi32>
      %add3A_333 = arith.constant 4 : i32
      %add3A_334 = vector.broadcast %add3A_333 : i32 to vector<16xi32>
      %add3A_335 = arith.addi %mul3A_332, %add3A_334 : vector<16xi32>
      %gather3A_336 = tpu.vector_load_idx %arg15[%broadcast_in_dim3A_329, %add3A_223, %add3A_335] : memref<2x128x128xf32, #tpu.memory_space<vmem>>[vector<16xi32>, vector<16xi32>, vector<16xi32>], vector<16xf32>,
      %sub3A_337 = arith.subf %gather3A_327, %gather3A_336 : vector<16xf32>
      %mul3A_338 = arith.mulf %sub3A_337, %sub3A_337 : vector<16xf32>
      %add3A_339 = arith.addf %add3A_318, %mul3A_338 : vector<16xf32>
      %broadcast_in_dim3A_340 = arith.constant 1 : i32
      %broadcast_in_dim3A_341 = vector.broadcast %broadcast_in_dim3A_340 : i32 to vector<16xi32>
      %mul3A_342 = arith.constant 32 : i32
      %mul3A_343 = vector.broadcast %mul3A_342 : i32 to vector<16xi32>
      %mul3A_344 = arith.muli %get3A_229, %mul3A_343 : vector<16xi32>
      %add3A_345 = arith.constant 5 : i32
      %add3A_346 = vector.broadcast %add3A_345 : i32 to vector<16xi32>
      %add3A_347 = arith.addi %mul3A_344, %add3A_346 : vector<16xi32>
      %gather3A_348 = tpu.vector_load_idx %arg14[%broadcast_in_dim3A_341, %add3A_223, %add3A_347] : memref<2x128x128xf32, #tpu.memory_space<vmem>>[vector<16xi32>, vector<16xi32>, vector<16xi32>], vector<16xf32>,
      %broadcast_in_dim3A_349 = arith.constant 1 : i32
      %broadcast_in_dim3A_350 = vector.broadcast %broadcast_in_dim3A_349 : i32 to vector<16xi32>
      %mul3A_351 = arith.constant 32 : i32
      %mul3A_352 = vector.broadcast %mul3A_351 : i32 to vector<16xi32>
      %mul3A_353 = arith.muli %get3A_235, %mul3A_352 : vector<16xi32>
      %add3A_354 = arith.constant 5 : i32
      %add3A_355 = vector.broadcast %add3A_354 : i32 to vector<16xi32>
      %add3A_356 = arith.addi %mul3A_353, %add3A_355 : vector<16xi32>
      %gather3A_357 = tpu.vector_load_idx %arg15[%broadcast_in_dim3A_350, %add3A_223, %add3A_356] : memref<2x128x128xf32, #tpu.memory_space<vmem>>[vector<16xi32>, vector<16xi32>, vector<16xi32>], vector<16xf32>,
      %sub3A_358 = arith.subf %gather3A_348, %gather3A_357 : vector<16xf32>
      %mul3A_359 = arith.mulf %sub3A_358, %sub3A_358 : vector<16xf32>
      %add3A_360 = arith.addf %add3A_339, %mul3A_359 : vector<16xf32>
      %broadcast_in_dim3A_361 = arith.constant 1 : i32
      %broadcast_in_dim3A_362 = vector.broadcast %broadcast_in_dim3A_361 : i32 to vector<16xi32>
      %mul3A_363 = arith.constant 32 : i32
      %mul3A_364 = vector.broadcast %mul3A_363 : i32 to vector<16xi32>
      %mul3A_365 = arith.muli %get3A_229, %mul3A_364 : vector<16xi32>
      %add3A_366 = arith.constant 6 : i32
      %add3A_367 = vector.broadcast %add3A_366 : i32 to vector<16xi32>
      %add3A_368 = arith.addi %mul3A_365, %add3A_367 : vector<16xi32>
      %gather3A_369 = tpu.vector_load_idx %arg14[%broadcast_in_dim3A_362, %add3A_223, %add3A_368] : memref<2x128x128xf32, #tpu.memory_space<vmem>>[vector<16xi32>, vector<16xi32>, vector<16xi32>], vector<16xf32>,
      %broadcast_in_dim3A_370 = arith.constant 1 : i32
      %broadcast_in_dim3A_371 = vector.broadcast %broadcast_in_dim3A_370 : i32 to vector<16xi32>
      %mul3A_372 = arith.constant 32 : i32
      %mul3A_373 = vector.broadcast %mul3A_372 : i32 to vector<16xi32>
      %mul3A_374 = arith.muli %get3A_235, %mul3A_373 : vector<16xi32>
      %add3A_375 = arith.constant 6 : i32
      %add3A_376 = vector.broadcast %add3A_375 : i32 to vector<16xi32>
      %add3A_377 = arith.addi %mul3A_374, %add3A_376 : vector<16xi32>
      %gather3A_378 = tpu.vector_load_idx %arg15[%broadcast_in_dim3A_371, %add3A_223, %add3A_377] : memref<2x128x128xf32, #tpu.memory_space<vmem>>[vector<16xi32>, vector<16xi32>, vector<16xi32>], vector<16xf32>,
      %sub3A_379 = arith.subf %gather3A_369, %gather3A_378 : vector<16xf32>
      %mul3A_380 = arith.mulf %sub3A_379, %sub3A_379 : vector<16xf32>
      %add3A_381 = arith.addf %add3A_360, %mul3A_380 : vector<16xf32>
      %broadcast_in_dim3A_382 = arith.constant 1 : i32
      %broadcast_in_dim3A_383 = vector.broadcast %broadcast_in_dim3A_382 : i32 to vector<16xi32>
      %mul3A_384 = arith.constant 32 : i32
      %mul3A_385 = vector.broadcast %mul3A_384 : i32 to vector<16xi32>
      %mul3A_386 = arith.muli %get3A_229, %mul3A_385 : vector<16xi32>
      %add3A_387 = arith.constant 7 : i32
      %add3A_388 = vector.broadcast %add3A_387 : i32 to vector<16xi32>
      %add3A_389 = arith.addi %mul3A_386, %add3A_388 : vector<16xi32>
      %gather3A_390 = tpu.vector_load_idx %arg14[%broadcast_in_dim3A_383, %add3A_223, %add3A_389] : memref<2x128x128xf32, #tpu.memory_space<vmem>>[vector<16xi32>, vector<16xi32>, vector<16xi32>], vector<16xf32>,
      %broadcast_in_dim3A_391 = arith.constant 1 : i32
      %broadcast_in_dim3A_392 = vector.broadcast %broadcast_in_dim3A_391 : i32 to vector<16xi32>
      %mul3A_393 = arith.constant 32 : i32
      %mul3A_394 = vector.broadcast %mul3A_393 : i32 to vector<16xi32>
      %mul3A_395 = arith.muli %get3A_235, %mul3A_394 : vector<16xi32>
      %add3A_396 = arith.constant 7 : i32
      %add3A_397 = vector.broadcast %add3A_396 : i32 to vector<16xi32>
      %add3A_398 = arith.addi %mul3A_395, %add3A_397 : vector<16xi32>
      %gather3A_399 = tpu.vector_load_idx %arg15[%broadcast_in_dim3A_392, %add3A_223, %add3A_398] : memref<2x128x128xf32, #tpu.memory_space<vmem>>[vector<16xi32>, vector<16xi32>, vector<16xi32>], vector<16xf32>,
      %sub3A_400 = arith.subf %gather3A_390, %gather3A_399 : vector<16xf32>
      %mul3A_401 = arith.mulf %sub3A_400, %sub3A_400 : vector<16xf32>
      %add3A_402 = arith.addf %add3A_381, %mul3A_401 : vector<16xf32>
      %broadcast_in_dim3A_403 = arith.constant 1 : i32
      %broadcast_in_dim3A_404 = vector.broadcast %broadcast_in_dim3A_403 : i32 to vector<16xi32>
      %mul3A_405 = arith.constant 32 : i32
      %mul3A_406 = vector.broadcast %mul3A_405 : i32 to vector<16xi32>
      %mul3A_407 = arith.muli %get3A_229, %mul3A_406 : vector<16xi32>
      %add3A_408 = arith.constant 8 : i32
      %add3A_409 = vector.broadcast %add3A_408 : i32 to vector<16xi32>
      %add3A_410 = arith.addi %mul3A_407, %add3A_409 : vector<16xi32>
      %gather3A_411 = tpu.vector_load_idx %arg14[%broadcast_in_dim3A_404, %add3A_223, %add3A_410] : memref<2x128x128xf32, #tpu.memory_space<vmem>>[vector<16xi32>, vector<16xi32>, vector<16xi32>], vector<16xf32>,
      %broadcast_in_dim3A_412 = arith.constant 1 : i32
      %broadcast_in_dim3A_413 = vector.broadcast %broadcast_in_dim3A_412 : i32 to vector<16xi32>
      %mul3A_414 = arith.constant 32 : i32
      %mul3A_415 = vector.broadcast %mul3A_414 : i32 to vector<16xi32>
      %mul3A_416 = arith.muli %get3A_235, %mul3A_415 : vector<16xi32>
      %add3A_417 = arith.constant 8 : i32
      %add3A_418 = vector.broadcast %add3A_417 : i32 to vector<16xi32>
      %add3A_419 = arith.addi %mul3A_416, %add3A_418 : vector<16xi32>
      %gather3A_420 = tpu.vector_load_idx %arg15[%broadcast_in_dim3A_413, %add3A_223, %add3A_419] : memref<2x128x128xf32, #tpu.memory_space<vmem>>[vector<16xi32>, vector<16xi32>, vector<16xi32>], vector<16xf32>,
      %sub3A_421 = arith.subf %gather3A_411, %gather3A_420 : vector<16xf32>
      %mul3A_422 = arith.mulf %sub3A_421, %sub3A_421 : vector<16xf32>
      %add3A_423 = arith.addf %add3A_402, %mul3A_422 : vector<16xf32>
      %broadcast_in_dim3A_424 = arith.constant 1 : i32
      %broadcast_in_dim3A_425 = vector.broadcast %broadcast_in_dim3A_424 : i32 to vector<16xi32>
      %mul3A_426 = arith.constant 32 : i32
      %mul3A_427 = vector.broadcast %mul3A_426 : i32 to vector<16xi32>
      %mul3A_428 = arith.muli %get3A_229, %mul3A_427 : vector<16xi32>
      %add3A_429 = arith.constant 9 : i32
      %add3A_430 = vector.broadcast %add3A_429 : i32 to vector<16xi32>
      %add3A_431 = arith.addi %mul3A_428, %add3A_430 : vector<16xi32>
      %gather3A_432 = tpu.vector_load_idx %arg14[%broadcast_in_dim3A_425, %add3A_223, %add3A_431] : memref<2x128x128xf32, #tpu.memory_space<vmem>>[vector<16xi32>, vector<16xi32>, vector<16xi32>], vector<16xf32>,
      %broadcast_in_dim3A_433 = arith.constant 1 : i32
      %broadcast_in_dim3A_434 = vector.broadcast %broadcast_in_dim3A_433 : i32 to vector<16xi32>
      %mul3A_435 = arith.constant 32 : i32
      %mul3A_436 = vector.broadcast %mul3A_435 : i32 to vector<16xi32>
      %mul3A_437 = arith.muli %get3A_235, %mul3A_436 : vector<16xi32>
      %add3A_438 = arith.constant 9 : i32
      %add3A_439 = vector.broadcast %add3A_438 : i32 to vector<16xi32>
      %add3A_440 = arith.addi %mul3A_437, %add3A_439 : vector<16xi32>
      %gather3A_441 = tpu.vector_load_idx %arg15[%broadcast_in_dim3A_434, %add3A_223, %add3A_440] : memref<2x128x128xf32, #tpu.memory_space<vmem>>[vector<16xi32>, vector<16xi32>, vector<16xi32>], vector<16xf32>,
      %sub3A_442 = arith.subf %gather3A_432, %gather3A_441 : vector<16xf32>
      %mul3A_443 = arith.mulf %sub3A_442, %sub3A_442 : vector<16xf32>
      %add3A_444 = arith.addf %add3A_423, %mul3A_443 : vector<16xf32>
      %broadcast_in_dim3A_445 = arith.constant 1 : i32
      %broadcast_in_dim3A_446 = vector.broadcast %broadcast_in_dim3A_445 : i32 to vector<16xi32>
      %mul3A_447 = arith.constant 32 : i32
      %mul3A_448 = vector.broadcast %mul3A_447 : i32 to vector<16xi32>
      %mul3A_449 = arith.muli %get3A_229, %mul3A_448 : vector<16xi32>
      %add3A_450 = arith.constant 10 : i32
      %add3A_451 = vector.broadcast %add3A_450 : i32 to vector<16xi32>
      %add3A_452 = arith.addi %mul3A_449, %add3A_451 : vector<16xi32>
      %gather3A_453 = tpu.vector_load_idx %arg14[%broadcast_in_dim3A_446, %add3A_223, %add3A_452] : memref<2x128x128xf32, #tpu.memory_space<vmem>>[vector<16xi32>, vector<16xi32>, vector<16xi32>], vector<16xf32>,
      %broadcast_in_dim3A_454 = arith.constant 1 : i32
      %broadcast_in_dim3A_455 = vector.broadcast %broadcast_in_dim3A_454 : i32 to vector<16xi32>
      %mul3A_456 = arith.constant 32 : i32
      %mul3A_457 = vector.broadcast %mul3A_456 : i32 to vector<16xi32>
      %mul3A_458 = arith.muli %get3A_235, %mul3A_457 : vector<16xi32>
      %add3A_459 = arith.constant 10 : i32
      %add3A_460 = vector.broadcast %add3A_459 : i32 to vector<16xi32>
      %add3A_461 = arith.addi %mul3A_458, %add3A_460 : vector<16xi32>
      %gather3A_462 = tpu.vector_load_idx %arg15[%broadcast_in_dim3A_455, %add3A_223, %add3A_461] : memref<2x128x128xf32, #tpu.memory_space<vmem>>[vector<16xi32>, vector<16xi32>, vector<16xi32>], vector<16xf32>,
      %sub3A_463 = arith.subf %gather3A_453, %gather3A_462 : vector<16xf32>
      %mul3A_464 = arith.mulf %sub3A_463, %sub3A_463 : vector<16xf32>
      %add3A_465 = arith.addf %add3A_444, %mul3A_464 : vector<16xf32>
      %broadcast_in_dim3A_466 = arith.constant 1 : i32
      %broadcast_in_dim3A_467 = vector.broadcast %broadcast_in_dim3A_466 : i32 to vector<16xi32>
      %mul3A_468 = arith.constant 32 : i32
      %mul3A_469 = vector.broadcast %mul3A_468 : i32 to vector<16xi32>
      %mul3A_470 = arith.muli %get3A_229, %mul3A_469 : vector<16xi32>
      %add3A_471 = arith.constant 11 : i32
      %add3A_472 = vector.broadcast %add3A_471 : i32 to vector<16xi32>
      %add3A_473 = arith.addi %mul3A_470, %add3A_472 : vector<16xi32>
      %gather3A_474 = tpu.vector_load_idx %arg14[%broadcast_in_dim3A_467, %add3A_223, %add3A_473] : memref<2x128x128xf32, #tpu.memory_space<vmem>>[vector<16xi32>, vector<16xi32>, vector<16xi32>], vector<16xf32>,
      %broadcast_in_dim3A_475 = arith.constant 1 : i32
      %broadcast_in_dim3A_476 = vector.broadcast %broadcast_in_dim3A_475 : i32 to vector<16xi32>
      %mul3A_477 = arith.constant 32 : i32
      %mul3A_478 = vector.broadcast %mul3A_477 : i32 to vector<16xi32>
      %mul3A_479 = arith.muli %get3A_235, %mul3A_478 : vector<16xi32>
      %add3A_480 = arith.constant 11 : i32
      %add3A_481 = vector.broadcast %add3A_480 : i32 to vector<16xi32>
      %add3A_482 = arith.addi %mul3A_479, %add3A_481 : vector<16xi32>
      %gather3A_483 = tpu.vector_load_idx %arg15[%broadcast_in_dim3A_476, %add3A_223, %add3A_482] : memref<2x128x128xf32, #tpu.memory_space<vmem>>[vector<16xi32>, vector<16xi32>, vector<16xi32>], vector<16xf32>,
      %sub3A_484 = arith.subf %gather3A_474, %gather3A_483 : vector<16xf32>
      %mul3A_485 = arith.mulf %sub3A_484, %sub3A_484 : vector<16xf32>
      %add3A_486 = arith.addf %add3A_465, %mul3A_485 : vector<16xf32>
      %broadcast_in_dim3A_487 = arith.constant 1 : i32
      %broadcast_in_dim3A_488 = vector.broadcast %broadcast_in_dim3A_487 : i32 to vector<16xi32>
      %mul3A_489 = arith.constant 32 : i32
      %mul3A_490 = vector.broadcast %mul3A_489 : i32 to vector<16xi32>
      %mul3A_491 = arith.muli %get3A_229, %mul3A_490 : vector<16xi32>
      %add3A_492 = arith.constant 12 : i32
      %add3A_493 = vector.broadcast %add3A_492 : i32 to vector<16xi32>
      %add3A_494 = arith.addi %mul3A_491, %add3A_493 : vector<16xi32>
      %gather3A_495 = tpu.vector_load_idx %arg14[%broadcast_in_dim3A_488, %add3A_223, %add3A_494] : memref<2x128x128xf32, #tpu.memory_space<vmem>>[vector<16xi32>, vector<16xi32>, vector<16xi32>], vector<16xf32>,
      %broadcast_in_dim3A_496 = arith.constant 1 : i32
      %broadcast_in_dim3A_497 = vector.broadcast %broadcast_in_dim3A_496 : i32 to vector<16xi32>
      %mul3A_498 = arith.constant 32 : i32
      %mul3A_499 = vector.broadcast %mul3A_498 : i32 to vector<16xi32>
      %mul3A_500 = arith.muli %get3A_235, %mul3A_499 : vector<16xi32>
      %add3A_501 = arith.constant 12 : i32
      %add3A_502 = vector.broadcast %add3A_501 : i32 to vector<16xi32>
      %add3A_503 = arith.addi %mul3A_500, %add3A_502 : vector<16xi32>
      %gather3A_504 = tpu.vector_load_idx %arg15[%broadcast_in_dim3A_497, %add3A_223, %add3A_503] : memref<2x128x128xf32, #tpu.memory_space<vmem>>[vector<16xi32>, vector<16xi32>, vector<16xi32>], vector<16xf32>,
      %sub3A_505 = arith.subf %gather3A_495, %gather3A_504 : vector<16xf32>
      %mul3A_506 = arith.mulf %sub3A_505, %sub3A_505 : vector<16xf32>
      %add3A_507 = arith.addf %add3A_486, %mul3A_506 : vector<16xf32>
      %broadcast_in_dim3A_508 = arith.constant 1 : i32
      %broadcast_in_dim3A_509 = vector.broadcast %broadcast_in_dim3A_508 : i32 to vector<16xi32>
      %mul3A_510 = arith.constant 32 : i32
      %mul3A_511 = vector.broadcast %mul3A_510 : i32 to vector<16xi32>
      %mul3A_512 = arith.muli %get3A_229, %mul3A_511 : vector<16xi32>
      %add3A_513 = arith.constant 13 : i32
      %add3A_514 = vector.broadcast %add3A_513 : i32 to vector<16xi32>
      %add3A_515 = arith.addi %mul3A_512, %add3A_514 : vector<16xi32>
      %gather3A_516 = tpu.vector_load_idx %arg14[%broadcast_in_dim3A_509, %add3A_223, %add3A_515] : memref<2x128x128xf32, #tpu.memory_space<vmem>>[vector<16xi32>, vector<16xi32>, vector<16xi32>], vector<16xf32>,
      %broadcast_in_dim3A_517 = arith.constant 1 : i32
      %broadcast_in_dim3A_518 = vector.broadcast %broadcast_in_dim3A_517 : i32 to vector<16xi32>
      %mul3A_519 = arith.constant 32 : i32
      %mul3A_520 = vector.broadcast %mul3A_519 : i32 to vector<16xi32>
      %mul3A_521 = arith.muli %get3A_235, %mul3A_520 : vector<16xi32>
      %add3A_522 = arith.constant 13 : i32
      %add3A_523 = vector.broadcast %add3A_522 : i32 to vector<16xi32>
      %add3A_524 = arith.addi %mul3A_521, %add3A_523 : vector<16xi32>
      %gather3A_525 = tpu.vector_load_idx %arg15[%broadcast_in_dim3A_518, %add3A_223, %add3A_524] : memref<2x128x128xf32, #tpu.memory_space<vmem>>[vector<16xi32>, vector<16xi32>, vector<16xi32>], vector<16xf32>,
      %sub3A_526 = arith.subf %gather3A_516, %gather3A_525 : vector<16xf32>
      %mul3A_527 = arith.mulf %sub3A_526, %sub3A_526 : vector<16xf32>
      %add3A_528 = arith.addf %add3A_507, %mul3A_527 : vector<16xf32>
      %broadcast_in_dim3A_529 = arith.constant 1 : i32
      %broadcast_in_dim3A_530 = vector.broadcast %broadcast_in_dim3A_529 : i32 to vector<16xi32>
      %mul3A_531 = arith.constant 32 : i32
      %mul3A_532 = vector.broadcast %mul3A_531 : i32 to vector<16xi32>
      %mul3A_533 = arith.muli %get3A_229, %mul3A_532 : vector<16xi32>
      %add3A_534 = arith.constant 14 : i32
      %add3A_535 = vector.broadcast %add3A_534 : i32 to vector<16xi32>
      %add3A_536 = arith.addi %mul3A_533, %add3A_535 : vector<16xi32>
      %gather3A_537 = tpu.vector_load_idx %arg14[%broadcast_in_dim3A_530, %add3A_223, %add3A_536] : memref<2x128x128xf32, #tpu.memory_space<vmem>>[vector<16xi32>, vector<16xi32>, vector<16xi32>], vector<16xf32>,
      %broadcast_in_dim3A_538 = arith.constant 1 : i32
      %broadcast_in_dim3A_539 = vector.broadcast %broadcast_in_dim3A_538 : i32 to vector<16xi32>
      %mul3A_540 = arith.constant 32 : i32
      %mul3A_541 = vector.broadcast %mul3A_540 : i32 to vector<16xi32>
      %mul3A_542 = arith.muli %get3A_235, %mul3A_541 : vector<16xi32>
      %add3A_543 = arith.constant 14 : i32
      %add3A_544 = vector.broadcast %add3A_543 : i32 to vector<16xi32>
      %add3A_545 = arith.addi %mul3A_542, %add3A_544 : vector<16xi32>
      %gather3A_546 = tpu.vector_load_idx %arg15[%broadcast_in_dim3A_539, %add3A_223, %add3A_545] : memref<2x128x128xf32, #tpu.memory_space<vmem>>[vector<16xi32>, vector<16xi32>, vector<16xi32>], vector<16xf32>,
      %sub3A_547 = arith.subf %gather3A_537, %gather3A_546 : vector<16xf32>
      %mul3A_548 = arith.mulf %sub3A_547, %sub3A_547 : vector<16xf32>
      %add3A_549 = arith.addf %add3A_528, %mul3A_548 : vector<16xf32>
      %broadcast_in_dim3A_550 = arith.constant 1 : i32
      %broadcast_in_dim3A_551 = vector.broadcast %broadcast_in_dim3A_550 : i32 to vector<16xi32>
      %mul3A_552 = arith.constant 32 : i32
      %mul3A_553 = vector.broadcast %mul3A_552 : i32 to vector<16xi32>
      %mul3A_554 = arith.muli %get3A_229, %mul3A_553 : vector<16xi32>
      %add3A_555 = arith.constant 15 : i32
      %add3A_556 = vector.broadcast %add3A_555 : i32 to vector<16xi32>
      %add3A_557 = arith.addi %mul3A_554, %add3A_556 : vector<16xi32>
      %gather3A_558 = tpu.vector_load_idx %arg14[%broadcast_in_dim3A_551, %add3A_223, %add3A_557] : memref<2x128x128xf32, #tpu.memory_space<vmem>>[vector<16xi32>, vector<16xi32>, vector<16xi32>], vector<16xf32>,
      %broadcast_in_dim3A_559 = arith.constant 1 : i32
      %broadcast_in_dim3A_560 = vector.broadcast %broadcast_in_dim3A_559 : i32 to vector<16xi32>
      %mul3A_561 = arith.constant 32 : i32
      %mul3A_562 = vector.broadcast %mul3A_561 : i32 to vector<16xi32>
      %mul3A_563 = arith.muli %get3A_235, %mul3A_562 : vector<16xi32>
      %add3A_564 = arith.constant 15 : i32
      %add3A_565 = vector.broadcast %add3A_564 : i32 to vector<16xi32>
      %add3A_566 = arith.addi %mul3A_563, %add3A_565 : vector<16xi32>
      %gather3A_567 = tpu.vector_load_idx %arg15[%broadcast_in_dim3A_560, %add3A_223, %add3A_566] : memref<2x128x128xf32, #tpu.memory_space<vmem>>[vector<16xi32>, vector<16xi32>, vector<16xi32>], vector<16xf32>,
      %sub3A_568 = arith.subf %gather3A_558, %gather3A_567 : vector<16xf32>
      %mul3A_569 = arith.mulf %sub3A_568, %sub3A_568 : vector<16xf32>
      %add3A_570 = arith.addf %add3A_549, %mul3A_569 : vector<16xf32>
      %broadcast_in_dim3A_571 = arith.constant 1 : i32
      %broadcast_in_dim3A_572 = vector.broadcast %broadcast_in_dim3A_571 : i32 to vector<16xi32>
      %mul3A_573 = arith.constant 32 : i32
      %mul3A_574 = vector.broadcast %mul3A_573 : i32 to vector<16xi32>
      %mul3A_575 = arith.muli %get3A_229, %mul3A_574 : vector<16xi32>
      %add3A_576 = arith.constant 16 : i32
      %add3A_577 = vector.broadcast %add3A_576 : i32 to vector<16xi32>
      %add3A_578 = arith.addi %mul3A_575, %add3A_577 : vector<16xi32>
      %gather3A_579 = tpu.vector_load_idx %arg14[%broadcast_in_dim3A_572, %add3A_223, %add3A_578] : memref<2x128x128xf32, #tpu.memory_space<vmem>>[vector<16xi32>, vector<16xi32>, vector<16xi32>], vector<16xf32>,
      %broadcast_in_dim3A_580 = arith.constant 1 : i32
      %broadcast_in_dim3A_581 = vector.broadcast %broadcast_in_dim3A_580 : i32 to vector<16xi32>
      %mul3A_582 = arith.constant 32 : i32
      %mul3A_583 = vector.broadcast %mul3A_582 : i32 to vector<16xi32>
      %mul3A_584 = arith.muli %get3A_235, %mul3A_583 : vector<16xi32>
      %add3A_585 = arith.constant 16 : i32
      %add3A_586 = vector.broadcast %add3A_585 : i32 to vector<16xi32>
      %add3A_587 = arith.addi %mul3A_584, %add3A_586 : vector<16xi32>
      %gather3A_588 = tpu.vector_load_idx %arg15[%broadcast_in_dim3A_581, %add3A_223, %add3A_587] : memref<2x128x128xf32, #tpu.memory_space<vmem>>[vector<16xi32>, vector<16xi32>, vector<16xi32>], vector<16xf32>,
      %sub3A_589 = arith.subf %gather3A_579, %gather3A_588 : vector<16xf32>
      %mul3A_590 = arith.mulf %sub3A_589, %sub3A_589 : vector<16xf32>
      %add3A_591 = arith.addf %add3A_570, %mul3A_590 : vector<16xf32>
      %broadcast_in_dim3A_592 = arith.constant 1 : i32
      %broadcast_in_dim3A_593 = vector.broadcast %broadcast_in_dim3A_592 : i32 to vector<16xi32>
      %mul3A_594 = arith.constant 32 : i32
      %mul3A_595 = vector.broadcast %mul3A_594 : i32 to vector<16xi32>
      %mul3A_596 = arith.muli %get3A_229, %mul3A_595 : vector<16xi32>
      %add3A_597 = arith.constant 17 : i32
      %add3A_598 = vector.broadcast %add3A_597 : i32 to vector<16xi32>
      %add3A_599 = arith.addi %mul3A_596, %add3A_598 : vector<16xi32>
      %gather3A_600 = tpu.vector_load_idx %arg14[%broadcast_in_dim3A_593, %add3A_223, %add3A_599] : memref<2x128x128xf32, #tpu.memory_space<vmem>>[vector<16xi32>, vector<16xi32>, vector<16xi32>], vector<16xf32>,
      %broadcast_in_dim3A_601 = arith.constant 1 : i32
      %broadcast_in_dim3A_602 = vector.broadcast %broadcast_in_dim3A_601 : i32 to vector<16xi32>
      %mul3A_603 = arith.constant 32 : i32
      %mul3A_604 = vector.broadcast %mul3A_603 : i32 to vector<16xi32>
      %mul3A_605 = arith.muli %get3A_235, %mul3A_604 : vector<16xi32>
      %add3A_606 = arith.constant 17 : i32
      %add3A_607 = vector.broadcast %add3A_606 : i32 to vector<16xi32>
      %add3A_608 = arith.addi %mul3A_605, %add3A_607 : vector<16xi32>
      %gather3A_609 = tpu.vector_load_idx %arg15[%broadcast_in_dim3A_602, %add3A_223, %add3A_608] : memref<2x128x128xf32, #tpu.memory_space<vmem>>[vector<16xi32>, vector<16xi32>, vector<16xi32>], vector<16xf32>,
      %sub3A_610 = arith.subf %gather3A_600, %gather3A_609 : vector<16xf32>
      %mul3A_611 = arith.mulf %sub3A_610, %sub3A_610 : vector<16xf32>
      %add3A_612 = arith.addf %add3A_591, %mul3A_611 : vector<16xf32>
      %broadcast_in_dim3A_613 = arith.constant 1 : i32
      %broadcast_in_dim3A_614 = vector.broadcast %broadcast_in_dim3A_613 : i32 to vector<16xi32>
      %mul3A_615 = arith.constant 32 : i32
      %mul3A_616 = vector.broadcast %mul3A_615 : i32 to vector<16xi32>
      %mul3A_617 = arith.muli %get3A_229, %mul3A_616 : vector<16xi32>
      %add3A_618 = arith.constant 18 : i32
      %add3A_619 = vector.broadcast %add3A_618 : i32 to vector<16xi32>
      %add3A_620 = arith.addi %mul3A_617, %add3A_619 : vector<16xi32>
      %gather3A_621 = tpu.vector_load_idx %arg14[%broadcast_in_dim3A_614, %add3A_223, %add3A_620] : memref<2x128x128xf32, #tpu.memory_space<vmem>>[vector<16xi32>, vector<16xi32>, vector<16xi32>], vector<16xf32>,
      %broadcast_in_dim3A_622 = arith.constant 1 : i32
      %broadcast_in_dim3A_623 = vector.broadcast %broadcast_in_dim3A_622 : i32 to vector<16xi32>
      %mul3A_624 = arith.constant 32 : i32
      %mul3A_625 = vector.broadcast %mul3A_624 : i32 to vector<16xi32>
      %mul3A_626 = arith.muli %get3A_235, %mul3A_625 : vector<16xi32>
      %add3A_627 = arith.constant 18 : i32
      %add3A_628 = vector.broadcast %add3A_627 : i32 to vector<16xi32>
      %add3A_629 = arith.addi %mul3A_626, %add3A_628 : vector<16xi32>
      %gather3A_630 = tpu.vector_load_idx %arg15[%broadcast_in_dim3A_623, %add3A_223, %add3A_629] : memref<2x128x128xf32, #tpu.memory_space<vmem>>[vector<16xi32>, vector<16xi32>, vector<16xi32>], vector<16xf32>,
      %sub3A_631 = arith.subf %gather3A_621, %gather3A_630 : vector<16xf32>
      %mul3A_632 = arith.mulf %sub3A_631, %sub3A_631 : vector<16xf32>
      %add3A_633 = arith.addf %add3A_612, %mul3A_632 : vector<16xf32>
      %broadcast_in_dim3A_634 = arith.constant 1 : i32
      %broadcast_in_dim3A_635 = vector.broadcast %broadcast_in_dim3A_634 : i32 to vector<16xi32>
      %mul3A_636 = arith.constant 32 : i32
      %mul3A_637 = vector.broadcast %mul3A_636 : i32 to vector<16xi32>
      %mul3A_638 = arith.muli %get3A_229, %mul3A_637 : vector<16xi32>
      %add3A_639 = arith.constant 19 : i32
      %add3A_640 = vector.broadcast %add3A_639 : i32 to vector<16xi32>
      %add3A_641 = arith.addi %mul3A_638, %add3A_640 : vector<16xi32>
      %gather3A_642 = tpu.vector_load_idx %arg14[%broadcast_in_dim3A_635, %add3A_223, %add3A_641] : memref<2x128x128xf32, #tpu.memory_space<vmem>>[vector<16xi32>, vector<16xi32>, vector<16xi32>], vector<16xf32>,
      %broadcast_in_dim3A_643 = arith.constant 1 : i32
      %broadcast_in_dim3A_644 = vector.broadcast %broadcast_in_dim3A_643 : i32 to vector<16xi32>
      %mul3A_645 = arith.constant 32 : i32
      %mul3A_646 = vector.broadcast %mul3A_645 : i32 to vector<16xi32>
      %mul3A_647 = arith.muli %get3A_235, %mul3A_646 : vector<16xi32>
      %add3A_648 = arith.constant 19 : i32
      %add3A_649 = vector.broadcast %add3A_648 : i32 to vector<16xi32>
      %add3A_650 = arith.addi %mul3A_647, %add3A_649 : vector<16xi32>
      %gather3A_651 = tpu.vector_load_idx %arg15[%broadcast_in_dim3A_644, %add3A_223, %add3A_650] : memref<2x128x128xf32, #tpu.memory_space<vmem>>[vector<16xi32>, vector<16xi32>, vector<16xi32>], vector<16xf32>,
      %sub3A_652 = arith.subf %gather3A_642, %gather3A_651 : vector<16xf32>
      %mul3A_653 = arith.mulf %sub3A_652, %sub3A_652 : vector<16xf32>
      %add3A_654 = arith.addf %add3A_633, %mul3A_653 : vector<16xf32>
      %broadcast_in_dim3A_655 = arith.constant 1 : i32
      %broadcast_in_dim3A_656 = vector.broadcast %broadcast_in_dim3A_655 : i32 to vector<16xi32>
      %mul3A_657 = arith.constant 32 : i32
      %mul3A_658 = vector.broadcast %mul3A_657 : i32 to vector<16xi32>
      %mul3A_659 = arith.muli %get3A_229, %mul3A_658 : vector<16xi32>
      %add3A_660 = arith.constant 20 : i32
      %add3A_661 = vector.broadcast %add3A_660 : i32 to vector<16xi32>
      %add3A_662 = arith.addi %mul3A_659, %add3A_661 : vector<16xi32>
      %gather3A_663 = tpu.vector_load_idx %arg14[%broadcast_in_dim3A_656, %add3A_223, %add3A_662] : memref<2x128x128xf32, #tpu.memory_space<vmem>>[vector<16xi32>, vector<16xi32>, vector<16xi32>], vector<16xf32>,
      %broadcast_in_dim3A_664 = arith.constant 1 : i32
      %broadcast_in_dim3A_665 = vector.broadcast %broadcast_in_dim3A_664 : i32 to vector<16xi32>
      %mul3A_666 = arith.constant 32 : i32
      %mul3A_667 = vector.broadcast %mul3A_666 : i32 to vector<16xi32>
      %mul3A_668 = arith.muli %get3A_235, %mul3A_667 : vector<16xi32>
      %add3A_669 = arith.constant 20 : i32
      %add3A_670 = vector.broadcast %add3A_669 : i32 to vector<16xi32>
      %add3A_671 = arith.addi %mul3A_668, %add3A_670 : vector<16xi32>
      %gather3A_672 = tpu.vector_load_idx %arg15[%broadcast_in_dim3A_665, %add3A_223, %add3A_671] : memref<2x128x128xf32, #tpu.memory_space<vmem>>[vector<16xi32>, vector<16xi32>, vector<16xi32>], vector<16xf32>,
      %sub3A_673 = arith.subf %gather3A_663, %gather3A_672 : vector<16xf32>
      %mul3A_674 = arith.mulf %sub3A_673, %sub3A_673 : vector<16xf32>
      %add3A_675 = arith.addf %add3A_654, %mul3A_674 : vector<16xf32>
      %broadcast_in_dim3A_676 = arith.constant 1 : i32
      %broadcast_in_dim3A_677 = vector.broadcast %broadcast_in_dim3A_676 : i32 to vector<16xi32>
      %mul3A_678 = arith.constant 32 : i32
      %mul3A_679 = vector.broadcast %mul3A_678 : i32 to vector<16xi32>
      %mul3A_680 = arith.muli %get3A_229, %mul3A_679 : vector<16xi32>
      %add3A_681 = arith.constant 21 : i32
      %add3A_682 = vector.broadcast %add3A_681 : i32 to vector<16xi32>
      %add3A_683 = arith.addi %mul3A_680, %add3A_682 : vector<16xi32>
      %gather3A_684 = tpu.vector_load_idx %arg14[%broadcast_in_dim3A_677, %add3A_223, %add3A_683] : memref<2x128x128xf32, #tpu.memory_space<vmem>>[vector<16xi32>, vector<16xi32>, vector<16xi32>], vector<16xf32>,
      %broadcast_in_dim3A_685 = arith.constant 1 : i32
      %broadcast_in_dim3A_686 = vector.broadcast %broadcast_in_dim3A_685 : i32 to vector<16xi32>
      %mul3A_687 = arith.constant 32 : i32
      %mul3A_688 = vector.broadcast %mul3A_687 : i32 to vector<16xi32>
      %mul3A_689 = arith.muli %get3A_235, %mul3A_688 : vector<16xi32>
      %add3A_690 = arith.constant 21 : i32
      %add3A_691 = vector.broadcast %add3A_690 : i32 to vector<16xi32>
      %add3A_692 = arith.addi %mul3A_689, %add3A_691 : vector<16xi32>
      %gather3A_693 = tpu.vector_load_idx %arg15[%broadcast_in_dim3A_686, %add3A_223, %add3A_692] : memref<2x128x128xf32, #tpu.memory_space<vmem>>[vector<16xi32>, vector<16xi32>, vector<16xi32>], vector<16xf32>,
      %sub3A_694 = arith.subf %gather3A_684, %gather3A_693 : vector<16xf32>
      %mul3A_695 = arith.mulf %sub3A_694, %sub3A_694 : vector<16xf32>
      %add3A_696 = arith.addf %add3A_675, %mul3A_695 : vector<16xf32>
      %broadcast_in_dim3A_697 = arith.constant 1 : i32
      %broadcast_in_dim3A_698 = vector.broadcast %broadcast_in_dim3A_697 : i32 to vector<16xi32>
      %mul3A_699 = arith.constant 32 : i32
      %mul3A_700 = vector.broadcast %mul3A_699 : i32 to vector<16xi32>
      %mul3A_701 = arith.muli %get3A_229, %mul3A_700 : vector<16xi32>
      %add3A_702 = arith.constant 22 : i32
      %add3A_703 = vector.broadcast %add3A_702 : i32 to vector<16xi32>
      %add3A_704 = arith.addi %mul3A_701, %add3A_703 : vector<16xi32>
      %gather3A_705 = tpu.vector_load_idx %arg14[%broadcast_in_dim3A_698, %add3A_223, %add3A_704] : memref<2x128x128xf32, #tpu.memory_space<vmem>>[vector<16xi32>, vector<16xi32>, vector<16xi32>], vector<16xf32>,
      %broadcast_in_dim3A_706 = arith.constant 1 : i32
      %broadcast_in_dim3A_707 = vector.broadcast %broadcast_in_dim3A_706 : i32 to vector<16xi32>
      %mul3A_708 = arith.constant 32 : i32
      %mul3A_709 = vector.broadcast %mul3A_708 : i32 to vector<16xi32>
      %mul3A_710 = arith.muli %get3A_235, %mul3A_709 : vector<16xi32>
      %add3A_711 = arith.constant 22 : i32
      %add3A_712 = vector.broadcast %add3A_711 : i32 to vector<16xi32>
      %add3A_713 = arith.addi %mul3A_710, %add3A_712 : vector<16xi32>
      %gather3A_714 = tpu.vector_load_idx %arg15[%broadcast_in_dim3A_707, %add3A_223, %add3A_713] : memref<2x128x128xf32, #tpu.memory_space<vmem>>[vector<16xi32>, vector<16xi32>, vector<16xi32>], vector<16xf32>,
      %sub3A_715 = arith.subf %gather3A_705, %gather3A_714 : vector<16xf32>
      %mul3A_716 = arith.mulf %sub3A_715, %sub3A_715 : vector<16xf32>
      %add3A_717 = arith.addf %add3A_696, %mul3A_716 : vector<16xf32>
      %broadcast_in_dim3A_718 = arith.constant 1 : i32
      %broadcast_in_dim3A_719 = vector.broadcast %broadcast_in_dim3A_718 : i32 to vector<16xi32>
      %mul3A_720 = arith.constant 32 : i32
      %mul3A_721 = vector.broadcast %mul3A_720 : i32 to vector<16xi32>
      %mul3A_722 = arith.muli %get3A_229, %mul3A_721 : vector<16xi32>
      %add3A_723 = arith.constant 23 : i32
      %add3A_724 = vector.broadcast %add3A_723 : i32 to vector<16xi32>
      %add3A_725 = arith.addi %mul3A_722, %add3A_724 : vector<16xi32>
      %gather3A_726 = tpu.vector_load_idx %arg14[%broadcast_in_dim3A_719, %add3A_223, %add3A_725] : memref<2x128x128xf32, #tpu.memory_space<vmem>>[vector<16xi32>, vector<16xi32>, vector<16xi32>], vector<16xf32>,
      %broadcast_in_dim3A_727 = arith.constant 1 : i32
      %broadcast_in_dim3A_728 = vector.broadcast %broadcast_in_dim3A_727 : i32 to vector<16xi32>
      %mul3A_729 = arith.constant 32 : i32
      %mul3A_730 = vector.broadcast %mul3A_729 : i32 to vector<16xi32>
      %mul3A_731 = arith.muli %get3A_235, %mul3A_730 : vector<16xi32>
      %add3A_732 = arith.constant 23 : i32
      %add3A_733 = vector.broadcast %add3A_732 : i32 to vector<16xi32>
      %add3A_734 = arith.addi %mul3A_731, %add3A_733 : vector<16xi32>
      %gather3A_735 = tpu.vector_load_idx %arg15[%broadcast_in_dim3A_728, %add3A_223, %add3A_734] : memref<2x128x128xf32, #tpu.memory_space<vmem>>[vector<16xi32>, vector<16xi32>, vector<16xi32>], vector<16xf32>,
      %sub3A_736 = arith.subf %gather3A_726, %gather3A_735 : vector<16xf32>
      %mul3A_737 = arith.mulf %sub3A_736, %sub3A_736 : vector<16xf32>
      %add3A_738 = arith.addf %add3A_717, %mul3A_737 : vector<16xf32>
      %broadcast_in_dim3A_739 = arith.constant 1 : i32
      %broadcast_in_dim3A_740 = vector.broadcast %broadcast_in_dim3A_739 : i32 to vector<16xi32>
      %mul3A_741 = arith.constant 32 : i32
      %mul3A_742 = vector.broadcast %mul3A_741 : i32 to vector<16xi32>
      %mul3A_743 = arith.muli %get3A_229, %mul3A_742 : vector<16xi32>
      %add3A_744 = arith.constant 24 : i32
      %add3A_745 = vector.broadcast %add3A_744 : i32 to vector<16xi32>
      %add3A_746 = arith.addi %mul3A_743, %add3A_745 : vector<16xi32>
      %gather3A_747 = tpu.vector_load_idx %arg14[%broadcast_in_dim3A_740, %add3A_223, %add3A_746] : memref<2x128x128xf32, #tpu.memory_space<vmem>>[vector<16xi32>, vector<16xi32>, vector<16xi32>], vector<16xf32>,
      %broadcast_in_dim3A_748 = arith.constant 1 : i32
      %broadcast_in_dim3A_749 = vector.broadcast %broadcast_in_dim3A_748 : i32 to vector<16xi32>
      %mul3A_750 = arith.constant 32 : i32
      %mul3A_751 = vector.broadcast %mul3A_750 : i32 to vector<16xi32>
      %mul3A_752 = arith.muli %get3A_235, %mul3A_751 : vector<16xi32>
      %add3A_753 = arith.constant 24 : i32
      %add3A_754 = vector.broadcast %add3A_753 : i32 to vector<16xi32>
      %add3A_755 = arith.addi %mul3A_752, %add3A_754 : vector<16xi32>
      %gather3A_756 = tpu.vector_load_idx %arg15[%broadcast_in_dim3A_749, %add3A_223, %add3A_755] : memref<2x128x128xf32, #tpu.memory_space<vmem>>[vector<16xi32>, vector<16xi32>, vector<16xi32>], vector<16xf32>,
      %sub3A_757 = arith.subf %gather3A_747, %gather3A_756 : vector<16xf32>
      %mul3A_758 = arith.mulf %sub3A_757, %sub3A_757 : vector<16xf32>
      %add3A_759 = arith.addf %add3A_738, %mul3A_758 : vector<16xf32>
      %broadcast_in_dim3A_760 = arith.constant 1 : i32
      %broadcast_in_dim3A_761 = vector.broadcast %broadcast_in_dim3A_760 : i32 to vector<16xi32>
      %mul3A_762 = arith.constant 32 : i32
      %mul3A_763 = vector.broadcast %mul3A_762 : i32 to vector<16xi32>
      %mul3A_764 = arith.muli %get3A_229, %mul3A_763 : vector<16xi32>
      %add3A_765 = arith.constant 25 : i32
      %add3A_766 = vector.broadcast %add3A_765 : i32 to vector<16xi32>
      %add3A_767 = arith.addi %mul3A_764, %add3A_766 : vector<16xi32>
      %gather3A_768 = tpu.vector_load_idx %arg14[%broadcast_in_dim3A_761, %add3A_223, %add3A_767] : memref<2x128x128xf32, #tpu.memory_space<vmem>>[vector<16xi32>, vector<16xi32>, vector<16xi32>], vector<16xf32>,
      %broadcast_in_dim3A_769 = arith.constant 1 : i32
      %broadcast_in_dim3A_770 = vector.broadcast %broadcast_in_dim3A_769 : i32 to vector<16xi32>
      %mul3A_771 = arith.constant 32 : i32
      %mul3A_772 = vector.broadcast %mul3A_771 : i32 to vector<16xi32>
      %mul3A_773 = arith.muli %get3A_235, %mul3A_772 : vector<16xi32>
      %add3A_774 = arith.constant 25 : i32
      %add3A_775 = vector.broadcast %add3A_774 : i32 to vector<16xi32>
      %add3A_776 = arith.addi %mul3A_773, %add3A_775 : vector<16xi32>
      %gather3A_777 = tpu.vector_load_idx %arg15[%broadcast_in_dim3A_770, %add3A_223, %add3A_776] : memref<2x128x128xf32, #tpu.memory_space<vmem>>[vector<16xi32>, vector<16xi32>, vector<16xi32>], vector<16xf32>,
      %sub3A_778 = arith.subf %gather3A_768, %gather3A_777 : vector<16xf32>
      %mul3A_779 = arith.mulf %sub3A_778, %sub3A_778 : vector<16xf32>
      %add3A_780 = arith.addf %add3A_759, %mul3A_779 : vector<16xf32>
      %broadcast_in_dim3A_781 = arith.constant 1 : i32
      %broadcast_in_dim3A_782 = vector.broadcast %broadcast_in_dim3A_781 : i32 to vector<16xi32>
      %mul3A_783 = arith.constant 32 : i32
      %mul3A_784 = vector.broadcast %mul3A_783 : i32 to vector<16xi32>
      %mul3A_785 = arith.muli %get3A_229, %mul3A_784 : vector<16xi32>
      %add3A_786 = arith.constant 26 : i32
      %add3A_787 = vector.broadcast %add3A_786 : i32 to vector<16xi32>
      %add3A_788 = arith.addi %mul3A_785, %add3A_787 : vector<16xi32>
      %gather3A_789 = tpu.vector_load_idx %arg14[%broadcast_in_dim3A_782, %add3A_223, %add3A_788] : memref<2x128x128xf32, #tpu.memory_space<vmem>>[vector<16xi32>, vector<16xi32>, vector<16xi32>], vector<16xf32>,
      %broadcast_in_dim3A_790 = arith.constant 1 : i32
      %broadcast_in_dim3A_791 = vector.broadcast %broadcast_in_dim3A_790 : i32 to vector<16xi32>
      %mul3A_792 = arith.constant 32 : i32
      %mul3A_793 = vector.broadcast %mul3A_792 : i32 to vector<16xi32>
      %mul3A_794 = arith.muli %get3A_235, %mul3A_793 : vector<16xi32>
      %add3A_795 = arith.constant 26 : i32
      %add3A_796 = vector.broadcast %add3A_795 : i32 to vector<16xi32>
      %add3A_797 = arith.addi %mul3A_794, %add3A_796 : vector<16xi32>
      %gather3A_798 = tpu.vector_load_idx %arg15[%broadcast_in_dim3A_791, %add3A_223, %add3A_797] : memref<2x128x128xf32, #tpu.memory_space<vmem>>[vector<16xi32>, vector<16xi32>, vector<16xi32>], vector<16xf32>,
      %sub3A_799 = arith.subf %gather3A_789, %gather3A_798 : vector<16xf32>
      %mul3A_800 = arith.mulf %sub3A_799, %sub3A_799 : vector<16xf32>
      %add3A_801 = arith.addf %add3A_780, %mul3A_800 : vector<16xf32>
      %broadcast_in_dim3A_802 = arith.constant 1 : i32
      %broadcast_in_dim3A_803 = vector.broadcast %broadcast_in_dim3A_802 : i32 to vector<16xi32>
      %mul3A_804 = arith.constant 32 : i32
      %mul3A_805 = vector.broadcast %mul3A_804 : i32 to vector<16xi32>
      %mul3A_806 = arith.muli %get3A_229, %mul3A_805 : vector<16xi32>
      %add3A_807 = arith.constant 27 : i32
      %add3A_808 = vector.broadcast %add3A_807 : i32 to vector<16xi32>
      %add3A_809 = arith.addi %mul3A_806, %add3A_808 : vector<16xi32>
      %gather3A_810 = tpu.vector_load_idx %arg14[%broadcast_in_dim3A_803, %add3A_223, %add3A_809] : memref<2x128x128xf32, #tpu.memory_space<vmem>>[vector<16xi32>, vector<16xi32>, vector<16xi32>], vector<16xf32>,
      %broadcast_in_dim3A_811 = arith.constant 1 : i32
      %broadcast_in_dim3A_812 = vector.broadcast %broadcast_in_dim3A_811 : i32 to vector<16xi32>
      %mul3A_813 = arith.constant 32 : i32
      %mul3A_814 = vector.broadcast %mul3A_813 : i32 to vector<16xi32>
      %mul3A_815 = arith.muli %get3A_235, %mul3A_814 : vector<16xi32>
      %add3A_816 = arith.constant 27 : i32
      %add3A_817 = vector.broadcast %add3A_816 : i32 to vector<16xi32>
      %add3A_818 = arith.addi %mul3A_815, %add3A_817 : vector<16xi32>
      %gather3A_819 = tpu.vector_load_idx %arg15[%broadcast_in_dim3A_812, %add3A_223, %add3A_818] : memref<2x128x128xf32, #tpu.memory_space<vmem>>[vector<16xi32>, vector<16xi32>, vector<16xi32>], vector<16xf32>,
      %sub3A_820 = arith.subf %gather3A_810, %gather3A_819 : vector<16xf32>
      %mul3A_821 = arith.mulf %sub3A_820, %sub3A_820 : vector<16xf32>
      %add3A_822 = arith.addf %add3A_801, %mul3A_821 : vector<16xf32>
      %broadcast_in_dim3A_823 = arith.constant 1 : i32
      %broadcast_in_dim3A_824 = vector.broadcast %broadcast_in_dim3A_823 : i32 to vector<16xi32>
      %mul3A_825 = arith.constant 32 : i32
      %mul3A_826 = vector.broadcast %mul3A_825 : i32 to vector<16xi32>
      %mul3A_827 = arith.muli %get3A_229, %mul3A_826 : vector<16xi32>
      %add3A_828 = arith.constant 28 : i32
      %add3A_829 = vector.broadcast %add3A_828 : i32 to vector<16xi32>
      %add3A_830 = arith.addi %mul3A_827, %add3A_829 : vector<16xi32>
      %gather3A_831 = tpu.vector_load_idx %arg14[%broadcast_in_dim3A_824, %add3A_223, %add3A_830] : memref<2x128x128xf32, #tpu.memory_space<vmem>>[vector<16xi32>, vector<16xi32>, vector<16xi32>], vector<16xf32>,
      %broadcast_in_dim3A_832 = arith.constant 1 : i32
      %broadcast_in_dim3A_833 = vector.broadcast %broadcast_in_dim3A_832 : i32 to vector<16xi32>
      %mul3A_834 = arith.constant 32 : i32
      %mul3A_835 = vector.broadcast %mul3A_834 : i32 to vector<16xi32>
      %mul3A_836 = arith.muli %get3A_235, %mul3A_835 : vector<16xi32>
      %add3A_837 = arith.constant 28 : i32
      %add3A_838 = vector.broadcast %add3A_837 : i32 to vector<16xi32>
      %add3A_839 = arith.addi %mul3A_836, %add3A_838 : vector<16xi32>
      %gather3A_840 = tpu.vector_load_idx %arg15[%broadcast_in_dim3A_833, %add3A_223, %add3A_839] : memref<2x128x128xf32, #tpu.memory_space<vmem>>[vector<16xi32>, vector<16xi32>, vector<16xi32>], vector<16xf32>,
      %sub3A_841 = arith.subf %gather3A_831, %gather3A_840 : vector<16xf32>
      %mul3A_842 = arith.mulf %sub3A_841, %sub3A_841 : vector<16xf32>
      %add3A_843 = arith.addf %add3A_822, %mul3A_842 : vector<16xf32>
      %broadcast_in_dim3A_844 = arith.constant 1 : i32
      %broadcast_in_dim3A_845 = vector.broadcast %broadcast_in_dim3A_844 : i32 to vector<16xi32>
      %mul3A_846 = arith.constant 32 : i32
      %mul3A_847 = vector.broadcast %mul3A_846 : i32 to vector<16xi32>
      %mul3A_848 = arith.muli %get3A_229, %mul3A_847 : vector<16xi32>
      %add3A_849 = arith.constant 29 : i32
      %add3A_850 = vector.broadcast %add3A_849 : i32 to vector<16xi32>
      %add3A_851 = arith.addi %mul3A_848, %add3A_850 : vector<16xi32>
      %gather3A_852 = tpu.vector_load_idx %arg14[%broadcast_in_dim3A_845, %add3A_223, %add3A_851] : memref<2x128x128xf32, #tpu.memory_space<vmem>>[vector<16xi32>, vector<16xi32>, vector<16xi32>], vector<16xf32>,
      %broadcast_in_dim3A_853 = arith.constant 1 : i32
      %broadcast_in_dim3A_854 = vector.broadcast %broadcast_in_dim3A_853 : i32 to vector<16xi32>
      %mul3A_855 = arith.constant 32 : i32
      %mul3A_856 = vector.broadcast %mul3A_855 : i32 to vector<16xi32>
      %mul3A_857 = arith.muli %get3A_235, %mul3A_856 : vector<16xi32>
      %add3A_858 = arith.constant 29 : i32
      %add3A_859 = vector.broadcast %add3A_858 : i32 to vector<16xi32>
      %add3A_860 = arith.addi %mul3A_857, %add3A_859 : vector<16xi32>
      %gather3A_861 = tpu.vector_load_idx %arg15[%broadcast_in_dim3A_854, %add3A_223, %add3A_860] : memref<2x128x128xf32, #tpu.memory_space<vmem>>[vector<16xi32>, vector<16xi32>, vector<16xi32>], vector<16xf32>,
      %sub3A_862 = arith.subf %gather3A_852, %gather3A_861 : vector<16xf32>
      %mul3A_863 = arith.mulf %sub3A_862, %sub3A_862 : vector<16xf32>
      %add3A_864 = arith.addf %add3A_843, %mul3A_863 : vector<16xf32>
      %broadcast_in_dim3A_865 = arith.constant 1 : i32
      %broadcast_in_dim3A_866 = vector.broadcast %broadcast_in_dim3A_865 : i32 to vector<16xi32>
      %mul3A_867 = arith.constant 32 : i32
      %mul3A_868 = vector.broadcast %mul3A_867 : i32 to vector<16xi32>
      %mul3A_869 = arith.muli %get3A_229, %mul3A_868 : vector<16xi32>
      %add3A_870 = arith.constant 30 : i32
      %add3A_871 = vector.broadcast %add3A_870 : i32 to vector<16xi32>
      %add3A_872 = arith.addi %mul3A_869, %add3A_871 : vector<16xi32>
      %gather3A_873 = tpu.vector_load_idx %arg14[%broadcast_in_dim3A_866, %add3A_223, %add3A_872] : memref<2x128x128xf32, #tpu.memory_space<vmem>>[vector<16xi32>, vector<16xi32>, vector<16xi32>], vector<16xf32>,
      %broadcast_in_dim3A_874 = arith.constant 1 : i32
      %broadcast_in_dim3A_875 = vector.broadcast %broadcast_in_dim3A_874 : i32 to vector<16xi32>
      %mul3A_876 = arith.constant 32 : i32
      %mul3A_877 = vector.broadcast %mul3A_876 : i32 to vector<16xi32>
      %mul3A_878 = arith.muli %get3A_235, %mul3A_877 : vector<16xi32>
      %add3A_879 = arith.constant 30 : i32
      %add3A_880 = vector.broadcast %add3A_879 : i32 to vector<16xi32>
      %add3A_881 = arith.addi %mul3A_878, %add3A_880 : vector<16xi32>
      %gather3A_882 = tpu.vector_load_idx %arg15[%broadcast_in_dim3A_875, %add3A_223, %add3A_881] : memref<2x128x128xf32, #tpu.memory_space<vmem>>[vector<16xi32>, vector<16xi32>, vector<16xi32>], vector<16xf32>,
      %sub3A_883 = arith.subf %gather3A_873, %gather3A_882 : vector<16xf32>
      %mul3A_884 = arith.mulf %sub3A_883, %sub3A_883 : vector<16xf32>
      %add3A_885 = arith.addf %add3A_864, %mul3A_884 : vector<16xf32>
      %broadcast_in_dim3A_886 = arith.constant 1 : i32
      %broadcast_in_dim3A_887 = vector.broadcast %broadcast_in_dim3A_886 : i32 to vector<16xi32>
      %mul3A_888 = arith.constant 32 : i32
      %mul3A_889 = vector.broadcast %mul3A_888 : i32 to vector<16xi32>
      %mul3A_890 = arith.muli %get3A_229, %mul3A_889 : vector<16xi32>
      %add3A_891 = arith.constant 31 : i32
      %add3A_892 = vector.broadcast %add3A_891 : i32 to vector<16xi32>
      %add3A_893 = arith.addi %mul3A_890, %add3A_892 : vector<16xi32>
      %gather3A_894 = tpu.vector_load_idx %arg14[%broadcast_in_dim3A_887, %add3A_223, %add3A_893] : memref<2x128x128xf32, #tpu.memory_space<vmem>>[vector<16xi32>, vector<16xi32>, vector<16xi32>], vector<16xf32>,
      %broadcast_in_dim3A_895 = arith.constant 1 : i32
      %broadcast_in_dim3A_896 = vector.broadcast %broadcast_in_dim3A_895 : i32 to vector<16xi32>
      %mul3A_897 = arith.constant 32 : i32
      %mul3A_898 = vector.broadcast %mul3A_897 : i32 to vector<16xi32>
      %mul3A_899 = arith.muli %get3A_235, %mul3A_898 : vector<16xi32>
      %add3A_900 = arith.constant 31 : i32
      %add3A_901 = vector.broadcast %add3A_900 : i32 to vector<16xi32>
      %add3A_902 = arith.addi %mul3A_899, %add3A_901 : vector<16xi32>
      %gather3A_903 = tpu.vector_load_idx %arg15[%broadcast_in_dim3A_896, %add3A_223, %add3A_902] : memref<2x128x128xf32, #tpu.memory_space<vmem>>[vector<16xi32>, vector<16xi32>, vector<16xi32>], vector<16xf32>,
      %sub3A_904 = arith.subf %gather3A_894, %gather3A_903 : vector<16xf32>
      %mul3A_905 = arith.mulf %sub3A_904, %sub3A_904 : vector<16xf32>
      %add3A_906 = arith.addf %add3A_885, %mul3A_905 : vector<16xf32>
      %mul3A_907 = arith.constant 5.000000e-01 : f32
      %mul3A_908 = vector.broadcast %mul3A_907 : f32 to vector<16xf32>
      %mul3A_909 = arith.mulf %add3A_906, %mul3A_908 : vector<16xf32>
      %bitcast3A = vector.bitcast %add3A_906 : vector<16xf32> to vector<16xi32>
      %shift_right_arithmetic3A = arith.constant 1 : i32
      %shift_right_arithmetic3A_910 = vector.broadcast %shift_right_arithmetic3A : i32 to vector<16xi32>
      %shift_right_arithmetic3A_911 = arith.shrsi %bitcast3A, %shift_right_arithmetic3A_910 : vector<16xi32>
      %sub3A_912 = arith.constant 1597463007 : i32
      %sub3A_913 = vector.broadcast %sub3A_912 : i32 to vector<16xi32>
      %sub3A_914 = arith.subi %sub3A_913, %shift_right_arithmetic3A_911 : vector<16xi32>
      %bitcast3A_915 = vector.bitcast %sub3A_914 : vector<16xi32> to vector<16xf32>
      %mul3A_916 = arith.mulf %mul3A_909, %bitcast3A_915 : vector<16xf32>
      %mul3A_917 = arith.mulf %mul3A_916, %bitcast3A_915 : vector<16xf32>
      %sub3A_918 = arith.constant 1.500000e+00 : f32
      %sub3A_919 = vector.broadcast %sub3A_918 : f32 to vector<16xf32>
      %sub3A_920 = arith.subf %sub3A_919, %mul3A_917 : vector<16xf32>
      %mul3A_921 = arith.mulf %bitcast3A_915, %sub3A_920 : vector<16xf32>
      %mul3A_922 = arith.mulf %mul3A_909, %mul3A_921 : vector<16xf32>
      %mul3A_923 = arith.mulf %mul3A_922, %mul3A_921 : vector<16xf32>
      %sub3A_924 = arith.constant 1.500000e+00 : f32
      %sub3A_925 = vector.broadcast %sub3A_924 : f32 to vector<16xf32>
      %sub3A_926 = arith.subf %sub3A_925, %mul3A_923 : vector<16xf32>
      %mul3A_927 = arith.mulf %mul3A_921, %sub3A_926 : vector<16xf32>
      %mul3A_928 = arith.mulf %mul3A_909, %mul3A_927 : vector<16xf32>
      %mul3A_929 = arith.mulf %mul3A_928, %mul3A_927 : vector<16xf32>
      %sub3A_930 = arith.constant 1.500000e+00 : f32
      %sub3A_931 = vector.broadcast %sub3A_930 : f32 to vector<16xf32>
      %sub3A_932 = arith.subf %sub3A_931, %mul3A_929 : vector<16xf32>
      %mul3A_933 = arith.mulf %mul3A_927, %sub3A_932 : vector<16xf32>
      %mul3A_934 = arith.mulf %add3A_906, %mul3A_933 : vector<16xf32>
      %mul3A_935 = arith.mulf %mul3A_934, %get3A_1 : vector<16xf32>
      %add3A_936 = arith.addf %mul3A_935, %get3A_3 : vector<16xf32>
      %mul3A_937 = arith.constant 16 : i32
      %mul3A_938 = arith.muli %scan3A_219, %mul3A_937 : i32
      %add3A_939 = arith.constant 128 : i32
      %add3A_940 = arith.addi %add3A_939, %mul3A_938 : i32
      %swap3A = arith.index_cast %add3A_940 : i32 to index
      %swap3A_941 = tpu.vector_load %arg17[%swap3A] {strides = array<i32>} : memref<512xf32, #tpu.memory_space<vmem>>, vector<16xf32>,
      tpu.vector_store %arg17[%swap3A], %add3A_936 {strides = array<i32>} : memref<512xf32, #tpu.memory_space<vmem>>, vector<16xf32>,
    }
    %scan3A_132 = arith.constant 8 : i32
    %dma_start3A_133 = arith.constant 3 : i32
    %dma_start3A_134 = arith.constant 1 : i32
    %dma_start3A_135 = arith.constant 0 : i32
    %dma_start3A_136 = arith.constant 0 : i32
    %dma_start3A_137 = tpu.memref_slice %arg14[%dma_start3A_134, %dma_start3A_135, %dma_start3A_136] : memref<2x128x128xf32, #tpu.memory_space<vmem>> -> memref<1x128x128xf32, #tpu.memory_space<vmem>>
    %dma_start3A_138 = tpu.memref_squeeze %dma_start3A_137 : memref<1x128x128xf32, #tpu.memory_space<vmem>> -> memref<128x128xf32, #tpu.memory_space<vmem>>
    %dma_start3A_139 = arith.constant 0 : i32
    %dma_start3A_140 = tpu.memref_slice %arg10[%dma_start3A_133, %dma_start3A_139] : memref<4x128xi32, #tpu.memory_space<vmem>> -> memref<1x128xi32, #tpu.memory_space<vmem>>
    %dma_start3A_141 = tpu.memref_squeeze %dma_start3A_140 : memref<1x128xi32, #tpu.memory_space<vmem>> -> memref<128xi32, #tpu.memory_space<vmem>>
    %dma_start3A_142 = arith.constant 0 : i32
    %dma_start3A_143 = arith.constant 0 : i32
    %dma_start3A_144 = tpu.memref_slice %arg6[%dma_start3A_142, %dma_start3A_143] : memref<256000x128xf32, #tpu.memory_space<hbm>> -> memref<256000x128xf32, #tpu.memory_space<hbm>>
    tpu.enqueue_indirect_dma source(%dma_start3A_144 : memref<256000x128xf32, #tpu.memory_space<hbm>>) target(%dma_start3A_138 : memref<128x128xf32, #tpu.memory_space<vmem>>) offsets(%dma_start3A_141 : memref<128xi32, #tpu.memory_space<vmem>>) semaphore(%arg18 : memref<!tpu.dma_semaphore, #tpu.memory_space<semaphore_mem>>)
    %dma_start3A_145 = arith.constant 3 : i32
    %dma_start3A_146 = arith.constant 1 : i32
    %dma_start3A_147 = arith.constant 0 : i32
    %dma_start3A_148 = arith.constant 0 : i32
    %dma_start3A_149 = tpu.memref_slice %arg15[%dma_start3A_146, %dma_start3A_147, %dma_start3A_148] : memref<2x128x128xf32, #tpu.memory_space<vmem>> -> memref<1x128x128xf32, #tpu.memory_space<vmem>>
    %dma_start3A_150 = tpu.memref_squeeze %dma_start3A_149 : memref<1x128x128xf32, #tpu.memory_space<vmem>> -> memref<128x128xf32, #tpu.memory_space<vmem>>
    %dma_start3A_151 = arith.constant 0 : i32
    %dma_start3A_152 = tpu.memref_slice %arg12[%dma_start3A_145, %dma_start3A_151] : memref<4x128xi32, #tpu.memory_space<vmem>> -> memref<1x128xi32, #tpu.memory_space<vmem>>
    %dma_start3A_153 = tpu.memref_squeeze %dma_start3A_152 : memref<1x128xi32, #tpu.memory_space<vmem>> -> memref<128xi32, #tpu.memory_space<vmem>>
    %dma_start3A_154 = arith.constant 0 : i32
    %dma_start3A_155 = arith.constant 0 : i32
    %dma_start3A_156 = tpu.memref_slice %arg7[%dma_start3A_154, %dma_start3A_155] : memref<256000x128xf32, #tpu.memory_space<hbm>> -> memref<256000x128xf32, #tpu.memory_space<hbm>>
    tpu.enqueue_indirect_dma source(%dma_start3A_156 : memref<256000x128xf32, #tpu.memory_space<hbm>>) target(%dma_start3A_150 : memref<128x128xf32, #tpu.memory_space<vmem>>) offsets(%dma_start3A_153 : memref<128xi32, #tpu.memory_space<vmem>>) semaphore(%arg18 : memref<!tpu.dma_semaphore, #tpu.memory_space<semaphore_mem>>)
    %dma_wait3A_157 = arith.constant 2 : i32
    %dma_wait3A_158 = arith.constant 0 : i32
    %dma_wait3A_159 = arith.constant 0 : i32
    %dma_wait3A_160 = arith.constant 0 : i32
    %dma_wait3A_161 = tpu.memref_slice %arg14[%dma_wait3A_158, %dma_wait3A_159, %dma_wait3A_160] : memref<2x128x128xf32, #tpu.memory_space<vmem>> -> memref<1x128x128xf32, #tpu.memory_space<vmem>>
    %dma_wait3A_162 = tpu.memref_squeeze %dma_wait3A_161 : memref<1x128x128xf32, #tpu.memory_space<vmem>> -> memref<128x128xf32, #tpu.memory_space<vmem>>
    %dma_wait3A_163 = arith.constant 0 : i32
    %dma_wait3A_164 = tpu.memref_slice %arg10[%dma_wait3A_157, %dma_wait3A_163] : memref<4x128xi32, #tpu.memory_space<vmem>> -> memref<1x128xi32, #tpu.memory_space<vmem>>
    %dma_wait3A_165 = tpu.memref_squeeze %dma_wait3A_164 : memref<1x128xi32, #tpu.memory_space<vmem>> -> memref<128xi32, #tpu.memory_space<vmem>>
    %dma_wait3A_166 = arith.constant 0 : i32
    %dma_wait3A_167 = arith.constant 0 : i32
    %dma_wait3A_168 = tpu.memref_slice %arg6[%dma_wait3A_166, %dma_wait3A_167] : memref<256000x128xf32, #tpu.memory_space<hbm>> -> memref<256000x128xf32, #tpu.memory_space<hbm>>
    tpu.wait_indirect_dma semaphore(%arg18 : memref<!tpu.dma_semaphore, #tpu.memory_space<semaphore_mem>>) src(%dma_wait3A_168 : memref<256000x128xf32, #tpu.memory_space<hbm>>) dst(%dma_wait3A_162 : memref<128x128xf32, #tpu.memory_space<vmem>>)
    %dma_wait3A_169 = arith.constant 2 : i32
    %dma_wait3A_170 = arith.constant 0 : i32
    %dma_wait3A_171 = arith.constant 0 : i32
    %dma_wait3A_172 = arith.constant 0 : i32
    %dma_wait3A_173 = tpu.memref_slice %arg15[%dma_wait3A_170, %dma_wait3A_171, %dma_wait3A_172] : memref<2x128x128xf32, #tpu.memory_space<vmem>> -> memref<1x128x128xf32, #tpu.memory_space<vmem>>
    %dma_wait3A_174 = tpu.memref_squeeze %dma_wait3A_173 : memref<1x128x128xf32, #tpu.memory_space<vmem>> -> memref<128x128xf32, #tpu.memory_space<vmem>>
    %dma_wait3A_175 = arith.constant 0 : i32
    %dma_wait3A_176 = tpu.memref_slice %arg12[%dma_wait3A_169, %dma_wait3A_175] : memref<4x128xi32, #tpu.memory_space<vmem>> -> memref<1x128xi32, #tpu.memory_space<vmem>>
    %dma_wait3A_177 = tpu.memref_squeeze %dma_wait3A_176 : memref<1x128xi32, #tpu.memory_space<vmem>> -> memref<128xi32, #tpu.memory_space<vmem>>
    %dma_wait3A_178 = arith.constant 0 : i32
    %dma_wait3A_179 = arith.constant 0 : i32
    %dma_wait3A_180 = tpu.memref_slice %arg7[%dma_wait3A_178, %dma_wait3A_179] : memref<256000x128xf32, #tpu.memory_space<hbm>> -> memref<256000x128xf32, #tpu.memory_space<hbm>>
    tpu.wait_indirect_dma semaphore(%arg18 : memref<!tpu.dma_semaphore, #tpu.memory_space<semaphore_mem>>) src(%dma_wait3A_180 : memref<256000x128xf32, #tpu.memory_space<hbm>>) dst(%dma_wait3A_174 : memref<128x128xf32, #tpu.memory_space<vmem>>)
    %scan3A_181 = arith.constant 0 : i32
    %scan3A_182 = arith.constant 0 : i32
    %scan3A_183 = arith.constant 8 : i32
    %scan3A_184 = arith.addi %scan3A_182, %scan3A_183 : i32
    %scan3A_185 = arith.constant 1 : i32
    scf.for %scan3A_219 = %scan3A_182 to %scan3A_184 step %scan3A_185  : i32 {
      %mul3A_220 = arith.constant 16 : i32
      %mul3A_221 = arith.muli %scan3A_219, %mul3A_220 : i32
      %add3A_222 = vector.broadcast %mul3A_221 : i32 to vector<16xi32>
      %add3A_223 = arith.addi %add3A_222, %iota3A : vector<16xi32>
      %mul3A_224 = arith.constant 16 : i32
      %mul3A_225 = arith.muli %scan3A_219, %mul3A_224 : i32
      %get3A_226 = arith.constant 2 : i32
      %get3A_227 = arith.index_cast %get3A_226 : i32 to index
      %get3A_228 = arith.index_cast %mul3A_225 : i32 to index
      %get3A_229 = tpu.vector_load %arg11[%get3A_227, %get3A_228] {strides = array<i32>} : memref<4x128xi32, #tpu.memory_space<vmem>>, vector<16xi32>,
      %mul3A_230 = arith.constant 16 : i32
      %mul3A_231 = arith.muli %scan3A_219, %mul3A_230 : i32
      %get3A_232 = arith.constant 2 : i32
      %get3A_233 = arith.index_cast %get3A_232 : i32 to index
      %get3A_234 = arith.index_cast %mul3A_231 : i32 to index
      %get3A_235 = tpu.vector_load %arg13[%get3A_233, %get3A_234] {strides = array<i32>} : memref<4x128xi32, #tpu.memory_space<vmem>>, vector<16xi32>,
      %broadcast_in_dim3A = arith.constant 0.000000e+00 : f32
      %broadcast_in_dim3A_236 = vector.broadcast %broadcast_in_dim3A : f32 to vector<16xf32>
      %broadcast_in_dim3A_237 = arith.constant 0 : i32
      %broadcast_in_dim3A_238 = vector.broadcast %broadcast_in_dim3A_237 : i32 to vector<16xi32>
      %mul3A_239 = arith.constant 32 : i32
      %mul3A_240 = vector.broadcast %mul3A_239 : i32 to vector<16xi32>
      %mul3A_241 = arith.muli %get3A_229, %mul3A_240 : vector<16xi32>
      %add3A_242 = arith.constant 0 : i32
      %add3A_243 = vector.broadcast %add3A_242 : i32 to vector<16xi32>
      %add3A_244 = arith.addi %mul3A_241, %add3A_243 : vector<16xi32>
      %gather3A = tpu.vector_load_idx %arg14[%broadcast_in_dim3A_238, %add3A_223, %add3A_244] : memref<2x128x128xf32, #tpu.memory_space<vmem>>[vector<16xi32>, vector<16xi32>, vector<16xi32>], vector<16xf32>,
      %broadcast_in_dim3A_245 = arith.constant 0 : i32
      %broadcast_in_dim3A_246 = vector.broadcast %broadcast_in_dim3A_245 : i32 to vector<16xi32>
      %mul3A_247 = arith.constant 32 : i32
      %mul3A_248 = vector.broadcast %mul3A_247 : i32 to vector<16xi32>
      %mul3A_249 = arith.muli %get3A_235, %mul3A_248 : vector<16xi32>
      %add3A_250 = arith.constant 0 : i32
      %add3A_251 = vector.broadcast %add3A_250 : i32 to vector<16xi32>
      %add3A_252 = arith.addi %mul3A_249, %add3A_251 : vector<16xi32>
      %gather3A_253 = tpu.vector_load_idx %arg15[%broadcast_in_dim3A_246, %add3A_223, %add3A_252] : memref<2x128x128xf32, #tpu.memory_space<vmem>>[vector<16xi32>, vector<16xi32>, vector<16xi32>], vector<16xf32>,
      %sub3A = arith.subf %gather3A, %gather3A_253 : vector<16xf32>
      %mul3A_254 = arith.mulf %sub3A, %sub3A : vector<16xf32>
      %add3A_255 = arith.addf %broadcast_in_dim3A_236, %mul3A_254 : vector<16xf32>
      %broadcast_in_dim3A_256 = arith.constant 0 : i32
      %broadcast_in_dim3A_257 = vector.broadcast %broadcast_in_dim3A_256 : i32 to vector<16xi32>
      %mul3A_258 = arith.constant 32 : i32
      %mul3A_259 = vector.broadcast %mul3A_258 : i32 to vector<16xi32>
      %mul3A_260 = arith.muli %get3A_229, %mul3A_259 : vector<16xi32>
      %add3A_261 = arith.constant 1 : i32
      %add3A_262 = vector.broadcast %add3A_261 : i32 to vector<16xi32>
      %add3A_263 = arith.addi %mul3A_260, %add3A_262 : vector<16xi32>
      %gather3A_264 = tpu.vector_load_idx %arg14[%broadcast_in_dim3A_257, %add3A_223, %add3A_263] : memref<2x128x128xf32, #tpu.memory_space<vmem>>[vector<16xi32>, vector<16xi32>, vector<16xi32>], vector<16xf32>,
      %broadcast_in_dim3A_265 = arith.constant 0 : i32
      %broadcast_in_dim3A_266 = vector.broadcast %broadcast_in_dim3A_265 : i32 to vector<16xi32>
      %mul3A_267 = arith.constant 32 : i32
      %mul3A_268 = vector.broadcast %mul3A_267 : i32 to vector<16xi32>
      %mul3A_269 = arith.muli %get3A_235, %mul3A_268 : vector<16xi32>
      %add3A_270 = arith.constant 1 : i32
      %add3A_271 = vector.broadcast %add3A_270 : i32 to vector<16xi32>
      %add3A_272 = arith.addi %mul3A_269, %add3A_271 : vector<16xi32>
      %gather3A_273 = tpu.vector_load_idx %arg15[%broadcast_in_dim3A_266, %add3A_223, %add3A_272] : memref<2x128x128xf32, #tpu.memory_space<vmem>>[vector<16xi32>, vector<16xi32>, vector<16xi32>], vector<16xf32>,
      %sub3A_274 = arith.subf %gather3A_264, %gather3A_273 : vector<16xf32>
      %mul3A_275 = arith.mulf %sub3A_274, %sub3A_274 : vector<16xf32>
      %add3A_276 = arith.addf %add3A_255, %mul3A_275 : vector<16xf32>
      %broadcast_in_dim3A_277 = arith.constant 0 : i32
      %broadcast_in_dim3A_278 = vector.broadcast %broadcast_in_dim3A_277 : i32 to vector<16xi32>
      %mul3A_279 = arith.constant 32 : i32
      %mul3A_280 = vector.broadcast %mul3A_279 : i32 to vector<16xi32>
      %mul3A_281 = arith.muli %get3A_229, %mul3A_280 : vector<16xi32>
      %add3A_282 = arith.constant 2 : i32
      %add3A_283 = vector.broadcast %add3A_282 : i32 to vector<16xi32>
      %add3A_284 = arith.addi %mul3A_281, %add3A_283 : vector<16xi32>
      %gather3A_285 = tpu.vector_load_idx %arg14[%broadcast_in_dim3A_278, %add3A_223, %add3A_284] : memref<2x128x128xf32, #tpu.memory_space<vmem>>[vector<16xi32>, vector<16xi32>, vector<16xi32>], vector<16xf32>,
      %broadcast_in_dim3A_286 = arith.constant 0 : i32
      %broadcast_in_dim3A_287 = vector.broadcast %broadcast_in_dim3A_286 : i32 to vector<16xi32>
      %mul3A_288 = arith.constant 32 : i32
      %mul3A_289 = vector.broadcast %mul3A_288 : i32 to vector<16xi32>
      %mul3A_290 = arith.muli %get3A_235, %mul3A_289 : vector<16xi32>
      %add3A_291 = arith.constant 2 : i32
      %add3A_292 = vector.broadcast %add3A_291 : i32 to vector<16xi32>
      %add3A_293 = arith.addi %mul3A_290, %add3A_292 : vector<16xi32>
      %gather3A_294 = tpu.vector_load_idx %arg15[%broadcast_in_dim3A_287, %add3A_223, %add3A_293] : memref<2x128x128xf32, #tpu.memory_space<vmem>>[vector<16xi32>, vector<16xi32>, vector<16xi32>], vector<16xf32>,
      %sub3A_295 = arith.subf %gather3A_285, %gather3A_294 : vector<16xf32>
      %mul3A_296 = arith.mulf %sub3A_295, %sub3A_295 : vector<16xf32>
      %add3A_297 = arith.addf %add3A_276, %mul3A_296 : vector<16xf32>
      %broadcast_in_dim3A_298 = arith.constant 0 : i32
      %broadcast_in_dim3A_299 = vector.broadcast %broadcast_in_dim3A_298 : i32 to vector<16xi32>
      %mul3A_300 = arith.constant 32 : i32
      %mul3A_301 = vector.broadcast %mul3A_300 : i32 to vector<16xi32>
      %mul3A_302 = arith.muli %get3A_229, %mul3A_301 : vector<16xi32>
      %add3A_303 = arith.constant 3 : i32
      %add3A_304 = vector.broadcast %add3A_303 : i32 to vector<16xi32>
      %add3A_305 = arith.addi %mul3A_302, %add3A_304 : vector<16xi32>
      %gather3A_306 = tpu.vector_load_idx %arg14[%broadcast_in_dim3A_299, %add3A_223, %add3A_305] : memref<2x128x128xf32, #tpu.memory_space<vmem>>[vector<16xi32>, vector<16xi32>, vector<16xi32>], vector<16xf32>,
      %broadcast_in_dim3A_307 = arith.constant 0 : i32
      %broadcast_in_dim3A_308 = vector.broadcast %broadcast_in_dim3A_307 : i32 to vector<16xi32>
      %mul3A_309 = arith.constant 32 : i32
      %mul3A_310 = vector.broadcast %mul3A_309 : i32 to vector<16xi32>
      %mul3A_311 = arith.muli %get3A_235, %mul3A_310 : vector<16xi32>
      %add3A_312 = arith.constant 3 : i32
      %add3A_313 = vector.broadcast %add3A_312 : i32 to vector<16xi32>
      %add3A_314 = arith.addi %mul3A_311, %add3A_313 : vector<16xi32>
      %gather3A_315 = tpu.vector_load_idx %arg15[%broadcast_in_dim3A_308, %add3A_223, %add3A_314] : memref<2x128x128xf32, #tpu.memory_space<vmem>>[vector<16xi32>, vector<16xi32>, vector<16xi32>], vector<16xf32>,
      %sub3A_316 = arith.subf %gather3A_306, %gather3A_315 : vector<16xf32>
      %mul3A_317 = arith.mulf %sub3A_316, %sub3A_316 : vector<16xf32>
      %add3A_318 = arith.addf %add3A_297, %mul3A_317 : vector<16xf32>
      %broadcast_in_dim3A_319 = arith.constant 0 : i32
      %broadcast_in_dim3A_320 = vector.broadcast %broadcast_in_dim3A_319 : i32 to vector<16xi32>
      %mul3A_321 = arith.constant 32 : i32
      %mul3A_322 = vector.broadcast %mul3A_321 : i32 to vector<16xi32>
      %mul3A_323 = arith.muli %get3A_229, %mul3A_322 : vector<16xi32>
      %add3A_324 = arith.constant 4 : i32
      %add3A_325 = vector.broadcast %add3A_324 : i32 to vector<16xi32>
      %add3A_326 = arith.addi %mul3A_323, %add3A_325 : vector<16xi32>
      %gather3A_327 = tpu.vector_load_idx %arg14[%broadcast_in_dim3A_320, %add3A_223, %add3A_326] : memref<2x128x128xf32, #tpu.memory_space<vmem>>[vector<16xi32>, vector<16xi32>, vector<16xi32>], vector<16xf32>,
      %broadcast_in_dim3A_328 = arith.constant 0 : i32
      %broadcast_in_dim3A_329 = vector.broadcast %broadcast_in_dim3A_328 : i32 to vector<16xi32>
      %mul3A_330 = arith.constant 32 : i32
      %mul3A_331 = vector.broadcast %mul3A_330 : i32 to vector<16xi32>
      %mul3A_332 = arith.muli %get3A_235, %mul3A_331 : vector<16xi32>
      %add3A_333 = arith.constant 4 : i32
      %add3A_334 = vector.broadcast %add3A_333 : i32 to vector<16xi32>
      %add3A_335 = arith.addi %mul3A_332, %add3A_334 : vector<16xi32>
      %gather3A_336 = tpu.vector_load_idx %arg15[%broadcast_in_dim3A_329, %add3A_223, %add3A_335] : memref<2x128x128xf32, #tpu.memory_space<vmem>>[vector<16xi32>, vector<16xi32>, vector<16xi32>], vector<16xf32>,
      %sub3A_337 = arith.subf %gather3A_327, %gather3A_336 : vector<16xf32>
      %mul3A_338 = arith.mulf %sub3A_337, %sub3A_337 : vector<16xf32>
      %add3A_339 = arith.addf %add3A_318, %mul3A_338 : vector<16xf32>
      %broadcast_in_dim3A_340 = arith.constant 0 : i32
      %broadcast_in_dim3A_341 = vector.broadcast %broadcast_in_dim3A_340 : i32 to vector<16xi32>
      %mul3A_342 = arith.constant 32 : i32
      %mul3A_343 = vector.broadcast %mul3A_342 : i32 to vector<16xi32>
      %mul3A_344 = arith.muli %get3A_229, %mul3A_343 : vector<16xi32>
      %add3A_345 = arith.constant 5 : i32
      %add3A_346 = vector.broadcast %add3A_345 : i32 to vector<16xi32>
      %add3A_347 = arith.addi %mul3A_344, %add3A_346 : vector<16xi32>
      %gather3A_348 = tpu.vector_load_idx %arg14[%broadcast_in_dim3A_341, %add3A_223, %add3A_347] : memref<2x128x128xf32, #tpu.memory_space<vmem>>[vector<16xi32>, vector<16xi32>, vector<16xi32>], vector<16xf32>,
      %broadcast_in_dim3A_349 = arith.constant 0 : i32
      %broadcast_in_dim3A_350 = vector.broadcast %broadcast_in_dim3A_349 : i32 to vector<16xi32>
      %mul3A_351 = arith.constant 32 : i32
      %mul3A_352 = vector.broadcast %mul3A_351 : i32 to vector<16xi32>
      %mul3A_353 = arith.muli %get3A_235, %mul3A_352 : vector<16xi32>
      %add3A_354 = arith.constant 5 : i32
      %add3A_355 = vector.broadcast %add3A_354 : i32 to vector<16xi32>
      %add3A_356 = arith.addi %mul3A_353, %add3A_355 : vector<16xi32>
      %gather3A_357 = tpu.vector_load_idx %arg15[%broadcast_in_dim3A_350, %add3A_223, %add3A_356] : memref<2x128x128xf32, #tpu.memory_space<vmem>>[vector<16xi32>, vector<16xi32>, vector<16xi32>], vector<16xf32>,
      %sub3A_358 = arith.subf %gather3A_348, %gather3A_357 : vector<16xf32>
      %mul3A_359 = arith.mulf %sub3A_358, %sub3A_358 : vector<16xf32>
      %add3A_360 = arith.addf %add3A_339, %mul3A_359 : vector<16xf32>
      %broadcast_in_dim3A_361 = arith.constant 0 : i32
      %broadcast_in_dim3A_362 = vector.broadcast %broadcast_in_dim3A_361 : i32 to vector<16xi32>
      %mul3A_363 = arith.constant 32 : i32
      %mul3A_364 = vector.broadcast %mul3A_363 : i32 to vector<16xi32>
      %mul3A_365 = arith.muli %get3A_229, %mul3A_364 : vector<16xi32>
      %add3A_366 = arith.constant 6 : i32
      %add3A_367 = vector.broadcast %add3A_366 : i32 to vector<16xi32>
      %add3A_368 = arith.addi %mul3A_365, %add3A_367 : vector<16xi32>
      %gather3A_369 = tpu.vector_load_idx %arg14[%broadcast_in_dim3A_362, %add3A_223, %add3A_368] : memref<2x128x128xf32, #tpu.memory_space<vmem>>[vector<16xi32>, vector<16xi32>, vector<16xi32>], vector<16xf32>,
      %broadcast_in_dim3A_370 = arith.constant 0 : i32
      %broadcast_in_dim3A_371 = vector.broadcast %broadcast_in_dim3A_370 : i32 to vector<16xi32>
      %mul3A_372 = arith.constant 32 : i32
      %mul3A_373 = vector.broadcast %mul3A_372 : i32 to vector<16xi32>
      %mul3A_374 = arith.muli %get3A_235, %mul3A_373 : vector<16xi32>
      %add3A_375 = arith.constant 6 : i32
      %add3A_376 = vector.broadcast %add3A_375 : i32 to vector<16xi32>
      %add3A_377 = arith.addi %mul3A_374, %add3A_376 : vector<16xi32>
      %gather3A_378 = tpu.vector_load_idx %arg15[%broadcast_in_dim3A_371, %add3A_223, %add3A_377] : memref<2x128x128xf32, #tpu.memory_space<vmem>>[vector<16xi32>, vector<16xi32>, vector<16xi32>], vector<16xf32>,
      %sub3A_379 = arith.subf %gather3A_369, %gather3A_378 : vector<16xf32>
      %mul3A_380 = arith.mulf %sub3A_379, %sub3A_379 : vector<16xf32>
      %add3A_381 = arith.addf %add3A_360, %mul3A_380 : vector<16xf32>
      %broadcast_in_dim3A_382 = arith.constant 0 : i32
      %broadcast_in_dim3A_383 = vector.broadcast %broadcast_in_dim3A_382 : i32 to vector<16xi32>
      %mul3A_384 = arith.constant 32 : i32
      %mul3A_385 = vector.broadcast %mul3A_384 : i32 to vector<16xi32>
      %mul3A_386 = arith.muli %get3A_229, %mul3A_385 : vector<16xi32>
      %add3A_387 = arith.constant 7 : i32
      %add3A_388 = vector.broadcast %add3A_387 : i32 to vector<16xi32>
      %add3A_389 = arith.addi %mul3A_386, %add3A_388 : vector<16xi32>
      %gather3A_390 = tpu.vector_load_idx %arg14[%broadcast_in_dim3A_383, %add3A_223, %add3A_389] : memref<2x128x128xf32, #tpu.memory_space<vmem>>[vector<16xi32>, vector<16xi32>, vector<16xi32>], vector<16xf32>,
      %broadcast_in_dim3A_391 = arith.constant 0 : i32
      %broadcast_in_dim3A_392 = vector.broadcast %broadcast_in_dim3A_391 : i32 to vector<16xi32>
      %mul3A_393 = arith.constant 32 : i32
      %mul3A_394 = vector.broadcast %mul3A_393 : i32 to vector<16xi32>
      %mul3A_395 = arith.muli %get3A_235, %mul3A_394 : vector<16xi32>
      %add3A_396 = arith.constant 7 : i32
      %add3A_397 = vector.broadcast %add3A_396 : i32 to vector<16xi32>
      %add3A_398 = arith.addi %mul3A_395, %add3A_397 : vector<16xi32>
      %gather3A_399 = tpu.vector_load_idx %arg15[%broadcast_in_dim3A_392, %add3A_223, %add3A_398] : memref<2x128x128xf32, #tpu.memory_space<vmem>>[vector<16xi32>, vector<16xi32>, vector<16xi32>], vector<16xf32>,
      %sub3A_400 = arith.subf %gather3A_390, %gather3A_399 : vector<16xf32>
      %mul3A_401 = arith.mulf %sub3A_400, %sub3A_400 : vector<16xf32>
      %add3A_402 = arith.addf %add3A_381, %mul3A_401 : vector<16xf32>
      %broadcast_in_dim3A_403 = arith.constant 0 : i32
      %broadcast_in_dim3A_404 = vector.broadcast %broadcast_in_dim3A_403 : i32 to vector<16xi32>
      %mul3A_405 = arith.constant 32 : i32
      %mul3A_406 = vector.broadcast %mul3A_405 : i32 to vector<16xi32>
      %mul3A_407 = arith.muli %get3A_229, %mul3A_406 : vector<16xi32>
      %add3A_408 = arith.constant 8 : i32
      %add3A_409 = vector.broadcast %add3A_408 : i32 to vector<16xi32>
      %add3A_410 = arith.addi %mul3A_407, %add3A_409 : vector<16xi32>
      %gather3A_411 = tpu.vector_load_idx %arg14[%broadcast_in_dim3A_404, %add3A_223, %add3A_410] : memref<2x128x128xf32, #tpu.memory_space<vmem>>[vector<16xi32>, vector<16xi32>, vector<16xi32>], vector<16xf32>,
      %broadcast_in_dim3A_412 = arith.constant 0 : i32
      %broadcast_in_dim3A_413 = vector.broadcast %broadcast_in_dim3A_412 : i32 to vector<16xi32>
      %mul3A_414 = arith.constant 32 : i32
      %mul3A_415 = vector.broadcast %mul3A_414 : i32 to vector<16xi32>
      %mul3A_416 = arith.muli %get3A_235, %mul3A_415 : vector<16xi32>
      %add3A_417 = arith.constant 8 : i32
      %add3A_418 = vector.broadcast %add3A_417 : i32 to vector<16xi32>
      %add3A_419 = arith.addi %mul3A_416, %add3A_418 : vector<16xi32>
      %gather3A_420 = tpu.vector_load_idx %arg15[%broadcast_in_dim3A_413, %add3A_223, %add3A_419] : memref<2x128x128xf32, #tpu.memory_space<vmem>>[vector<16xi32>, vector<16xi32>, vector<16xi32>], vector<16xf32>,
      %sub3A_421 = arith.subf %gather3A_411, %gather3A_420 : vector<16xf32>
      %mul3A_422 = arith.mulf %sub3A_421, %sub3A_421 : vector<16xf32>
      %add3A_423 = arith.addf %add3A_402, %mul3A_422 : vector<16xf32>
      %broadcast_in_dim3A_424 = arith.constant 0 : i32
      %broadcast_in_dim3A_425 = vector.broadcast %broadcast_in_dim3A_424 : i32 to vector<16xi32>
      %mul3A_426 = arith.constant 32 : i32
      %mul3A_427 = vector.broadcast %mul3A_426 : i32 to vector<16xi32>
      %mul3A_428 = arith.muli %get3A_229, %mul3A_427 : vector<16xi32>
      %add3A_429 = arith.constant 9 : i32
      %add3A_430 = vector.broadcast %add3A_429 : i32 to vector<16xi32>
      %add3A_431 = arith.addi %mul3A_428, %add3A_430 : vector<16xi32>
      %gather3A_432 = tpu.vector_load_idx %arg14[%broadcast_in_dim3A_425, %add3A_223, %add3A_431] : memref<2x128x128xf32, #tpu.memory_space<vmem>>[vector<16xi32>, vector<16xi32>, vector<16xi32>], vector<16xf32>,
      %broadcast_in_dim3A_433 = arith.constant 0 : i32
      %broadcast_in_dim3A_434 = vector.broadcast %broadcast_in_dim3A_433 : i32 to vector<16xi32>
      %mul3A_435 = arith.constant 32 : i32
      %mul3A_436 = vector.broadcast %mul3A_435 : i32 to vector<16xi32>
      %mul3A_437 = arith.muli %get3A_235, %mul3A_436 : vector<16xi32>
      %add3A_438 = arith.constant 9 : i32
      %add3A_439 = vector.broadcast %add3A_438 : i32 to vector<16xi32>
      %add3A_440 = arith.addi %mul3A_437, %add3A_439 : vector<16xi32>
      %gather3A_441 = tpu.vector_load_idx %arg15[%broadcast_in_dim3A_434, %add3A_223, %add3A_440] : memref<2x128x128xf32, #tpu.memory_space<vmem>>[vector<16xi32>, vector<16xi32>, vector<16xi32>], vector<16xf32>,
      %sub3A_442 = arith.subf %gather3A_432, %gather3A_441 : vector<16xf32>
      %mul3A_443 = arith.mulf %sub3A_442, %sub3A_442 : vector<16xf32>
      %add3A_444 = arith.addf %add3A_423, %mul3A_443 : vector<16xf32>
      %broadcast_in_dim3A_445 = arith.constant 0 : i32
      %broadcast_in_dim3A_446 = vector.broadcast %broadcast_in_dim3A_445 : i32 to vector<16xi32>
      %mul3A_447 = arith.constant 32 : i32
      %mul3A_448 = vector.broadcast %mul3A_447 : i32 to vector<16xi32>
      %mul3A_449 = arith.muli %get3A_229, %mul3A_448 : vector<16xi32>
      %add3A_450 = arith.constant 10 : i32
      %add3A_451 = vector.broadcast %add3A_450 : i32 to vector<16xi32>
      %add3A_452 = arith.addi %mul3A_449, %add3A_451 : vector<16xi32>
      %gather3A_453 = tpu.vector_load_idx %arg14[%broadcast_in_dim3A_446, %add3A_223, %add3A_452] : memref<2x128x128xf32, #tpu.memory_space<vmem>>[vector<16xi32>, vector<16xi32>, vector<16xi32>], vector<16xf32>,
      %broadcast_in_dim3A_454 = arith.constant 0 : i32
      %broadcast_in_dim3A_455 = vector.broadcast %broadcast_in_dim3A_454 : i32 to vector<16xi32>
      %mul3A_456 = arith.constant 32 : i32
      %mul3A_457 = vector.broadcast %mul3A_456 : i32 to vector<16xi32>
      %mul3A_458 = arith.muli %get3A_235, %mul3A_457 : vector<16xi32>
      %add3A_459 = arith.constant 10 : i32
      %add3A_460 = vector.broadcast %add3A_459 : i32 to vector<16xi32>
      %add3A_461 = arith.addi %mul3A_458, %add3A_460 : vector<16xi32>
      %gather3A_462 = tpu.vector_load_idx %arg15[%broadcast_in_dim3A_455, %add3A_223, %add3A_461] : memref<2x128x128xf32, #tpu.memory_space<vmem>>[vector<16xi32>, vector<16xi32>, vector<16xi32>], vector<16xf32>,
      %sub3A_463 = arith.subf %gather3A_453, %gather3A_462 : vector<16xf32>
      %mul3A_464 = arith.mulf %sub3A_463, %sub3A_463 : vector<16xf32>
      %add3A_465 = arith.addf %add3A_444, %mul3A_464 : vector<16xf32>
      %broadcast_in_dim3A_466 = arith.constant 0 : i32
      %broadcast_in_dim3A_467 = vector.broadcast %broadcast_in_dim3A_466 : i32 to vector<16xi32>
      %mul3A_468 = arith.constant 32 : i32
      %mul3A_469 = vector.broadcast %mul3A_468 : i32 to vector<16xi32>
      %mul3A_470 = arith.muli %get3A_229, %mul3A_469 : vector<16xi32>
      %add3A_471 = arith.constant 11 : i32
      %add3A_472 = vector.broadcast %add3A_471 : i32 to vector<16xi32>
      %add3A_473 = arith.addi %mul3A_470, %add3A_472 : vector<16xi32>
      %gather3A_474 = tpu.vector_load_idx %arg14[%broadcast_in_dim3A_467, %add3A_223, %add3A_473] : memref<2x128x128xf32, #tpu.memory_space<vmem>>[vector<16xi32>, vector<16xi32>, vector<16xi32>], vector<16xf32>,
      %broadcast_in_dim3A_475 = arith.constant 0 : i32
      %broadcast_in_dim3A_476 = vector.broadcast %broadcast_in_dim3A_475 : i32 to vector<16xi32>
      %mul3A_477 = arith.constant 32 : i32
      %mul3A_478 = vector.broadcast %mul3A_477 : i32 to vector<16xi32>
      %mul3A_479 = arith.muli %get3A_235, %mul3A_478 : vector<16xi32>
      %add3A_480 = arith.constant 11 : i32
      %add3A_481 = vector.broadcast %add3A_480 : i32 to vector<16xi32>
      %add3A_482 = arith.addi %mul3A_479, %add3A_481 : vector<16xi32>
      %gather3A_483 = tpu.vector_load_idx %arg15[%broadcast_in_dim3A_476, %add3A_223, %add3A_482] : memref<2x128x128xf32, #tpu.memory_space<vmem>>[vector<16xi32>, vector<16xi32>, vector<16xi32>], vector<16xf32>,
      %sub3A_484 = arith.subf %gather3A_474, %gather3A_483 : vector<16xf32>
      %mul3A_485 = arith.mulf %sub3A_484, %sub3A_484 : vector<16xf32>
      %add3A_486 = arith.addf %add3A_465, %mul3A_485 : vector<16xf32>
      %broadcast_in_dim3A_487 = arith.constant 0 : i32
      %broadcast_in_dim3A_488 = vector.broadcast %broadcast_in_dim3A_487 : i32 to vector<16xi32>
      %mul3A_489 = arith.constant 32 : i32
      %mul3A_490 = vector.broadcast %mul3A_489 : i32 to vector<16xi32>
      %mul3A_491 = arith.muli %get3A_229, %mul3A_490 : vector<16xi32>
      %add3A_492 = arith.constant 12 : i32
      %add3A_493 = vector.broadcast %add3A_492 : i32 to vector<16xi32>
      %add3A_494 = arith.addi %mul3A_491, %add3A_493 : vector<16xi32>
      %gather3A_495 = tpu.vector_load_idx %arg14[%broadcast_in_dim3A_488, %add3A_223, %add3A_494] : memref<2x128x128xf32, #tpu.memory_space<vmem>>[vector<16xi32>, vector<16xi32>, vector<16xi32>], vector<16xf32>,
      %broadcast_in_dim3A_496 = arith.constant 0 : i32
      %broadcast_in_dim3A_497 = vector.broadcast %broadcast_in_dim3A_496 : i32 to vector<16xi32>
      %mul3A_498 = arith.constant 32 : i32
      %mul3A_499 = vector.broadcast %mul3A_498 : i32 to vector<16xi32>
      %mul3A_500 = arith.muli %get3A_235, %mul3A_499 : vector<16xi32>
      %add3A_501 = arith.constant 12 : i32
      %add3A_502 = vector.broadcast %add3A_501 : i32 to vector<16xi32>
      %add3A_503 = arith.addi %mul3A_500, %add3A_502 : vector<16xi32>
      %gather3A_504 = tpu.vector_load_idx %arg15[%broadcast_in_dim3A_497, %add3A_223, %add3A_503] : memref<2x128x128xf32, #tpu.memory_space<vmem>>[vector<16xi32>, vector<16xi32>, vector<16xi32>], vector<16xf32>,
      %sub3A_505 = arith.subf %gather3A_495, %gather3A_504 : vector<16xf32>
      %mul3A_506 = arith.mulf %sub3A_505, %sub3A_505 : vector<16xf32>
      %add3A_507 = arith.addf %add3A_486, %mul3A_506 : vector<16xf32>
      %broadcast_in_dim3A_508 = arith.constant 0 : i32
      %broadcast_in_dim3A_509 = vector.broadcast %broadcast_in_dim3A_508 : i32 to vector<16xi32>
      %mul3A_510 = arith.constant 32 : i32
      %mul3A_511 = vector.broadcast %mul3A_510 : i32 to vector<16xi32>
      %mul3A_512 = arith.muli %get3A_229, %mul3A_511 : vector<16xi32>
      %add3A_513 = arith.constant 13 : i32
      %add3A_514 = vector.broadcast %add3A_513 : i32 to vector<16xi32>
      %add3A_515 = arith.addi %mul3A_512, %add3A_514 : vector<16xi32>
      %gather3A_516 = tpu.vector_load_idx %arg14[%broadcast_in_dim3A_509, %add3A_223, %add3A_515] : memref<2x128x128xf32, #tpu.memory_space<vmem>>[vector<16xi32>, vector<16xi32>, vector<16xi32>], vector<16xf32>,
      %broadcast_in_dim3A_517 = arith.constant 0 : i32
      %broadcast_in_dim3A_518 = vector.broadcast %broadcast_in_dim3A_517 : i32 to vector<16xi32>
      %mul3A_519 = arith.constant 32 : i32
      %mul3A_520 = vector.broadcast %mul3A_519 : i32 to vector<16xi32>
      %mul3A_521 = arith.muli %get3A_235, %mul3A_520 : vector<16xi32>
      %add3A_522 = arith.constant 13 : i32
      %add3A_523 = vector.broadcast %add3A_522 : i32 to vector<16xi32>
      %add3A_524 = arith.addi %mul3A_521, %add3A_523 : vector<16xi32>
      %gather3A_525 = tpu.vector_load_idx %arg15[%broadcast_in_dim3A_518, %add3A_223, %add3A_524] : memref<2x128x128xf32, #tpu.memory_space<vmem>>[vector<16xi32>, vector<16xi32>, vector<16xi32>], vector<16xf32>,
      %sub3A_526 = arith.subf %gather3A_516, %gather3A_525 : vector<16xf32>
      %mul3A_527 = arith.mulf %sub3A_526, %sub3A_526 : vector<16xf32>
      %add3A_528 = arith.addf %add3A_507, %mul3A_527 : vector<16xf32>
      %broadcast_in_dim3A_529 = arith.constant 0 : i32
      %broadcast_in_dim3A_530 = vector.broadcast %broadcast_in_dim3A_529 : i32 to vector<16xi32>
      %mul3A_531 = arith.constant 32 : i32
      %mul3A_532 = vector.broadcast %mul3A_531 : i32 to vector<16xi32>
      %mul3A_533 = arith.muli %get3A_229, %mul3A_532 : vector<16xi32>
      %add3A_534 = arith.constant 14 : i32
      %add3A_535 = vector.broadcast %add3A_534 : i32 to vector<16xi32>
      %add3A_536 = arith.addi %mul3A_533, %add3A_535 : vector<16xi32>
      %gather3A_537 = tpu.vector_load_idx %arg14[%broadcast_in_dim3A_530, %add3A_223, %add3A_536] : memref<2x128x128xf32, #tpu.memory_space<vmem>>[vector<16xi32>, vector<16xi32>, vector<16xi32>], vector<16xf32>,
      %broadcast_in_dim3A_538 = arith.constant 0 : i32
      %broadcast_in_dim3A_539 = vector.broadcast %broadcast_in_dim3A_538 : i32 to vector<16xi32>
      %mul3A_540 = arith.constant 32 : i32
      %mul3A_541 = vector.broadcast %mul3A_540 : i32 to vector<16xi32>
      %mul3A_542 = arith.muli %get3A_235, %mul3A_541 : vector<16xi32>
      %add3A_543 = arith.constant 14 : i32
      %add3A_544 = vector.broadcast %add3A_543 : i32 to vector<16xi32>
      %add3A_545 = arith.addi %mul3A_542, %add3A_544 : vector<16xi32>
      %gather3A_546 = tpu.vector_load_idx %arg15[%broadcast_in_dim3A_539, %add3A_223, %add3A_545] : memref<2x128x128xf32, #tpu.memory_space<vmem>>[vector<16xi32>, vector<16xi32>, vector<16xi32>], vector<16xf32>,
      %sub3A_547 = arith.subf %gather3A_537, %gather3A_546 : vector<16xf32>
      %mul3A_548 = arith.mulf %sub3A_547, %sub3A_547 : vector<16xf32>
      %add3A_549 = arith.addf %add3A_528, %mul3A_548 : vector<16xf32>
      %broadcast_in_dim3A_550 = arith.constant 0 : i32
      %broadcast_in_dim3A_551 = vector.broadcast %broadcast_in_dim3A_550 : i32 to vector<16xi32>
      %mul3A_552 = arith.constant 32 : i32
      %mul3A_553 = vector.broadcast %mul3A_552 : i32 to vector<16xi32>
      %mul3A_554 = arith.muli %get3A_229, %mul3A_553 : vector<16xi32>
      %add3A_555 = arith.constant 15 : i32
      %add3A_556 = vector.broadcast %add3A_555 : i32 to vector<16xi32>
      %add3A_557 = arith.addi %mul3A_554, %add3A_556 : vector<16xi32>
      %gather3A_558 = tpu.vector_load_idx %arg14[%broadcast_in_dim3A_551, %add3A_223, %add3A_557] : memref<2x128x128xf32, #tpu.memory_space<vmem>>[vector<16xi32>, vector<16xi32>, vector<16xi32>], vector<16xf32>,
      %broadcast_in_dim3A_559 = arith.constant 0 : i32
      %broadcast_in_dim3A_560 = vector.broadcast %broadcast_in_dim3A_559 : i32 to vector<16xi32>
      %mul3A_561 = arith.constant 32 : i32
      %mul3A_562 = vector.broadcast %mul3A_561 : i32 to vector<16xi32>
      %mul3A_563 = arith.muli %get3A_235, %mul3A_562 : vector<16xi32>
      %add3A_564 = arith.constant 15 : i32
      %add3A_565 = vector.broadcast %add3A_564 : i32 to vector<16xi32>
      %add3A_566 = arith.addi %mul3A_563, %add3A_565 : vector<16xi32>
      %gather3A_567 = tpu.vector_load_idx %arg15[%broadcast_in_dim3A_560, %add3A_223, %add3A_566] : memref<2x128x128xf32, #tpu.memory_space<vmem>>[vector<16xi32>, vector<16xi32>, vector<16xi32>], vector<16xf32>,
      %sub3A_568 = arith.subf %gather3A_558, %gather3A_567 : vector<16xf32>
      %mul3A_569 = arith.mulf %sub3A_568, %sub3A_568 : vector<16xf32>
      %add3A_570 = arith.addf %add3A_549, %mul3A_569 : vector<16xf32>
      %broadcast_in_dim3A_571 = arith.constant 0 : i32
      %broadcast_in_dim3A_572 = vector.broadcast %broadcast_in_dim3A_571 : i32 to vector<16xi32>
      %mul3A_573 = arith.constant 32 : i32
      %mul3A_574 = vector.broadcast %mul3A_573 : i32 to vector<16xi32>
      %mul3A_575 = arith.muli %get3A_229, %mul3A_574 : vector<16xi32>
      %add3A_576 = arith.constant 16 : i32
      %add3A_577 = vector.broadcast %add3A_576 : i32 to vector<16xi32>
      %add3A_578 = arith.addi %mul3A_575, %add3A_577 : vector<16xi32>
      %gather3A_579 = tpu.vector_load_idx %arg14[%broadcast_in_dim3A_572, %add3A_223, %add3A_578] : memref<2x128x128xf32, #tpu.memory_space<vmem>>[vector<16xi32>, vector<16xi32>, vector<16xi32>], vector<16xf32>,
      %broadcast_in_dim3A_580 = arith.constant 0 : i32
      %broadcast_in_dim3A_581 = vector.broadcast %broadcast_in_dim3A_580 : i32 to vector<16xi32>
      %mul3A_582 = arith.constant 32 : i32
      %mul3A_583 = vector.broadcast %mul3A_582 : i32 to vector<16xi32>
      %mul3A_584 = arith.muli %get3A_235, %mul3A_583 : vector<16xi32>
      %add3A_585 = arith.constant 16 : i32
      %add3A_586 = vector.broadcast %add3A_585 : i32 to vector<16xi32>
      %add3A_587 = arith.addi %mul3A_584, %add3A_586 : vector<16xi32>
      %gather3A_588 = tpu.vector_load_idx %arg15[%broadcast_in_dim3A_581, %add3A_223, %add3A_587] : memref<2x128x128xf32, #tpu.memory_space<vmem>>[vector<16xi32>, vector<16xi32>, vector<16xi32>], vector<16xf32>,
      %sub3A_589 = arith.subf %gather3A_579, %gather3A_588 : vector<16xf32>
      %mul3A_590 = arith.mulf %sub3A_589, %sub3A_589 : vector<16xf32>
      %add3A_591 = arith.addf %add3A_570, %mul3A_590 : vector<16xf32>
      %broadcast_in_dim3A_592 = arith.constant 0 : i32
      %broadcast_in_dim3A_593 = vector.broadcast %broadcast_in_dim3A_592 : i32 to vector<16xi32>
      %mul3A_594 = arith.constant 32 : i32
      %mul3A_595 = vector.broadcast %mul3A_594 : i32 to vector<16xi32>
      %mul3A_596 = arith.muli %get3A_229, %mul3A_595 : vector<16xi32>
      %add3A_597 = arith.constant 17 : i32
      %add3A_598 = vector.broadcast %add3A_597 : i32 to vector<16xi32>
      %add3A_599 = arith.addi %mul3A_596, %add3A_598 : vector<16xi32>
      %gather3A_600 = tpu.vector_load_idx %arg14[%broadcast_in_dim3A_593, %add3A_223, %add3A_599] : memref<2x128x128xf32, #tpu.memory_space<vmem>>[vector<16xi32>, vector<16xi32>, vector<16xi32>], vector<16xf32>,
      %broadcast_in_dim3A_601 = arith.constant 0 : i32
      %broadcast_in_dim3A_602 = vector.broadcast %broadcast_in_dim3A_601 : i32 to vector<16xi32>
      %mul3A_603 = arith.constant 32 : i32
      %mul3A_604 = vector.broadcast %mul3A_603 : i32 to vector<16xi32>
      %mul3A_605 = arith.muli %get3A_235, %mul3A_604 : vector<16xi32>
      %add3A_606 = arith.constant 17 : i32
      %add3A_607 = vector.broadcast %add3A_606 : i32 to vector<16xi32>
      %add3A_608 = arith.addi %mul3A_605, %add3A_607 : vector<16xi32>
      %gather3A_609 = tpu.vector_load_idx %arg15[%broadcast_in_dim3A_602, %add3A_223, %add3A_608] : memref<2x128x128xf32, #tpu.memory_space<vmem>>[vector<16xi32>, vector<16xi32>, vector<16xi32>], vector<16xf32>,
      %sub3A_610 = arith.subf %gather3A_600, %gather3A_609 : vector<16xf32>
      %mul3A_611 = arith.mulf %sub3A_610, %sub3A_610 : vector<16xf32>
      %add3A_612 = arith.addf %add3A_591, %mul3A_611 : vector<16xf32>
      %broadcast_in_dim3A_613 = arith.constant 0 : i32
      %broadcast_in_dim3A_614 = vector.broadcast %broadcast_in_dim3A_613 : i32 to vector<16xi32>
      %mul3A_615 = arith.constant 32 : i32
      %mul3A_616 = vector.broadcast %mul3A_615 : i32 to vector<16xi32>
      %mul3A_617 = arith.muli %get3A_229, %mul3A_616 : vector<16xi32>
      %add3A_618 = arith.constant 18 : i32
      %add3A_619 = vector.broadcast %add3A_618 : i32 to vector<16xi32>
      %add3A_620 = arith.addi %mul3A_617, %add3A_619 : vector<16xi32>
      %gather3A_621 = tpu.vector_load_idx %arg14[%broadcast_in_dim3A_614, %add3A_223, %add3A_620] : memref<2x128x128xf32, #tpu.memory_space<vmem>>[vector<16xi32>, vector<16xi32>, vector<16xi32>], vector<16xf32>,
      %broadcast_in_dim3A_622 = arith.constant 0 : i32
      %broadcast_in_dim3A_623 = vector.broadcast %broadcast_in_dim3A_622 : i32 to vector<16xi32>
      %mul3A_624 = arith.constant 32 : i32
      %mul3A_625 = vector.broadcast %mul3A_624 : i32 to vector<16xi32>
      %mul3A_626 = arith.muli %get3A_235, %mul3A_625 : vector<16xi32>
      %add3A_627 = arith.constant 18 : i32
      %add3A_628 = vector.broadcast %add3A_627 : i32 to vector<16xi32>
      %add3A_629 = arith.addi %mul3A_626, %add3A_628 : vector<16xi32>
      %gather3A_630 = tpu.vector_load_idx %arg15[%broadcast_in_dim3A_623, %add3A_223, %add3A_629] : memref<2x128x128xf32, #tpu.memory_space<vmem>>[vector<16xi32>, vector<16xi32>, vector<16xi32>], vector<16xf32>,
      %sub3A_631 = arith.subf %gather3A_621, %gather3A_630 : vector<16xf32>
      %mul3A_632 = arith.mulf %sub3A_631, %sub3A_631 : vector<16xf32>
      %add3A_633 = arith.addf %add3A_612, %mul3A_632 : vector<16xf32>
      %broadcast_in_dim3A_634 = arith.constant 0 : i32
      %broadcast_in_dim3A_635 = vector.broadcast %broadcast_in_dim3A_634 : i32 to vector<16xi32>
      %mul3A_636 = arith.constant 32 : i32
      %mul3A_637 = vector.broadcast %mul3A_636 : i32 to vector<16xi32>
      %mul3A_638 = arith.muli %get3A_229, %mul3A_637 : vector<16xi32>
      %add3A_639 = arith.constant 19 : i32
      %add3A_640 = vector.broadcast %add3A_639 : i32 to vector<16xi32>
      %add3A_641 = arith.addi %mul3A_638, %add3A_640 : vector<16xi32>
      %gather3A_642 = tpu.vector_load_idx %arg14[%broadcast_in_dim3A_635, %add3A_223, %add3A_641] : memref<2x128x128xf32, #tpu.memory_space<vmem>>[vector<16xi32>, vector<16xi32>, vector<16xi32>], vector<16xf32>,
      %broadcast_in_dim3A_643 = arith.constant 0 : i32
      %broadcast_in_dim3A_644 = vector.broadcast %broadcast_in_dim3A_643 : i32 to vector<16xi32>
      %mul3A_645 = arith.constant 32 : i32
      %mul3A_646 = vector.broadcast %mul3A_645 : i32 to vector<16xi32>
      %mul3A_647 = arith.muli %get3A_235, %mul3A_646 : vector<16xi32>
      %add3A_648 = arith.constant 19 : i32
      %add3A_649 = vector.broadcast %add3A_648 : i32 to vector<16xi32>
      %add3A_650 = arith.addi %mul3A_647, %add3A_649 : vector<16xi32>
      %gather3A_651 = tpu.vector_load_idx %arg15[%broadcast_in_dim3A_644, %add3A_223, %add3A_650] : memref<2x128x128xf32, #tpu.memory_space<vmem>>[vector<16xi32>, vector<16xi32>, vector<16xi32>], vector<16xf32>,
      %sub3A_652 = arith.subf %gather3A_642, %gather3A_651 : vector<16xf32>
      %mul3A_653 = arith.mulf %sub3A_652, %sub3A_652 : vector<16xf32>
      %add3A_654 = arith.addf %add3A_633, %mul3A_653 : vector<16xf32>
      %broadcast_in_dim3A_655 = arith.constant 0 : i32
      %broadcast_in_dim3A_656 = vector.broadcast %broadcast_in_dim3A_655 : i32 to vector<16xi32>
      %mul3A_657 = arith.constant 32 : i32
      %mul3A_658 = vector.broadcast %mul3A_657 : i32 to vector<16xi32>
      %mul3A_659 = arith.muli %get3A_229, %mul3A_658 : vector<16xi32>
      %add3A_660 = arith.constant 20 : i32
      %add3A_661 = vector.broadcast %add3A_660 : i32 to vector<16xi32>
      %add3A_662 = arith.addi %mul3A_659, %add3A_661 : vector<16xi32>
      %gather3A_663 = tpu.vector_load_idx %arg14[%broadcast_in_dim3A_656, %add3A_223, %add3A_662] : memref<2x128x128xf32, #tpu.memory_space<vmem>>[vector<16xi32>, vector<16xi32>, vector<16xi32>], vector<16xf32>,
      %broadcast_in_dim3A_664 = arith.constant 0 : i32
      %broadcast_in_dim3A_665 = vector.broadcast %broadcast_in_dim3A_664 : i32 to vector<16xi32>
      %mul3A_666 = arith.constant 32 : i32
      %mul3A_667 = vector.broadcast %mul3A_666 : i32 to vector<16xi32>
      %mul3A_668 = arith.muli %get3A_235, %mul3A_667 : vector<16xi32>
      %add3A_669 = arith.constant 20 : i32
      %add3A_670 = vector.broadcast %add3A_669 : i32 to vector<16xi32>
      %add3A_671 = arith.addi %mul3A_668, %add3A_670 : vector<16xi32>
      %gather3A_672 = tpu.vector_load_idx %arg15[%broadcast_in_dim3A_665, %add3A_223, %add3A_671] : memref<2x128x128xf32, #tpu.memory_space<vmem>>[vector<16xi32>, vector<16xi32>, vector<16xi32>], vector<16xf32>,
      %sub3A_673 = arith.subf %gather3A_663, %gather3A_672 : vector<16xf32>
      %mul3A_674 = arith.mulf %sub3A_673, %sub3A_673 : vector<16xf32>
      %add3A_675 = arith.addf %add3A_654, %mul3A_674 : vector<16xf32>
      %broadcast_in_dim3A_676 = arith.constant 0 : i32
      %broadcast_in_dim3A_677 = vector.broadcast %broadcast_in_dim3A_676 : i32 to vector<16xi32>
      %mul3A_678 = arith.constant 32 : i32
      %mul3A_679 = vector.broadcast %mul3A_678 : i32 to vector<16xi32>
      %mul3A_680 = arith.muli %get3A_229, %mul3A_679 : vector<16xi32>
      %add3A_681 = arith.constant 21 : i32
      %add3A_682 = vector.broadcast %add3A_681 : i32 to vector<16xi32>
      %add3A_683 = arith.addi %mul3A_680, %add3A_682 : vector<16xi32>
      %gather3A_684 = tpu.vector_load_idx %arg14[%broadcast_in_dim3A_677, %add3A_223, %add3A_683] : memref<2x128x128xf32, #tpu.memory_space<vmem>>[vector<16xi32>, vector<16xi32>, vector<16xi32>], vector<16xf32>,
      %broadcast_in_dim3A_685 = arith.constant 0 : i32
      %broadcast_in_dim3A_686 = vector.broadcast %broadcast_in_dim3A_685 : i32 to vector<16xi32>
      %mul3A_687 = arith.constant 32 : i32
      %mul3A_688 = vector.broadcast %mul3A_687 : i32 to vector<16xi32>
      %mul3A_689 = arith.muli %get3A_235, %mul3A_688 : vector<16xi32>
      %add3A_690 = arith.constant 21 : i32
      %add3A_691 = vector.broadcast %add3A_690 : i32 to vector<16xi32>
      %add3A_692 = arith.addi %mul3A_689, %add3A_691 : vector<16xi32>
      %gather3A_693 = tpu.vector_load_idx %arg15[%broadcast_in_dim3A_686, %add3A_223, %add3A_692] : memref<2x128x128xf32, #tpu.memory_space<vmem>>[vector<16xi32>, vector<16xi32>, vector<16xi32>], vector<16xf32>,
      %sub3A_694 = arith.subf %gather3A_684, %gather3A_693 : vector<16xf32>
      %mul3A_695 = arith.mulf %sub3A_694, %sub3A_694 : vector<16xf32>
      %add3A_696 = arith.addf %add3A_675, %mul3A_695 : vector<16xf32>
      %broadcast_in_dim3A_697 = arith.constant 0 : i32
      %broadcast_in_dim3A_698 = vector.broadcast %broadcast_in_dim3A_697 : i32 to vector<16xi32>
      %mul3A_699 = arith.constant 32 : i32
      %mul3A_700 = vector.broadcast %mul3A_699 : i32 to vector<16xi32>
      %mul3A_701 = arith.muli %get3A_229, %mul3A_700 : vector<16xi32>
      %add3A_702 = arith.constant 22 : i32
      %add3A_703 = vector.broadcast %add3A_702 : i32 to vector<16xi32>
      %add3A_704 = arith.addi %mul3A_701, %add3A_703 : vector<16xi32>
      %gather3A_705 = tpu.vector_load_idx %arg14[%broadcast_in_dim3A_698, %add3A_223, %add3A_704] : memref<2x128x128xf32, #tpu.memory_space<vmem>>[vector<16xi32>, vector<16xi32>, vector<16xi32>], vector<16xf32>,
      %broadcast_in_dim3A_706 = arith.constant 0 : i32
      %broadcast_in_dim3A_707 = vector.broadcast %broadcast_in_dim3A_706 : i32 to vector<16xi32>
      %mul3A_708 = arith.constant 32 : i32
      %mul3A_709 = vector.broadcast %mul3A_708 : i32 to vector<16xi32>
      %mul3A_710 = arith.muli %get3A_235, %mul3A_709 : vector<16xi32>
      %add3A_711 = arith.constant 22 : i32
      %add3A_712 = vector.broadcast %add3A_711 : i32 to vector<16xi32>
      %add3A_713 = arith.addi %mul3A_710, %add3A_712 : vector<16xi32>
      %gather3A_714 = tpu.vector_load_idx %arg15[%broadcast_in_dim3A_707, %add3A_223, %add3A_713] : memref<2x128x128xf32, #tpu.memory_space<vmem>>[vector<16xi32>, vector<16xi32>, vector<16xi32>], vector<16xf32>,
      %sub3A_715 = arith.subf %gather3A_705, %gather3A_714 : vector<16xf32>
      %mul3A_716 = arith.mulf %sub3A_715, %sub3A_715 : vector<16xf32>
      %add3A_717 = arith.addf %add3A_696, %mul3A_716 : vector<16xf32>
      %broadcast_in_dim3A_718 = arith.constant 0 : i32
      %broadcast_in_dim3A_719 = vector.broadcast %broadcast_in_dim3A_718 : i32 to vector<16xi32>
      %mul3A_720 = arith.constant 32 : i32
      %mul3A_721 = vector.broadcast %mul3A_720 : i32 to vector<16xi32>
      %mul3A_722 = arith.muli %get3A_229, %mul3A_721 : vector<16xi32>
      %add3A_723 = arith.constant 23 : i32
      %add3A_724 = vector.broadcast %add3A_723 : i32 to vector<16xi32>
      %add3A_725 = arith.addi %mul3A_722, %add3A_724 : vector<16xi32>
      %gather3A_726 = tpu.vector_load_idx %arg14[%broadcast_in_dim3A_719, %add3A_223, %add3A_725] : memref<2x128x128xf32, #tpu.memory_space<vmem>>[vector<16xi32>, vector<16xi32>, vector<16xi32>], vector<16xf32>,
      %broadcast_in_dim3A_727 = arith.constant 0 : i32
      %broadcast_in_dim3A_728 = vector.broadcast %broadcast_in_dim3A_727 : i32 to vector<16xi32>
      %mul3A_729 = arith.constant 32 : i32
      %mul3A_730 = vector.broadcast %mul3A_729 : i32 to vector<16xi32>
      %mul3A_731 = arith.muli %get3A_235, %mul3A_730 : vector<16xi32>
      %add3A_732 = arith.constant 23 : i32
      %add3A_733 = vector.broadcast %add3A_732 : i32 to vector<16xi32>
      %add3A_734 = arith.addi %mul3A_731, %add3A_733 : vector<16xi32>
      %gather3A_735 = tpu.vector_load_idx %arg15[%broadcast_in_dim3A_728, %add3A_223, %add3A_734] : memref<2x128x128xf32, #tpu.memory_space<vmem>>[vector<16xi32>, vector<16xi32>, vector<16xi32>], vector<16xf32>,
      %sub3A_736 = arith.subf %gather3A_726, %gather3A_735 : vector<16xf32>
      %mul3A_737 = arith.mulf %sub3A_736, %sub3A_736 : vector<16xf32>
      %add3A_738 = arith.addf %add3A_717, %mul3A_737 : vector<16xf32>
      %broadcast_in_dim3A_739 = arith.constant 0 : i32
      %broadcast_in_dim3A_740 = vector.broadcast %broadcast_in_dim3A_739 : i32 to vector<16xi32>
      %mul3A_741 = arith.constant 32 : i32
      %mul3A_742 = vector.broadcast %mul3A_741 : i32 to vector<16xi32>
      %mul3A_743 = arith.muli %get3A_229, %mul3A_742 : vector<16xi32>
      %add3A_744 = arith.constant 24 : i32
      %add3A_745 = vector.broadcast %add3A_744 : i32 to vector<16xi32>
      %add3A_746 = arith.addi %mul3A_743, %add3A_745 : vector<16xi32>
      %gather3A_747 = tpu.vector_load_idx %arg14[%broadcast_in_dim3A_740, %add3A_223, %add3A_746] : memref<2x128x128xf32, #tpu.memory_space<vmem>>[vector<16xi32>, vector<16xi32>, vector<16xi32>], vector<16xf32>,
      %broadcast_in_dim3A_748 = arith.constant 0 : i32
      %broadcast_in_dim3A_749 = vector.broadcast %broadcast_in_dim3A_748 : i32 to vector<16xi32>
      %mul3A_750 = arith.constant 32 : i32
      %mul3A_751 = vector.broadcast %mul3A_750 : i32 to vector<16xi32>
      %mul3A_752 = arith.muli %get3A_235, %mul3A_751 : vector<16xi32>
      %add3A_753 = arith.constant 24 : i32
      %add3A_754 = vector.broadcast %add3A_753 : i32 to vector<16xi32>
      %add3A_755 = arith.addi %mul3A_752, %add3A_754 : vector<16xi32>
      %gather3A_756 = tpu.vector_load_idx %arg15[%broadcast_in_dim3A_749, %add3A_223, %add3A_755] : memref<2x128x128xf32, #tpu.memory_space<vmem>>[vector<16xi32>, vector<16xi32>, vector<16xi32>], vector<16xf32>,
      %sub3A_757 = arith.subf %gather3A_747, %gather3A_756 : vector<16xf32>
      %mul3A_758 = arith.mulf %sub3A_757, %sub3A_757 : vector<16xf32>
      %add3A_759 = arith.addf %add3A_738, %mul3A_758 : vector<16xf32>
      %broadcast_in_dim3A_760 = arith.constant 0 : i32
      %broadcast_in_dim3A_761 = vector.broadcast %broadcast_in_dim3A_760 : i32 to vector<16xi32>
      %mul3A_762 = arith.constant 32 : i32
      %mul3A_763 = vector.broadcast %mul3A_762 : i32 to vector<16xi32>
      %mul3A_764 = arith.muli %get3A_229, %mul3A_763 : vector<16xi32>
      %add3A_765 = arith.constant 25 : i32
      %add3A_766 = vector.broadcast %add3A_765 : i32 to vector<16xi32>
      %add3A_767 = arith.addi %mul3A_764, %add3A_766 : vector<16xi32>
      %gather3A_768 = tpu.vector_load_idx %arg14[%broadcast_in_dim3A_761, %add3A_223, %add3A_767] : memref<2x128x128xf32, #tpu.memory_space<vmem>>[vector<16xi32>, vector<16xi32>, vector<16xi32>], vector<16xf32>,
      %broadcast_in_dim3A_769 = arith.constant 0 : i32
      %broadcast_in_dim3A_770 = vector.broadcast %broadcast_in_dim3A_769 : i32 to vector<16xi32>
      %mul3A_771 = arith.constant 32 : i32
      %mul3A_772 = vector.broadcast %mul3A_771 : i32 to vector<16xi32>
      %mul3A_773 = arith.muli %get3A_235, %mul3A_772 : vector<16xi32>
      %add3A_774 = arith.constant 25 : i32
      %add3A_775 = vector.broadcast %add3A_774 : i32 to vector<16xi32>
      %add3A_776 = arith.addi %mul3A_773, %add3A_775 : vector<16xi32>
      %gather3A_777 = tpu.vector_load_idx %arg15[%broadcast_in_dim3A_770, %add3A_223, %add3A_776] : memref<2x128x128xf32, #tpu.memory_space<vmem>>[vector<16xi32>, vector<16xi32>, vector<16xi32>], vector<16xf32>,
      %sub3A_778 = arith.subf %gather3A_768, %gather3A_777 : vector<16xf32>
      %mul3A_779 = arith.mulf %sub3A_778, %sub3A_778 : vector<16xf32>
      %add3A_780 = arith.addf %add3A_759, %mul3A_779 : vector<16xf32>
      %broadcast_in_dim3A_781 = arith.constant 0 : i32
      %broadcast_in_dim3A_782 = vector.broadcast %broadcast_in_dim3A_781 : i32 to vector<16xi32>
      %mul3A_783 = arith.constant 32 : i32
      %mul3A_784 = vector.broadcast %mul3A_783 : i32 to vector<16xi32>
      %mul3A_785 = arith.muli %get3A_229, %mul3A_784 : vector<16xi32>
      %add3A_786 = arith.constant 26 : i32
      %add3A_787 = vector.broadcast %add3A_786 : i32 to vector<16xi32>
      %add3A_788 = arith.addi %mul3A_785, %add3A_787 : vector<16xi32>
      %gather3A_789 = tpu.vector_load_idx %arg14[%broadcast_in_dim3A_782, %add3A_223, %add3A_788] : memref<2x128x128xf32, #tpu.memory_space<vmem>>[vector<16xi32>, vector<16xi32>, vector<16xi32>], vector<16xf32>,
      %broadcast_in_dim3A_790 = arith.constant 0 : i32
      %broadcast_in_dim3A_791 = vector.broadcast %broadcast_in_dim3A_790 : i32 to vector<16xi32>
      %mul3A_792 = arith.constant 32 : i32
      %mul3A_793 = vector.broadcast %mul3A_792 : i32 to vector<16xi32>
      %mul3A_794 = arith.muli %get3A_235, %mul3A_793 : vector<16xi32>
      %add3A_795 = arith.constant 26 : i32
      %add3A_796 = vector.broadcast %add3A_795 : i32 to vector<16xi32>
      %add3A_797 = arith.addi %mul3A_794, %add3A_796 : vector<16xi32>
      %gather3A_798 = tpu.vector_load_idx %arg15[%broadcast_in_dim3A_791, %add3A_223, %add3A_797] : memref<2x128x128xf32, #tpu.memory_space<vmem>>[vector<16xi32>, vector<16xi32>, vector<16xi32>], vector<16xf32>,
      %sub3A_799 = arith.subf %gather3A_789, %gather3A_798 : vector<16xf32>
      %mul3A_800 = arith.mulf %sub3A_799, %sub3A_799 : vector<16xf32>
      %add3A_801 = arith.addf %add3A_780, %mul3A_800 : vector<16xf32>
      %broadcast_in_dim3A_802 = arith.constant 0 : i32
      %broadcast_in_dim3A_803 = vector.broadcast %broadcast_in_dim3A_802 : i32 to vector<16xi32>
      %mul3A_804 = arith.constant 32 : i32
      %mul3A_805 = vector.broadcast %mul3A_804 : i32 to vector<16xi32>
      %mul3A_806 = arith.muli %get3A_229, %mul3A_805 : vector<16xi32>
      %add3A_807 = arith.constant 27 : i32
      %add3A_808 = vector.broadcast %add3A_807 : i32 to vector<16xi32>
      %add3A_809 = arith.addi %mul3A_806, %add3A_808 : vector<16xi32>
      %gather3A_810 = tpu.vector_load_idx %arg14[%broadcast_in_dim3A_803, %add3A_223, %add3A_809] : memref<2x128x128xf32, #tpu.memory_space<vmem>>[vector<16xi32>, vector<16xi32>, vector<16xi32>], vector<16xf32>,
      %broadcast_in_dim3A_811 = arith.constant 0 : i32
      %broadcast_in_dim3A_812 = vector.broadcast %broadcast_in_dim3A_811 : i32 to vector<16xi32>
      %mul3A_813 = arith.constant 32 : i32
      %mul3A_814 = vector.broadcast %mul3A_813 : i32 to vector<16xi32>
      %mul3A_815 = arith.muli %get3A_235, %mul3A_814 : vector<16xi32>
      %add3A_816 = arith.constant 27 : i32
      %add3A_817 = vector.broadcast %add3A_816 : i32 to vector<16xi32>
      %add3A_818 = arith.addi %mul3A_815, %add3A_817 : vector<16xi32>
      %gather3A_819 = tpu.vector_load_idx %arg15[%broadcast_in_dim3A_812, %add3A_223, %add3A_818] : memref<2x128x128xf32, #tpu.memory_space<vmem>>[vector<16xi32>, vector<16xi32>, vector<16xi32>], vector<16xf32>,
      %sub3A_820 = arith.subf %gather3A_810, %gather3A_819 : vector<16xf32>
      %mul3A_821 = arith.mulf %sub3A_820, %sub3A_820 : vector<16xf32>
      %add3A_822 = arith.addf %add3A_801, %mul3A_821 : vector<16xf32>
      %broadcast_in_dim3A_823 = arith.constant 0 : i32
      %broadcast_in_dim3A_824 = vector.broadcast %broadcast_in_dim3A_823 : i32 to vector<16xi32>
      %mul3A_825 = arith.constant 32 : i32
      %mul3A_826 = vector.broadcast %mul3A_825 : i32 to vector<16xi32>
      %mul3A_827 = arith.muli %get3A_229, %mul3A_826 : vector<16xi32>
      %add3A_828 = arith.constant 28 : i32
      %add3A_829 = vector.broadcast %add3A_828 : i32 to vector<16xi32>
      %add3A_830 = arith.addi %mul3A_827, %add3A_829 : vector<16xi32>
      %gather3A_831 = tpu.vector_load_idx %arg14[%broadcast_in_dim3A_824, %add3A_223, %add3A_830] : memref<2x128x128xf32, #tpu.memory_space<vmem>>[vector<16xi32>, vector<16xi32>, vector<16xi32>], vector<16xf32>,
      %broadcast_in_dim3A_832 = arith.constant 0 : i32
      %broadcast_in_dim3A_833 = vector.broadcast %broadcast_in_dim3A_832 : i32 to vector<16xi32>
      %mul3A_834 = arith.constant 32 : i32
      %mul3A_835 = vector.broadcast %mul3A_834 : i32 to vector<16xi32>
      %mul3A_836 = arith.muli %get3A_235, %mul3A_835 : vector<16xi32>
      %add3A_837 = arith.constant 28 : i32
      %add3A_838 = vector.broadcast %add3A_837 : i32 to vector<16xi32>
      %add3A_839 = arith.addi %mul3A_836, %add3A_838 : vector<16xi32>
      %gather3A_840 = tpu.vector_load_idx %arg15[%broadcast_in_dim3A_833, %add3A_223, %add3A_839] : memref<2x128x128xf32, #tpu.memory_space<vmem>>[vector<16xi32>, vector<16xi32>, vector<16xi32>], vector<16xf32>,
      %sub3A_841 = arith.subf %gather3A_831, %gather3A_840 : vector<16xf32>
      %mul3A_842 = arith.mulf %sub3A_841, %sub3A_841 : vector<16xf32>
      %add3A_843 = arith.addf %add3A_822, %mul3A_842 : vector<16xf32>
      %broadcast_in_dim3A_844 = arith.constant 0 : i32
      %broadcast_in_dim3A_845 = vector.broadcast %broadcast_in_dim3A_844 : i32 to vector<16xi32>
      %mul3A_846 = arith.constant 32 : i32
      %mul3A_847 = vector.broadcast %mul3A_846 : i32 to vector<16xi32>
      %mul3A_848 = arith.muli %get3A_229, %mul3A_847 : vector<16xi32>
      %add3A_849 = arith.constant 29 : i32
      %add3A_850 = vector.broadcast %add3A_849 : i32 to vector<16xi32>
      %add3A_851 = arith.addi %mul3A_848, %add3A_850 : vector<16xi32>
      %gather3A_852 = tpu.vector_load_idx %arg14[%broadcast_in_dim3A_845, %add3A_223, %add3A_851] : memref<2x128x128xf32, #tpu.memory_space<vmem>>[vector<16xi32>, vector<16xi32>, vector<16xi32>], vector<16xf32>,
      %broadcast_in_dim3A_853 = arith.constant 0 : i32
      %broadcast_in_dim3A_854 = vector.broadcast %broadcast_in_dim3A_853 : i32 to vector<16xi32>
      %mul3A_855 = arith.constant 32 : i32
      %mul3A_856 = vector.broadcast %mul3A_855 : i32 to vector<16xi32>
      %mul3A_857 = arith.muli %get3A_235, %mul3A_856 : vector<16xi32>
      %add3A_858 = arith.constant 29 : i32
      %add3A_859 = vector.broadcast %add3A_858 : i32 to vector<16xi32>
      %add3A_860 = arith.addi %mul3A_857, %add3A_859 : vector<16xi32>
      %gather3A_861 = tpu.vector_load_idx %arg15[%broadcast_in_dim3A_854, %add3A_223, %add3A_860] : memref<2x128x128xf32, #tpu.memory_space<vmem>>[vector<16xi32>, vector<16xi32>, vector<16xi32>], vector<16xf32>,
      %sub3A_862 = arith.subf %gather3A_852, %gather3A_861 : vector<16xf32>
      %mul3A_863 = arith.mulf %sub3A_862, %sub3A_862 : vector<16xf32>
      %add3A_864 = arith.addf %add3A_843, %mul3A_863 : vector<16xf32>
      %broadcast_in_dim3A_865 = arith.constant 0 : i32
      %broadcast_in_dim3A_866 = vector.broadcast %broadcast_in_dim3A_865 : i32 to vector<16xi32>
      %mul3A_867 = arith.constant 32 : i32
      %mul3A_868 = vector.broadcast %mul3A_867 : i32 to vector<16xi32>
      %mul3A_869 = arith.muli %get3A_229, %mul3A_868 : vector<16xi32>
      %add3A_870 = arith.constant 30 : i32
      %add3A_871 = vector.broadcast %add3A_870 : i32 to vector<16xi32>
      %add3A_872 = arith.addi %mul3A_869, %add3A_871 : vector<16xi32>
      %gather3A_873 = tpu.vector_load_idx %arg14[%broadcast_in_dim3A_866, %add3A_223, %add3A_872] : memref<2x128x128xf32, #tpu.memory_space<vmem>>[vector<16xi32>, vector<16xi32>, vector<16xi32>], vector<16xf32>,
      %broadcast_in_dim3A_874 = arith.constant 0 : i32
      %broadcast_in_dim3A_875 = vector.broadcast %broadcast_in_dim3A_874 : i32 to vector<16xi32>
      %mul3A_876 = arith.constant 32 : i32
      %mul3A_877 = vector.broadcast %mul3A_876 : i32 to vector<16xi32>
      %mul3A_878 = arith.muli %get3A_235, %mul3A_877 : vector<16xi32>
      %add3A_879 = arith.constant 30 : i32
      %add3A_880 = vector.broadcast %add3A_879 : i32 to vector<16xi32>
      %add3A_881 = arith.addi %mul3A_878, %add3A_880 : vector<16xi32>
      %gather3A_882 = tpu.vector_load_idx %arg15[%broadcast_in_dim3A_875, %add3A_223, %add3A_881] : memref<2x128x128xf32, #tpu.memory_space<vmem>>[vector<16xi32>, vector<16xi32>, vector<16xi32>], vector<16xf32>,
      %sub3A_883 = arith.subf %gather3A_873, %gather3A_882 : vector<16xf32>
      %mul3A_884 = arith.mulf %sub3A_883, %sub3A_883 : vector<16xf32>
      %add3A_885 = arith.addf %add3A_864, %mul3A_884 : vector<16xf32>
      %broadcast_in_dim3A_886 = arith.constant 0 : i32
      %broadcast_in_dim3A_887 = vector.broadcast %broadcast_in_dim3A_886 : i32 to vector<16xi32>
      %mul3A_888 = arith.constant 32 : i32
      %mul3A_889 = vector.broadcast %mul3A_888 : i32 to vector<16xi32>
      %mul3A_890 = arith.muli %get3A_229, %mul3A_889 : vector<16xi32>
      %add3A_891 = arith.constant 31 : i32
      %add3A_892 = vector.broadcast %add3A_891 : i32 to vector<16xi32>
      %add3A_893 = arith.addi %mul3A_890, %add3A_892 : vector<16xi32>
      %gather3A_894 = tpu.vector_load_idx %arg14[%broadcast_in_dim3A_887, %add3A_223, %add3A_893] : memref<2x128x128xf32, #tpu.memory_space<vmem>>[vector<16xi32>, vector<16xi32>, vector<16xi32>], vector<16xf32>,
      %broadcast_in_dim3A_895 = arith.constant 0 : i32
      %broadcast_in_dim3A_896 = vector.broadcast %broadcast_in_dim3A_895 : i32 to vector<16xi32>
      %mul3A_897 = arith.constant 32 : i32
      %mul3A_898 = vector.broadcast %mul3A_897 : i32 to vector<16xi32>
      %mul3A_899 = arith.muli %get3A_235, %mul3A_898 : vector<16xi32>
      %add3A_900 = arith.constant 31 : i32
      %add3A_901 = vector.broadcast %add3A_900 : i32 to vector<16xi32>
      %add3A_902 = arith.addi %mul3A_899, %add3A_901 : vector<16xi32>
      %gather3A_903 = tpu.vector_load_idx %arg15[%broadcast_in_dim3A_896, %add3A_223, %add3A_902] : memref<2x128x128xf32, #tpu.memory_space<vmem>>[vector<16xi32>, vector<16xi32>, vector<16xi32>], vector<16xf32>,
      %sub3A_904 = arith.subf %gather3A_894, %gather3A_903 : vector<16xf32>
      %mul3A_905 = arith.mulf %sub3A_904, %sub3A_904 : vector<16xf32>
      %add3A_906 = arith.addf %add3A_885, %mul3A_905 : vector<16xf32>
      %mul3A_907 = arith.constant 5.000000e-01 : f32
      %mul3A_908 = vector.broadcast %mul3A_907 : f32 to vector<16xf32>
      %mul3A_909 = arith.mulf %add3A_906, %mul3A_908 : vector<16xf32>
      %bitcast3A = vector.bitcast %add3A_906 : vector<16xf32> to vector<16xi32>
      %shift_right_arithmetic3A = arith.constant 1 : i32
      %shift_right_arithmetic3A_910 = vector.broadcast %shift_right_arithmetic3A : i32 to vector<16xi32>
      %shift_right_arithmetic3A_911 = arith.shrsi %bitcast3A, %shift_right_arithmetic3A_910 : vector<16xi32>
      %sub3A_912 = arith.constant 1597463007 : i32
      %sub3A_913 = vector.broadcast %sub3A_912 : i32 to vector<16xi32>
      %sub3A_914 = arith.subi %sub3A_913, %shift_right_arithmetic3A_911 : vector<16xi32>
      %bitcast3A_915 = vector.bitcast %sub3A_914 : vector<16xi32> to vector<16xf32>
      %mul3A_916 = arith.mulf %mul3A_909, %bitcast3A_915 : vector<16xf32>
      %mul3A_917 = arith.mulf %mul3A_916, %bitcast3A_915 : vector<16xf32>
      %sub3A_918 = arith.constant 1.500000e+00 : f32
      %sub3A_919 = vector.broadcast %sub3A_918 : f32 to vector<16xf32>
      %sub3A_920 = arith.subf %sub3A_919, %mul3A_917 : vector<16xf32>
      %mul3A_921 = arith.mulf %bitcast3A_915, %sub3A_920 : vector<16xf32>
      %mul3A_922 = arith.mulf %mul3A_909, %mul3A_921 : vector<16xf32>
      %mul3A_923 = arith.mulf %mul3A_922, %mul3A_921 : vector<16xf32>
      %sub3A_924 = arith.constant 1.500000e+00 : f32
      %sub3A_925 = vector.broadcast %sub3A_924 : f32 to vector<16xf32>
      %sub3A_926 = arith.subf %sub3A_925, %mul3A_923 : vector<16xf32>
      %mul3A_927 = arith.mulf %mul3A_921, %sub3A_926 : vector<16xf32>
      %mul3A_928 = arith.mulf %mul3A_909, %mul3A_927 : vector<16xf32>
      %mul3A_929 = arith.mulf %mul3A_928, %mul3A_927 : vector<16xf32>
      %sub3A_930 = arith.constant 1.500000e+00 : f32
      %sub3A_931 = vector.broadcast %sub3A_930 : f32 to vector<16xf32>
      %sub3A_932 = arith.subf %sub3A_931, %mul3A_929 : vector<16xf32>
      %mul3A_933 = arith.mulf %mul3A_927, %sub3A_932 : vector<16xf32>
      %mul3A_934 = arith.mulf %add3A_906, %mul3A_933 : vector<16xf32>
      %mul3A_935 = arith.mulf %mul3A_934, %get3A_1 : vector<16xf32>
      %add3A_936 = arith.addf %mul3A_935, %get3A_3 : vector<16xf32>
      %mul3A_937 = arith.constant 16 : i32
      %mul3A_938 = arith.muli %scan3A_219, %mul3A_937 : i32
      %add3A_939 = arith.constant 256 : i32
      %add3A_940 = arith.addi %add3A_939, %mul3A_938 : i32
      %swap3A = arith.index_cast %add3A_940 : i32 to index
      %swap3A_941 = tpu.vector_load %arg17[%swap3A] {strides = array<i32>} : memref<512xf32, #tpu.memory_space<vmem>>, vector<16xf32>,
      tpu.vector_store %arg17[%swap3A], %add3A_936 {strides = array<i32>} : memref<512xf32, #tpu.memory_space<vmem>>, vector<16xf32>,
    }
    %scan3A_186 = arith.constant 8 : i32
    %dma_wait3A_187 = arith.constant 3 : i32
    %dma_wait3A_188 = arith.constant 1 : i32
    %dma_wait3A_189 = arith.constant 0 : i32
    %dma_wait3A_190 = arith.constant 0 : i32
    %dma_wait3A_191 = tpu.memref_slice %arg14[%dma_wait3A_188, %dma_wait3A_189, %dma_wait3A_190] : memref<2x128x128xf32, #tpu.memory_space<vmem>> -> memref<1x128x128xf32, #tpu.memory_space<vmem>>
    %dma_wait3A_192 = tpu.memref_squeeze %dma_wait3A_191 : memref<1x128x128xf32, #tpu.memory_space<vmem>> -> memref<128x128xf32, #tpu.memory_space<vmem>>
    %dma_wait3A_193 = arith.constant 0 : i32
    %dma_wait3A_194 = tpu.memref_slice %arg10[%dma_wait3A_187, %dma_wait3A_193] : memref<4x128xi32, #tpu.memory_space<vmem>> -> memref<1x128xi32, #tpu.memory_space<vmem>>
    %dma_wait3A_195 = tpu.memref_squeeze %dma_wait3A_194 : memref<1x128xi32, #tpu.memory_space<vmem>> -> memref<128xi32, #tpu.memory_space<vmem>>
    %dma_wait3A_196 = arith.constant 0 : i32
    %dma_wait3A_197 = arith.constant 0 : i32
    %dma_wait3A_198 = tpu.memref_slice %arg6[%dma_wait3A_196, %dma_wait3A_197] : memref<256000x128xf32, #tpu.memory_space<hbm>> -> memref<256000x128xf32, #tpu.memory_space<hbm>>
    tpu.wait_indirect_dma semaphore(%arg18 : memref<!tpu.dma_semaphore, #tpu.memory_space<semaphore_mem>>) src(%dma_wait3A_198 : memref<256000x128xf32, #tpu.memory_space<hbm>>) dst(%dma_wait3A_192 : memref<128x128xf32, #tpu.memory_space<vmem>>)
    %dma_wait3A_199 = arith.constant 3 : i32
    %dma_wait3A_200 = arith.constant 1 : i32
    %dma_wait3A_201 = arith.constant 0 : i32
    %dma_wait3A_202 = arith.constant 0 : i32
    %dma_wait3A_203 = tpu.memref_slice %arg15[%dma_wait3A_200, %dma_wait3A_201, %dma_wait3A_202] : memref<2x128x128xf32, #tpu.memory_space<vmem>> -> memref<1x128x128xf32, #tpu.memory_space<vmem>>
    %dma_wait3A_204 = tpu.memref_squeeze %dma_wait3A_203 : memref<1x128x128xf32, #tpu.memory_space<vmem>> -> memref<128x128xf32, #tpu.memory_space<vmem>>
    %dma_wait3A_205 = arith.constant 0 : i32
    %dma_wait3A_206 = tpu.memref_slice %arg12[%dma_wait3A_199, %dma_wait3A_205] : memref<4x128xi32, #tpu.memory_space<vmem>> -> memref<1x128xi32, #tpu.memory_space<vmem>>
    %dma_wait3A_207 = tpu.memref_squeeze %dma_wait3A_206 : memref<1x128xi32, #tpu.memory_space<vmem>> -> memref<128xi32, #tpu.memory_space<vmem>>
    %dma_wait3A_208 = arith.constant 0 : i32
    %dma_wait3A_209 = arith.constant 0 : i32
    %dma_wait3A_210 = tpu.memref_slice %arg7[%dma_wait3A_208, %dma_wait3A_209] : memref<256000x128xf32, #tpu.memory_space<hbm>> -> memref<256000x128xf32, #tpu.memory_space<hbm>>
    tpu.wait_indirect_dma semaphore(%arg18 : memref<!tpu.dma_semaphore, #tpu.memory_space<semaphore_mem>>) src(%dma_wait3A_210 : memref<256000x128xf32, #tpu.memory_space<hbm>>) dst(%dma_wait3A_204 : memref<128x128xf32, #tpu.memory_space<vmem>>)
    %scan3A_211 = arith.constant 0 : i32
    %scan3A_212 = arith.constant 0 : i32
    %scan3A_213 = arith.constant 8 : i32
    %scan3A_214 = arith.addi %scan3A_212, %scan3A_213 : i32
    %scan3A_215 = arith.constant 1 : i32
    scf.for %scan3A_219 = %scan3A_212 to %scan3A_214 step %scan3A_215  : i32 {
      %mul3A_220 = arith.constant 16 : i32
      %mul3A_221 = arith.muli %scan3A_219, %mul3A_220 : i32
      %add3A_222 = vector.broadcast %mul3A_221 : i32 to vector<16xi32>
      %add3A_223 = arith.addi %add3A_222, %iota3A : vector<16xi32>
      %mul3A_224 = arith.constant 16 : i32
      %mul3A_225 = arith.muli %scan3A_219, %mul3A_224 : i32
      %get3A_226 = arith.constant 3 : i32
      %get3A_227 = arith.index_cast %get3A_226 : i32 to index
      %get3A_228 = arith.index_cast %mul3A_225 : i32 to index
      %get3A_229 = tpu.vector_load %arg11[%get3A_227, %get3A_228] {strides = array<i32>} : memref<4x128xi32, #tpu.memory_space<vmem>>, vector<16xi32>,
      %mul3A_230 = arith.constant 16 : i32
      %mul3A_231 = arith.muli %scan3A_219, %mul3A_230 : i32
      %get3A_232 = arith.constant 3 : i32
      %get3A_233 = arith.index_cast %get3A_232 : i32 to index
      %get3A_234 = arith.index_cast %mul3A_231 : i32 to index
      %get3A_235 = tpu.vector_load %arg13[%get3A_233, %get3A_234] {strides = array<i32>} : memref<4x128xi32, #tpu.memory_space<vmem>>, vector<16xi32>,
      %broadcast_in_dim3A = arith.constant 0.000000e+00 : f32
      %broadcast_in_dim3A_236 = vector.broadcast %broadcast_in_dim3A : f32 to vector<16xf32>
      %broadcast_in_dim3A_237 = arith.constant 1 : i32
      %broadcast_in_dim3A_238 = vector.broadcast %broadcast_in_dim3A_237 : i32 to vector<16xi32>
      %mul3A_239 = arith.constant 32 : i32
      %mul3A_240 = vector.broadcast %mul3A_239 : i32 to vector<16xi32>
      %mul3A_241 = arith.muli %get3A_229, %mul3A_240 : vector<16xi32>
      %add3A_242 = arith.constant 0 : i32
      %add3A_243 = vector.broadcast %add3A_242 : i32 to vector<16xi32>
      %add3A_244 = arith.addi %mul3A_241, %add3A_243 : vector<16xi32>
      %gather3A = tpu.vector_load_idx %arg14[%broadcast_in_dim3A_238, %add3A_223, %add3A_244] : memref<2x128x128xf32, #tpu.memory_space<vmem>>[vector<16xi32>, vector<16xi32>, vector<16xi32>], vector<16xf32>,
      %broadcast_in_dim3A_245 = arith.constant 1 : i32
      %broadcast_in_dim3A_246 = vector.broadcast %broadcast_in_dim3A_245 : i32 to vector<16xi32>
      %mul3A_247 = arith.constant 32 : i32
      %mul3A_248 = vector.broadcast %mul3A_247 : i32 to vector<16xi32>
      %mul3A_249 = arith.muli %get3A_235, %mul3A_248 : vector<16xi32>
      %add3A_250 = arith.constant 0 : i32
      %add3A_251 = vector.broadcast %add3A_250 : i32 to vector<16xi32>
      %add3A_252 = arith.addi %mul3A_249, %add3A_251 : vector<16xi32>
      %gather3A_253 = tpu.vector_load_idx %arg15[%broadcast_in_dim3A_246, %add3A_223, %add3A_252] : memref<2x128x128xf32, #tpu.memory_space<vmem>>[vector<16xi32>, vector<16xi32>, vector<16xi32>], vector<16xf32>,
      %sub3A = arith.subf %gather3A, %gather3A_253 : vector<16xf32>
      %mul3A_254 = arith.mulf %sub3A, %sub3A : vector<16xf32>
      %add3A_255 = arith.addf %broadcast_in_dim3A_236, %mul3A_254 : vector<16xf32>
      %broadcast_in_dim3A_256 = arith.constant 1 : i32
      %broadcast_in_dim3A_257 = vector.broadcast %broadcast_in_dim3A_256 : i32 to vector<16xi32>
      %mul3A_258 = arith.constant 32 : i32
      %mul3A_259 = vector.broadcast %mul3A_258 : i32 to vector<16xi32>
      %mul3A_260 = arith.muli %get3A_229, %mul3A_259 : vector<16xi32>
      %add3A_261 = arith.constant 1 : i32
      %add3A_262 = vector.broadcast %add3A_261 : i32 to vector<16xi32>
      %add3A_263 = arith.addi %mul3A_260, %add3A_262 : vector<16xi32>
      %gather3A_264 = tpu.vector_load_idx %arg14[%broadcast_in_dim3A_257, %add3A_223, %add3A_263] : memref<2x128x128xf32, #tpu.memory_space<vmem>>[vector<16xi32>, vector<16xi32>, vector<16xi32>], vector<16xf32>,
      %broadcast_in_dim3A_265 = arith.constant 1 : i32
      %broadcast_in_dim3A_266 = vector.broadcast %broadcast_in_dim3A_265 : i32 to vector<16xi32>
      %mul3A_267 = arith.constant 32 : i32
      %mul3A_268 = vector.broadcast %mul3A_267 : i32 to vector<16xi32>
      %mul3A_269 = arith.muli %get3A_235, %mul3A_268 : vector<16xi32>
      %add3A_270 = arith.constant 1 : i32
      %add3A_271 = vector.broadcast %add3A_270 : i32 to vector<16xi32>
      %add3A_272 = arith.addi %mul3A_269, %add3A_271 : vector<16xi32>
      %gather3A_273 = tpu.vector_load_idx %arg15[%broadcast_in_dim3A_266, %add3A_223, %add3A_272] : memref<2x128x128xf32, #tpu.memory_space<vmem>>[vector<16xi32>, vector<16xi32>, vector<16xi32>], vector<16xf32>,
      %sub3A_274 = arith.subf %gather3A_264, %gather3A_273 : vector<16xf32>
      %mul3A_275 = arith.mulf %sub3A_274, %sub3A_274 : vector<16xf32>
      %add3A_276 = arith.addf %add3A_255, %mul3A_275 : vector<16xf32>
      %broadcast_in_dim3A_277 = arith.constant 1 : i32
      %broadcast_in_dim3A_278 = vector.broadcast %broadcast_in_dim3A_277 : i32 to vector<16xi32>
      %mul3A_279 = arith.constant 32 : i32
      %mul3A_280 = vector.broadcast %mul3A_279 : i32 to vector<16xi32>
      %mul3A_281 = arith.muli %get3A_229, %mul3A_280 : vector<16xi32>
      %add3A_282 = arith.constant 2 : i32
      %add3A_283 = vector.broadcast %add3A_282 : i32 to vector<16xi32>
      %add3A_284 = arith.addi %mul3A_281, %add3A_283 : vector<16xi32>
      %gather3A_285 = tpu.vector_load_idx %arg14[%broadcast_in_dim3A_278, %add3A_223, %add3A_284] : memref<2x128x128xf32, #tpu.memory_space<vmem>>[vector<16xi32>, vector<16xi32>, vector<16xi32>], vector<16xf32>,
      %broadcast_in_dim3A_286 = arith.constant 1 : i32
      %broadcast_in_dim3A_287 = vector.broadcast %broadcast_in_dim3A_286 : i32 to vector<16xi32>
      %mul3A_288 = arith.constant 32 : i32
      %mul3A_289 = vector.broadcast %mul3A_288 : i32 to vector<16xi32>
      %mul3A_290 = arith.muli %get3A_235, %mul3A_289 : vector<16xi32>
      %add3A_291 = arith.constant 2 : i32
      %add3A_292 = vector.broadcast %add3A_291 : i32 to vector<16xi32>
      %add3A_293 = arith.addi %mul3A_290, %add3A_292 : vector<16xi32>
      %gather3A_294 = tpu.vector_load_idx %arg15[%broadcast_in_dim3A_287, %add3A_223, %add3A_293] : memref<2x128x128xf32, #tpu.memory_space<vmem>>[vector<16xi32>, vector<16xi32>, vector<16xi32>], vector<16xf32>,
      %sub3A_295 = arith.subf %gather3A_285, %gather3A_294 : vector<16xf32>
      %mul3A_296 = arith.mulf %sub3A_295, %sub3A_295 : vector<16xf32>
      %add3A_297 = arith.addf %add3A_276, %mul3A_296 : vector<16xf32>
      %broadcast_in_dim3A_298 = arith.constant 1 : i32
      %broadcast_in_dim3A_299 = vector.broadcast %broadcast_in_dim3A_298 : i32 to vector<16xi32>
      %mul3A_300 = arith.constant 32 : i32
      %mul3A_301 = vector.broadcast %mul3A_300 : i32 to vector<16xi32>
      %mul3A_302 = arith.muli %get3A_229, %mul3A_301 : vector<16xi32>
      %add3A_303 = arith.constant 3 : i32
      %add3A_304 = vector.broadcast %add3A_303 : i32 to vector<16xi32>
      %add3A_305 = arith.addi %mul3A_302, %add3A_304 : vector<16xi32>
      %gather3A_306 = tpu.vector_load_idx %arg14[%broadcast_in_dim3A_299, %add3A_223, %add3A_305] : memref<2x128x128xf32, #tpu.memory_space<vmem>>[vector<16xi32>, vector<16xi32>, vector<16xi32>], vector<16xf32>,
      %broadcast_in_dim3A_307 = arith.constant 1 : i32
      %broadcast_in_dim3A_308 = vector.broadcast %broadcast_in_dim3A_307 : i32 to vector<16xi32>
      %mul3A_309 = arith.constant 32 : i32
      %mul3A_310 = vector.broadcast %mul3A_309 : i32 to vector<16xi32>
      %mul3A_311 = arith.muli %get3A_235, %mul3A_310 : vector<16xi32>
      %add3A_312 = arith.constant 3 : i32
      %add3A_313 = vector.broadcast %add3A_312 : i32 to vector<16xi32>
      %add3A_314 = arith.addi %mul3A_311, %add3A_313 : vector<16xi32>
      %gather3A_315 = tpu.vector_load_idx %arg15[%broadcast_in_dim3A_308, %add3A_223, %add3A_314] : memref<2x128x128xf32, #tpu.memory_space<vmem>>[vector<16xi32>, vector<16xi32>, vector<16xi32>], vector<16xf32>,
      %sub3A_316 = arith.subf %gather3A_306, %gather3A_315 : vector<16xf32>
      %mul3A_317 = arith.mulf %sub3A_316, %sub3A_316 : vector<16xf32>
      %add3A_318 = arith.addf %add3A_297, %mul3A_317 : vector<16xf32>
      %broadcast_in_dim3A_319 = arith.constant 1 : i32
      %broadcast_in_dim3A_320 = vector.broadcast %broadcast_in_dim3A_319 : i32 to vector<16xi32>
      %mul3A_321 = arith.constant 32 : i32
      %mul3A_322 = vector.broadcast %mul3A_321 : i32 to vector<16xi32>
      %mul3A_323 = arith.muli %get3A_229, %mul3A_322 : vector<16xi32>
      %add3A_324 = arith.constant 4 : i32
      %add3A_325 = vector.broadcast %add3A_324 : i32 to vector<16xi32>
      %add3A_326 = arith.addi %mul3A_323, %add3A_325 : vector<16xi32>
      %gather3A_327 = tpu.vector_load_idx %arg14[%broadcast_in_dim3A_320, %add3A_223, %add3A_326] : memref<2x128x128xf32, #tpu.memory_space<vmem>>[vector<16xi32>, vector<16xi32>, vector<16xi32>], vector<16xf32>,
      %broadcast_in_dim3A_328 = arith.constant 1 : i32
      %broadcast_in_dim3A_329 = vector.broadcast %broadcast_in_dim3A_328 : i32 to vector<16xi32>
      %mul3A_330 = arith.constant 32 : i32
      %mul3A_331 = vector.broadcast %mul3A_330 : i32 to vector<16xi32>
      %mul3A_332 = arith.muli %get3A_235, %mul3A_331 : vector<16xi32>
      %add3A_333 = arith.constant 4 : i32
      %add3A_334 = vector.broadcast %add3A_333 : i32 to vector<16xi32>
      %add3A_335 = arith.addi %mul3A_332, %add3A_334 : vector<16xi32>
      %gather3A_336 = tpu.vector_load_idx %arg15[%broadcast_in_dim3A_329, %add3A_223, %add3A_335] : memref<2x128x128xf32, #tpu.memory_space<vmem>>[vector<16xi32>, vector<16xi32>, vector<16xi32>], vector<16xf32>,
      %sub3A_337 = arith.subf %gather3A_327, %gather3A_336 : vector<16xf32>
      %mul3A_338 = arith.mulf %sub3A_337, %sub3A_337 : vector<16xf32>
      %add3A_339 = arith.addf %add3A_318, %mul3A_338 : vector<16xf32>
      %broadcast_in_dim3A_340 = arith.constant 1 : i32
      %broadcast_in_dim3A_341 = vector.broadcast %broadcast_in_dim3A_340 : i32 to vector<16xi32>
      %mul3A_342 = arith.constant 32 : i32
      %mul3A_343 = vector.broadcast %mul3A_342 : i32 to vector<16xi32>
      %mul3A_344 = arith.muli %get3A_229, %mul3A_343 : vector<16xi32>
      %add3A_345 = arith.constant 5 : i32
      %add3A_346 = vector.broadcast %add3A_345 : i32 to vector<16xi32>
      %add3A_347 = arith.addi %mul3A_344, %add3A_346 : vector<16xi32>
      %gather3A_348 = tpu.vector_load_idx %arg14[%broadcast_in_dim3A_341, %add3A_223, %add3A_347] : memref<2x128x128xf32, #tpu.memory_space<vmem>>[vector<16xi32>, vector<16xi32>, vector<16xi32>], vector<16xf32>,
      %broadcast_in_dim3A_349 = arith.constant 1 : i32
      %broadcast_in_dim3A_350 = vector.broadcast %broadcast_in_dim3A_349 : i32 to vector<16xi32>
      %mul3A_351 = arith.constant 32 : i32
      %mul3A_352 = vector.broadcast %mul3A_351 : i32 to vector<16xi32>
      %mul3A_353 = arith.muli %get3A_235, %mul3A_352 : vector<16xi32>
      %add3A_354 = arith.constant 5 : i32
      %add3A_355 = vector.broadcast %add3A_354 : i32 to vector<16xi32>
      %add3A_356 = arith.addi %mul3A_353, %add3A_355 : vector<16xi32>
      %gather3A_357 = tpu.vector_load_idx %arg15[%broadcast_in_dim3A_350, %add3A_223, %add3A_356] : memref<2x128x128xf32, #tpu.memory_space<vmem>>[vector<16xi32>, vector<16xi32>, vector<16xi32>], vector<16xf32>,
      %sub3A_358 = arith.subf %gather3A_348, %gather3A_357 : vector<16xf32>
      %mul3A_359 = arith.mulf %sub3A_358, %sub3A_358 : vector<16xf32>
      %add3A_360 = arith.addf %add3A_339, %mul3A_359 : vector<16xf32>
      %broadcast_in_dim3A_361 = arith.constant 1 : i32
      %broadcast_in_dim3A_362 = vector.broadcast %broadcast_in_dim3A_361 : i32 to vector<16xi32>
      %mul3A_363 = arith.constant 32 : i32
      %mul3A_364 = vector.broadcast %mul3A_363 : i32 to vector<16xi32>
      %mul3A_365 = arith.muli %get3A_229, %mul3A_364 : vector<16xi32>
      %add3A_366 = arith.constant 6 : i32
      %add3A_367 = vector.broadcast %add3A_366 : i32 to vector<16xi32>
      %add3A_368 = arith.addi %mul3A_365, %add3A_367 : vector<16xi32>
      %gather3A_369 = tpu.vector_load_idx %arg14[%broadcast_in_dim3A_362, %add3A_223, %add3A_368] : memref<2x128x128xf32, #tpu.memory_space<vmem>>[vector<16xi32>, vector<16xi32>, vector<16xi32>], vector<16xf32>,
      %broadcast_in_dim3A_370 = arith.constant 1 : i32
      %broadcast_in_dim3A_371 = vector.broadcast %broadcast_in_dim3A_370 : i32 to vector<16xi32>
      %mul3A_372 = arith.constant 32 : i32
      %mul3A_373 = vector.broadcast %mul3A_372 : i32 to vector<16xi32>
      %mul3A_374 = arith.muli %get3A_235, %mul3A_373 : vector<16xi32>
      %add3A_375 = arith.constant 6 : i32
      %add3A_376 = vector.broadcast %add3A_375 : i32 to vector<16xi32>
      %add3A_377 = arith.addi %mul3A_374, %add3A_376 : vector<16xi32>
      %gather3A_378 = tpu.vector_load_idx %arg15[%broadcast_in_dim3A_371, %add3A_223, %add3A_377] : memref<2x128x128xf32, #tpu.memory_space<vmem>>[vector<16xi32>, vector<16xi32>, vector<16xi32>], vector<16xf32>,
      %sub3A_379 = arith.subf %gather3A_369, %gather3A_378 : vector<16xf32>
      %mul3A_380 = arith.mulf %sub3A_379, %sub3A_379 : vector<16xf32>
      %add3A_381 = arith.addf %add3A_360, %mul3A_380 : vector<16xf32>
      %broadcast_in_dim3A_382 = arith.constant 1 : i32
      %broadcast_in_dim3A_383 = vector.broadcast %broadcast_in_dim3A_382 : i32 to vector<16xi32>
      %mul3A_384 = arith.constant 32 : i32
      %mul3A_385 = vector.broadcast %mul3A_384 : i32 to vector<16xi32>
      %mul3A_386 = arith.muli %get3A_229, %mul3A_385 : vector<16xi32>
      %add3A_387 = arith.constant 7 : i32
      %add3A_388 = vector.broadcast %add3A_387 : i32 to vector<16xi32>
      %add3A_389 = arith.addi %mul3A_386, %add3A_388 : vector<16xi32>
      %gather3A_390 = tpu.vector_load_idx %arg14[%broadcast_in_dim3A_383, %add3A_223, %add3A_389] : memref<2x128x128xf32, #tpu.memory_space<vmem>>[vector<16xi32>, vector<16xi32>, vector<16xi32>], vector<16xf32>,
      %broadcast_in_dim3A_391 = arith.constant 1 : i32
      %broadcast_in_dim3A_392 = vector.broadcast %broadcast_in_dim3A_391 : i32 to vector<16xi32>
      %mul3A_393 = arith.constant 32 : i32
      %mul3A_394 = vector.broadcast %mul3A_393 : i32 to vector<16xi32>
      %mul3A_395 = arith.muli %get3A_235, %mul3A_394 : vector<16xi32>
      %add3A_396 = arith.constant 7 : i32
      %add3A_397 = vector.broadcast %add3A_396 : i32 to vector<16xi32>
      %add3A_398 = arith.addi %mul3A_395, %add3A_397 : vector<16xi32>
      %gather3A_399 = tpu.vector_load_idx %arg15[%broadcast_in_dim3A_392, %add3A_223, %add3A_398] : memref<2x128x128xf32, #tpu.memory_space<vmem>>[vector<16xi32>, vector<16xi32>, vector<16xi32>], vector<16xf32>,
      %sub3A_400 = arith.subf %gather3A_390, %gather3A_399 : vector<16xf32>
      %mul3A_401 = arith.mulf %sub3A_400, %sub3A_400 : vector<16xf32>
      %add3A_402 = arith.addf %add3A_381, %mul3A_401 : vector<16xf32>
      %broadcast_in_dim3A_403 = arith.constant 1 : i32
      %broadcast_in_dim3A_404 = vector.broadcast %broadcast_in_dim3A_403 : i32 to vector<16xi32>
      %mul3A_405 = arith.constant 32 : i32
      %mul3A_406 = vector.broadcast %mul3A_405 : i32 to vector<16xi32>
      %mul3A_407 = arith.muli %get3A_229, %mul3A_406 : vector<16xi32>
      %add3A_408 = arith.constant 8 : i32
      %add3A_409 = vector.broadcast %add3A_408 : i32 to vector<16xi32>
      %add3A_410 = arith.addi %mul3A_407, %add3A_409 : vector<16xi32>
      %gather3A_411 = tpu.vector_load_idx %arg14[%broadcast_in_dim3A_404, %add3A_223, %add3A_410] : memref<2x128x128xf32, #tpu.memory_space<vmem>>[vector<16xi32>, vector<16xi32>, vector<16xi32>], vector<16xf32>,
      %broadcast_in_dim3A_412 = arith.constant 1 : i32
      %broadcast_in_dim3A_413 = vector.broadcast %broadcast_in_dim3A_412 : i32 to vector<16xi32>
      %mul3A_414 = arith.constant 32 : i32
      %mul3A_415 = vector.broadcast %mul3A_414 : i32 to vector<16xi32>
      %mul3A_416 = arith.muli %get3A_235, %mul3A_415 : vector<16xi32>
      %add3A_417 = arith.constant 8 : i32
      %add3A_418 = vector.broadcast %add3A_417 : i32 to vector<16xi32>
      %add3A_419 = arith.addi %mul3A_416, %add3A_418 : vector<16xi32>
      %gather3A_420 = tpu.vector_load_idx %arg15[%broadcast_in_dim3A_413, %add3A_223, %add3A_419] : memref<2x128x128xf32, #tpu.memory_space<vmem>>[vector<16xi32>, vector<16xi32>, vector<16xi32>], vector<16xf32>,
      %sub3A_421 = arith.subf %gather3A_411, %gather3A_420 : vector<16xf32>
      %mul3A_422 = arith.mulf %sub3A_421, %sub3A_421 : vector<16xf32>
      %add3A_423 = arith.addf %add3A_402, %mul3A_422 : vector<16xf32>
      %broadcast_in_dim3A_424 = arith.constant 1 : i32
      %broadcast_in_dim3A_425 = vector.broadcast %broadcast_in_dim3A_424 : i32 to vector<16xi32>
      %mul3A_426 = arith.constant 32 : i32
      %mul3A_427 = vector.broadcast %mul3A_426 : i32 to vector<16xi32>
      %mul3A_428 = arith.muli %get3A_229, %mul3A_427 : vector<16xi32>
      %add3A_429 = arith.constant 9 : i32
      %add3A_430 = vector.broadcast %add3A_429 : i32 to vector<16xi32>
      %add3A_431 = arith.addi %mul3A_428, %add3A_430 : vector<16xi32>
      %gather3A_432 = tpu.vector_load_idx %arg14[%broadcast_in_dim3A_425, %add3A_223, %add3A_431] : memref<2x128x128xf32, #tpu.memory_space<vmem>>[vector<16xi32>, vector<16xi32>, vector<16xi32>], vector<16xf32>,
      %broadcast_in_dim3A_433 = arith.constant 1 : i32
      %broadcast_in_dim3A_434 = vector.broadcast %broadcast_in_dim3A_433 : i32 to vector<16xi32>
      %mul3A_435 = arith.constant 32 : i32
      %mul3A_436 = vector.broadcast %mul3A_435 : i32 to vector<16xi32>
      %mul3A_437 = arith.muli %get3A_235, %mul3A_436 : vector<16xi32>
      %add3A_438 = arith.constant 9 : i32
      %add3A_439 = vector.broadcast %add3A_438 : i32 to vector<16xi32>
      %add3A_440 = arith.addi %mul3A_437, %add3A_439 : vector<16xi32>
      %gather3A_441 = tpu.vector_load_idx %arg15[%broadcast_in_dim3A_434, %add3A_223, %add3A_440] : memref<2x128x128xf32, #tpu.memory_space<vmem>>[vector<16xi32>, vector<16xi32>, vector<16xi32>], vector<16xf32>,
      %sub3A_442 = arith.subf %gather3A_432, %gather3A_441 : vector<16xf32>
      %mul3A_443 = arith.mulf %sub3A_442, %sub3A_442 : vector<16xf32>
      %add3A_444 = arith.addf %add3A_423, %mul3A_443 : vector<16xf32>
      %broadcast_in_dim3A_445 = arith.constant 1 : i32
      %broadcast_in_dim3A_446 = vector.broadcast %broadcast_in_dim3A_445 : i32 to vector<16xi32>
      %mul3A_447 = arith.constant 32 : i32
      %mul3A_448 = vector.broadcast %mul3A_447 : i32 to vector<16xi32>
      %mul3A_449 = arith.muli %get3A_229, %mul3A_448 : vector<16xi32>
      %add3A_450 = arith.constant 10 : i32
      %add3A_451 = vector.broadcast %add3A_450 : i32 to vector<16xi32>
      %add3A_452 = arith.addi %mul3A_449, %add3A_451 : vector<16xi32>
      %gather3A_453 = tpu.vector_load_idx %arg14[%broadcast_in_dim3A_446, %add3A_223, %add3A_452] : memref<2x128x128xf32, #tpu.memory_space<vmem>>[vector<16xi32>, vector<16xi32>, vector<16xi32>], vector<16xf32>,
      %broadcast_in_dim3A_454 = arith.constant 1 : i32
      %broadcast_in_dim3A_455 = vector.broadcast %broadcast_in_dim3A_454 : i32 to vector<16xi32>
      %mul3A_456 = arith.constant 32 : i32
      %mul3A_457 = vector.broadcast %mul3A_456 : i32 to vector<16xi32>
      %mul3A_458 = arith.muli %get3A_235, %mul3A_457 : vector<16xi32>
      %add3A_459 = arith.constant 10 : i32
      %add3A_460 = vector.broadcast %add3A_459 : i32 to vector<16xi32>
      %add3A_461 = arith.addi %mul3A_458, %add3A_460 : vector<16xi32>
      %gather3A_462 = tpu.vector_load_idx %arg15[%broadcast_in_dim3A_455, %add3A_223, %add3A_461] : memref<2x128x128xf32, #tpu.memory_space<vmem>>[vector<16xi32>, vector<16xi32>, vector<16xi32>], vector<16xf32>,
      %sub3A_463 = arith.subf %gather3A_453, %gather3A_462 : vector<16xf32>
      %mul3A_464 = arith.mulf %sub3A_463, %sub3A_463 : vector<16xf32>
      %add3A_465 = arith.addf %add3A_444, %mul3A_464 : vector<16xf32>
      %broadcast_in_dim3A_466 = arith.constant 1 : i32
      %broadcast_in_dim3A_467 = vector.broadcast %broadcast_in_dim3A_466 : i32 to vector<16xi32>
      %mul3A_468 = arith.constant 32 : i32
      %mul3A_469 = vector.broadcast %mul3A_468 : i32 to vector<16xi32>
      %mul3A_470 = arith.muli %get3A_229, %mul3A_469 : vector<16xi32>
      %add3A_471 = arith.constant 11 : i32
      %add3A_472 = vector.broadcast %add3A_471 : i32 to vector<16xi32>
      %add3A_473 = arith.addi %mul3A_470, %add3A_472 : vector<16xi32>
      %gather3A_474 = tpu.vector_load_idx %arg14[%broadcast_in_dim3A_467, %add3A_223, %add3A_473] : memref<2x128x128xf32, #tpu.memory_space<vmem>>[vector<16xi32>, vector<16xi32>, vector<16xi32>], vector<16xf32>,
      %broadcast_in_dim3A_475 = arith.constant 1 : i32
      %broadcast_in_dim3A_476 = vector.broadcast %broadcast_in_dim3A_475 : i32 to vector<16xi32>
      %mul3A_477 = arith.constant 32 : i32
      %mul3A_478 = vector.broadcast %mul3A_477 : i32 to vector<16xi32>
      %mul3A_479 = arith.muli %get3A_235, %mul3A_478 : vector<16xi32>
      %add3A_480 = arith.constant 11 : i32
      %add3A_481 = vector.broadcast %add3A_480 : i32 to vector<16xi32>
      %add3A_482 = arith.addi %mul3A_479, %add3A_481 : vector<16xi32>
      %gather3A_483 = tpu.vector_load_idx %arg15[%broadcast_in_dim3A_476, %add3A_223, %add3A_482] : memref<2x128x128xf32, #tpu.memory_space<vmem>>[vector<16xi32>, vector<16xi32>, vector<16xi32>], vector<16xf32>,
      %sub3A_484 = arith.subf %gather3A_474, %gather3A_483 : vector<16xf32>
      %mul3A_485 = arith.mulf %sub3A_484, %sub3A_484 : vector<16xf32>
      %add3A_486 = arith.addf %add3A_465, %mul3A_485 : vector<16xf32>
      %broadcast_in_dim3A_487 = arith.constant 1 : i32
      %broadcast_in_dim3A_488 = vector.broadcast %broadcast_in_dim3A_487 : i32 to vector<16xi32>
      %mul3A_489 = arith.constant 32 : i32
      %mul3A_490 = vector.broadcast %mul3A_489 : i32 to vector<16xi32>
      %mul3A_491 = arith.muli %get3A_229, %mul3A_490 : vector<16xi32>
      %add3A_492 = arith.constant 12 : i32
      %add3A_493 = vector.broadcast %add3A_492 : i32 to vector<16xi32>
      %add3A_494 = arith.addi %mul3A_491, %add3A_493 : vector<16xi32>
      %gather3A_495 = tpu.vector_load_idx %arg14[%broadcast_in_dim3A_488, %add3A_223, %add3A_494] : memref<2x128x128xf32, #tpu.memory_space<vmem>>[vector<16xi32>, vector<16xi32>, vector<16xi32>], vector<16xf32>,
      %broadcast_in_dim3A_496 = arith.constant 1 : i32
      %broadcast_in_dim3A_497 = vector.broadcast %broadcast_in_dim3A_496 : i32 to vector<16xi32>
      %mul3A_498 = arith.constant 32 : i32
      %mul3A_499 = vector.broadcast %mul3A_498 : i32 to vector<16xi32>
      %mul3A_500 = arith.muli %get3A_235, %mul3A_499 : vector<16xi32>
      %add3A_501 = arith.constant 12 : i32
      %add3A_502 = vector.broadcast %add3A_501 : i32 to vector<16xi32>
      %add3A_503 = arith.addi %mul3A_500, %add3A_502 : vector<16xi32>
      %gather3A_504 = tpu.vector_load_idx %arg15[%broadcast_in_dim3A_497, %add3A_223, %add3A_503] : memref<2x128x128xf32, #tpu.memory_space<vmem>>[vector<16xi32>, vector<16xi32>, vector<16xi32>], vector<16xf32>,
      %sub3A_505 = arith.subf %gather3A_495, %gather3A_504 : vector<16xf32>
      %mul3A_506 = arith.mulf %sub3A_505, %sub3A_505 : vector<16xf32>
      %add3A_507 = arith.addf %add3A_486, %mul3A_506 : vector<16xf32>
      %broadcast_in_dim3A_508 = arith.constant 1 : i32
      %broadcast_in_dim3A_509 = vector.broadcast %broadcast_in_dim3A_508 : i32 to vector<16xi32>
      %mul3A_510 = arith.constant 32 : i32
      %mul3A_511 = vector.broadcast %mul3A_510 : i32 to vector<16xi32>
      %mul3A_512 = arith.muli %get3A_229, %mul3A_511 : vector<16xi32>
      %add3A_513 = arith.constant 13 : i32
      %add3A_514 = vector.broadcast %add3A_513 : i32 to vector<16xi32>
      %add3A_515 = arith.addi %mul3A_512, %add3A_514 : vector<16xi32>
      %gather3A_516 = tpu.vector_load_idx %arg14[%broadcast_in_dim3A_509, %add3A_223, %add3A_515] : memref<2x128x128xf32, #tpu.memory_space<vmem>>[vector<16xi32>, vector<16xi32>, vector<16xi32>], vector<16xf32>,
      %broadcast_in_dim3A_517 = arith.constant 1 : i32
      %broadcast_in_dim3A_518 = vector.broadcast %broadcast_in_dim3A_517 : i32 to vector<16xi32>
      %mul3A_519 = arith.constant 32 : i32
      %mul3A_520 = vector.broadcast %mul3A_519 : i32 to vector<16xi32>
      %mul3A_521 = arith.muli %get3A_235, %mul3A_520 : vector<16xi32>
      %add3A_522 = arith.constant 13 : i32
      %add3A_523 = vector.broadcast %add3A_522 : i32 to vector<16xi32>
      %add3A_524 = arith.addi %mul3A_521, %add3A_523 : vector<16xi32>
      %gather3A_525 = tpu.vector_load_idx %arg15[%broadcast_in_dim3A_518, %add3A_223, %add3A_524] : memref<2x128x128xf32, #tpu.memory_space<vmem>>[vector<16xi32>, vector<16xi32>, vector<16xi32>], vector<16xf32>,
      %sub3A_526 = arith.subf %gather3A_516, %gather3A_525 : vector<16xf32>
      %mul3A_527 = arith.mulf %sub3A_526, %sub3A_526 : vector<16xf32>
      %add3A_528 = arith.addf %add3A_507, %mul3A_527 : vector<16xf32>
      %broadcast_in_dim3A_529 = arith.constant 1 : i32
      %broadcast_in_dim3A_530 = vector.broadcast %broadcast_in_dim3A_529 : i32 to vector<16xi32>
      %mul3A_531 = arith.constant 32 : i32
      %mul3A_532 = vector.broadcast %mul3A_531 : i32 to vector<16xi32>
      %mul3A_533 = arith.muli %get3A_229, %mul3A_532 : vector<16xi32>
      %add3A_534 = arith.constant 14 : i32
      %add3A_535 = vector.broadcast %add3A_534 : i32 to vector<16xi32>
      %add3A_536 = arith.addi %mul3A_533, %add3A_535 : vector<16xi32>
      %gather3A_537 = tpu.vector_load_idx %arg14[%broadcast_in_dim3A_530, %add3A_223, %add3A_536] : memref<2x128x128xf32, #tpu.memory_space<vmem>>[vector<16xi32>, vector<16xi32>, vector<16xi32>], vector<16xf32>,
      %broadcast_in_dim3A_538 = arith.constant 1 : i32
      %broadcast_in_dim3A_539 = vector.broadcast %broadcast_in_dim3A_538 : i32 to vector<16xi32>
      %mul3A_540 = arith.constant 32 : i32
      %mul3A_541 = vector.broadcast %mul3A_540 : i32 to vector<16xi32>
      %mul3A_542 = arith.muli %get3A_235, %mul3A_541 : vector<16xi32>
      %add3A_543 = arith.constant 14 : i32
      %add3A_544 = vector.broadcast %add3A_543 : i32 to vector<16xi32>
      %add3A_545 = arith.addi %mul3A_542, %add3A_544 : vector<16xi32>
      %gather3A_546 = tpu.vector_load_idx %arg15[%broadcast_in_dim3A_539, %add3A_223, %add3A_545] : memref<2x128x128xf32, #tpu.memory_space<vmem>>[vector<16xi32>, vector<16xi32>, vector<16xi32>], vector<16xf32>,
      %sub3A_547 = arith.subf %gather3A_537, %gather3A_546 : vector<16xf32>
      %mul3A_548 = arith.mulf %sub3A_547, %sub3A_547 : vector<16xf32>
      %add3A_549 = arith.addf %add3A_528, %mul3A_548 : vector<16xf32>
      %broadcast_in_dim3A_550 = arith.constant 1 : i32
      %broadcast_in_dim3A_551 = vector.broadcast %broadcast_in_dim3A_550 : i32 to vector<16xi32>
      %mul3A_552 = arith.constant 32 : i32
      %mul3A_553 = vector.broadcast %mul3A_552 : i32 to vector<16xi32>
      %mul3A_554 = arith.muli %get3A_229, %mul3A_553 : vector<16xi32>
      %add3A_555 = arith.constant 15 : i32
      %add3A_556 = vector.broadcast %add3A_555 : i32 to vector<16xi32>
      %add3A_557 = arith.addi %mul3A_554, %add3A_556 : vector<16xi32>
      %gather3A_558 = tpu.vector_load_idx %arg14[%broadcast_in_dim3A_551, %add3A_223, %add3A_557] : memref<2x128x128xf32, #tpu.memory_space<vmem>>[vector<16xi32>, vector<16xi32>, vector<16xi32>], vector<16xf32>,
      %broadcast_in_dim3A_559 = arith.constant 1 : i32
      %broadcast_in_dim3A_560 = vector.broadcast %broadcast_in_dim3A_559 : i32 to vector<16xi32>
      %mul3A_561 = arith.constant 32 : i32
      %mul3A_562 = vector.broadcast %mul3A_561 : i32 to vector<16xi32>
      %mul3A_563 = arith.muli %get3A_235, %mul3A_562 : vector<16xi32>
      %add3A_564 = arith.constant 15 : i32
      %add3A_565 = vector.broadcast %add3A_564 : i32 to vector<16xi32>
      %add3A_566 = arith.addi %mul3A_563, %add3A_565 : vector<16xi32>
      %gather3A_567 = tpu.vector_load_idx %arg15[%broadcast_in_dim3A_560, %add3A_223, %add3A_566] : memref<2x128x128xf32, #tpu.memory_space<vmem>>[vector<16xi32>, vector<16xi32>, vector<16xi32>], vector<16xf32>,
      %sub3A_568 = arith.subf %gather3A_558, %gather3A_567 : vector<16xf32>
      %mul3A_569 = arith.mulf %sub3A_568, %sub3A_568 : vector<16xf32>
      %add3A_570 = arith.addf %add3A_549, %mul3A_569 : vector<16xf32>
      %broadcast_in_dim3A_571 = arith.constant 1 : i32
      %broadcast_in_dim3A_572 = vector.broadcast %broadcast_in_dim3A_571 : i32 to vector<16xi32>
      %mul3A_573 = arith.constant 32 : i32
      %mul3A_574 = vector.broadcast %mul3A_573 : i32 to vector<16xi32>
      %mul3A_575 = arith.muli %get3A_229, %mul3A_574 : vector<16xi32>
      %add3A_576 = arith.constant 16 : i32
      %add3A_577 = vector.broadcast %add3A_576 : i32 to vector<16xi32>
      %add3A_578 = arith.addi %mul3A_575, %add3A_577 : vector<16xi32>
      %gather3A_579 = tpu.vector_load_idx %arg14[%broadcast_in_dim3A_572, %add3A_223, %add3A_578] : memref<2x128x128xf32, #tpu.memory_space<vmem>>[vector<16xi32>, vector<16xi32>, vector<16xi32>], vector<16xf32>,
      %broadcast_in_dim3A_580 = arith.constant 1 : i32
      %broadcast_in_dim3A_581 = vector.broadcast %broadcast_in_dim3A_580 : i32 to vector<16xi32>
      %mul3A_582 = arith.constant 32 : i32
      %mul3A_583 = vector.broadcast %mul3A_582 : i32 to vector<16xi32>
      %mul3A_584 = arith.muli %get3A_235, %mul3A_583 : vector<16xi32>
      %add3A_585 = arith.constant 16 : i32
      %add3A_586 = vector.broadcast %add3A_585 : i32 to vector<16xi32>
      %add3A_587 = arith.addi %mul3A_584, %add3A_586 : vector<16xi32>
      %gather3A_588 = tpu.vector_load_idx %arg15[%broadcast_in_dim3A_581, %add3A_223, %add3A_587] : memref<2x128x128xf32, #tpu.memory_space<vmem>>[vector<16xi32>, vector<16xi32>, vector<16xi32>], vector<16xf32>,
      %sub3A_589 = arith.subf %gather3A_579, %gather3A_588 : vector<16xf32>
      %mul3A_590 = arith.mulf %sub3A_589, %sub3A_589 : vector<16xf32>
      %add3A_591 = arith.addf %add3A_570, %mul3A_590 : vector<16xf32>
      %broadcast_in_dim3A_592 = arith.constant 1 : i32
      %broadcast_in_dim3A_593 = vector.broadcast %broadcast_in_dim3A_592 : i32 to vector<16xi32>
      %mul3A_594 = arith.constant 32 : i32
      %mul3A_595 = vector.broadcast %mul3A_594 : i32 to vector<16xi32>
      %mul3A_596 = arith.muli %get3A_229, %mul3A_595 : vector<16xi32>
      %add3A_597 = arith.constant 17 : i32
      %add3A_598 = vector.broadcast %add3A_597 : i32 to vector<16xi32>
      %add3A_599 = arith.addi %mul3A_596, %add3A_598 : vector<16xi32>
      %gather3A_600 = tpu.vector_load_idx %arg14[%broadcast_in_dim3A_593, %add3A_223, %add3A_599] : memref<2x128x128xf32, #tpu.memory_space<vmem>>[vector<16xi32>, vector<16xi32>, vector<16xi32>], vector<16xf32>,
      %broadcast_in_dim3A_601 = arith.constant 1 : i32
      %broadcast_in_dim3A_602 = vector.broadcast %broadcast_in_dim3A_601 : i32 to vector<16xi32>
      %mul3A_603 = arith.constant 32 : i32
      %mul3A_604 = vector.broadcast %mul3A_603 : i32 to vector<16xi32>
      %mul3A_605 = arith.muli %get3A_235, %mul3A_604 : vector<16xi32>
      %add3A_606 = arith.constant 17 : i32
      %add3A_607 = vector.broadcast %add3A_606 : i32 to vector<16xi32>
      %add3A_608 = arith.addi %mul3A_605, %add3A_607 : vector<16xi32>
      %gather3A_609 = tpu.vector_load_idx %arg15[%broadcast_in_dim3A_602, %add3A_223, %add3A_608] : memref<2x128x128xf32, #tpu.memory_space<vmem>>[vector<16xi32>, vector<16xi32>, vector<16xi32>], vector<16xf32>,
      %sub3A_610 = arith.subf %gather3A_600, %gather3A_609 : vector<16xf32>
      %mul3A_611 = arith.mulf %sub3A_610, %sub3A_610 : vector<16xf32>
      %add3A_612 = arith.addf %add3A_591, %mul3A_611 : vector<16xf32>
      %broadcast_in_dim3A_613 = arith.constant 1 : i32
      %broadcast_in_dim3A_614 = vector.broadcast %broadcast_in_dim3A_613 : i32 to vector<16xi32>
      %mul3A_615 = arith.constant 32 : i32
      %mul3A_616 = vector.broadcast %mul3A_615 : i32 to vector<16xi32>
      %mul3A_617 = arith.muli %get3A_229, %mul3A_616 : vector<16xi32>
      %add3A_618 = arith.constant 18 : i32
      %add3A_619 = vector.broadcast %add3A_618 : i32 to vector<16xi32>
      %add3A_620 = arith.addi %mul3A_617, %add3A_619 : vector<16xi32>
      %gather3A_621 = tpu.vector_load_idx %arg14[%broadcast_in_dim3A_614, %add3A_223, %add3A_620] : memref<2x128x128xf32, #tpu.memory_space<vmem>>[vector<16xi32>, vector<16xi32>, vector<16xi32>], vector<16xf32>,
      %broadcast_in_dim3A_622 = arith.constant 1 : i32
      %broadcast_in_dim3A_623 = vector.broadcast %broadcast_in_dim3A_622 : i32 to vector<16xi32>
      %mul3A_624 = arith.constant 32 : i32
      %mul3A_625 = vector.broadcast %mul3A_624 : i32 to vector<16xi32>
      %mul3A_626 = arith.muli %get3A_235, %mul3A_625 : vector<16xi32>
      %add3A_627 = arith.constant 18 : i32
      %add3A_628 = vector.broadcast %add3A_627 : i32 to vector<16xi32>
      %add3A_629 = arith.addi %mul3A_626, %add3A_628 : vector<16xi32>
      %gather3A_630 = tpu.vector_load_idx %arg15[%broadcast_in_dim3A_623, %add3A_223, %add3A_629] : memref<2x128x128xf32, #tpu.memory_space<vmem>>[vector<16xi32>, vector<16xi32>, vector<16xi32>], vector<16xf32>,
      %sub3A_631 = arith.subf %gather3A_621, %gather3A_630 : vector<16xf32>
      %mul3A_632 = arith.mulf %sub3A_631, %sub3A_631 : vector<16xf32>
      %add3A_633 = arith.addf %add3A_612, %mul3A_632 : vector<16xf32>
      %broadcast_in_dim3A_634 = arith.constant 1 : i32
      %broadcast_in_dim3A_635 = vector.broadcast %broadcast_in_dim3A_634 : i32 to vector<16xi32>
      %mul3A_636 = arith.constant 32 : i32
      %mul3A_637 = vector.broadcast %mul3A_636 : i32 to vector<16xi32>
      %mul3A_638 = arith.muli %get3A_229, %mul3A_637 : vector<16xi32>
      %add3A_639 = arith.constant 19 : i32
      %add3A_640 = vector.broadcast %add3A_639 : i32 to vector<16xi32>
      %add3A_641 = arith.addi %mul3A_638, %add3A_640 : vector<16xi32>
      %gather3A_642 = tpu.vector_load_idx %arg14[%broadcast_in_dim3A_635, %add3A_223, %add3A_641] : memref<2x128x128xf32, #tpu.memory_space<vmem>>[vector<16xi32>, vector<16xi32>, vector<16xi32>], vector<16xf32>,
      %broadcast_in_dim3A_643 = arith.constant 1 : i32
      %broadcast_in_dim3A_644 = vector.broadcast %broadcast_in_dim3A_643 : i32 to vector<16xi32>
      %mul3A_645 = arith.constant 32 : i32
      %mul3A_646 = vector.broadcast %mul3A_645 : i32 to vector<16xi32>
      %mul3A_647 = arith.muli %get3A_235, %mul3A_646 : vector<16xi32>
      %add3A_648 = arith.constant 19 : i32
      %add3A_649 = vector.broadcast %add3A_648 : i32 to vector<16xi32>
      %add3A_650 = arith.addi %mul3A_647, %add3A_649 : vector<16xi32>
      %gather3A_651 = tpu.vector_load_idx %arg15[%broadcast_in_dim3A_644, %add3A_223, %add3A_650] : memref<2x128x128xf32, #tpu.memory_space<vmem>>[vector<16xi32>, vector<16xi32>, vector<16xi32>], vector<16xf32>,
      %sub3A_652 = arith.subf %gather3A_642, %gather3A_651 : vector<16xf32>
      %mul3A_653 = arith.mulf %sub3A_652, %sub3A_652 : vector<16xf32>
      %add3A_654 = arith.addf %add3A_633, %mul3A_653 : vector<16xf32>
      %broadcast_in_dim3A_655 = arith.constant 1 : i32
      %broadcast_in_dim3A_656 = vector.broadcast %broadcast_in_dim3A_655 : i32 to vector<16xi32>
      %mul3A_657 = arith.constant 32 : i32
      %mul3A_658 = vector.broadcast %mul3A_657 : i32 to vector<16xi32>
      %mul3A_659 = arith.muli %get3A_229, %mul3A_658 : vector<16xi32>
      %add3A_660 = arith.constant 20 : i32
      %add3A_661 = vector.broadcast %add3A_660 : i32 to vector<16xi32>
      %add3A_662 = arith.addi %mul3A_659, %add3A_661 : vector<16xi32>
      %gather3A_663 = tpu.vector_load_idx %arg14[%broadcast_in_dim3A_656, %add3A_223, %add3A_662] : memref<2x128x128xf32, #tpu.memory_space<vmem>>[vector<16xi32>, vector<16xi32>, vector<16xi32>], vector<16xf32>,
      %broadcast_in_dim3A_664 = arith.constant 1 : i32
      %broadcast_in_dim3A_665 = vector.broadcast %broadcast_in_dim3A_664 : i32 to vector<16xi32>
      %mul3A_666 = arith.constant 32 : i32
      %mul3A_667 = vector.broadcast %mul3A_666 : i32 to vector<16xi32>
      %mul3A_668 = arith.muli %get3A_235, %mul3A_667 : vector<16xi32>
      %add3A_669 = arith.constant 20 : i32
      %add3A_670 = vector.broadcast %add3A_669 : i32 to vector<16xi32>
      %add3A_671 = arith.addi %mul3A_668, %add3A_670 : vector<16xi32>
      %gather3A_672 = tpu.vector_load_idx %arg15[%broadcast_in_dim3A_665, %add3A_223, %add3A_671] : memref<2x128x128xf32, #tpu.memory_space<vmem>>[vector<16xi32>, vector<16xi32>, vector<16xi32>], vector<16xf32>,
      %sub3A_673 = arith.subf %gather3A_663, %gather3A_672 : vector<16xf32>
      %mul3A_674 = arith.mulf %sub3A_673, %sub3A_673 : vector<16xf32>
      %add3A_675 = arith.addf %add3A_654, %mul3A_674 : vector<16xf32>
      %broadcast_in_dim3A_676 = arith.constant 1 : i32
      %broadcast_in_dim3A_677 = vector.broadcast %broadcast_in_dim3A_676 : i32 to vector<16xi32>
      %mul3A_678 = arith.constant 32 : i32
      %mul3A_679 = vector.broadcast %mul3A_678 : i32 to vector<16xi32>
      %mul3A_680 = arith.muli %get3A_229, %mul3A_679 : vector<16xi32>
      %add3A_681 = arith.constant 21 : i32
      %add3A_682 = vector.broadcast %add3A_681 : i32 to vector<16xi32>
      %add3A_683 = arith.addi %mul3A_680, %add3A_682 : vector<16xi32>
      %gather3A_684 = tpu.vector_load_idx %arg14[%broadcast_in_dim3A_677, %add3A_223, %add3A_683] : memref<2x128x128xf32, #tpu.memory_space<vmem>>[vector<16xi32>, vector<16xi32>, vector<16xi32>], vector<16xf32>,
      %broadcast_in_dim3A_685 = arith.constant 1 : i32
      %broadcast_in_dim3A_686 = vector.broadcast %broadcast_in_dim3A_685 : i32 to vector<16xi32>
      %mul3A_687 = arith.constant 32 : i32
      %mul3A_688 = vector.broadcast %mul3A_687 : i32 to vector<16xi32>
      %mul3A_689 = arith.muli %get3A_235, %mul3A_688 : vector<16xi32>
      %add3A_690 = arith.constant 21 : i32
      %add3A_691 = vector.broadcast %add3A_690 : i32 to vector<16xi32>
      %add3A_692 = arith.addi %mul3A_689, %add3A_691 : vector<16xi32>
      %gather3A_693 = tpu.vector_load_idx %arg15[%broadcast_in_dim3A_686, %add3A_223, %add3A_692] : memref<2x128x128xf32, #tpu.memory_space<vmem>>[vector<16xi32>, vector<16xi32>, vector<16xi32>], vector<16xf32>,
      %sub3A_694 = arith.subf %gather3A_684, %gather3A_693 : vector<16xf32>
      %mul3A_695 = arith.mulf %sub3A_694, %sub3A_694 : vector<16xf32>
      %add3A_696 = arith.addf %add3A_675, %mul3A_695 : vector<16xf32>
      %broadcast_in_dim3A_697 = arith.constant 1 : i32
      %broadcast_in_dim3A_698 = vector.broadcast %broadcast_in_dim3A_697 : i32 to vector<16xi32>
      %mul3A_699 = arith.constant 32 : i32
      %mul3A_700 = vector.broadcast %mul3A_699 : i32 to vector<16xi32>
      %mul3A_701 = arith.muli %get3A_229, %mul3A_700 : vector<16xi32>
      %add3A_702 = arith.constant 22 : i32
      %add3A_703 = vector.broadcast %add3A_702 : i32 to vector<16xi32>
      %add3A_704 = arith.addi %mul3A_701, %add3A_703 : vector<16xi32>
      %gather3A_705 = tpu.vector_load_idx %arg14[%broadcast_in_dim3A_698, %add3A_223, %add3A_704] : memref<2x128x128xf32, #tpu.memory_space<vmem>>[vector<16xi32>, vector<16xi32>, vector<16xi32>], vector<16xf32>,
      %broadcast_in_dim3A_706 = arith.constant 1 : i32
      %broadcast_in_dim3A_707 = vector.broadcast %broadcast_in_dim3A_706 : i32 to vector<16xi32>
      %mul3A_708 = arith.constant 32 : i32
      %mul3A_709 = vector.broadcast %mul3A_708 : i32 to vector<16xi32>
      %mul3A_710 = arith.muli %get3A_235, %mul3A_709 : vector<16xi32>
      %add3A_711 = arith.constant 22 : i32
      %add3A_712 = vector.broadcast %add3A_711 : i32 to vector<16xi32>
      %add3A_713 = arith.addi %mul3A_710, %add3A_712 : vector<16xi32>
      %gather3A_714 = tpu.vector_load_idx %arg15[%broadcast_in_dim3A_707, %add3A_223, %add3A_713] : memref<2x128x128xf32, #tpu.memory_space<vmem>>[vector<16xi32>, vector<16xi32>, vector<16xi32>], vector<16xf32>,
      %sub3A_715 = arith.subf %gather3A_705, %gather3A_714 : vector<16xf32>
      %mul3A_716 = arith.mulf %sub3A_715, %sub3A_715 : vector<16xf32>
      %add3A_717 = arith.addf %add3A_696, %mul3A_716 : vector<16xf32>
      %broadcast_in_dim3A_718 = arith.constant 1 : i32
      %broadcast_in_dim3A_719 = vector.broadcast %broadcast_in_dim3A_718 : i32 to vector<16xi32>
      %mul3A_720 = arith.constant 32 : i32
      %mul3A_721 = vector.broadcast %mul3A_720 : i32 to vector<16xi32>
      %mul3A_722 = arith.muli %get3A_229, %mul3A_721 : vector<16xi32>
      %add3A_723 = arith.constant 23 : i32
      %add3A_724 = vector.broadcast %add3A_723 : i32 to vector<16xi32>
      %add3A_725 = arith.addi %mul3A_722, %add3A_724 : vector<16xi32>
      %gather3A_726 = tpu.vector_load_idx %arg14[%broadcast_in_dim3A_719, %add3A_223, %add3A_725] : memref<2x128x128xf32, #tpu.memory_space<vmem>>[vector<16xi32>, vector<16xi32>, vector<16xi32>], vector<16xf32>,
      %broadcast_in_dim3A_727 = arith.constant 1 : i32
      %broadcast_in_dim3A_728 = vector.broadcast %broadcast_in_dim3A_727 : i32 to vector<16xi32>
      %mul3A_729 = arith.constant 32 : i32
      %mul3A_730 = vector.broadcast %mul3A_729 : i32 to vector<16xi32>
      %mul3A_731 = arith.muli %get3A_235, %mul3A_730 : vector<16xi32>
      %add3A_732 = arith.constant 23 : i32
      %add3A_733 = vector.broadcast %add3A_732 : i32 to vector<16xi32>
      %add3A_734 = arith.addi %mul3A_731, %add3A_733 : vector<16xi32>
      %gather3A_735 = tpu.vector_load_idx %arg15[%broadcast_in_dim3A_728, %add3A_223, %add3A_734] : memref<2x128x128xf32, #tpu.memory_space<vmem>>[vector<16xi32>, vector<16xi32>, vector<16xi32>], vector<16xf32>,
      %sub3A_736 = arith.subf %gather3A_726, %gather3A_735 : vector<16xf32>
      %mul3A_737 = arith.mulf %sub3A_736, %sub3A_736 : vector<16xf32>
      %add3A_738 = arith.addf %add3A_717, %mul3A_737 : vector<16xf32>
      %broadcast_in_dim3A_739 = arith.constant 1 : i32
      %broadcast_in_dim3A_740 = vector.broadcast %broadcast_in_dim3A_739 : i32 to vector<16xi32>
      %mul3A_741 = arith.constant 32 : i32
      %mul3A_742 = vector.broadcast %mul3A_741 : i32 to vector<16xi32>
      %mul3A_743 = arith.muli %get3A_229, %mul3A_742 : vector<16xi32>
      %add3A_744 = arith.constant 24 : i32
      %add3A_745 = vector.broadcast %add3A_744 : i32 to vector<16xi32>
      %add3A_746 = arith.addi %mul3A_743, %add3A_745 : vector<16xi32>
      %gather3A_747 = tpu.vector_load_idx %arg14[%broadcast_in_dim3A_740, %add3A_223, %add3A_746] : memref<2x128x128xf32, #tpu.memory_space<vmem>>[vector<16xi32>, vector<16xi32>, vector<16xi32>], vector<16xf32>,
      %broadcast_in_dim3A_748 = arith.constant 1 : i32
      %broadcast_in_dim3A_749 = vector.broadcast %broadcast_in_dim3A_748 : i32 to vector<16xi32>
      %mul3A_750 = arith.constant 32 : i32
      %mul3A_751 = vector.broadcast %mul3A_750 : i32 to vector<16xi32>
      %mul3A_752 = arith.muli %get3A_235, %mul3A_751 : vector<16xi32>
      %add3A_753 = arith.constant 24 : i32
      %add3A_754 = vector.broadcast %add3A_753 : i32 to vector<16xi32>
      %add3A_755 = arith.addi %mul3A_752, %add3A_754 : vector<16xi32>
      %gather3A_756 = tpu.vector_load_idx %arg15[%broadcast_in_dim3A_749, %add3A_223, %add3A_755] : memref<2x128x128xf32, #tpu.memory_space<vmem>>[vector<16xi32>, vector<16xi32>, vector<16xi32>], vector<16xf32>,
      %sub3A_757 = arith.subf %gather3A_747, %gather3A_756 : vector<16xf32>
      %mul3A_758 = arith.mulf %sub3A_757, %sub3A_757 : vector<16xf32>
      %add3A_759 = arith.addf %add3A_738, %mul3A_758 : vector<16xf32>
      %broadcast_in_dim3A_760 = arith.constant 1 : i32
      %broadcast_in_dim3A_761 = vector.broadcast %broadcast_in_dim3A_760 : i32 to vector<16xi32>
      %mul3A_762 = arith.constant 32 : i32
      %mul3A_763 = vector.broadcast %mul3A_762 : i32 to vector<16xi32>
      %mul3A_764 = arith.muli %get3A_229, %mul3A_763 : vector<16xi32>
      %add3A_765 = arith.constant 25 : i32
      %add3A_766 = vector.broadcast %add3A_765 : i32 to vector<16xi32>
      %add3A_767 = arith.addi %mul3A_764, %add3A_766 : vector<16xi32>
      %gather3A_768 = tpu.vector_load_idx %arg14[%broadcast_in_dim3A_761, %add3A_223, %add3A_767] : memref<2x128x128xf32, #tpu.memory_space<vmem>>[vector<16xi32>, vector<16xi32>, vector<16xi32>], vector<16xf32>,
      %broadcast_in_dim3A_769 = arith.constant 1 : i32
      %broadcast_in_dim3A_770 = vector.broadcast %broadcast_in_dim3A_769 : i32 to vector<16xi32>
      %mul3A_771 = arith.constant 32 : i32
      %mul3A_772 = vector.broadcast %mul3A_771 : i32 to vector<16xi32>
      %mul3A_773 = arith.muli %get3A_235, %mul3A_772 : vector<16xi32>
      %add3A_774 = arith.constant 25 : i32
      %add3A_775 = vector.broadcast %add3A_774 : i32 to vector<16xi32>
      %add3A_776 = arith.addi %mul3A_773, %add3A_775 : vector<16xi32>
      %gather3A_777 = tpu.vector_load_idx %arg15[%broadcast_in_dim3A_770, %add3A_223, %add3A_776] : memref<2x128x128xf32, #tpu.memory_space<vmem>>[vector<16xi32>, vector<16xi32>, vector<16xi32>], vector<16xf32>,
      %sub3A_778 = arith.subf %gather3A_768, %gather3A_777 : vector<16xf32>
      %mul3A_779 = arith.mulf %sub3A_778, %sub3A_778 : vector<16xf32>
      %add3A_780 = arith.addf %add3A_759, %mul3A_779 : vector<16xf32>
      %broadcast_in_dim3A_781 = arith.constant 1 : i32
      %broadcast_in_dim3A_782 = vector.broadcast %broadcast_in_dim3A_781 : i32 to vector<16xi32>
      %mul3A_783 = arith.constant 32 : i32
      %mul3A_784 = vector.broadcast %mul3A_783 : i32 to vector<16xi32>
      %mul3A_785 = arith.muli %get3A_229, %mul3A_784 : vector<16xi32>
      %add3A_786 = arith.constant 26 : i32
      %add3A_787 = vector.broadcast %add3A_786 : i32 to vector<16xi32>
      %add3A_788 = arith.addi %mul3A_785, %add3A_787 : vector<16xi32>
      %gather3A_789 = tpu.vector_load_idx %arg14[%broadcast_in_dim3A_782, %add3A_223, %add3A_788] : memref<2x128x128xf32, #tpu.memory_space<vmem>>[vector<16xi32>, vector<16xi32>, vector<16xi32>], vector<16xf32>,
      %broadcast_in_dim3A_790 = arith.constant 1 : i32
      %broadcast_in_dim3A_791 = vector.broadcast %broadcast_in_dim3A_790 : i32 to vector<16xi32>
      %mul3A_792 = arith.constant 32 : i32
      %mul3A_793 = vector.broadcast %mul3A_792 : i32 to vector<16xi32>
      %mul3A_794 = arith.muli %get3A_235, %mul3A_793 : vector<16xi32>
      %add3A_795 = arith.constant 26 : i32
      %add3A_796 = vector.broadcast %add3A_795 : i32 to vector<16xi32>
      %add3A_797 = arith.addi %mul3A_794, %add3A_796 : vector<16xi32>
      %gather3A_798 = tpu.vector_load_idx %arg15[%broadcast_in_dim3A_791, %add3A_223, %add3A_797] : memref<2x128x128xf32, #tpu.memory_space<vmem>>[vector<16xi32>, vector<16xi32>, vector<16xi32>], vector<16xf32>,
      %sub3A_799 = arith.subf %gather3A_789, %gather3A_798 : vector<16xf32>
      %mul3A_800 = arith.mulf %sub3A_799, %sub3A_799 : vector<16xf32>
      %add3A_801 = arith.addf %add3A_780, %mul3A_800 : vector<16xf32>
      %broadcast_in_dim3A_802 = arith.constant 1 : i32
      %broadcast_in_dim3A_803 = vector.broadcast %broadcast_in_dim3A_802 : i32 to vector<16xi32>
      %mul3A_804 = arith.constant 32 : i32
      %mul3A_805 = vector.broadcast %mul3A_804 : i32 to vector<16xi32>
      %mul3A_806 = arith.muli %get3A_229, %mul3A_805 : vector<16xi32>
      %add3A_807 = arith.constant 27 : i32
      %add3A_808 = vector.broadcast %add3A_807 : i32 to vector<16xi32>
      %add3A_809 = arith.addi %mul3A_806, %add3A_808 : vector<16xi32>
      %gather3A_810 = tpu.vector_load_idx %arg14[%broadcast_in_dim3A_803, %add3A_223, %add3A_809] : memref<2x128x128xf32, #tpu.memory_space<vmem>>[vector<16xi32>, vector<16xi32>, vector<16xi32>], vector<16xf32>,
      %broadcast_in_dim3A_811 = arith.constant 1 : i32
      %broadcast_in_dim3A_812 = vector.broadcast %broadcast_in_dim3A_811 : i32 to vector<16xi32>
      %mul3A_813 = arith.constant 32 : i32
      %mul3A_814 = vector.broadcast %mul3A_813 : i32 to vector<16xi32>
      %mul3A_815 = arith.muli %get3A_235, %mul3A_814 : vector<16xi32>
      %add3A_816 = arith.constant 27 : i32
      %add3A_817 = vector.broadcast %add3A_816 : i32 to vector<16xi32>
      %add3A_818 = arith.addi %mul3A_815, %add3A_817 : vector<16xi32>
      %gather3A_819 = tpu.vector_load_idx %arg15[%broadcast_in_dim3A_812, %add3A_223, %add3A_818] : memref<2x128x128xf32, #tpu.memory_space<vmem>>[vector<16xi32>, vector<16xi32>, vector<16xi32>], vector<16xf32>,
      %sub3A_820 = arith.subf %gather3A_810, %gather3A_819 : vector<16xf32>
      %mul3A_821 = arith.mulf %sub3A_820, %sub3A_820 : vector<16xf32>
      %add3A_822 = arith.addf %add3A_801, %mul3A_821 : vector<16xf32>
      %broadcast_in_dim3A_823 = arith.constant 1 : i32
      %broadcast_in_dim3A_824 = vector.broadcast %broadcast_in_dim3A_823 : i32 to vector<16xi32>
      %mul3A_825 = arith.constant 32 : i32
      %mul3A_826 = vector.broadcast %mul3A_825 : i32 to vector<16xi32>
      %mul3A_827 = arith.muli %get3A_229, %mul3A_826 : vector<16xi32>
      %add3A_828 = arith.constant 28 : i32
      %add3A_829 = vector.broadcast %add3A_828 : i32 to vector<16xi32>
      %add3A_830 = arith.addi %mul3A_827, %add3A_829 : vector<16xi32>
      %gather3A_831 = tpu.vector_load_idx %arg14[%broadcast_in_dim3A_824, %add3A_223, %add3A_830] : memref<2x128x128xf32, #tpu.memory_space<vmem>>[vector<16xi32>, vector<16xi32>, vector<16xi32>], vector<16xf32>,
      %broadcast_in_dim3A_832 = arith.constant 1 : i32
      %broadcast_in_dim3A_833 = vector.broadcast %broadcast_in_dim3A_832 : i32 to vector<16xi32>
      %mul3A_834 = arith.constant 32 : i32
      %mul3A_835 = vector.broadcast %mul3A_834 : i32 to vector<16xi32>
      %mul3A_836 = arith.muli %get3A_235, %mul3A_835 : vector<16xi32>
      %add3A_837 = arith.constant 28 : i32
      %add3A_838 = vector.broadcast %add3A_837 : i32 to vector<16xi32>
      %add3A_839 = arith.addi %mul3A_836, %add3A_838 : vector<16xi32>
      %gather3A_840 = tpu.vector_load_idx %arg15[%broadcast_in_dim3A_833, %add3A_223, %add3A_839] : memref<2x128x128xf32, #tpu.memory_space<vmem>>[vector<16xi32>, vector<16xi32>, vector<16xi32>], vector<16xf32>,
      %sub3A_841 = arith.subf %gather3A_831, %gather3A_840 : vector<16xf32>
      %mul3A_842 = arith.mulf %sub3A_841, %sub3A_841 : vector<16xf32>
      %add3A_843 = arith.addf %add3A_822, %mul3A_842 : vector<16xf32>
      %broadcast_in_dim3A_844 = arith.constant 1 : i32
      %broadcast_in_dim3A_845 = vector.broadcast %broadcast_in_dim3A_844 : i32 to vector<16xi32>
      %mul3A_846 = arith.constant 32 : i32
      %mul3A_847 = vector.broadcast %mul3A_846 : i32 to vector<16xi32>
      %mul3A_848 = arith.muli %get3A_229, %mul3A_847 : vector<16xi32>
      %add3A_849 = arith.constant 29 : i32
      %add3A_850 = vector.broadcast %add3A_849 : i32 to vector<16xi32>
      %add3A_851 = arith.addi %mul3A_848, %add3A_850 : vector<16xi32>
      %gather3A_852 = tpu.vector_load_idx %arg14[%broadcast_in_dim3A_845, %add3A_223, %add3A_851] : memref<2x128x128xf32, #tpu.memory_space<vmem>>[vector<16xi32>, vector<16xi32>, vector<16xi32>], vector<16xf32>,
      %broadcast_in_dim3A_853 = arith.constant 1 : i32
      %broadcast_in_dim3A_854 = vector.broadcast %broadcast_in_dim3A_853 : i32 to vector<16xi32>
      %mul3A_855 = arith.constant 32 : i32
      %mul3A_856 = vector.broadcast %mul3A_855 : i32 to vector<16xi32>
      %mul3A_857 = arith.muli %get3A_235, %mul3A_856 : vector<16xi32>
      %add3A_858 = arith.constant 29 : i32
      %add3A_859 = vector.broadcast %add3A_858 : i32 to vector<16xi32>
      %add3A_860 = arith.addi %mul3A_857, %add3A_859 : vector<16xi32>
      %gather3A_861 = tpu.vector_load_idx %arg15[%broadcast_in_dim3A_854, %add3A_223, %add3A_860] : memref<2x128x128xf32, #tpu.memory_space<vmem>>[vector<16xi32>, vector<16xi32>, vector<16xi32>], vector<16xf32>,
      %sub3A_862 = arith.subf %gather3A_852, %gather3A_861 : vector<16xf32>
      %mul3A_863 = arith.mulf %sub3A_862, %sub3A_862 : vector<16xf32>
      %add3A_864 = arith.addf %add3A_843, %mul3A_863 : vector<16xf32>
      %broadcast_in_dim3A_865 = arith.constant 1 : i32
      %broadcast_in_dim3A_866 = vector.broadcast %broadcast_in_dim3A_865 : i32 to vector<16xi32>
      %mul3A_867 = arith.constant 32 : i32
      %mul3A_868 = vector.broadcast %mul3A_867 : i32 to vector<16xi32>
      %mul3A_869 = arith.muli %get3A_229, %mul3A_868 : vector<16xi32>
      %add3A_870 = arith.constant 30 : i32
      %add3A_871 = vector.broadcast %add3A_870 : i32 to vector<16xi32>
      %add3A_872 = arith.addi %mul3A_869, %add3A_871 : vector<16xi32>
      %gather3A_873 = tpu.vector_load_idx %arg14[%broadcast_in_dim3A_866, %add3A_223, %add3A_872] : memref<2x128x128xf32, #tpu.memory_space<vmem>>[vector<16xi32>, vector<16xi32>, vector<16xi32>], vector<16xf32>,
      %broadcast_in_dim3A_874 = arith.constant 1 : i32
      %broadcast_in_dim3A_875 = vector.broadcast %broadcast_in_dim3A_874 : i32 to vector<16xi32>
      %mul3A_876 = arith.constant 32 : i32
      %mul3A_877 = vector.broadcast %mul3A_876 : i32 to vector<16xi32>
      %mul3A_878 = arith.muli %get3A_235, %mul3A_877 : vector<16xi32>
      %add3A_879 = arith.constant 30 : i32
      %add3A_880 = vector.broadcast %add3A_879 : i32 to vector<16xi32>
      %add3A_881 = arith.addi %mul3A_878, %add3A_880 : vector<16xi32>
      %gather3A_882 = tpu.vector_load_idx %arg15[%broadcast_in_dim3A_875, %add3A_223, %add3A_881] : memref<2x128x128xf32, #tpu.memory_space<vmem>>[vector<16xi32>, vector<16xi32>, vector<16xi32>], vector<16xf32>,
      %sub3A_883 = arith.subf %gather3A_873, %gather3A_882 : vector<16xf32>
      %mul3A_884 = arith.mulf %sub3A_883, %sub3A_883 : vector<16xf32>
      %add3A_885 = arith.addf %add3A_864, %mul3A_884 : vector<16xf32>
      %broadcast_in_dim3A_886 = arith.constant 1 : i32
      %broadcast_in_dim3A_887 = vector.broadcast %broadcast_in_dim3A_886 : i32 to vector<16xi32>
      %mul3A_888 = arith.constant 32 : i32
      %mul3A_889 = vector.broadcast %mul3A_888 : i32 to vector<16xi32>
      %mul3A_890 = arith.muli %get3A_229, %mul3A_889 : vector<16xi32>
      %add3A_891 = arith.constant 31 : i32
      %add3A_892 = vector.broadcast %add3A_891 : i32 to vector<16xi32>
      %add3A_893 = arith.addi %mul3A_890, %add3A_892 : vector<16xi32>
      %gather3A_894 = tpu.vector_load_idx %arg14[%broadcast_in_dim3A_887, %add3A_223, %add3A_893] : memref<2x128x128xf32, #tpu.memory_space<vmem>>[vector<16xi32>, vector<16xi32>, vector<16xi32>], vector<16xf32>,
      %broadcast_in_dim3A_895 = arith.constant 1 : i32
      %broadcast_in_dim3A_896 = vector.broadcast %broadcast_in_dim3A_895 : i32 to vector<16xi32>
      %mul3A_897 = arith.constant 32 : i32
      %mul3A_898 = vector.broadcast %mul3A_897 : i32 to vector<16xi32>
      %mul3A_899 = arith.muli %get3A_235, %mul3A_898 : vector<16xi32>
      %add3A_900 = arith.constant 31 : i32
      %add3A_901 = vector.broadcast %add3A_900 : i32 to vector<16xi32>
      %add3A_902 = arith.addi %mul3A_899, %add3A_901 : vector<16xi32>
      %gather3A_903 = tpu.vector_load_idx %arg15[%broadcast_in_dim3A_896, %add3A_223, %add3A_902] : memref<2x128x128xf32, #tpu.memory_space<vmem>>[vector<16xi32>, vector<16xi32>, vector<16xi32>], vector<16xf32>,
      %sub3A_904 = arith.subf %gather3A_894, %gather3A_903 : vector<16xf32>
      %mul3A_905 = arith.mulf %sub3A_904, %sub3A_904 : vector<16xf32>
      %add3A_906 = arith.addf %add3A_885, %mul3A_905 : vector<16xf32>
      %mul3A_907 = arith.constant 5.000000e-01 : f32
      %mul3A_908 = vector.broadcast %mul3A_907 : f32 to vector<16xf32>
      %mul3A_909 = arith.mulf %add3A_906, %mul3A_908 : vector<16xf32>
      %bitcast3A = vector.bitcast %add3A_906 : vector<16xf32> to vector<16xi32>
      %shift_right_arithmetic3A = arith.constant 1 : i32
      %shift_right_arithmetic3A_910 = vector.broadcast %shift_right_arithmetic3A : i32 to vector<16xi32>
      %shift_right_arithmetic3A_911 = arith.shrsi %bitcast3A, %shift_right_arithmetic3A_910 : vector<16xi32>
      %sub3A_912 = arith.constant 1597463007 : i32
      %sub3A_913 = vector.broadcast %sub3A_912 : i32 to vector<16xi32>
      %sub3A_914 = arith.subi %sub3A_913, %shift_right_arithmetic3A_911 : vector<16xi32>
      %bitcast3A_915 = vector.bitcast %sub3A_914 : vector<16xi32> to vector<16xf32>
      %mul3A_916 = arith.mulf %mul3A_909, %bitcast3A_915 : vector<16xf32>
      %mul3A_917 = arith.mulf %mul3A_916, %bitcast3A_915 : vector<16xf32>
      %sub3A_918 = arith.constant 1.500000e+00 : f32
      %sub3A_919 = vector.broadcast %sub3A_918 : f32 to vector<16xf32>
      %sub3A_920 = arith.subf %sub3A_919, %mul3A_917 : vector<16xf32>
      %mul3A_921 = arith.mulf %bitcast3A_915, %sub3A_920 : vector<16xf32>
      %mul3A_922 = arith.mulf %mul3A_909, %mul3A_921 : vector<16xf32>
      %mul3A_923 = arith.mulf %mul3A_922, %mul3A_921 : vector<16xf32>
      %sub3A_924 = arith.constant 1.500000e+00 : f32
      %sub3A_925 = vector.broadcast %sub3A_924 : f32 to vector<16xf32>
      %sub3A_926 = arith.subf %sub3A_925, %mul3A_923 : vector<16xf32>
      %mul3A_927 = arith.mulf %mul3A_921, %sub3A_926 : vector<16xf32>
      %mul3A_928 = arith.mulf %mul3A_909, %mul3A_927 : vector<16xf32>
      %mul3A_929 = arith.mulf %mul3A_928, %mul3A_927 : vector<16xf32>
      %sub3A_930 = arith.constant 1.500000e+00 : f32
      %sub3A_931 = vector.broadcast %sub3A_930 : f32 to vector<16xf32>
      %sub3A_932 = arith.subf %sub3A_931, %mul3A_929 : vector<16xf32>
      %mul3A_933 = arith.mulf %mul3A_927, %sub3A_932 : vector<16xf32>
      %mul3A_934 = arith.mulf %add3A_906, %mul3A_933 : vector<16xf32>
      %mul3A_935 = arith.mulf %mul3A_934, %get3A_1 : vector<16xf32>
      %add3A_936 = arith.addf %mul3A_935, %get3A_3 : vector<16xf32>
      %mul3A_937 = arith.constant 16 : i32
      %mul3A_938 = arith.muli %scan3A_219, %mul3A_937 : i32
      %add3A_939 = arith.constant 384 : i32
      %add3A_940 = arith.addi %add3A_939, %mul3A_938 : i32
      %swap3A = arith.index_cast %add3A_940 : i32 to index
      %swap3A_941 = tpu.vector_load %arg17[%swap3A] {strides = array<i32>} : memref<512xf32, #tpu.memory_space<vmem>>, vector<16xf32>,
      tpu.vector_store %arg17[%swap3A], %add3A_936 {strides = array<i32>} : memref<512xf32, #tpu.memory_space<vmem>>, vector<16xf32>,
    }
    %scan3A_216 = arith.constant 8 : i32
    %mul3A_217 = arith.constant 512 : i32
    %mul3A_218 = arith.muli %add3A, %mul3A_217 : i32
    "tpu.region"() ({
      %run_scoped3A = tpu.sem_alloc : memref<!tpu.dma_semaphore, #tpu.memory_space<semaphore_mem>>
      %dma_start3A_219 = tpu.memref_slice %arg9[%mul3A_218] : memref<16384xf32, #tpu.memory_space<hbm>> -> memref<512xf32, #tpu.memory_space<hbm>>
      %dma_start3A_220 = tpu.memref_slice %arg9[%mul3A_218] : memref<16384xf32, #tpu.memory_space<hbm>> -> memref<512xf32, #tpu.memory_space<hbm>>
      tpu.enqueue_dma source(%arg17 : memref<512xf32, #tpu.memory_space<vmem>>) target(%dma_start3A_220 : memref<512xf32, #tpu.memory_space<hbm>>) target_semaphore(%run_scoped3A : memref<!tpu.dma_semaphore, #tpu.memory_space<semaphore_mem>>)
      %dma_wait3A_221 = tpu.memref_slice %arg9[%mul3A_218] : memref<16384xf32, #tpu.memory_space<hbm>> -> memref<512xf32, #tpu.memory_space<hbm>>
      %dma_wait3A_222 = tpu.memref_slice %arg9[%mul3A_218] : memref<16384xf32, #tpu.memory_space<hbm>> -> memref<512xf32, #tpu.memory_space<hbm>>
      tpu.wait_dma2 semaphore(%run_scoped3A : memref<!tpu.dma_semaphore, #tpu.memory_space<semaphore_mem>>) src(%arg17 : memref<512xf32, #tpu.memory_space<vmem>>) dst(%dma_wait3A_222 : memref<512xf32, #tpu.memory_space<hbm>>)
      tpu.yield
    }) : () -> ()
    return
  }
}

module attributes {stable_mosaic.version = 14 : i64} {
  func.func @_pack_body(%arg0: i32, %arg1: memref<32x32000xf32, #tpu.memory_space<vmem>>, %arg2: memref<8000x128xf32, #tpu.memory_space<vmem>>) attributes {dimension_semantics = [#tpu.dimension_semantics<arbitrary>], iteration_bounds = array<i64: 32>, scalar_prefetch = 0 : i64, scratch_operands = 0 : i64, tpu.core_type = #tpu.core_type<tc>, window_params = [{transform_indices = @transform_0, window_bounds = array<i64: 32, 32000>}, {transform_indices = @transform_1, window_bounds = array<i64: 8000, 128>}]} {
    %get3A = arith.constant 0 : index
    %get3A_0 = arith.constant 0 : index
    %get3A_1 = vector.load %arg1[%get3A, %get3A_0] : memref<32x32000xf32, #tpu.memory_space<vmem>>, vector<32x32000xf32>
    %transpose3A = tpu.transpose %get3A_1, [1, 0] : vector<32x32000xf32> -> vector<32000x32xf32>
    %slice3A = vector.extract_strided_slice %transpose3A {offsets = [0, 0], sizes = [8000, 32], strides = [1, 1]} : vector<32000x32xf32> to vector<8000x32xf32>
    %slice3A_2 = vector.extract_strided_slice %transpose3A {offsets = [8000, 0], sizes = [8000, 32], strides = [1, 1]} : vector<32000x32xf32> to vector<8000x32xf32>
    %slice3A_3 = vector.extract_strided_slice %transpose3A {offsets = [16000, 0], sizes = [8000, 32], strides = [1, 1]} : vector<32000x32xf32> to vector<8000x32xf32>
    %slice3A_4 = vector.extract_strided_slice %transpose3A {offsets = [24000, 0], sizes = [8000, 32], strides = [1, 1]} : vector<32000x32xf32> to vector<8000x32xf32>
    %concatenate3A = tpu.concatenate %slice3A, %slice3A_2, %slice3A_3, %slice3A_4 in 1 : vector<8000x32xf32>, vector<8000x32xf32>, vector<8000x32xf32>, vector<8000x32xf32> -> vector<8000x128xf32>
    %swap3A = arith.constant 0 : index
    %swap3A_5 = arith.constant 0 : index
    %swap3A_6 = vector.load %arg2[%swap3A, %swap3A_5] : memref<8000x128xf32, #tpu.memory_space<vmem>>, vector<8000x128xf32>
    tpu.vector_store %arg2[%swap3A, %swap3A_5], %concatenate3A {strides = array<i32>} : memref<8000x128xf32, #tpu.memory_space<vmem>>, vector<8000x128xf32>,
    return
  }
  func.func @transform_0(%arg0: i32) -> (i32, i32) {
    %c0_i32 = arith.constant 0 : i32
    %c0_i32_0 = arith.constant 0 : i32
    return %c0_i32, %arg0 : i32, i32
  }
  func.func @transform_1(%arg0: i32) -> (i32, i32) {
    %c0_i32 = arith.constant 0 : i32
    %c0_i32_0 = arith.constant 0 : i32
    return %arg0, %c0_i32 : i32, i32
  }
}

</mosaic_0001>

<sc_bundles>
// kernel: kernel.5.cloned.1.call-start
scs
__scs_entry_jumppad:
0x0: {  	(pc) =	sbr.rel $0x88, $3  }
0x1: {  	(tag) =	ssettag $0x0;
	lr =	simm.s32 $0x1  }
0x2: {  	[smem:$0x3F9B] =	sst lr;
	_ =	strace $0xD0000000  }
0x3: {  	_ = 	snop  }
0x4: {  	_ = 	snop  }
0x5: {  	_ = 	snop  }
0x6: {  	_ = 	snop  }
0x7: {  	_ = 	snop  }
__scs_overlays_trampoline_lowered:
0x8: {  	[smem:$0x3FAA] =	sst s0  }
0x9: {  	[smem:$0x3FAB] =	sst s1  }
0xa: {  	[smem:$0x3FAC] =	sst s2  }
0xb: {  	[smem:$0x3FAD] =	sst s3  }
0xc: {  	[smem:$0x3FAE] =	sst s4  }
0xd: {  	[smem:$0x3FAF] =	sst s5  }
0xe: {  	[smem:$0x3FB0] =	sst s6  }
0xf: {  	[smem:$0x3FB1] =	sst s7  }
0x10: {  	[smem:$0x3FB2] =	sst s8  }
0x11: {  	[smem:$0x3FB3] =	sst s9;
	s0 =	simm.s32 @!p0 $0x0  }
0x12: {  	s1 =	sld [smem:$0x3F99];
	s0 =	simm.s32 @p0 $0x1  }
0x13: {  	[smem:$0x3FB4] =	sst s0;
	s0 =	simm.s32 @!p1 $0x0  }
0x14: {  	s2 =	sld [smem:$0x3F98];
	s0 =	simm.s32 @p1 $0x1  }
0x15: {  	[smem:$0x3FB5] =	sst s0;
	s0 =	simm.s32 @!p2 $0x0  }
0x16: {  	s3 =	sld [smem:$0x3FDB];
	s0 =	simm.s32 @p2 $0x1  }
0x17: {  	s4 =	simm.s32 $0x1BF5;
	[smem:$0x3FB7] =	sst s0  }
0x18: {  	s0 =	sld [smem:$0x3F9A];
	_ =	swait.ge [sflag:s4], $0x0  }
0x19: {  	s7 =	sld [smem:$0x3F9B]  }
0x1a: {  	s8 =	sadd.s32 $0xFFFFE003, lr  }
0x1b: {  	s9 =	sadd.s32 $0xFFFFFEF7, lr;
	s5 =	simm.s32 $0xFFFFFFFF;
	p2 =	slt.u32 s8, $0xFFFFF086  }
0x1c: {  	p1 =	slt.u32 s9, $0xF7A;
	s5 =	simm.s32 @!p2 $0x0  }
0x1d: {  	s5 =	simm.s32 @p1 $0x1;
	p0 =	seq.s32 s7, s2  }
0x1e: {  	s7 =	smul.u32 @!p0 $0xF7A, s2;
	p2 =	seq.s32 @!p0 s5, $0x0  }
0x1f: {  	s9 =	smul.u32 $0xF7A, s1;
	s8 =	simm.s32 @!p0 $0x1BF5;
	p2 =	por !p2, p0  }
0x20: {  	[sflag:s8] =	ssyncset.s32 @!p0 $0xFFFFF086;
	s6 =	sadd.s32 @!p0 s3, s7;
	s7 =	simm.s32 @!p0 $0x108  }
0x21: {  	s3 =	sadd.s32 s3, s9;
	s6 =	sadd.s32 @!p0 $0x88, s6;
	s7 =	simm.s32 @p2 $0x1082  }
0x22: {  	[simem:s7], [sflag:s8] =	dma.local @!p0 [hbm:s6], $0xF7A  }
0x23: {  	s9 =	sor.u32 $0xD0000000, s2;
	s6 =	simm.s32 $0x108;
	_ =	swait.ge @!p0 [sflag:s8], $0x0  }
0x24: {  	s3 =	sadd.s32 $0x88, s3;
	s6 =	simm.s32 @!p1 $0x1082;
	[sflag:s4] =	ssyncset.s32 $0xFFFFF086  }
0x25: {  	[simem:s6], [sflag:s4] =	dma.local [hbm:s3], $0xF7A  }
0x26: {  	[smem:$0x3F9B] =	sst s1;
	(tag) =	ssettag s2;
	_ =	strace s9  }
0x27: {  	s1 =	sld [smem:$0x3FAB]  }
0x28: {  	s2 =	sld [smem:$0x3FAC]  }
0x29: {  	s4 =	sld [smem:$0x3FAE]  }
0x2a: {  	p0 =	seq.s32 s5, $0x0;
	s5 =	sld [smem:$0x3FAF]  }
0x2b: {  	s6 =	sld [smem:$0x3FB0]  }
0x2c: {  	s7 =	sld [smem:$0x3FB1]  }
0x2d: {  	s3 =	simm.s32 $0x108;
	s8 =	sld [smem:$0x3FB2]  }
0x2e: {  	s3 =	simm.s32 @!p0 $0x1082;
	s9 =	sld [smem:$0x3FB3]  }
0x2f: {  	lr =	sadd.s32 s0, s3;
	s0 =	sld [smem:$0x3FAA]  }
0x30: {  	s3 =	sld [smem:$0x3FAD]  }
0x31: {  	[smem:$0x3FB6] =	sst s10  }
0x32: {  	s10 =	sld [smem:$0x3FB4];
	_ =	sdelay $0x3  }
0x33: {  	p0 =	seq.s32 s10, $0x1;
	s10 =	sld [smem:$0x3FB6];
	_ =	sdelay $0x3  }
0x34: {  	[smem:$0x3FB6] =	sst s10  }
0x35: {  	s10 =	sld [smem:$0x3FB5];
	_ =	sdelay $0x3  }
0x36: {  	p1 =	seq.s32 s10, $0x1;
	s10 =	sld [smem:$0x3FB6];
	_ =	sdelay $0x3  }
0x37: {  	[smem:$0x3FB6] =	sst s10  }
0x38: {  	s10 =	sld [smem:$0x3FB7]  }
0x39: {  	_ = 	snop;
	(pc) =	sbr.ind lr, $3  }
0x3a: {  	_ = 	snop  }
0x3b: {  	_ = 	snop  }
0x3c: {  	p2 =	seq.s32 s10, $0x1;
	s10 =	sld [smem:$0x3FB6]  }
0x3d: {  	_ =	shalt  }
0x3e: {  	_ =	shalt  }
0x3f: {  	_ =	shalt  }
0x40: {  	_ =	shalt  }
0x41: {  	_ =	shalt  }
0x42: {  	_ =	shalt  }
0x43: {  	_ =	shalt  }
0x44: {  	_ =	shalt  }
0x45: {  	_ =	shalt  }
0x46: {  	_ =	shalt  }
0x47: {  	_ =	shalt  }
0x48: {  	_ =	shalt  }
0x49: {  	_ =	shalt  }
0x4a: {  	_ =	shalt  }
0x4b: {  	_ =	shalt  }
0x4c: {  	_ =	shalt  }
0x4d: {  	_ =	shalt  }
0x4e: {  	_ =	shalt  }
0x4f: {  	_ =	shalt  }
0x50: {  	_ =	shalt  }
0x51: {  	_ =	shalt  }
0x52: {  	_ =	shalt  }
0x53: {  	_ =	shalt  }
0x54: {  	_ =	shalt  }
0x55: {  	_ =	shalt  }
0x56: {  	_ =	shalt  }
0x57: {  	_ =	shalt  }
0x58: {  	_ =	shalt  }
0x59: {  	_ =	shalt  }
0x5a: {  	_ =	shalt  }
0x5b: {  	_ =	shalt  }
0x5c: {  	_ =	shalt  }
0x5d: {  	_ =	shalt  }
0x5e: {  	_ =	shalt  }
0x5f: {  	_ =	shalt  }
0x60: {  	_ =	shalt  }
0x61: {  	_ =	shalt  }
0x62: {  	_ =	shalt  }
0x63: {  	_ =	shalt  }
0x64: {  	_ =	shalt  }
0x65: {  	_ =	shalt  }
0x66: {  	_ =	shalt  }
0x67: {  	_ =	shalt  }
0x68: {  	_ =	shalt  }
0x69: {  	_ =	shalt  }
0x6a: {  	_ =	shalt  }
0x6b: {  	_ =	shalt  }
0x6c: {  	_ =	shalt  }
0x6d: {  	_ =	shalt  }
0x6e: {  	_ =	shalt  }
0x6f: {  	_ =	shalt  }
0x70: {  	_ =	shalt  }
0x71: {  	_ =	shalt  }
0x72: {  	_ =	shalt  }
0x73: {  	_ =	shalt  }
0x74: {  	_ =	shalt  }
0x75: {  	_ =	shalt  }
0x76: {  	_ =	shalt  }
0x77: {  	_ =	shalt  }
0x78: {  	_ =	shalt  }
0x79: {  	_ =	shalt  }
0x7a: {  	_ =	shalt  }
0x7b: {  	_ =	shalt  }
0x7c: {  	_ =	shalt  }
0x7d: {  	_ =	shalt  }
0x7e: {  	_ =	shalt  }
0x7f: {  	_ =	shalt  }
0x80: {  	_ =	shalt  }
0x81: {  	_ =	shalt  }
0x82: {  	_ =	shalt  }
0x83: {  	_ =	shalt  }
0x84: {  	_ =	shalt  }
0x85: {  	_ =	shalt  }
0x86: {  	_ =	shalt  }
0x87: {  	_ =	shalt  }
.Lfunc_end0:
.L_simem_size_0:
called_computation_lowered:
.L_overlay_start_0:
0x88: {  	s2 =	sld [smem:$0x3FD9]  }
0x89: {  	s3 =	sld [smem:$0x3FFE];
	_ =	sdelay $0x1  }
0x8a: {  	s1 =	srdreg.scid  }
0x8b: {  	s0 =	sand.u32 $0x1, s1  }
0x8c: {  	s17 =	sshll.u32 s0, $0xA;
	s2 =	sadd.s32 s3, s2  }
0x8d: {  	s2 =	sadd.s32 s2, s17  }
0x8e: {  	[smem:$0x3FC2] =	sst s2  }
0x8f: {  	_ = 	snop  }
0x90: {  	s2 =	sld [smem:$0x3FD0];
	(tm) =	ssettm $0x1  }
0x91: {  	s18 =	sld [smem:$0x3FFB];
	_ =	sdelay $0x3  }
0x92: {  	_ =	strace s18  }
0x93: {  	s3 =	sld [smem:$0x3FFC];
	_ =	sdelay $0x3  }
0x94: {  	_ =	strace s3  }
0x95: {  	s3 =	sld [smem:$0x3FFD];
	_ =	sdelay $0x3  }
0x96: {  	_ =	strace s3  }
0x97: {  	_ =	strace $0x8FFFFFFF  }
0x98: {  	s19 =	sld [smem:$0x3FDB];
	_ =	sdelay $0x1  }
0x99: {  	s4 =	simm.s32 $_scs_section_size  }
0x9a: {  	s5 =	simm.s32 $_size__tile_overlayer_lowered;
	s6 =	simm.s32 $_tile_overlayer_lowered  }
0x9b: {  	s22 =	simm.s32 $0x1BFF;
	s21 =	sshll.u32 s6, $0x1;
	s3 =	sadd.s32 s4, s19  }
0x9c: {  	s7 =	simm.s32 $0x0;
	s20 =	sshll.u32 s5, $0x1;
	s5 =	sadd.s32 s21, s3  }
0x9d: {  	[timem:s7], [sflag:s22] =	dma.local [hbm:s5], s20  }
0x9e: {  	_ =	swait.ge [sflag:s22], s20  }
0x9f: {  	s4 =	ssub.s32 $0x0, s20;
	[sflag:s22] =	ssyncset.done $0x0  }
0xa0: {  	[sflag:s22] =	ssyncadd.s32 s4;
	_ =	sdelay $0x1  }
0xa1: {  	s23 =	simm.s32 $0x1B8B  }
0xa2: {  	_ =	swait.ge [sflag:s23], $0x1  }
0xa3: {  	[sflag:s23] =	ssyncset.done $0x0  }
0xa4: {  	s25 =	simm.s32 $0x1B8E;
	s24 =	sld [smem:$0x3FFE];
	[sflag:s23] =	ssyncadd.s32 $0xFFFFFFFF  }
0xa5: {  	s26 =	simm.s32 $execute0_lowered;
	[smem:$0x3FD2] =	sst s25  }
0xa6: {  	s5 =	sshll.u32 s26, $0x1;
	_ =	strace $0x80000046;
	[dreg:$0x1] =	wrdreg $0xFFFFFFFF  }
0xa7: {  	s28 =	simm.s32 $_size_execute0_lowered;
	s3 =	sadd.s32 s3, s5;
	[dreg:$0x0] =	wrdreg $0x0  }
0xa8: {  	s5 =	sshll.u32 s28, $0x1;
	[dreg:$0x2] =	wrdreg s3  }
0xa9: {  	[dreg:$0x3] =	wrdreg s5  }
0xaa: {  	[dreg:$0x4] =	wrdreg $0xC0  }
0xab: {  	_ =	task [dreg:s7], $0x5FFFF  }
0xac: {  	[dreg:$0x1] =	wrdreg $0xFFFFFFFF  }
0xad: {  	[dreg:$0x0] =	wrdreg $0x60  }
0xae: {  	[dreg:$0x2] =	wrdreg s24  }
0xaf: {  	[dreg:$0x3] =	wrdreg s2  }
0xb0: {  	[dreg:$0x4] =	wrdreg $0x9  }
0xb1: {  	_ =	task.clear_ibuf [dreg:s7], $0x5FFFF;
	_ =	strace $0x90000046  }
0xb2: {  	s29 =	simm.s32 $0x9;
	_ =	strace $0x80000048  }
0xb3: {  	_ =	swait.ge [sflag:s29], $0x1  }
0xb4: {  	[sflag:s29] =	ssyncadd.s32 $0xFFFFFFFF  }
0xb5: {  	_ =	strace $0x90000048  }
0xb6: {  	_ =	sfence  }
0xb7: {  	s30 =	sld [smem:$0x0];
	_ =	sdelay $0x2  }
0xb8: {  	s31 =	sshll.u32 s1, $0xD;
	s1 =	sshrl.u32 s1, $0x2  }
0xb9: {  	s3 =	sand.u32 $0x4000, s31;
	s1 =	sadd.s32 s1, s30  }
0xba: {  	s0 =	sor.u32 s3, s0;
	s1 =	sshll.u32 s1, $0x11  }
0xbb: {  	s0 =	sor.u32 s1, s0  }
0xbc: {  	s0 =	sadd.s32 $0x8F2B, s0  }
0xbd: {  	[sflag:s0] =	ssyncadd.remote.s32 $0x1  }
0xbe: {  	_ =	sfence.sel $0xFFFF  }
0xbf: {  	[dreg:$0x0] =	wrdreg $0xFFFFFFFF;
	(pc) =	sbr.abs _section_cstart, $3  }
0xc0: {  	[dreg:$0x1] =	wrdreg $0xFFFFFFFF  }
0xc1: {  	_ =	task.clear_ibuf [dreg:s7], $0x2FFFF;
	_ =	strace $0x9FFFFFFF  }
0xc2: {  	(tm) =	ssettm $0x7FFFFFFF  }
0xc3: {  	_ =	shalt  }
tec
execute0_lowered:
.L_overlay_start_1:
0x0: {  	(tag) =	ssettag $0x1  }
0x1: {  	s0 =	rddreg [dreg:$0x0]  }
0x2: {  	s1 =	rddreg [dreg:$0x1]  }
0x3: {  	s2 =	srdreg.scid;
	s4 =	stileid.u32  }
0x4: {  	s12 =	simm.s32 $0x2;
	s13 =	simm.s32 $0x400;
	s14 =	simm.s32 $0x10800  }
0x5: {  	s15 =	simm.s32 $0x80;
	s16 =	simm.s32 $0x800;
	s17 =	simm.s32 $0x8800  }
0x6: {  	s18 =	simm.s32 $0x4800;
	s19 =	simm.s32 $0x480;
	s20 =	simm.s32 $0xC800  }
0x7: {  	s21 =	simm.s32 $0x1;
	s22 =	simm.s32 $0x100;
	s23 =	simm.s32 $0x500  }
0x8: {  	s24 =	simm.s32 $0x180;
	s25 =	simm.s32 $0x580;
	s26 =	simm.s32 $0x10880  }
0x9: {  	s28 =	simm.s32 $0x0;
	s3 =	sand.u32 $0x1, s2;
	s2 =	simm.s32 $0x0  }
0xa: {  	s4 =	sshll.u32 s4, $0x7;
	s5 =	sshll.u32 s3, $0x6;
	[smem:$0x7FF] =	sst s2  }
0xb: {  	s6 =	ssub.s32 $0x2, s3;
	s3 =	sadd.s32 $0x2A00, s0;
	s10 =	sor.u32 s5, s4  }
0xc: {  	_ =	strace $0x80000047;
	s4 =	sadd.s32 $0x3EAA00, s0;
	s7 =	sshrl.u32 s6, $0x1  }
0xd: {  	s5 =	sadd.s32 $0x7D2A00, s0;
	s9 =	sadd.s32 s10, s0;
	s31 =	ssub.s32 s6, s7  }
0xe: {  	v0 =	vlaneseq.u32;
	s10 =	sadd.s32 s1, s10;
	s6 =	sadd.s32 $0x1200, s9;
	s7 =	sadd.s32 $0xA00, s9  }
0xf: {  	v0 =	vmul.u32 $0x80, v0;
	s8 =	sadd.s32 $0x2200, s9;
	s9 =	sadd.s32 $0x1A00, s9;
	s11 =	smax.u32 s31, $0x1  }
.LBB2_1:
0x10: {  	[tilespmem:s2], [sflag:$0x2] =	stream.linear.gather [hbm4b:s6+s2], $0x200, $0x38;
	[tilespmem:$0x10A80] =	vst v63  }
0x11: {  	_ =	swait.ge [sflag:s12], $0x200  }
0x12: {  	[sflag:s12] =	ssyncset.done $0x0  }
0x13: {  	s0 =	simm.s32 $0x200;
	[sflag:s12] =	ssyncadd.s32 $0xFFFFFE00  }
0x14: {  	[tilespmem:s0], [sflag:$0x2] =	stream.linear.gather [hbm4b:s7+s2], $0x200, $0x38;
	[tilespmem:$0x10A80] =	vst v63  }
0x15: {  	_ =	swait.ge [sflag:s12], $0x200  }
0x16: {  	[sflag:s12] =	ssyncset.done $0x0  }
0x17: {  	[sflag:s12] =	ssyncadd.s32 $0xFFFFFE00  }
0x18: {  	[tilespmem:s13], [sflag:$0x2] =	stream.linear.gather [hbm4b:s8+s2], $0x200, $0x38;
	[tilespmem:$0x10A80] =	vst v63  }
0x19: {  	_ =	swait.ge [sflag:s12], $0x200  }
0x1a: {  	[sflag:s12] =	ssyncset.done $0x0  }
0x1b: {  	s1 =	simm.s32 $0x600;
	[sflag:s12] =	ssyncadd.s32 $0xFFFFFE00  }
0x1c: {  	[tilespmem:s1], [sflag:$0x2] =	stream.linear.gather [hbm4b:s9+s2], $0x200, $0x38;
	[tilespmem:$0x10A80] =	vst v63  }
0x1d: {  	_ =	swait.ge [sflag:s12], $0x200  }
0x1e: {  	[sflag:s12] =	ssyncset.done $0x0  }
0x1f: {  	[sflag:s12] =	ssyncadd.s32 $0xFFFFFE00  }
0x20: {  	[tilespmem:s14], [sflag:$0x2] =	stream.linear.gather [hbm4b:s5+s2], $0x80, $0x38;
	[tilespmem:$0x10A80] =	vst v63  }
0x21: {  	_ =	swait.ge [sflag:s12], $0x80  }
0x22: {  	[sflag:s12] =	ssyncset.done $0x0  }
0x23: {  	[sflag:s12] =	ssyncadd.s32 $0xFFFFFF80  }
0x24: {  	v1 =	vld [tilespmem:$0x10800]  }
0x25: {  	v2 =	vld [tilespmem:$0x10810];
	[tilespmem:s16], [sflag:$0x1] =	stream.indirect.gather [hbm4b:s3+s15], $0x80, s2, s15, $0xb8  }
0x26: {  	_ = 	snop  }
0x27: {  	[tilespmem:s17], [sflag:$0x1] =	stream.indirect.gather [hbm4b:s4+s15], $0x80, s13, s15, $0xb8;
	[tilespmem:$0x10A80] =	vst v63  }
0x28: {  	_ = 	snop  }
0x29: {  	[tilespmem:s18], [sflag:$0x1] =	stream.indirect.gather [hbm4b:s3+s15], $0x80, s15, s15, $0xb8;
	[tilespmem:$0x10A80] =	vst v63  }
0x2a: {  	_ = 	snop  }
0x2b: {  	[tilespmem:s20], [sflag:$0x1] =	stream.indirect.gather [hbm4b:s4+s15], $0x80, s19, s15, $0xb8;
	[tilespmem:$0x10A80] =	vst v63  }
0x2c: {  	_ =	swait.ge [sflag:s21], $0x4000  }
0x2d: {  	[sflag:s21] =	ssyncset.done $0x0  }
0x2e: {  	[sflag:s21] =	ssyncadd.s32 $0xFFFFC000  }
0x2f: {  	_ =	swait.ge [sflag:s21], $0x4000  }
0x30: {  	[sflag:s21] =	ssyncset.done $0x0  }
0x31: {  	[sflag:s21] =	ssyncadd.s32 $0xFFFFC000  }
0x32: {  	v3 =	vld [tilespmem:s1+$0x0]  }
0x33: {  	v4 =	vld [tilespmem:s0+$0x0];
	_ =	sdelay $0x2  }
0x34: {  	v5 =	vmov s2  }
0x35: {  	v5 =	vshll.u32 v5, $0x7;
	v3 =	vshll.u32 v3, $0x5  }
0x36: {  	v5 =	vor.u32 v0, v5;
	v4 =	vshll.u32 v4, $0x5;
	v6 =	vand.u32 $0xFFFFFF80, v3  }
0x37: {  	v3 =	vand.u32 $0x60, v3;
	v7 =	vand.u32 $0xFFFFFF80, v4;
	v6 =	vadd.s32 v5, v6  }
0x38: {  	v4 =	vand.u32 $0x60, v4;
	v5 =	vadd.s32 v5, v7;
	v3 =	vor.u32 v3, v6  }
0x39: {  	v4 =	vor.u32 v4, v5  }
0x3a: {  	v6 =	vor.u32 $0x1, v3  }
0x3b: {  	v5 =	vor.u32 $0x1, v4  }
0x3c: {  	v7 =	vor.u32 $0x2, v3  }
0x3d: {  	v9 =	vor.u32 $0x2, v4;
	v8 =	vld.idx.msk [tilespmem:v3+s17+$0x0], $0xffff  }
0x3e: {  	v10 =	vor.u32 $0x3, v3;
	v11 =	vld.idx.msk [tilespmem:v4+s16+$0x0], $0xffff  }
0x3f: {  	v12 =	vor.u32 $0x3, v4;
	v6 =	vld.idx.msk [tilespmem:v6+s17+$0x0], $0xffff  }
0x40: {  	v13 =	vor.u32 $0x4, v3;
	v5 =	vld.idx.msk [tilespmem:v5+s16+$0x0], $0xffff  }
0x41: {  	v14 =	vor.u32 $0x4, v4;
	v7 =	vld.idx.msk [tilespmem:v7+s17+$0x0], $0xffff  }
0x42: {  	v15 =	vor.u32 $0x5, v3;
	v9 =	vld.idx.msk [tilespmem:v9+s16+$0x0], $0xffff  }
0x43: {  	v16 =	vor.u32 $0x5, v4;
	v10 =	vld.idx.msk [tilespmem:v10+s17+$0x0], $0xffff  }
0x44: {  	v17 =	vor.u32 $0x6, v3;
	v12 =	vld.idx.msk [tilespmem:v12+s16+$0x0], $0xffff  }
0x45: {  	v18 =	vor.u32 $0x6, v4;
	v13 =	vld.idx.msk [tilespmem:v13+s17+$0x0], $0xffff;
	v8 =	vsub.f32 v11, v8;
	v5 =	vsub.f32 v5, v6  }
0x46: {  	v33 =	vor.u32 $0x7, v3;
	v34 =	vor.u32 $0x7, v4;
	v6 =	vld.idx.msk [tilespmem:v14+s16+$0x0], $0xffff  }
0x47: {  	v15 =	vld.idx.msk [tilespmem:v15+s17+$0x0], $0xffff;
	v7 =	vsub.f32 v9, v7;
	v8 =	vmul.f32 v8, v8;
	v5 =	vmul.f32 v5, v5  }
0x48: {  	v35 =	vor.u32 $0x8, v3;
	v19 =	vor.u32 $0x8, v4;
	v16 =	vld.idx.msk [tilespmem:v16+s16+$0x0], $0xffff  }
0x49: {  	v17 =	vld.idx.msk [tilespmem:v17+s17+$0x0], $0xffff;
	v36 =	vsub.f32 v12, v10;
	v7 =	vmul.f32 v7, v7;
	v5 =	vadd.f32 v5, v8  }
0x4a: {  	v37 =	vor.u32 $0x9, v3;
	v39 =	vor.u32 $0x9, v4;
	v38 =	vld.idx.msk [tilespmem:v18+s16+$0x0], $0xffff  }
0x4b: {  	v41 =	vld.idx.msk [tilespmem:v34+s16+$0x0], $0xffff;
	v6 =	vsub.f32 v6, v13;
	v5 =	vadd.f32 v7, v5;
	v7 =	vmul.f32 v36, v36  }
0x4c: {  	v40 =	vor.u32 $0xA, v3;
	v42 =	vor.u32 $0xA, v4;
	v11 =	vld.idx.msk [tilespmem:v33+s17+$0x0], $0xffff  }
0x4d: {  	v44 =	vld.idx.msk [tilespmem:v19+s16+$0x0], $0xffff;
	v6 =	vmul.f32 v6, v6;
	v5 =	vadd.f32 v7, v5;
	v7 =	vsub.f32 v16, v15  }
0x4e: {  	v43 =	vor.u32 $0xB, v3;
	v45 =	vor.u32 $0xB, v4;
	v9 =	vld.idx.msk [tilespmem:v35+s17+$0x0], $0xffff  }
0x4f: {  	v47 =	vld.idx.msk [tilespmem:v39+s16+$0x0], $0xffff;
	v5 =	vadd.f32 v6, v5;
	v6 =	vmul.f32 v7, v7;
	v7 =	vsub.f32 v38, v17  }
0x50: {  	v46 =	vor.u32 $0xC, v3;
	v48 =	vor.u32 $0xC, v4;
	v10 =	vld.idx.msk [tilespmem:v37+s17+$0x0], $0xffff  }
0x51: {  	v50 =	vld.idx.msk [tilespmem:v42+s16+$0x0], $0xffff;
	v5 =	vadd.f32 v6, v5;
	v6 =	vmul.f32 v7, v7;
	v7 =	vsub.f32 v41, v11  }
0x52: {  	v49 =	vor.u32 $0xD, v3;
	v51 =	vor.u32 $0xD, v4;
	v8 =	vld.idx.msk [tilespmem:v40+s17+$0x0], $0xffff  }
0x53: {  	v53 =	vld.idx.msk [tilespmem:v45+s16+$0x0], $0xffff;
	v5 =	vadd.f32 v6, v5;
	v6 =	vmul.f32 v7, v7;
	v7 =	vsub.f32 v44, v9  }
0x54: {  	v52 =	vor.u32 $0xE, v3;
	v54 =	vor.u32 $0xE, v4;
	v15 =	vld.idx.msk [tilespmem:v43+s17+$0x0], $0xffff  }
0x55: {  	v56 =	vld.idx.msk [tilespmem:v48+s16+$0x0], $0xffff;
	v5 =	vadd.f32 v6, v5;
	v6 =	vmul.f32 v7, v7;
	v7 =	vsub.f32 v47, v10  }
0x56: {  	v55 =	vor.u32 $0xF, v3;
	v57 =	vor.u32 $0xF, v4;
	v12 =	vld.idx.msk [tilespmem:v46+s17+$0x0], $0xffff  }
0x57: {  	v59 =	vld.idx.msk [tilespmem:v51+s16+$0x0], $0xffff;
	v5 =	vadd.f32 v6, v5;
	v6 =	vmul.f32 v7, v7;
	v7 =	vsub.f32 v50, v8  }
0x58: {  	v58 =	vor.u32 $0x10, v3;
	v60 =	vor.u32 $0x10, v4;
	v11 =	vld.idx.msk [tilespmem:v49+s17+$0x0], $0xffff  }
0x59: {  	v62 =	vld.idx.msk [tilespmem:v54+s16+$0x0], $0xffff;
	v5 =	vadd.f32 v6, v5;
	v6 =	vmul.f32 v7, v7;
	v7 =	vsub.f32 v53, v15  }
0x5a: {  	v61 =	vor.u32 $0x11, v3;
	v63 =	vor.u32 $0x11, v4;
	v9 =	vld.idx.msk [tilespmem:v52+s17+$0x0], $0xffff  }
0x5b: {  	v22 =	vld.idx.msk [tilespmem:v57+s16+$0x0], $0xffff;
	v5 =	vadd.f32 v6, v5;
	v6 =	vmul.f32 v7, v7;
	v7 =	vsub.f32 v56, v12  }
0x5c: {  	v21 =	vor.u32 $0x12, v3;
	v23 =	vor.u32 $0x12, v4;
	v10 =	vld.idx.msk [tilespmem:v55+s17+$0x0], $0xffff  }
0x5d: {  	v25 =	vld.idx.msk [tilespmem:v60+s16+$0x0], $0xffff;
	v5 =	vadd.f32 v6, v5;
	v6 =	vmul.f32 v7, v7;
	v7 =	vsub.f32 v59, v11  }
0x5e: {  	v24 =	vor.u32 $0x13, v3;
	v26 =	vor.u32 $0x13, v4;
	v8 =	vld.idx.msk [tilespmem:v58+s17+$0x0], $0xffff  }
0x5f: {  	v28 =	vld.idx.msk [tilespmem:v63+s16+$0x0], $0xffff;
	v5 =	vadd.f32 v6, v5;
	v6 =	vmul.f32 v7, v7;
	v7 =	vsub.f32 v62, v9  }
0x60: {  	v27 =	vor.u32 $0x14, v3;
	v29 =	vor.u32 $0x14, v4;
	v15 =	vld.idx.msk [tilespmem:v61+s17+$0x0], $0xffff  }
0x61: {  	v31 =	vld.idx.msk [tilespmem:v23+s16+$0x0], $0xffff;
	v5 =	vadd.f32 v6, v5;
	v6 =	vmul.f32 v7, v7;
	v7 =	vsub.f32 v22, v10  }
0x62: {  	v30 =	vor.u32 $0x15, v3;
	v32 =	vor.u32 $0x15, v4;
	v12 =	vld.idx.msk [tilespmem:v21+s17+$0x0], $0xffff  }
0x63: {  	v34 =	vld.idx.msk [tilespmem:v26+s16+$0x0], $0xffff;
	v5 =	vadd.f32 v6, v5;
	v6 =	vmul.f32 v7, v7;
	v7 =	vsub.f32 v25, v8  }
0x64: {  	v33 =	vor.u32 $0x16, v3;
	v35 =	vor.u32 $0x16, v4;
	v11 =	vld.idx.msk [tilespmem:v24+s17+$0x0], $0xffff  }
0x65: {  	v37 =	vld.idx.msk [tilespmem:v29+s16+$0x0], $0xffff;
	v5 =	vadd.f32 v6, v5;
	v6 =	vmul.f32 v7, v7;
	v7 =	vsub.f32 v28, v15  }
0x66: {  	v36 =	vor.u32 $0x17, v3;
	v38 =	vor.u32 $0x17, v4;
	v9 =	vld.idx.msk [tilespmem:v27+s17+$0x0], $0xffff  }
0x67: {  	v40 =	vld.idx.msk [tilespmem:v32+s16+$0x0], $0xffff;
	v5 =	vadd.f32 v6, v5;
	v6 =	vmul.f32 v7, v7;
	v7 =	vsub.f32 v31, v12  }
0x68: {  	v39 =	vor.u32 $0x18, v3;
	v41 =	vor.u32 $0x18, v4;
	v10 =	vld.idx.msk [tilespmem:v30+s17+$0x0], $0xffff  }
0x69: {  	v43 =	vld.idx.msk [tilespmem:v35+s16+$0x0], $0xffff;
	v5 =	vadd.f32 v6, v5;
	v6 =	vmul.f32 v7, v7;
	v7 =	vsub.f32 v34, v11  }
0x6a: {  	v42 =	vor.u32 $0x19, v3;
	v44 =	vor.u32 $0x19, v4;
	v8 =	vld.idx.msk [tilespmem:v33+s17+$0x0], $0xffff  }
0x6b: {  	v46 =	vld.idx.msk [tilespmem:v38+s16+$0x0], $0xffff;
	v5 =	vadd.f32 v6, v5;
	v6 =	vmul.f32 v7, v7;
	v7 =	vsub.f32 v37, v9  }
0x6c: {  	v45 =	vor.u32 $0x1A, v3;
	v47 =	vor.u32 $0x1A, v4;
	v15 =	vld.idx.msk [tilespmem:v36+s17+$0x0], $0xffff  }
0x6d: {  	v49 =	vld.idx.msk [tilespmem:v41+s16+$0x0], $0xffff;
	v5 =	vadd.f32 v6, v5;
	v6 =	vmul.f32 v7, v7;
	v7 =	vsub.f32 v40, v10  }
0x6e: {  	v48 =	vor.u32 $0x1B, v3;
	v50 =	vor.u32 $0x1B, v4;
	v12 =	vld.idx.msk [tilespmem:v39+s17+$0x0], $0xffff  }
0x6f: {  	v52 =	vld.idx.msk [tilespmem:v44+s16+$0x0], $0xffff;
	v5 =	vadd.f32 v6, v5;
	v6 =	vmul.f32 v7, v7;
	v7 =	vsub.f32 v43, v8  }
0x70: {  	v51 =	vor.u32 $0x1C, v3;
	v53 =	vor.u32 $0x1C, v4;
	v11 =	vld.idx.msk [tilespmem:v42+s17+$0x0], $0xffff  }
0x71: {  	v55 =	vld.idx.msk [tilespmem:v47+s16+$0x0], $0xffff;
	v5 =	vadd.f32 v6, v5;
	v6 =	vmul.f32 v7, v7;
	v7 =	vsub.f32 v46, v15  }
0x72: {  	v54 =	vor.u32 $0x1D, v3;
	v56 =	vor.u32 $0x1D, v4;
	v9 =	vld.idx.msk [tilespmem:v45+s17+$0x0], $0xffff  }
0x73: {  	v58 =	vld.idx.msk [tilespmem:v50+s16+$0x0], $0xffff;
	v5 =	vadd.f32 v6, v5;
	v6 =	vmul.f32 v7, v7;
	v7 =	vsub.f32 v49, v12  }
0x74: {  	v57 =	vor.u32 $0x1E, v3;
	v59 =	vor.u32 $0x1E, v4;
	v10 =	vld.idx.msk [tilespmem:v48+s17+$0x0], $0xffff  }
0x75: {  	v60 =	vld.idx.msk [tilespmem:v53+s16+$0x0], $0xffff;
	v5 =	vadd.f32 v6, v5;
	v6 =	vmul.f32 v7, v7;
	v7 =	vsub.f32 v52, v11  }
0x76: {  	v3 =	vor.u32 $0x1F, v3;
	v4 =	vor.u32 $0x1F, v4;
	v8 =	vld.idx.msk [tilespmem:v51+s17+$0x0], $0xffff  }
0x77: {  	v61 =	vld.idx.msk [tilespmem:v54+s17+$0x0], $0xffff;
	v5 =	vadd.f32 v6, v5;
	v6 =	vmul.f32 v7, v7;
	v7 =	vsub.f32 v55, v9  }
0x78: {  	v62 =	vld.idx.msk [tilespmem:v56+s16+$0x0], $0xffff  }
0x79: {  	v63 =	vld.idx.msk [tilespmem:v59+s16+$0x0], $0xffff;
	v5 =	vadd.f32 v6, v5;
	v6 =	vmul.f32 v7, v7;
	v7 =	vsub.f32 v58, v10  }
0x7a: {  	v12 =	vld.idx.msk [tilespmem:v57+s17+$0x0], $0xffff  }
0x7b: {  	v3 =	vld.idx.msk [tilespmem:v3+s17+$0x0], $0xffff;
	v5 =	vadd.f32 v6, v5;
	v6 =	vmul.f32 v7, v7;
	v7 =	vsub.f32 v60, v8  }
0x7c: {  	v4 =	vld.idx.msk [tilespmem:v4+s16+$0x0], $0xffff  }
0x7d: {  	v5 =	vadd.f32 v6, v5;
	v6 =	vmul.f32 v7, v7;
	v7 =	vsub.f32 v62, v61;
	_ =	sdelay $0x1  }
0x7e: {  	v5 =	vadd.f32 v6, v5;
	v6 =	vmul.f32 v7, v7;
	v7 =	vsub.f32 v63, v12;
	_ =	sdelay $0x1  }
0x7f: {  	v3 =	vsub.f32 v4, v3;
	v5 =	vadd.f32 v6, v5;
	v6 =	vmul.f32 v7, v7;
	_ =	sdelay $0x1  }
0x80: {  	v3 =	vmul.f32 v3, v3;
	v4 =	vadd.f32 v6, v5;
	_ =	sdelay $0x1  }
0x81: {  	v3 =	vadd.f32 v3, v4;
	_ =	sdelay $0x1  }
0x82: {  	v4 =	vmul.f32 $5.000000000e-01, v3;
	v5 =	vshra.s32 v3, $0x1  }
0x83: {  	v5 =	vsub.s32 $0x5F3759DF, v5  }
0x84: {  	v6 =	vmul.f32 v5, v4;
	_ =	sdelay $0x1  }
0x85: {  	v6 =	vmul.f32 v5, v6;
	_ =	sdelay $0x1  }
0x86: {  	v6 =	vsub.f32 $1.500000000e+00, v6;
	_ =	sdelay $0x1  }
0x87: {  	v5 =	vmul.f32 v5, v6;
	_ =	sdelay $0x1  }
0x88: {  	v6 =	vmul.f32 v5, v4;
	_ =	sdelay $0x1  }
0x89: {  	v6 =	vmul.f32 v6, v5;
	_ =	sdelay $0x1  }
0x8a: {  	v6 =	vsub.f32 $1.500000000e+00, v6;
	_ =	sdelay $0x1  }
0x8b: {  	v5 =	vmul.f32 v6, v5;
	_ =	sdelay $0x1  }
0x8c: {  	v4 =	vmul.f32 v5, v4;
	_ =	sdelay $0x1  }
0x8d: {  	v4 =	vmul.f32 v4, v5;
	_ =	sdelay $0x1  }
0x8e: {  	v4 =	vsub.f32 $1.500000000e+00, v4;
	_ =	sdelay $0x1  }
0x8f: {  	v4 =	vmul.f32 v4, v5;
	_ =	sdelay $0x1  }
0x90: {  	v3 =	vmul.f32 v4, v3;
	_ =	sdelay $0x1  }
0x91: {  	v3 =	vmul.f32 v3, v1;
	_ =	sdelay $0x1  }
0x92: {  	v3 =	vadd.f32 v3, v2;
	_ =	sdelay $0x1  }
0x93: {  	s30 =	simm.s32 $0x610;
	[tilespmem:s26+$0x0] =	vst v3  }
0x94: {  	v4 =	vld [tilespmem:s30+$0x0]  }
0x95: {  	s31 =	simm.s32 $0x210  }
0x96: {  	s29 =	simm.s32 $0x10880;
	s0 =	simm.s32 $0x10;
	s1 =	simm.s32 $0x20;
	v3 =	vld [tilespmem:s31+$0x0]  }
.LBB2_2:
0x97: {  	p0 =	sne.s32 s1, $0x70  }
0x98: {  	v5 =	vmov s0;
	s0 =	smov.u32 s1  }
0x99: {  	v5 =	vshll.u32 v5, $0x7;
	v4 =	vshll.u32 v4, $0x5  }
0x9a: {  	v5 =	vor.u32 v0, v5;
	v6 =	vand.u32 $0xFFFFFF80, v4  }
0x9b: {  	v4 =	vand.u32 $0x60, v4;
	v3 =	vshll.u32 v3, $0x5;
	v6 =	vadd.s32 v5, v6  }
0x9c: {  	v7 =	vand.u32 $0xFFFFFF80, v3;
	v4 =	vor.u32 v4, v6  }
0x9d: {  	v3 =	vand.u32 $0x60, v3;
	v5 =	vadd.s32 v5, v7;
	v6 =	vor.u32 $0x1, v4  }
0x9e: {  	v3 =	vor.u32 v3, v5  }
0x9f: {  	v5 =	vor.u32 $0x1, v3  }
0xa0: {  	v7 =	vor.u32 $0x2, v4  }
0xa1: {  	v9 =	vor.u32 $0x2, v3;
	v8 =	vld.idx.msk [tilespmem:v4+s17+$0x0], $0xffff  }
0xa2: {  	v10 =	vor.u32 $0x3, v4;
	v6 =	vld.idx.msk [tilespmem:v6+s17+$0x0], $0xffff  }
0xa3: {  	v12 =	vor.u32 $0x3, v3;
	v11 =	vld.idx.msk [tilespmem:v3+s16+$0x0], $0xffff  }
0xa4: {  	v13 =	vor.u32 $0x4, v4;
	v5 =	vld.idx.msk [tilespmem:v5+s16+$0x0], $0xffff  }
0xa5: {  	v14 =	vor.u32 $0x4, v3;
	v7 =	vld.idx.msk [tilespmem:v7+s17+$0x0], $0xffff  }
0xa6: {  	v15 =	vor.u32 $0x5, v4;
	v9 =	vld.idx.msk [tilespmem:v9+s16+$0x0], $0xffff  }
0xa7: {  	v16 =	vor.u32 $0x5, v3;
	v10 =	vld.idx.msk [tilespmem:v10+s17+$0x0], $0xffff  }
0xa8: {  	v17 =	vor.u32 $0x6, v4;
	v12 =	vld.idx.msk [tilespmem:v12+s16+$0x0], $0xffff  }
0xa9: {  	v18 =	vor.u32 $0x6, v3;
	v13 =	vld.idx.msk [tilespmem:v13+s17+$0x0], $0xffff  }
0xaa: {  	v8 =	vsub.f32 v11, v8;
	v11 =	vor.u32 $0x7, v4;
	v5 =	vsub.f32 v5, v6;
	v6 =	vld.idx.msk [tilespmem:v14+s16+$0x0], $0xffff  }
0xab: {  	v19 =	vor.u32 $0x8, v4;
	v14 =	vld.idx.msk [tilespmem:v15+s17+$0x0], $0xffff;
	v15 =	vor.u32 $0x7, v3  }
0xac: {  	v8 =	vmul.f32 v8, v8;
	v5 =	vmul.f32 v5, v5;
	v7 =	vsub.f32 v9, v7;
	v9 =	vld.idx.msk [tilespmem:v16+s16+$0x0], $0xffff  }
0xad: {  	v20 =	vor.u32 $0x9, v4;
	v16 =	vld.idx.msk [tilespmem:v17+s17+$0x0], $0xffff;
	v17 =	vor.u32 $0x8, v3  }
0xae: {  	v5 =	vadd.f32 v5, v8;
	v7 =	vmul.f32 v7, v7;
	v8 =	vsub.f32 v12, v10;
	v10 =	vld.idx.msk [tilespmem:v18+s16+$0x0], $0xffff  }
0xaf: {  	v12 =	vor.u32 $0x9, v3;
	v18 =	vor.u32 $0xA, v4;
	v11 =	vld.idx.msk [tilespmem:v11+s17+$0x0], $0xffff  }
0xb0: {  	v5 =	vadd.f32 v7, v5;
	v7 =	vmul.f32 v8, v8;
	v6 =	vsub.f32 v6, v13;
	v8 =	vld.idx.msk [tilespmem:v15+s16+$0x0], $0xffff  }
0xb1: {  	v15 =	vor.u32 $0xA, v3;
	v13 =	vld.idx.msk [tilespmem:v19+s17+$0x0], $0xffff;
	v19 =	vor.u32 $0xB, v4  }
0xb2: {  	v5 =	vadd.f32 v7, v5;
	v6 =	vmul.f32 v6, v6;
	v7 =	vsub.f32 v9, v14;
	v9 =	vld.idx.msk [tilespmem:v17+s16+$0x0], $0xffff  }
0xb3: {  	v17 =	vor.u32 $0xB, v3;
	v14 =	vld.idx.msk [tilespmem:v20+s17+$0x0], $0xffff;
	v20 =	vor.u32 $0xC, v4  }
0xb4: {  	v5 =	vadd.f32 v6, v5;
	v6 =	vmul.f32 v7, v7;
	v7 =	vsub.f32 v10, v16;
	v10 =	vld.idx.msk [tilespmem:v12+s16+$0x0], $0xffff  }
0xb5: {  	v16 =	vor.u32 $0xC, v3;
	v12 =	vld.idx.msk [tilespmem:v18+s17+$0x0], $0xffff;
	v18 =	vor.u32 $0xD, v4  }
0xb6: {  	v5 =	vadd.f32 v6, v5;
	v6 =	vmul.f32 v7, v7;
	v7 =	vsub.f32 v8, v11;
	v8 =	vld.idx.msk [tilespmem:v15+s16+$0x0], $0xffff  }
0xb7: {  	v15 =	vor.u32 $0xD, v3;
	v11 =	vld.idx.msk [tilespmem:v19+s17+$0x0], $0xffff;
	v19 =	vor.u32 $0xE, v4  }
0xb8: {  	v5 =	vadd.f32 v6, v5;
	v6 =	vmul.f32 v7, v7;
	v7 =	vsub.f32 v9, v13;
	v9 =	vld.idx.msk [tilespmem:v17+s16+$0x0], $0xffff  }
0xb9: {  	v17 =	vor.u32 $0xE, v3;
	v13 =	vld.idx.msk [tilespmem:v20+s17+$0x0], $0xffff;
	v20 =	vor.u32 $0xF, v4  }
0xba: {  	v5 =	vadd.f32 v6, v5;
	v6 =	vmul.f32 v7, v7;
	v7 =	vsub.f32 v10, v14;
	v10 =	vld.idx.msk [tilespmem:v16+s16+$0x0], $0xffff  }
0xbb: {  	v16 =	vor.u32 $0xF, v3;
	v14 =	vld.idx.msk [tilespmem:v18+s17+$0x0], $0xffff;
	v18 =	vor.u32 $0x10, v4  }
0xbc: {  	v5 =	vadd.f32 v6, v5;
	v6 =	vmul.f32 v7, v7;
	v7 =	vsub.f32 v8, v12;
	v8 =	vld.idx.msk [tilespmem:v15+s16+$0x0], $0xffff  }
0xbd: {  	v15 =	vor.u32 $0x10, v3;
	v12 =	vld.idx.msk [tilespmem:v19+s17+$0x0], $0xffff;
	v19 =	vor.u32 $0x11, v4  }
0xbe: {  	v5 =	vadd.f32 v6, v5;
	v6 =	vmul.f32 v7, v7;
	v7 =	vsub.f32 v9, v11;
	v9 =	vld.idx.msk [tilespmem:v17+s16+$0x0], $0xffff  }
0xbf: {  	v17 =	vor.u32 $0x11, v3;
	v11 =	vld.idx.msk [tilespmem:v20+s17+$0x0], $0xffff;
	v20 =	vor.u32 $0x12, v4  }
0xc0: {  	v5 =	vadd.f32 v6, v5;
	v6 =	vmul.f32 v7, v7;
	v7 =	vsub.f32 v10, v13;
	v10 =	vld.idx.msk [tilespmem:v16+s16+$0x0], $0xffff  }
0xc1: {  	v16 =	vor.u32 $0x12, v3;
	v13 =	vld.idx.msk [tilespmem:v18+s17+$0x0], $0xffff;
	v18 =	vor.u32 $0x13, v4  }
0xc2: {  	v5 =	vadd.f32 v6, v5;
	v6 =	vmul.f32 v7, v7;
	v7 =	vsub.f32 v8, v14;
	v8 =	vld.idx.msk [tilespmem:v15+s16+$0x0], $0xffff  }
0xc3: {  	v15 =	vor.u32 $0x13, v3;
	v14 =	vld.idx.msk [tilespmem:v19+s17+$0x0], $0xffff;
	v19 =	vor.u32 $0x14, v4  }
0xc4: {  	v5 =	vadd.f32 v6, v5;
	v6 =	vmul.f32 v7, v7;
	v7 =	vsub.f32 v9, v12;
	v9 =	vld.idx.msk [tilespmem:v17+s16+$0x0], $0xffff  }
0xc5: {  	v17 =	vor.u32 $0x14, v3;
	v12 =	vld.idx.msk [tilespmem:v20+s17+$0x0], $0xffff;
	v20 =	vor.u32 $0x15, v4  }
0xc6: {  	v5 =	vadd.f32 v6, v5;
	v6 =	vmul.f32 v7, v7;
	v7 =	vsub.f32 v10, v11;
	v10 =	vld.idx.msk [tilespmem:v16+s16+$0x0], $0xffff  }
0xc7: {  	v16 =	vor.u32 $0x15, v3;
	v11 =	vld.idx.msk [tilespmem:v18+s17+$0x0], $0xffff;
	v18 =	vor.u32 $0x16, v4  }
0xc8: {  	v5 =	vadd.f32 v6, v5;
	v6 =	vmul.f32 v7, v7;
	v7 =	vsub.f32 v8, v13;
	v8 =	vld.idx.msk [tilespmem:v15+s16+$0x0], $0xffff  }
0xc9: {  	v15 =	vor.u32 $0x16, v3;
	v13 =	vld.idx.msk [tilespmem:v19+s17+$0x0], $0xffff;
	v19 =	vor.u32 $0x17, v4  }
0xca: {  	v5 =	vadd.f32 v6, v5;
	v6 =	vmul.f32 v7, v7;
	v7 =	vsub.f32 v9, v14;
	v9 =	vld.idx.msk [tilespmem:v17+s16+$0x0], $0xffff  }
0xcb: {  	v17 =	vor.u32 $0x17, v3;
	v14 =	vld.idx.msk [tilespmem:v20+s17+$0x0], $0xffff;
	v20 =	vor.u32 $0x18, v4  }
0xcc: {  	v5 =	vadd.f32 v6, v5;
	v6 =	vmul.f32 v7, v7;
	v7 =	vsub.f32 v10, v12;
	v10 =	vld.idx.msk [tilespmem:v16+s16+$0x0], $0xffff  }
0xcd: {  	v16 =	vor.u32 $0x18, v3;
	v12 =	vld.idx.msk [tilespmem:v18+s17+$0x0], $0xffff;
	v18 =	vor.u32 $0x19, v4  }
0xce: {  	v5 =	vadd.f32 v6, v5;
	v6 =	vmul.f32 v7, v7;
	v7 =	vsub.f32 v8, v11;
	v8 =	vld.idx.msk [tilespmem:v15+s16+$0x0], $0xffff  }
0xcf: {  	v15 =	vor.u32 $0x19, v3;
	v11 =	vld.idx.msk [tilespmem:v19+s17+$0x0], $0xffff;
	v19 =	vor.u32 $0x1A, v4  }
0xd0: {  	v5 =	vadd.f32 v6, v5;
	v6 =	vmul.f32 v7, v7;
	v7 =	vsub.f32 v9, v13;
	v9 =	vld.idx.msk [tilespmem:v17+s16+$0x0], $0xffff  }
0xd1: {  	v17 =	vor.u32 $0x1A, v3;
	v13 =	vld.idx.msk [tilespmem:v20+s17+$0x0], $0xffff;
	v20 =	vor.u32 $0x1B, v4  }
0xd2: {  	v5 =	vadd.f32 v6, v5;
	v6 =	vmul.f32 v7, v7;
	v7 =	vsub.f32 v10, v14;
	v10 =	vld.idx.msk [tilespmem:v16+s16+$0x0], $0xffff  }
0xd3: {  	v16 =	vor.u32 $0x1B, v3;
	v14 =	vld.idx.msk [tilespmem:v18+s17+$0x0], $0xffff;
	v18 =	vor.u32 $0x1C, v4  }
0xd4: {  	v5 =	vadd.f32 v6, v5;
	v6 =	vmul.f32 v7, v7;
	v7 =	vsub.f32 v8, v12;
	v8 =	vld.idx.msk [tilespmem:v15+s16+$0x0], $0xffff  }
0xd5: {  	v15 =	vor.u32 $0x1C, v3;
	v12 =	vld.idx.msk [tilespmem:v19+s17+$0x0], $0xffff;
	v19 =	vor.u32 $0x1D, v4  }
0xd6: {  	v5 =	vadd.f32 v6, v5;
	v6 =	vmul.f32 v7, v7;
	v7 =	vsub.f32 v9, v11;
	v9 =	vld.idx.msk [tilespmem:v17+s16+$0x0], $0xffff  }
0xd7: {  	v17 =	vor.u32 $0x1D, v3;
	v11 =	vld.idx.msk [tilespmem:v20+s17+$0x0], $0xffff;
	v20 =	vor.u32 $0x1E, v4  }
0xd8: {  	v5 =	vadd.f32 v6, v5;
	v6 =	vmul.f32 v7, v7;
	v7 =	vsub.f32 v10, v13;
	v10 =	vld.idx.msk [tilespmem:v16+s16+$0x0], $0xffff  }
0xd9: {  	v4 =	vor.u32 $0x1F, v4;
	v16 =	vor.u32 $0x1E, v3;
	v13 =	vld.idx.msk [tilespmem:v18+s17+$0x0], $0xffff  }
0xda: {  	v5 =	vadd.f32 v6, v5;
	v6 =	vmul.f32 v7, v7;
	v7 =	vsub.f32 v8, v14;
	v8 =	vld.idx.msk [tilespmem:v15+s16+$0x0], $0xffff  }
0xdb: {  	v3 =	vor.u32 $0x1F, v3;
	v14 =	vld.idx.msk [tilespmem:v19+s17+$0x0], $0xffff  }
0xdc: {  	v5 =	vadd.f32 v6, v5;
	v6 =	vmul.f32 v7, v7;
	v7 =	vsub.f32 v9, v12;
	v9 =	vld.idx.msk [tilespmem:v17+s16+$0x0], $0xffff  }
0xdd: {  	v12 =	vld.idx.msk [tilespmem:v20+s17+$0x0], $0xffff  }
0xde: {  	v5 =	vadd.f32 v6, v5;
	v6 =	vmul.f32 v7, v7;
	v7 =	vsub.f32 v10, v11;
	v10 =	vld.idx.msk [tilespmem:v16+s16+$0x0], $0xffff  }
0xdf: {  	v4 =	vld.idx.msk [tilespmem:v4+s17+$0x0], $0xffff  }
0xe0: {  	v5 =	vadd.f32 v6, v5;
	v6 =	vmul.f32 v7, v7;
	v7 =	vsub.f32 v8, v13;
	v3 =	vld.idx.msk [tilespmem:v3+s16+$0x0], $0xffff;
	_ =	sdelay $0x1  }
0xe1: {  	v5 =	vadd.f32 v6, v5;
	v6 =	vmul.f32 v7, v7;
	v7 =	vsub.f32 v9, v14;
	_ =	sdelay $0x1  }
0xe2: {  	v5 =	vadd.f32 v6, v5;
	v6 =	vmul.f32 v7, v7;
	v7 =	vsub.f32 v10, v12;
	_ =	sdelay $0x1  }
0xe3: {  	v5 =	vadd.f32 v6, v5;
	v6 =	vmul.f32 v7, v7;
	v3 =	vsub.f32 v3, v4;
	_ =	sdelay $0x1  }
0xe4: {  	v4 =	vadd.f32 v6, v5;
	v3 =	vmul.f32 v3, v3;
	_ =	sdelay $0x1  }
0xe5: {  	v3 =	vadd.f32 v3, v4;
	_ =	sdelay $0x1  }
0xe6: {  	v4 =	vmul.f32 $5.000000000e-01, v3;
	v5 =	vshra.s32 v3, $0x1  }
0xe7: {  	v5 =	vsub.s32 $0x5F3759DF, v5  }
0xe8: {  	v6 =	vmul.f32 v5, v4;
	_ =	sdelay $0x1  }
0xe9: {  	v6 =	vmul.f32 v5, v6;
	_ =	sdelay $0x1  }
0xea: {  	v6 =	vsub.f32 $1.500000000e+00, v6;
	_ =	sdelay $0x1  }
0xeb: {  	v5 =	vmul.f32 v5, v6;
	_ =	sdelay $0x1  }
0xec: {  	v6 =	vmul.f32 v5, v4;
	_ =	sdelay $0x1  }
0xed: {  	v6 =	vmul.f32 v6, v5;
	_ =	sdelay $0x1  }
0xee: {  	v6 =	vsub.f32 $1.500000000e+00, v6;
	_ =	sdelay $0x1  }
0xef: {  	v5 =	vmul.f32 v6, v5;
	_ =	sdelay $0x1  }
0xf0: {  	v4 =	vmul.f32 v5, v4;
	_ =	sdelay $0x1  }
0xf1: {  	v4 =	vmul.f32 v4, v5;
	_ =	sdelay $0x1  }
0xf2: {  	v4 =	vsub.f32 $1.500000000e+00, v4;
	_ =	sdelay $0x1  }
0xf3: {  	v4 =	vmul.f32 v4, v5;
	_ =	sdelay $0x1  }
0xf4: {  	v3 =	vmul.f32 v4, v3;
	_ =	sdelay $0x1  }
0xf5: {  	v3 =	vmul.f32 v3, v1;
	_ =	sdelay $0x1  }
0xf6: {  	v3 =	vadd.f32 v3, v2  }
.Ltmp0:
0xf7: {  	s29 =	sadd.s32 $0x10, s29;
	(pc) =	sbr.rel @p0 .LBB2_2-.Ltmp0, $4  }
0xf8: {  	s30 =	sadd.s32 $0x10, s30;
	[tilespmem:s29+$0x0] =	vst v3  }
0xf9: {  	v4 =	vld [tilespmem:s30+$0x0]  }
0xfa: {  	s31 =	sadd.s32 $0x10, s31  }
0xfb: {  	s1 =	sadd.s32 $0x10, s1;
	v3 =	vld [tilespmem:s31+$0x0]  }
0xfc: {  	_ = 	snop  }
0xfd: {  	v5 =	vmov s0  }
0xfe: {  	v5 =	vshll.u32 v5, $0x7;
	v4 =	vshll.u32 v4, $0x5  }
0xff: {  	v5 =	vor.u32 v0, v5;
	v6 =	vand.u32 $0xFFFFFF80, v4  }
0x100: {  	v7 =	vshll.u32 v3, $0x5;
	v3 =	vand.u32 $0x60, v4;
	v4 =	vadd.s32 v5, v6  }
0x101: {  	v6 =	vand.u32 $0xFFFFFF80, v7;
	v3 =	vor.u32 v3, v4  }
0x102: {  	v4 =	vand.u32 $0x60, v7;
	v5 =	vadd.s32 v5, v6;
	v6 =	vor.u32 $0x1, v3  }
0x103: {  	v4 =	vor.u32 v4, v5  }
0x104: {  	v5 =	vor.u32 $0x1, v4  }
0x105: {  	v7 =	vor.u32 $0x2, v3  }
0x106: {  	v9 =	vor.u32 $0x2, v4;
	v8 =	vld.idx.msk [tilespmem:v3+s17+$0x0], $0xffff  }
0x107: {  	v10 =	vor.u32 $0x3, v3;
	v6 =	vld.idx.msk [tilespmem:v6+s17+$0x0], $0xffff  }
0x108: {  	v12 =	vor.u32 $0x3, v4;
	v11 =	vld.idx.msk [tilespmem:v4+s16+$0x0], $0xffff  }
0x109: {  	v13 =	vor.u32 $0x4, v3;
	v5 =	vld.idx.msk [tilespmem:v5+s16+$0x0], $0xffff  }
0x10a: {  	v14 =	vor.u32 $0x4, v4;
	v7 =	vld.idx.msk [tilespmem:v7+s17+$0x0], $0xffff  }
0x10b: {  	v15 =	vor.u32 $0x5, v3;
	v9 =	vld.idx.msk [tilespmem:v9+s16+$0x0], $0xffff  }
0x10c: {  	v16 =	vor.u32 $0x5, v4;
	v10 =	vld.idx.msk [tilespmem:v10+s17+$0x0], $0xffff  }
0x10d: {  	v17 =	vor.u32 $0x6, v3;
	v12 =	vld.idx.msk [tilespmem:v12+s16+$0x0], $0xffff  }
0x10e: {  	v18 =	vor.u32 $0x6, v4;
	v13 =	vld.idx.msk [tilespmem:v13+s17+$0x0], $0xffff;
	v8 =	vsub.f32 v11, v8;
	v5 =	vsub.f32 v5, v6  }
0x10f: {  	v35 =	vor.u32 $0x7, v3;
	v36 =	vor.u32 $0x7, v4;
	v6 =	vld.idx.msk [tilespmem:v14+s16+$0x0], $0xffff  }
0x110: {  	v15 =	vld.idx.msk [tilespmem:v15+s17+$0x0], $0xffff;
	v7 =	vsub.f32 v9, v7;
	v8 =	vmul.f32 v8, v8;
	v5 =	vmul.f32 v5, v5  }
0x111: {  	v37 =	vor.u32 $0x8, v3;
	v19 =	vor.u32 $0x8, v4;
	v16 =	vld.idx.msk [tilespmem:v16+s16+$0x0], $0xffff  }
0x112: {  	v17 =	vld.idx.msk [tilespmem:v17+s17+$0x0], $0xffff;
	v38 =	vsub.f32 v12, v10;
	v7 =	vmul.f32 v7, v7;
	v5 =	vadd.f32 v5, v8  }
0x113: {  	v39 =	vor.u32 $0x9, v3;
	v41 =	vor.u32 $0x9, v4;
	v40 =	vld.idx.msk [tilespmem:v18+s16+$0x0], $0xffff  }
0x114: {  	v43 =	vld.idx.msk [tilespmem:v36+s16+$0x0], $0xffff;
	v6 =	vsub.f32 v6, v13;
	v5 =	vadd.f32 v7, v5;
	v7 =	vmul.f32 v38, v38  }
0x115: {  	v42 =	vor.u32 $0xA, v3;
	v44 =	vor.u32 $0xA, v4;
	v11 =	vld.idx.msk [tilespmem:v35+s17+$0x0], $0xffff  }
0x116: {  	v46 =	vld.idx.msk [tilespmem:v19+s16+$0x0], $0xffff;
	v6 =	vmul.f32 v6, v6;
	v5 =	vadd.f32 v7, v5;
	v7 =	vsub.f32 v16, v15  }
0x117: {  	v45 =	vor.u32 $0xB, v3;
	v47 =	vor.u32 $0xB, v4;
	v9 =	vld.idx.msk [tilespmem:v37+s17+$0x0], $0xffff  }
0x118: {  	v49 =	vld.idx.msk [tilespmem:v41+s16+$0x0], $0xffff;
	v5 =	vadd.f32 v6, v5;
	v6 =	vmul.f32 v7, v7;
	v7 =	vsub.f32 v40, v17  }
0x119: {  	v48 =	vor.u32 $0xC, v3;
	v50 =	vor.u32 $0xC, v4;
	v10 =	vld.idx.msk [tilespmem:v39+s17+$0x0], $0xffff  }
0x11a: {  	v52 =	vld.idx.msk [tilespmem:v44+s16+$0x0], $0xffff;
	v5 =	vadd.f32 v6, v5;
	v6 =	vmul.f32 v7, v7;
	v7 =	vsub.f32 v43, v11  }
0x11b: {  	v51 =	vor.u32 $0xD, v3;
	v53 =	vor.u32 $0xD, v4;
	v8 =	vld.idx.msk [tilespmem:v42+s17+$0x0], $0xffff  }
0x11c: {  	v55 =	vld.idx.msk [tilespmem:v47+s16+$0x0], $0xffff;
	v5 =	vadd.f32 v6, v5;
	v6 =	vmul.f32 v7, v7;
	v7 =	vsub.f32 v46, v9  }
0x11d: {  	v54 =	vor.u32 $0xE, v3;
	v56 =	vor.u32 $0xE, v4;
	v15 =	vld.idx.msk [tilespmem:v45+s17+$0x0], $0xffff  }
0x11e: {  	v58 =	vld.idx.msk [tilespmem:v50+s16+$0x0], $0xffff;
	v5 =	vadd.f32 v6, v5;
	v6 =	vmul.f32 v7, v7;
	v7 =	vsub.f32 v49, v10  }
0x11f: {  	v57 =	vor.u32 $0xF, v3;
	v59 =	vor.u32 $0xF, v4;
	v12 =	vld.idx.msk [tilespmem:v48+s17+$0x0], $0xffff  }
0x120: {  	v61 =	vld.idx.msk [tilespmem:v53+s16+$0x0], $0xffff;
	v5 =	vadd.f32 v6, v5;
	v6 =	vmul.f32 v7, v7;
	v7 =	vsub.f32 v52, v8  }
0x121: {  	v60 =	vor.u32 $0x10, v3;
	v62 =	vor.u32 $0x10, v4;
	v11 =	vld.idx.msk [tilespmem:v51+s17+$0x0], $0xffff  }
0x122: {  	v21 =	vld.idx.msk [tilespmem:v56+s16+$0x0], $0xffff;
	v5 =	vadd.f32 v6, v5;
	v6 =	vmul.f32 v7, v7;
	v7 =	vsub.f32 v55, v15  }
0x123: {  	v63 =	vor.u32 $0x11, v3;
	v22 =	vor.u32 $0x11, v4;
	v9 =	vld.idx.msk [tilespmem:v54+s17+$0x0], $0xffff  }
0x124: {  	v24 =	vld.idx.msk [tilespmem:v59+s16+$0x0], $0xffff;
	v5 =	vadd.f32 v6, v5;
	v6 =	vmul.f32 v7, v7;
	v7 =	vsub.f32 v58, v12  }
0x125: {  	v23 =	vor.u32 $0x12, v3;
	v25 =	vor.u32 $0x12, v4;
	v10 =	vld.idx.msk [tilespmem:v57+s17+$0x0], $0xffff  }
0x126: {  	v27 =	vld.idx.msk [tilespmem:v62+s16+$0x0], $0xffff;
	v5 =	vadd.f32 v6, v5;
	v6 =	vmul.f32 v7, v7;
	v7 =	vsub.f32 v61, v11  }
0x127: {  	v26 =	vor.u32 $0x13, v3;
	v28 =	vor.u32 $0x13, v4;
	v8 =	vld.idx.msk [tilespmem:v60+s17+$0x0], $0xffff  }
0x128: {  	v30 =	vld.idx.msk [tilespmem:v22+s16+$0x0], $0xffff;
	v5 =	vadd.f32 v6, v5;
	v6 =	vmul.f32 v7, v7;
	v7 =	vsub.f32 v21, v9  }
0x129: {  	v29 =	vor.u32 $0x14, v3;
	v31 =	vor.u32 $0x14, v4;
	v15 =	vld.idx.msk [tilespmem:v63+s17+$0x0], $0xffff  }
0x12a: {  	v33 =	vld.idx.msk [tilespmem:v25+s16+$0x0], $0xffff;
	v5 =	vadd.f32 v6, v5;
	v6 =	vmul.f32 v7, v7;
	v7 =	vsub.f32 v24, v10  }
0x12b: {  	v32 =	vor.u32 $0x15, v3;
	v34 =	vor.u32 $0x15, v4;
	v12 =	vld.idx.msk [tilespmem:v23+s17+$0x0], $0xffff  }
0x12c: {  	v36 =	vld.idx.msk [tilespmem:v28+s16+$0x0], $0xffff;
	v5 =	vadd.f32 v6, v5;
	v6 =	vmul.f32 v7, v7;
	v7 =	vsub.f32 v27, v8  }
0x12d: {  	v35 =	vor.u32 $0x16, v3;
	v37 =	vor.u32 $0x16, v4;
	v11 =	vld.idx.msk [tilespmem:v26+s17+$0x0], $0xffff  }
0x12e: {  	v39 =	vld.idx.msk [tilespmem:v31+s16+$0x0], $0xffff;
	v5 =	vadd.f32 v6, v5;
	v6 =	vmul.f32 v7, v7;
	v7 =	vsub.f32 v30, v15  }
0x12f: {  	v38 =	vor.u32 $0x17, v3;
	v40 =	vor.u32 $0x17, v4;
	v9 =	vld.idx.msk [tilespmem:v29+s17+$0x0], $0xffff  }
0x130: {  	v42 =	vld.idx.msk [tilespmem:v34+s16+$0x0], $0xffff;
	v5 =	vadd.f32 v6, v5;
	v6 =	vmul.f32 v7, v7;
	v7 =	vsub.f32 v33, v12  }
0x131: {  	v41 =	vor.u32 $0x18, v3;
	v43 =	vor.u32 $0x18, v4;
	v10 =	vld.idx.msk [tilespmem:v32+s17+$0x0], $0xffff  }
0x132: {  	v45 =	vld.idx.msk [tilespmem:v37+s16+$0x0], $0xffff;
	v5 =	vadd.f32 v6, v5;
	v6 =	vmul.f32 v7, v7;
	v7 =	vsub.f32 v36, v11  }
0x133: {  	v44 =	vor.u32 $0x19, v3;
	v46 =	vor.u32 $0x19, v4;
	v8 =	vld.idx.msk [tilespmem:v35+s17+$0x0], $0xffff  }
0x134: {  	v48 =	vld.idx.msk [tilespmem:v40+s16+$0x0], $0xffff;
	v5 =	vadd.f32 v6, v5;
	v6 =	vmul.f32 v7, v7;
	v7 =	vsub.f32 v39, v9  }
0x135: {  	v47 =	vor.u32 $0x1A, v3;
	v49 =	vor.u32 $0x1A, v4;
	v15 =	vld.idx.msk [tilespmem:v38+s17+$0x0], $0xffff  }
0x136: {  	v51 =	vld.idx.msk [tilespmem:v43+s16+$0x0], $0xffff;
	v5 =	vadd.f32 v6, v5;
	v6 =	vmul.f32 v7, v7;
	v7 =	vsub.f32 v42, v10  }
0x137: {  	v50 =	vor.u32 $0x1B, v3;
	v52 =	vor.u32 $0x1B, v4;
	v12 =	vld.idx.msk [tilespmem:v41+s17+$0x0], $0xffff  }
0x138: {  	v54 =	vld.idx.msk [tilespmem:v46+s16+$0x0], $0xffff;
	v5 =	vadd.f32 v6, v5;
	v6 =	vmul.f32 v7, v7;
	v7 =	vsub.f32 v45, v8  }
0x139: {  	v53 =	vor.u32 $0x1C, v3;
	v55 =	vor.u32 $0x1C, v4;
	v11 =	vld.idx.msk [tilespmem:v44+s17+$0x0], $0xffff  }
0x13a: {  	v57 =	vld.idx.msk [tilespmem:v49+s16+$0x0], $0xffff;
	v5 =	vadd.f32 v6, v5;
	v6 =	vmul.f32 v7, v7;
	v7 =	vsub.f32 v48, v15  }
0x13b: {  	v56 =	vor.u32 $0x1D, v3;
	v58 =	vor.u32 $0x1D, v4;
	v9 =	vld.idx.msk [tilespmem:v47+s17+$0x0], $0xffff  }
0x13c: {  	v60 =	vld.idx.msk [tilespmem:v52+s16+$0x0], $0xffff;
	v5 =	vadd.f32 v6, v5;
	v6 =	vmul.f32 v7, v7;
	v7 =	vsub.f32 v51, v12  }
0x13d: {  	v59 =	vor.u32 $0x1E, v3;
	v61 =	vor.u32 $0x1E, v4;
	v10 =	vld.idx.msk [tilespmem:v50+s17+$0x0], $0xffff  }
0x13e: {  	v62 =	vld.idx.msk [tilespmem:v55+s16+$0x0], $0xffff;
	v5 =	vadd.f32 v6, v5;
	v6 =	vmul.f32 v7, v7;
	v7 =	vsub.f32 v54, v11  }
0x13f: {  	v3 =	vor.u32 $0x1F, v3;
	v4 =	vor.u32 $0x1F, v4;
	v8 =	vld.idx.msk [tilespmem:v53+s17+$0x0], $0xffff  }
0x140: {  	v63 =	vld.idx.msk [tilespmem:v56+s17+$0x0], $0xffff;
	v5 =	vadd.f32 v6, v5;
	v6 =	vmul.f32 v7, v7;
	v7 =	vsub.f32 v57, v9  }
0x141: {  	v19 =	vld.idx.msk [tilespmem:v58+s16+$0x0], $0xffff  }
0x142: {  	v20 =	vld.idx.msk [tilespmem:v61+s16+$0x0], $0xffff;
	v5 =	vadd.f32 v6, v5;
	v6 =	vmul.f32 v7, v7;
	v7 =	vsub.f32 v60, v10  }
0x143: {  	v12 =	vld.idx.msk [tilespmem:v59+s17+$0x0], $0xffff  }
0x144: {  	v3 =	vld.idx.msk [tilespmem:v3+s17+$0x0], $0xffff;
	v5 =	vadd.f32 v6, v5;
	v6 =	vmul.f32 v7, v7;
	v7 =	vsub.f32 v62, v8  }
0x145: {  	v4 =	vld.idx.msk [tilespmem:v4+s16+$0x0], $0xffff  }
0x146: {  	v5 =	vadd.f32 v6, v5;
	v6 =	vmul.f32 v7, v7;
	v7 =	vsub.f32 v19, v63;
	_ =	sdelay $0x1  }
0x147: {  	v5 =	vadd.f32 v6, v5;
	v6 =	vmul.f32 v7, v7;
	v7 =	vsub.f32 v20, v12;
	_ =	sdelay $0x1  }
0x148: {  	v3 =	vsub.f32 v4, v3;
	v5 =	vadd.f32 v6, v5;
	v6 =	vmul.f32 v7, v7;
	_ =	sdelay $0x1  }
0x149: {  	v3 =	vmul.f32 v3, v3;
	v4 =	vadd.f32 v6, v5;
	_ =	sdelay $0x1  }
0x14a: {  	v3 =	vadd.f32 v3, v4;
	_ =	sdelay $0x1  }
0x14b: {  	v4 =	vmul.f32 $5.000000000e-01, v3;
	v5 =	vshra.s32 v3, $0x1  }
0x14c: {  	v5 =	vsub.s32 $0x5F3759DF, v5  }
0x14d: {  	v6 =	vmul.f32 v5, v4;
	_ =	sdelay $0x1  }
0x14e: {  	v6 =	vmul.f32 v5, v6;
	_ =	sdelay $0x1  }
0x14f: {  	v6 =	vsub.f32 $1.500000000e+00, v6;
	_ =	sdelay $0x1  }
0x150: {  	v5 =	vmul.f32 v5, v6;
	_ =	sdelay $0x1  }
0x151: {  	v6 =	vmul.f32 v5, v4;
	_ =	sdelay $0x1  }
0x152: {  	v6 =	vmul.f32 v6, v5;
	_ =	sdelay $0x1  }
0x153: {  	v6 =	vsub.f32 $1.500000000e+00, v6;
	_ =	sdelay $0x1  }
0x154: {  	v5 =	vmul.f32 v6, v5;
	_ =	sdelay $0x1  }
0x155: {  	v4 =	vmul.f32 v5, v4;
	_ =	sdelay $0x1  }
0x156: {  	v4 =	vmul.f32 v4, v5;
	_ =	sdelay $0x1  }
0x157: {  	v4 =	vsub.f32 $1.500000000e+00, v4;
	_ =	sdelay $0x1  }
0x158: {  	v4 =	vmul.f32 v4, v5;
	_ =	sdelay $0x1  }
0x159: {  	v3 =	vmul.f32 v4, v3;
	_ =	sdelay $0x1  }
0x15a: {  	v3 =	vmul.f32 v3, v1;
	_ =	sdelay $0x1  }
0x15b: {  	v3 =	vadd.f32 v3, v2  }
0x15c: {  	s1 =	sadd.s32 $0x10, s29  }
0x15d: {  	[tilespmem:s1+$0x0] =	vst v3  }
0x15e: {  	[tilespmem:s16], [sflag:$0x1] =	stream.indirect.gather [hbm4b:s3+s15], $0x80, s22, s15, $0xb8;
	[tilespmem:$0x10A80] =	vst v63  }
0x15f: {  	_ = 	snop  }
0x160: {  	[tilespmem:s17], [sflag:$0x1] =	stream.indirect.gather [hbm4b:s4+s15], $0x80, s23, s15, $0xb8;
	[tilespmem:$0x10A80] =	vst v63  }
0x161: {  	_ =	swait.ge [sflag:s21], $0x4000  }
0x162: {  	[sflag:s21] =	ssyncset.done $0x0  }
0x163: {  	[sflag:s21] =	ssyncadd.s32 $0xFFFFC000  }
0x164: {  	_ =	swait.ge [sflag:s21], $0x4000  }
0x165: {  	[sflag:s21] =	ssyncset.done $0x0  }
0x166: {  	s1 =	simm.s32 $0x680;
	[sflag:s21] =	ssyncadd.s32 $0xFFFFC000  }
0x167: {  	s0 =	simm.s32 $0x280;
	v3 =	vld [tilespmem:s1+$0x0]  }
0x168: {  	v4 =	vld [tilespmem:s0+$0x0]  }
0x169: {  	s1 =	simm.s32 $0x0  }
0x16a: {  	v5 =	vmov s1  }
0x16b: {  	v5 =	vshll.u32 v5, $0x7  }
0x16c: {  	v5 =	vor.u32 v0, v5;
	v3 =	vshll.u32 v3, $0x5  }
0x16d: {  	v5 =	vadd.s32 $0x4000, v5;
	v4 =	vshll.u32 v4, $0x5;
	v6 =	vand.u32 $0xFFFFFF80, v3  }
0x16e: {  	v3 =	vand.u32 $0x60, v3;
	v7 =	vand.u32 $0xFFFFFF80, v4;
	v6 =	vadd.s32 v5, v6  }
0x16f: {  	v4 =	vand.u32 $0x60, v4;
	v5 =	vadd.s32 v5, v7;
	v3 =	vor.u32 v3, v6  }
0x170: {  	v4 =	vor.u32 v4, v5  }
0x171: {  	v6 =	vor.u32 $0x1, v3  }
0x172: {  	v5 =	vor.u32 $0x1, v4  }
0x173: {  	v7 =	vor.u32 $0x2, v3  }
0x174: {  	v22 =	vor.u32 $0x2, v4;
	v21 =	vld.idx.msk [tilespmem:v3+s17+$0x0], $0xffff  }
0x175: {  	v23 =	vor.u32 $0x3, v3;
	v24 =	vld.idx.msk [tilespmem:v4+s16+$0x0], $0xffff  }
0x176: {  	v25 =	vor.u32 $0x3, v4;
	v6 =	vld.idx.msk [tilespmem:v6+s17+$0x0], $0xffff  }
0x177: {  	v26 =	vor.u32 $0x4, v3;
	v5 =	vld.idx.msk [tilespmem:v5+s16+$0x0], $0xffff  }
0x178: {  	v27 =	vor.u32 $0x4, v4;
	v7 =	vld.idx.msk [tilespmem:v7+s17+$0x0], $0xffff  }
0x179: {  	v28 =	vor.u32 $0x5, v3;
	v9 =	vld.idx.msk [tilespmem:v22+s16+$0x0], $0xffff  }
0x17a: {  	v29 =	vor.u32 $0x5, v4;
	v10 =	vld.idx.msk [tilespmem:v23+s17+$0x0], $0xffff  }
0x17b: {  	v30 =	vor.u32 $0x6, v3;
	v12 =	vld.idx.msk [tilespmem:v25+s16+$0x0], $0xffff  }
0x17c: {  	v31 =	vor.u32 $0x6, v4;
	v13 =	vld.idx.msk [tilespmem:v26+s17+$0x0], $0xffff;
	v8 =	vsub.f32 v24, v21;
	v5 =	vsub.f32 v5, v6  }
0x17d: {  	v32 =	vor.u32 $0x7, v3;
	v33 =	vor.u32 $0x7, v4;
	v6 =	vld.idx.msk [tilespmem:v27+s16+$0x0], $0xffff  }
0x17e: {  	v15 =	vld.idx.msk [tilespmem:v28+s17+$0x0], $0xffff;
	v7 =	vsub.f32 v9, v7;
	v8 =	vmul.f32 v8, v8;
	v5 =	vmul.f32 v5, v5  }
0x17f: {  	v34 =	vor.u32 $0x8, v3;
	v35 =	vor.u32 $0x8, v4;
	v16 =	vld.idx.msk [tilespmem:v29+s16+$0x0], $0xffff  }
0x180: {  	v17 =	vld.idx.msk [tilespmem:v30+s17+$0x0], $0xffff;
	v36 =	vsub.f32 v12, v10;
	v7 =	vmul.f32 v7, v7;
	v5 =	vadd.f32 v5, v8  }
0x181: {  	v37 =	vor.u32 $0x9, v3;
	v39 =	vor.u32 $0x9, v4;
	v38 =	vld.idx.msk [tilespmem:v31+s16+$0x0], $0xffff  }
0x182: {  	v11 =	vld.idx.msk [tilespmem:v32+s17+$0x0], $0xffff;
	v6 =	vsub.f32 v6, v13;
	v5 =	vadd.f32 v7, v5;
	v7 =	vmul.f32 v36, v36  }
0x183: {  	v40 =	vor.u32 $0xA, v3;
	v42 =	vor.u32 $0xA, v4;
	v41 =	vld.idx.msk [tilespmem:v33+s16+$0x0], $0xffff  }
0x184: {  	v44 =	vld.idx.msk [tilespmem:v35+s16+$0x0], $0xffff;
	v6 =	vmul.f32 v6, v6;
	v5 =	vadd.f32 v7, v5;
	v7 =	vsub.f32 v16, v15  }
0x185: {  	v43 =	vor.u32 $0xB, v3;
	v45 =	vor.u32 $0xB, v4;
	v9 =	vld.idx.msk [tilespmem:v34+s17+$0x0], $0xffff  }
0x186: {  	v47 =	vld.idx.msk [tilespmem:v39+s16+$0x0], $0xffff;
	v5 =	vadd.f32 v6, v5;
	v6 =	vmul.f32 v7, v7;
	v7 =	vsub.f32 v38, v17  }
0x187: {  	v46 =	vor.u32 $0xC, v3;
	v48 =	vor.u32 $0xC, v4;
	v10 =	vld.idx.msk [tilespmem:v37+s17+$0x0], $0xffff  }
0x188: {  	v50 =	vld.idx.msk [tilespmem:v42+s16+$0x0], $0xffff;
	v5 =	vadd.f32 v6, v5;
	v6 =	vmul.f32 v7, v7;
	v7 =	vsub.f32 v41, v11  }
0x189: {  	v49 =	vor.u32 $0xD, v3;
	v51 =	vor.u32 $0xD, v4;
	v8 =	vld.idx.msk [tilespmem:v40+s17+$0x0], $0xffff  }
0x18a: {  	v53 =	vld.idx.msk [tilespmem:v45+s16+$0x0], $0xffff;
	v5 =	vadd.f32 v6, v5;
	v6 =	vmul.f32 v7, v7;
	v7 =	vsub.f32 v44, v9  }
0x18b: {  	v52 =	vor.u32 $0xE, v3;
	v54 =	vor.u32 $0xE, v4;
	v15 =	vld.idx.msk [tilespmem:v43+s17+$0x0], $0xffff  }
0x18c: {  	v56 =	vld.idx.msk [tilespmem:v48+s16+$0x0], $0xffff;
	v5 =	vadd.f32 v6, v5;
	v6 =	vmul.f32 v7, v7;
	v7 =	vsub.f32 v47, v10  }
0x18d: {  	v55 =	vor.u32 $0xF, v3;
	v57 =	vor.u32 $0xF, v4;
	v12 =	vld.idx.msk [tilespmem:v46+s17+$0x0], $0xffff  }
0x18e: {  	v59 =	vld.idx.msk [tilespmem:v51+s16+$0x0], $0xffff;
	v5 =	vadd.f32 v6, v5;
	v6 =	vmul.f32 v7, v7;
	v7 =	vsub.f32 v50, v8  }
0x18f: {  	v58 =	vor.u32 $0x10, v3;
	v60 =	vor.u32 $0x10, v4;
	v11 =	vld.idx.msk [tilespmem:v49+s17+$0x0], $0xffff  }
0x190: {  	v62 =	vld.idx.msk [tilespmem:v54+s16+$0x0], $0xffff;
	v5 =	vadd.f32 v6, v5;
	v6 =	vmul.f32 v7, v7;
	v7 =	vsub.f32 v53, v15  }
0x191: {  	v61 =	vor.u32 $0x11, v3;
	v63 =	vor.u32 $0x11, v4;
	v9 =	vld.idx.msk [tilespmem:v52+s17+$0x0], $0xffff  }
0x192: {  	v22 =	vld.idx.msk [tilespmem:v57+s16+$0x0], $0xffff;
	v5 =	vadd.f32 v6, v5;
	v6 =	vmul.f32 v7, v7;
	v7 =	vsub.f32 v56, v12  }
0x193: {  	v23 =	vor.u32 $0x12, v4;
	v21 =	vor.u32 $0x12, v3;
	v10 =	vld.idx.msk [tilespmem:v55+s17+$0x0], $0xffff  }
0x194: {  	v25 =	vld.idx.msk [tilespmem:v60+s16+$0x0], $0xffff;
	v5 =	vadd.f32 v6, v5;
	v6 =	vmul.f32 v7, v7;
	v7 =	vsub.f32 v59, v11  }
0x195: {  	v26 =	vor.u32 $0x13, v4;
	v24 =	vor.u32 $0x13, v3;
	v8 =	vld.idx.msk [tilespmem:v58+s17+$0x0], $0xffff  }
0x196: {  	v28 =	vld.idx.msk [tilespmem:v63+s16+$0x0], $0xffff;
	v5 =	vadd.f32 v6, v5;
	v6 =	vmul.f32 v7, v7;
	v7 =	vsub.f32 v62, v9  }
0x197: {  	v29 =	vor.u32 $0x14, v4;
	v27 =	vor.u32 $0x14, v3;
	v15 =	vld.idx.msk [tilespmem:v61+s17+$0x0], $0xffff  }
0x198: {  	v31 =	vld.idx.msk [tilespmem:v23+s16+$0x0], $0xffff;
	v5 =	vadd.f32 v6, v5;
	v6 =	vmul.f32 v7, v7;
	v7 =	vsub.f32 v22, v10  }
0x199: {  	v30 =	vor.u32 $0x15, v3;
	v32 =	vor.u32 $0x15, v4;
	v12 =	vld.idx.msk [tilespmem:v21+s17+$0x0], $0xffff  }
0x19a: {  	v34 =	vld.idx.msk [tilespmem:v26+s16+$0x0], $0xffff;
	v5 =	vadd.f32 v6, v5;
	v6 =	vmul.f32 v7, v7;
	v7 =	vsub.f32 v25, v8  }
0x19b: {  	v33 =	vor.u32 $0x16, v3;
	v35 =	vor.u32 $0x16, v4;
	v11 =	vld.idx.msk [tilespmem:v24+s17+$0x0], $0xffff  }
0x19c: {  	v37 =	vld.idx.msk [tilespmem:v29+s16+$0x0], $0xffff;
	v5 =	vadd.f32 v6, v5;
	v6 =	vmul.f32 v7, v7;
	v7 =	vsub.f32 v28, v15  }
0x19d: {  	v36 =	vor.u32 $0x17, v3;
	v38 =	vor.u32 $0x17, v4;
	v9 =	vld.idx.msk [tilespmem:v27+s17+$0x0], $0xffff  }
0x19e: {  	v40 =	vld.idx.msk [tilespmem:v32+s16+$0x0], $0xffff;
	v5 =	vadd.f32 v6, v5;
	v6 =	vmul.f32 v7, v7;
	v7 =	vsub.f32 v31, v12  }
0x19f: {  	v39 =	vor.u32 $0x18, v3;
	v41 =	vor.u32 $0x18, v4;
	v10 =	vld.idx.msk [tilespmem:v30+s17+$0x0], $0xffff  }
0x1a0: {  	v43 =	vld.idx.msk [tilespmem:v35+s16+$0x0], $0xffff;
	v5 =	vadd.f32 v6, v5;
	v6 =	vmul.f32 v7, v7;
	v7 =	vsub.f32 v34, v11  }
0x1a1: {  	v42 =	vor.u32 $0x19, v3;
	v44 =	vor.u32 $0x19, v4;
	v8 =	vld.idx.msk [tilespmem:v33+s17+$0x0], $0xffff  }
0x1a2: {  	v46 =	vld.idx.msk [tilespmem:v38+s16+$0x0], $0xffff;
	v5 =	vadd.f32 v6, v5;
	v6 =	vmul.f32 v7, v7;
	v7 =	vsub.f32 v37, v9  }
0x1a3: {  	v45 =	vor.u32 $0x1A, v3;
	v47 =	vor.u32 $0x1A, v4;
	v15 =	vld.idx.msk [tilespmem:v36+s17+$0x0], $0xffff  }
0x1a4: {  	v49 =	vld.idx.msk [tilespmem:v41+s16+$0x0], $0xffff;
	v5 =	vadd.f32 v6, v5;
	v6 =	vmul.f32 v7, v7;
	v7 =	vsub.f32 v40, v10  }
0x1a5: {  	v48 =	vor.u32 $0x1B, v3;
	v50 =	vor.u32 $0x1B, v4;
	v12 =	vld.idx.msk [tilespmem:v39+s17+$0x0], $0xffff  }
0x1a6: {  	v52 =	vld.idx.msk [tilespmem:v44+s16+$0x0], $0xffff;
	v5 =	vadd.f32 v6, v5;
	v6 =	vmul.f32 v7, v7;
	v7 =	vsub.f32 v43, v8  }
0x1a7: {  	v51 =	vor.u32 $0x1C, v3;
	v53 =	vor.u32 $0x1C, v4;
	v11 =	vld.idx.msk [tilespmem:v42+s17+$0x0], $0xffff  }
0x1a8: {  	v55 =	vld.idx.msk [tilespmem:v47+s16+$0x0], $0xffff;
	v5 =	vadd.f32 v6, v5;
	v6 =	vmul.f32 v7, v7;
	v7 =	vsub.f32 v46, v15  }
0x1a9: {  	v54 =	vor.u32 $0x1D, v3;
	v56 =	vor.u32 $0x1D, v4;
	v9 =	vld.idx.msk [tilespmem:v45+s17+$0x0], $0xffff  }
0x1aa: {  	v58 =	vld.idx.msk [tilespmem:v50+s16+$0x0], $0xffff;
	v5 =	vadd.f32 v6, v5;
	v6 =	vmul.f32 v7, v7;
	v7 =	vsub.f32 v49, v12  }
0x1ab: {  	v57 =	vor.u32 $0x1E, v3;
	v59 =	vor.u32 $0x1E, v4;
	v10 =	vld.idx.msk [tilespmem:v48+s17+$0x0], $0xffff  }
0x1ac: {  	v60 =	vld.idx.msk [tilespmem:v53+s16+$0x0], $0xffff;
	v5 =	vadd.f32 v6, v5;
	v6 =	vmul.f32 v7, v7;
	v7 =	vsub.f32 v52, v11  }
0x1ad: {  	v3 =	vor.u32 $0x1F, v3;
	v4 =	vor.u32 $0x1F, v4;
	v8 =	vld.idx.msk [tilespmem:v51+s17+$0x0], $0xffff  }
0x1ae: {  	v61 =	vld.idx.msk [tilespmem:v54+s17+$0x0], $0xffff;
	v5 =	vadd.f32 v6, v5;
	v6 =	vmul.f32 v7, v7;
	v7 =	vsub.f32 v55, v9  }
0x1af: {  	v62 =	vld.idx.msk [tilespmem:v56+s16+$0x0], $0xffff  }
0x1b0: {  	v63 =	vld.idx.msk [tilespmem:v59+s16+$0x0], $0xffff;
	v5 =	vadd.f32 v6, v5;
	v6 =	vmul.f32 v7, v7;
	v7 =	vsub.f32 v58, v10  }
0x1b1: {  	v12 =	vld.idx.msk [tilespmem:v57+s17+$0x0], $0xffff  }
0x1b2: {  	v3 =	vld.idx.msk [tilespmem:v3+s17+$0x0], $0xffff;
	v5 =	vadd.f32 v6, v5;
	v6 =	vmul.f32 v7, v7;
	v7 =	vsub.f32 v60, v8  }
0x1b3: {  	v4 =	vld.idx.msk [tilespmem:v4+s16+$0x0], $0xffff  }
0x1b4: {  	v5 =	vadd.f32 v6, v5;
	v6 =	vmul.f32 v7, v7;
	v7 =	vsub.f32 v62, v61;
	_ =	sdelay $0x1  }
0x1b5: {  	v5 =	vadd.f32 v6, v5;
	v6 =	vmul.f32 v7, v7;
	v7 =	vsub.f32 v63, v12;
	_ =	sdelay $0x1  }
0x1b6: {  	v3 =	vsub.f32 v4, v3;
	v5 =	vadd.f32 v6, v5;
	v6 =	vmul.f32 v7, v7;
	_ =	sdelay $0x1  }
0x1b7: {  	v3 =	vmul.f32 v3, v3;
	v4 =	vadd.f32 v6, v5;
	_ =	sdelay $0x1  }
0x1b8: {  	v3 =	vadd.f32 v3, v4;
	_ =	sdelay $0x1  }
0x1b9: {  	v4 =	vmul.f32 $5.000000000e-01, v3;
	v5 =	vshra.s32 v3, $0x1  }
0x1ba: {  	v5 =	vsub.s32 $0x5F3759DF, v5  }
0x1bb: {  	v6 =	vmul.f32 v5, v4;
	_ =	sdelay $0x1  }
0x1bc: {  	v6 =	vmul.f32 v5, v6;
	_ =	sdelay $0x1  }
0x1bd: {  	v6 =	vsub.f32 $1.500000000e+00, v6;
	_ =	sdelay $0x1  }
0x1be: {  	v5 =	vmul.f32 v5, v6;
	_ =	sdelay $0x1  }
0x1bf: {  	v6 =	vmul.f32 v5, v4;
	_ =	sdelay $0x1  }
0x1c0: {  	v6 =	vmul.f32 v6, v5;
	_ =	sdelay $0x1  }
0x1c1: {  	v6 =	vsub.f32 $1.500000000e+00, v6;
	_ =	sdelay $0x1  }
0x1c2: {  	v5 =	vmul.f32 v6, v5;
	_ =	sdelay $0x1  }
0x1c3: {  	v4 =	vmul.f32 v5, v4;
	_ =	sdelay $0x1  }
0x1c4: {  	v4 =	vmul.f32 v4, v5;
	_ =	sdelay $0x1  }
0x1c5: {  	v4 =	vsub.f32 $1.500000000e+00, v4;
	_ =	sdelay $0x1  }
0x1c6: {  	v4 =	vmul.f32 v4, v5;
	_ =	sdelay $0x1  }
0x1c7: {  	v3 =	vmul.f32 v4, v3;
	_ =	sdelay $0x1  }
0x1c8: {  	v3 =	vmul.f32 v3, v1;
	_ =	sdelay $0x1  }
0x1c9: {  	v3 =	vadd.f32 v3, v2  }
0x1ca: {  	s29 =	simm.s32 $0x10900  }
0x1cb: {  	s30 =	simm.s32 $0x690;
	[tilespmem:s29+$0x0] =	vst v3  }
0x1cc: {  	v4 =	vld [tilespmem:s30+$0x0]  }
0x1cd: {  	s31 =	simm.s32 $0x290  }
0x1ce: {  	s0 =	simm.s32 $0x10;
	s1 =	simm.s32 $0x20;
	v3 =	vld [tilespmem:s31+$0x0]  }
.LBB2_4:
0x1cf: {  	p0 =	sne.s32 s1, $0x70;
	v5 =	vmov s0;
	s0 =	smov.u32 s1  }
0x1d0: {  	v5 =	vshll.u32 v5, $0x7  }
0x1d1: {  	v5 =	vor.u32 v0, v5;
	v4 =	vshll.u32 v4, $0x5  }
0x1d2: {  	v5 =	vadd.s32 $0x4000, v5;
	v6 =	vand.u32 $0xFFFFFF80, v4  }
0x1d3: {  	v4 =	vand.u32 $0x60, v4;
	v3 =	vshll.u32 v3, $0x5;
	v6 =	vadd.s32 v5, v6  }
0x1d4: {  	v7 =	vand.u32 $0xFFFFFF80, v3;
	v4 =	vor.u32 v4, v6  }
0x1d5: {  	v3 =	vand.u32 $0x60, v3;
	v5 =	vadd.s32 v5, v7;
	v6 =	vor.u32 $0x1, v4  }
0x1d6: {  	v3 =	vor.u32 v3, v5  }
0x1d7: {  	v5 =	vor.u32 $0x1, v3  }
0x1d8: {  	v7 =	vor.u32 $0x2, v4  }
0x1d9: {  	v9 =	vor.u32 $0x2, v3;
	v8 =	vld.idx.msk [tilespmem:v4+s17+$0x0], $0xffff  }
0x1da: {  	v10 =	vor.u32 $0x3, v4;
	v6 =	vld.idx.msk [tilespmem:v6+s17+$0x0], $0xffff  }
0x1db: {  	v12 =	vor.u32 $0x3, v3;
	v11 =	vld.idx.msk [tilespmem:v3+s16+$0x0], $0xffff  }
0x1dc: {  	v13 =	vor.u32 $0x4, v4;
	v5 =	vld.idx.msk [tilespmem:v5+s16+$0x0], $0xffff  }
0x1dd: {  	v14 =	vor.u32 $0x4, v3;
	v7 =	vld.idx.msk [tilespmem:v7+s17+$0x0], $0xffff  }
0x1de: {  	v15 =	vor.u32 $0x5, v4;
	v9 =	vld.idx.msk [tilespmem:v9+s16+$0x0], $0xffff  }
0x1df: {  	v16 =	vor.u32 $0x5, v3;
	v10 =	vld.idx.msk [tilespmem:v10+s17+$0x0], $0xffff  }
0x1e0: {  	v17 =	vor.u32 $0x6, v4;
	v12 =	vld.idx.msk [tilespmem:v12+s16+$0x0], $0xffff  }
0x1e1: {  	v18 =	vor.u32 $0x6, v3;
	v13 =	vld.idx.msk [tilespmem:v13+s17+$0x0], $0xffff  }
0x1e2: {  	v8 =	vsub.f32 v11, v8;
	v11 =	vor.u32 $0x7, v4;
	v5 =	vsub.f32 v5, v6;
	v6 =	vld.idx.msk [tilespmem:v14+s16+$0x0], $0xffff  }
0x1e3: {  	v19 =	vor.u32 $0x8, v4;
	v14 =	vld.idx.msk [tilespmem:v15+s17+$0x0], $0xffff;
	v15 =	vor.u32 $0x7, v3  }
0x1e4: {  	v8 =	vmul.f32 v8, v8;
	v5 =	vmul.f32 v5, v5;
	v7 =	vsub.f32 v9, v7;
	v9 =	vld.idx.msk [tilespmem:v16+s16+$0x0], $0xffff  }
0x1e5: {  	v20 =	vor.u32 $0x9, v4;
	v16 =	vld.idx.msk [tilespmem:v17+s17+$0x0], $0xffff;
	v17 =	vor.u32 $0x8, v3  }
0x1e6: {  	v5 =	vadd.f32 v5, v8;
	v7 =	vmul.f32 v7, v7;
	v8 =	vsub.f32 v12, v10;
	v10 =	vld.idx.msk [tilespmem:v18+s16+$0x0], $0xffff  }
0x1e7: {  	v12 =	vor.u32 $0x9, v3;
	v18 =	vor.u32 $0xA, v4;
	v11 =	vld.idx.msk [tilespmem:v11+s17+$0x0], $0xffff  }
0x1e8: {  	v5 =	vadd.f32 v7, v5;
	v7 =	vmul.f32 v8, v8;
	v6 =	vsub.f32 v6, v13;
	v8 =	vld.idx.msk [tilespmem:v15+s16+$0x0], $0xffff  }
0x1e9: {  	v15 =	vor.u32 $0xA, v3;
	v13 =	vld.idx.msk [tilespmem:v19+s17+$0x0], $0xffff;
	v19 =	vor.u32 $0xB, v4  }
0x1ea: {  	v5 =	vadd.f32 v7, v5;
	v6 =	vmul.f32 v6, v6;
	v7 =	vsub.f32 v9, v14;
	v9 =	vld.idx.msk [tilespmem:v17+s16+$0x0], $0xffff  }
0x1eb: {  	v17 =	vor.u32 $0xB, v3;
	v14 =	vld.idx.msk [tilespmem:v20+s17+$0x0], $0xffff;
	v20 =	vor.u32 $0xC, v4  }
0x1ec: {  	v5 =	vadd.f32 v6, v5;
	v6 =	vmul.f32 v7, v7;
	v7 =	vsub.f32 v10, v16;
	v10 =	vld.idx.msk [tilespmem:v12+s16+$0x0], $0xffff  }
0x1ed: {  	v16 =	vor.u32 $0xC, v3;
	v12 =	vld.idx.msk [tilespmem:v18+s17+$0x0], $0xffff;
	v18 =	vor.u32 $0xD, v4  }
0x1ee: {  	v5 =	vadd.f32 v6, v5;
	v6 =	vmul.f32 v7, v7;
	v7 =	vsub.f32 v8, v11;
	v8 =	vld.idx.msk [tilespmem:v15+s16+$0x0], $0xffff  }
0x1ef: {  	v15 =	vor.u32 $0xD, v3;
	v11 =	vld.idx.msk [tilespmem:v19+s17+$0x0], $0xffff;
	v19 =	vor.u32 $0xE, v4  }
0x1f0: {  	v5 =	vadd.f32 v6, v5;
	v6 =	vmul.f32 v7, v7;
	v7 =	vsub.f32 v9, v13;
	v9 =	vld.idx.msk [tilespmem:v17+s16+$0x0], $0xffff  }
0x1f1: {  	v17 =	vor.u32 $0xE, v3;
	v13 =	vld.idx.msk [tilespmem:v20+s17+$0x0], $0xffff;
	v20 =	vor.u32 $0xF, v4  }
0x1f2: {  	v5 =	vadd.f32 v6, v5;
	v6 =	vmul.f32 v7, v7;
	v7 =	vsub.f32 v10, v14;
	v10 =	vld.idx.msk [tilespmem:v16+s16+$0x0], $0xffff  }
0x1f3: {  	v16 =	vor.u32 $0xF, v3;
	v14 =	vld.idx.msk [tilespmem:v18+s17+$0x0], $0xffff;
	v18 =	vor.u32 $0x10, v4  }
0x1f4: {  	v5 =	vadd.f32 v6, v5;
	v6 =	vmul.f32 v7, v7;
	v7 =	vsub.f32 v8, v12;
	v8 =	vld.idx.msk [tilespmem:v15+s16+$0x0], $0xffff  }
0x1f5: {  	v15 =	vor.u32 $0x10, v3;
	v12 =	vld.idx.msk [tilespmem:v19+s17+$0x0], $0xffff;
	v19 =	vor.u32 $0x11, v4  }
0x1f6: {  	v5 =	vadd.f32 v6, v5;
	v6 =	vmul.f32 v7, v7;
	v7 =	vsub.f32 v9, v11;
	v9 =	vld.idx.msk [tilespmem:v17+s16+$0x0], $0xffff  }
0x1f7: {  	v17 =	vor.u32 $0x11, v3;
	v11 =	vld.idx.msk [tilespmem:v20+s17+$0x0], $0xffff;
	v20 =	vor.u32 $0x12, v4  }
0x1f8: {  	v5 =	vadd.f32 v6, v5;
	v6 =	vmul.f32 v7, v7;
	v7 =	vsub.f32 v10, v13;
	v10 =	vld.idx.msk [tilespmem:v16+s16+$0x0], $0xffff  }
0x1f9: {  	v16 =	vor.u32 $0x12, v3;
	v13 =	vld.idx.msk [tilespmem:v18+s17+$0x0], $0xffff;
	v18 =	vor.u32 $0x13, v4  }
0x1fa: {  	v5 =	vadd.f32 v6, v5;
	v6 =	vmul.f32 v7, v7;
	v7 =	vsub.f32 v8, v14;
	v8 =	vld.idx.msk [tilespmem:v15+s16+$0x0], $0xffff  }
0x1fb: {  	v15 =	vor.u32 $0x13, v3;
	v14 =	vld.idx.msk [tilespmem:v19+s17+$0x0], $0xffff;
	v19 =	vor.u32 $0x14, v4  }
0x1fc: {  	v5 =	vadd.f32 v6, v5;
	v6 =	vmul.f32 v7, v7;
	v7 =	vsub.f32 v9, v12;
	v9 =	vld.idx.msk [tilespmem:v17+s16+$0x0], $0xffff  }
0x1fd: {  	v17 =	vor.u32 $0x14, v3;
	v12 =	vld.idx.msk [tilespmem:v20+s17+$0x0], $0xffff;
	v20 =	vor.u32 $0x15, v4  }
0x1fe: {  	v5 =	vadd.f32 v6, v5;
	v6 =	vmul.f32 v7, v7;
	v7 =	vsub.f32 v10, v11;
	v10 =	vld.idx.msk [tilespmem:v16+s16+$0x0], $0xffff  }
0x1ff: {  	v16 =	vor.u32 $0x15, v3;
	v11 =	vld.idx.msk [tilespmem:v18+s17+$0x0], $0xffff;
	v18 =	vor.u32 $0x16, v4  }
0x200: {  	v5 =	vadd.f32 v6, v5;
	v6 =	vmul.f32 v7, v7;
	v7 =	vsub.f32 v8, v13;
	v8 =	vld.idx.msk [tilespmem:v15+s16+$0x0], $0xffff  }
0x201: {  	v15 =	vor.u32 $0x16, v3;
	v13 =	vld.idx.msk [tilespmem:v19+s17+$0x0], $0xffff;
	v19 =	vor.u32 $0x17, v4  }
0x202: {  	v5 =	vadd.f32 v6, v5;
	v6 =	vmul.f32 v7, v7;
	v7 =	vsub.f32 v9, v14;
	v9 =	vld.idx.msk [tilespmem:v17+s16+$0x0], $0xffff  }
0x203: {  	v17 =	vor.u32 $0x17, v3;
	v14 =	vld.idx.msk [tilespmem:v20+s17+$0x0], $0xffff;
	v20 =	vor.u32 $0x18, v4  }
0x204: {  	v5 =	vadd.f32 v6, v5;
	v6 =	vmul.f32 v7, v7;
	v7 =	vsub.f32 v10, v12;
	v10 =	vld.idx.msk [tilespmem:v16+s16+$0x0], $0xffff  }
0x205: {  	v16 =	vor.u32 $0x18, v3;
	v12 =	vld.idx.msk [tilespmem:v18+s17+$0x0], $0xffff;
	v18 =	vor.u32 $0x19, v4  }
0x206: {  	v5 =	vadd.f32 v6, v5;
	v6 =	vmul.f32 v7, v7;
	v7 =	vsub.f32 v8, v11;
	v8 =	vld.idx.msk [tilespmem:v15+s16+$0x0], $0xffff  }
0x207: {  	v15 =	vor.u32 $0x19, v3;
	v11 =	vld.idx.msk [tilespmem:v19+s17+$0x0], $0xffff;
	v19 =	vor.u32 $0x1A, v4  }
0x208: {  	v5 =	vadd.f32 v6, v5;
	v6 =	vmul.f32 v7, v7;
	v7 =	vsub.f32 v9, v13;
	v9 =	vld.idx.msk [tilespmem:v17+s16+$0x0], $0xffff  }
0x209: {  	v17 =	vor.u32 $0x1A, v3;
	v13 =	vld.idx.msk [tilespmem:v20+s17+$0x0], $0xffff;
	v20 =	vor.u32 $0x1B, v4  }
0x20a: {  	v5 =	vadd.f32 v6, v5;
	v6 =	vmul.f32 v7, v7;
	v7 =	vsub.f32 v10, v14;
	v10 =	vld.idx.msk [tilespmem:v16+s16+$0x0], $0xffff  }
0x20b: {  	v16 =	vor.u32 $0x1B, v3;
	v14 =	vld.idx.msk [tilespmem:v18+s17+$0x0], $0xffff;
	v18 =	vor.u32 $0x1C, v4  }
0x20c: {  	v5 =	vadd.f32 v6, v5;
	v6 =	vmul.f32 v7, v7;
	v7 =	vsub.f32 v8, v12;
	v8 =	vld.idx.msk [tilespmem:v15+s16+$0x0], $0xffff  }
0x20d: {  	v15 =	vor.u32 $0x1C, v3;
	v12 =	vld.idx.msk [tilespmem:v19+s17+$0x0], $0xffff;
	v19 =	vor.u32 $0x1D, v4  }
0x20e: {  	v5 =	vadd.f32 v6, v5;
	v6 =	vmul.f32 v7, v7;
	v7 =	vsub.f32 v9, v11;
	v9 =	vld.idx.msk [tilespmem:v17+s16+$0x0], $0xffff  }
0x20f: {  	v17 =	vor.u32 $0x1D, v3;
	v11 =	vld.idx.msk [tilespmem:v20+s17+$0x0], $0xffff;
	v20 =	vor.u32 $0x1E, v4  }
0x210: {  	v5 =	vadd.f32 v6, v5;
	v6 =	vmul.f32 v7, v7;
	v7 =	vsub.f32 v10, v13;
	v10 =	vld.idx.msk [tilespmem:v16+s16+$0x0], $0xffff  }
0x211: {  	v4 =	vor.u32 $0x1F, v4;
	v16 =	vor.u32 $0x1E, v3;
	v13 =	vld.idx.msk [tilespmem:v18+s17+$0x0], $0xffff  }
0x212: {  	v5 =	vadd.f32 v6, v5;
	v6 =	vmul.f32 v7, v7;
	v7 =	vsub.f32 v8, v14;
	v8 =	vld.idx.msk [tilespmem:v15+s16+$0x0], $0xffff  }
0x213: {  	v3 =	vor.u32 $0x1F, v3;
	v14 =	vld.idx.msk [tilespmem:v19+s17+$0x0], $0xffff  }
0x214: {  	v5 =	vadd.f32 v6, v5;
	v6 =	vmul.f32 v7, v7;
	v7 =	vsub.f32 v9, v12;
	v9 =	vld.idx.msk [tilespmem:v17+s16+$0x0], $0xffff  }
0x215: {  	v12 =	vld.idx.msk [tilespmem:v20+s17+$0x0], $0xffff  }
0x216: {  	v5 =	vadd.f32 v6, v5;
	v6 =	vmul.f32 v7, v7;
	v7 =	vsub.f32 v10, v11;
	v10 =	vld.idx.msk [tilespmem:v16+s16+$0x0], $0xffff  }
0x217: {  	v4 =	vld.idx.msk [tilespmem:v4+s17+$0x0], $0xffff  }
0x218: {  	v5 =	vadd.f32 v6, v5;
	v6 =	vmul.f32 v7, v7;
	v7 =	vsub.f32 v8, v13;
	v3 =	vld.idx.msk [tilespmem:v3+s16+$0x0], $0xffff;
	_ =	sdelay $0x1  }
0x219: {  	v5 =	vadd.f32 v6, v5;
	v6 =	vmul.f32 v7, v7;
	v7 =	vsub.f32 v9, v14;
	_ =	sdelay $0x1  }
0x21a: {  	v5 =	vadd.f32 v6, v5;
	v6 =	vmul.f32 v7, v7;
	v7 =	vsub.f32 v10, v12;
	_ =	sdelay $0x1  }
0x21b: {  	v5 =	vadd.f32 v6, v5;
	v6 =	vmul.f32 v7, v7;
	v3 =	vsub.f32 v3, v4;
	_ =	sdelay $0x1  }
0x21c: {  	v4 =	vadd.f32 v6, v5;
	v3 =	vmul.f32 v3, v3;
	_ =	sdelay $0x1  }
0x21d: {  	v3 =	vadd.f32 v3, v4;
	_ =	sdelay $0x1  }
0x21e: {  	v4 =	vmul.f32 $5.000000000e-01, v3;
	v5 =	vshra.s32 v3, $0x1  }
0x21f: {  	v5 =	vsub.s32 $0x5F3759DF, v5  }
0x220: {  	v6 =	vmul.f32 v5, v4;
	_ =	sdelay $0x1  }
0x221: {  	v6 =	vmul.f32 v5, v6;
	_ =	sdelay $0x1  }
0x222: {  	v6 =	vsub.f32 $1.500000000e+00, v6;
	_ =	sdelay $0x1  }
0x223: {  	v5 =	vmul.f32 v5, v6;
	_ =	sdelay $0x1  }
0x224: {  	v6 =	vmul.f32 v5, v4;
	_ =	sdelay $0x1  }
0x225: {  	v6 =	vmul.f32 v6, v5;
	_ =	sdelay $0x1  }
0x226: {  	v6 =	vsub.f32 $1.500000000e+00, v6;
	_ =	sdelay $0x1  }
0x227: {  	v5 =	vmul.f32 v6, v5;
	_ =	sdelay $0x1  }
0x228: {  	v4 =	vmul.f32 v5, v4;
	_ =	sdelay $0x1  }
0x229: {  	v4 =	vmul.f32 v4, v5;
	_ =	sdelay $0x1  }
0x22a: {  	v4 =	vsub.f32 $1.500000000e+00, v4;
	_ =	sdelay $0x1  }
0x22b: {  	v4 =	vmul.f32 v4, v5;
	_ =	sdelay $0x1  }
0x22c: {  	v3 =	vmul.f32 v4, v3;
	_ =	sdelay $0x1  }
0x22d: {  	v3 =	vmul.f32 v3, v1;
	_ =	sdelay $0x1  }
0x22e: {  	v3 =	vadd.f32 v3, v2  }
.Ltmp1:
0x22f: {  	s29 =	sadd.s32 $0x10, s29;
	(pc) =	sbr.rel @p0 .LBB2_4-.Ltmp1, $4  }
0x230: {  	s30 =	sadd.s32 $0x10, s30;
	[tilespmem:s29+$0x0] =	vst v3  }
0x231: {  	v4 =	vld [tilespmem:s30+$0x0]  }
0x232: {  	s31 =	sadd.s32 $0x10, s31  }
0x233: {  	s1 =	sadd.s32 $0x10, s1;
	v3 =	vld [tilespmem:s31+$0x0]  }
0x234: {  	v5 =	vmov s0  }
0x235: {  	v5 =	vshll.u32 v5, $0x7  }
0x236: {  	v5 =	vor.u32 v0, v5;
	v4 =	vshll.u32 v4, $0x5  }
0x237: {  	v5 =	vadd.s32 $0x4000, v5;
	v6 =	vand.u32 $0xFFFFFF80, v4  }
0x238: {  	v7 =	vshll.u32 v3, $0x5;
	v3 =	vand.u32 $0x60, v4;
	v4 =	vadd.s32 v5, v6  }
0x239: {  	v6 =	vand.u32 $0xFFFFFF80, v7;
	v3 =	vor.u32 v3, v4  }
0x23a: {  	v4 =	vand.u32 $0x60, v7;
	v5 =	vadd.s32 v5, v6;
	v6 =	vor.u32 $0x1, v3  }
0x23b: {  	v4 =	vor.u32 v4, v5  }
0x23c: {  	v5 =	vor.u32 $0x1, v4  }
0x23d: {  	v7 =	vor.u32 $0x2, v3  }
0x23e: {  	v9 =	vor.u32 $0x2, v4;
	v8 =	vld.idx.msk [tilespmem:v3+s17+$0x0], $0xffff  }
0x23f: {  	v10 =	vor.u32 $0x3, v3;
	v6 =	vld.idx.msk [tilespmem:v6+s17+$0x0], $0xffff  }
0x240: {  	v12 =	vor.u32 $0x3, v4;
	v11 =	vld.idx.msk [tilespmem:v4+s16+$0x0], $0xffff  }
0x241: {  	v13 =	vor.u32 $0x4, v3;
	v5 =	vld.idx.msk [tilespmem:v5+s16+$0x0], $0xffff  }
0x242: {  	v14 =	vor.u32 $0x4, v4;
	v7 =	vld.idx.msk [tilespmem:v7+s17+$0x0], $0xffff  }
0x243: {  	v15 =	vor.u32 $0x5, v3;
	v9 =	vld.idx.msk [tilespmem:v9+s16+$0x0], $0xffff  }
0x244: {  	v16 =	vor.u32 $0x5, v4;
	v10 =	vld.idx.msk [tilespmem:v10+s17+$0x0], $0xffff  }
0x245: {  	v17 =	vor.u32 $0x6, v3;
	v12 =	vld.idx.msk [tilespmem:v12+s16+$0x0], $0xffff  }
0x246: {  	v18 =	vor.u32 $0x6, v4;
	v13 =	vld.idx.msk [tilespmem:v13+s17+$0x0], $0xffff;
	v8 =	vsub.f32 v11, v8;
	v5 =	vsub.f32 v5, v6  }
0x247: {  	v35 =	vor.u32 $0x7, v3;
	v36 =	vor.u32 $0x7, v4;
	v6 =	vld.idx.msk [tilespmem:v14+s16+$0x0], $0xffff  }
0x248: {  	v15 =	vld.idx.msk [tilespmem:v15+s17+$0x0], $0xffff;
	v7 =	vsub.f32 v9, v7;
	v8 =	vmul.f32 v8, v8;
	v5 =	vmul.f32 v5, v5  }
0x249: {  	v37 =	vor.u32 $0x8, v3;
	v19 =	vor.u32 $0x8, v4;
	v16 =	vld.idx.msk [tilespmem:v16+s16+$0x0], $0xffff  }
0x24a: {  	v17 =	vld.idx.msk [tilespmem:v17+s17+$0x0], $0xffff;
	v38 =	vsub.f32 v12, v10;
	v7 =	vmul.f32 v7, v7;
	v5 =	vadd.f32 v5, v8  }
0x24b: {  	v39 =	vor.u32 $0x9, v3;
	v41 =	vor.u32 $0x9, v4;
	v40 =	vld.idx.msk [tilespmem:v18+s16+$0x0], $0xffff  }
0x24c: {  	v43 =	vld.idx.msk [tilespmem:v36+s16+$0x0], $0xffff;
	v6 =	vsub.f32 v6, v13;
	v5 =	vadd.f32 v7, v5;
	v7 =	vmul.f32 v38, v38  }
0x24d: {  	v42 =	vor.u32 $0xA, v3;
	v44 =	vor.u32 $0xA, v4;
	v11 =	vld.idx.msk [tilespmem:v35+s17+$0x0], $0xffff  }
0x24e: {  	v46 =	vld.idx.msk [tilespmem:v19+s16+$0x0], $0xffff;
	v6 =	vmul.f32 v6, v6;
	v5 =	vadd.f32 v7, v5;
	v7 =	vsub.f32 v16, v15  }
0x24f: {  	v45 =	vor.u32 $0xB, v3;
	v47 =	vor.u32 $0xB, v4;
	v9 =	vld.idx.msk [tilespmem:v37+s17+$0x0], $0xffff  }
0x250: {  	v49 =	vld.idx.msk [tilespmem:v41+s16+$0x0], $0xffff;
	v5 =	vadd.f32 v6, v5;
	v6 =	vmul.f32 v7, v7;
	v7 =	vsub.f32 v40, v17  }
0x251: {  	v48 =	vor.u32 $0xC, v3;
	v50 =	vor.u32 $0xC, v4;
	v10 =	vld.idx.msk [tilespmem:v39+s17+$0x0], $0xffff  }
0x252: {  	v52 =	vld.idx.msk [tilespmem:v44+s16+$0x0], $0xffff;
	v5 =	vadd.f32 v6, v5;
	v6 =	vmul.f32 v7, v7;
	v7 =	vsub.f32 v43, v11  }
0x253: {  	v51 =	vor.u32 $0xD, v3;
	v53 =	vor.u32 $0xD, v4;
	v8 =	vld.idx.msk [tilespmem:v42+s17+$0x0], $0xffff  }
0x254: {  	v55 =	vld.idx.msk [tilespmem:v47+s16+$0x0], $0xffff;
	v5 =	vadd.f32 v6, v5;
	v6 =	vmul.f32 v7, v7;
	v7 =	vsub.f32 v46, v9  }
0x255: {  	v54 =	vor.u32 $0xE, v3;
	v56 =	vor.u32 $0xE, v4;
	v15 =	vld.idx.msk [tilespmem:v45+s17+$0x0], $0xffff  }
0x256: {  	v58 =	vld.idx.msk [tilespmem:v50+s16+$0x0], $0xffff;
	v5 =	vadd.f32 v6, v5;
	v6 =	vmul.f32 v7, v7;
	v7 =	vsub.f32 v49, v10  }
0x257: {  	v57 =	vor.u32 $0xF, v3;
	v59 =	vor.u32 $0xF, v4;
	v12 =	vld.idx.msk [tilespmem:v48+s17+$0x0], $0xffff  }
0x258: {  	v61 =	vld.idx.msk [tilespmem:v53+s16+$0x0], $0xffff;
	v5 =	vadd.f32 v6, v5;
	v6 =	vmul.f32 v7, v7;
	v7 =	vsub.f32 v52, v8  }
0x259: {  	v60 =	vor.u32 $0x10, v3;
	v62 =	vor.u32 $0x10, v4;
	v11 =	vld.idx.msk [tilespmem:v51+s17+$0x0], $0xffff  }
0x25a: {  	v21 =	vld.idx.msk [tilespmem:v56+s16+$0x0], $0xffff;
	v5 =	vadd.f32 v6, v5;
	v6 =	vmul.f32 v7, v7;
	v7 =	vsub.f32 v55, v15  }
0x25b: {  	v63 =	vor.u32 $0x11, v3;
	v22 =	vor.u32 $0x11, v4;
	v9 =	vld.idx.msk [tilespmem:v54+s17+$0x0], $0xffff  }
0x25c: {  	v24 =	vld.idx.msk [tilespmem:v59+s16+$0x0], $0xffff;
	v5 =	vadd.f32 v6, v5;
	v6 =	vmul.f32 v7, v7;
	v7 =	vsub.f32 v58, v12  }
0x25d: {  	v23 =	vor.u32 $0x12, v3;
	v25 =	vor.u32 $0x12, v4;
	v10 =	vld.idx.msk [tilespmem:v57+s17+$0x0], $0xffff  }
0x25e: {  	v27 =	vld.idx.msk [tilespmem:v62+s16+$0x0], $0xffff;
	v5 =	vadd.f32 v6, v5;
	v6 =	vmul.f32 v7, v7;
	v7 =	vsub.f32 v61, v11  }
0x25f: {  	v26 =	vor.u32 $0x13, v3;
	v28 =	vor.u32 $0x13, v4;
	v8 =	vld.idx.msk [tilespmem:v60+s17+$0x0], $0xffff  }
0x260: {  	v30 =	vld.idx.msk [tilespmem:v22+s16+$0x0], $0xffff;
	v5 =	vadd.f32 v6, v5;
	v6 =	vmul.f32 v7, v7;
	v7 =	vsub.f32 v21, v9  }
0x261: {  	v29 =	vor.u32 $0x14, v3;
	v31 =	vor.u32 $0x14, v4;
	v15 =	vld.idx.msk [tilespmem:v63+s17+$0x0], $0xffff  }
0x262: {  	v33 =	vld.idx.msk [tilespmem:v25+s16+$0x0], $0xffff;
	v5 =	vadd.f32 v6, v5;
	v6 =	vmul.f32 v7, v7;
	v7 =	vsub.f32 v24, v10  }
0x263: {  	v32 =	vor.u32 $0x15, v3;
	v34 =	vor.u32 $0x15, v4;
	v12 =	vld.idx.msk [tilespmem:v23+s17+$0x0], $0xffff  }
0x264: {  	v36 =	vld.idx.msk [tilespmem:v28+s16+$0x0], $0xffff;
	v5 =	vadd.f32 v6, v5;
	v6 =	vmul.f32 v7, v7;
	v7 =	vsub.f32 v27, v8  }
0x265: {  	v35 =	vor.u32 $0x16, v3;
	v37 =	vor.u32 $0x16, v4;
	v11 =	vld.idx.msk [tilespmem:v26+s17+$0x0], $0xffff  }
0x266: {  	v39 =	vld.idx.msk [tilespmem:v31+s16+$0x0], $0xffff;
	v5 =	vadd.f32 v6, v5;
	v6 =	vmul.f32 v7, v7;
	v7 =	vsub.f32 v30, v15  }
0x267: {  	v38 =	vor.u32 $0x17, v3;
	v40 =	vor.u32 $0x17, v4;
	v9 =	vld.idx.msk [tilespmem:v29+s17+$0x0], $0xffff  }
0x268: {  	v42 =	vld.idx.msk [tilespmem:v34+s16+$0x0], $0xffff;
	v5 =	vadd.f32 v6, v5;
	v6 =	vmul.f32 v7, v7;
	v7 =	vsub.f32 v33, v12  }
0x269: {  	v41 =	vor.u32 $0x18, v3;
	v43 =	vor.u32 $0x18, v4;
	v10 =	vld.idx.msk [tilespmem:v32+s17+$0x0], $0xffff  }
0x26a: {  	v45 =	vld.idx.msk [tilespmem:v37+s16+$0x0], $0xffff;
	v5 =	vadd.f32 v6, v5;
	v6 =	vmul.f32 v7, v7;
	v7 =	vsub.f32 v36, v11  }
0x26b: {  	v44 =	vor.u32 $0x19, v3;
	v46 =	vor.u32 $0x19, v4;
	v8 =	vld.idx.msk [tilespmem:v35+s17+$0x0], $0xffff  }
0x26c: {  	v48 =	vld.idx.msk [tilespmem:v40+s16+$0x0], $0xffff;
	v5 =	vadd.f32 v6, v5;
	v6 =	vmul.f32 v7, v7;
	v7 =	vsub.f32 v39, v9  }
0x26d: {  	v47 =	vor.u32 $0x1A, v3;
	v49 =	vor.u32 $0x1A, v4;
	v15 =	vld.idx.msk [tilespmem:v38+s17+$0x0], $0xffff  }
0x26e: {  	v51 =	vld.idx.msk [tilespmem:v43+s16+$0x0], $0xffff;
	v5 =	vadd.f32 v6, v5;
	v6 =	vmul.f32 v7, v7;
	v7 =	vsub.f32 v42, v10  }
0x26f: {  	v50 =	vor.u32 $0x1B, v3;
	v52 =	vor.u32 $0x1B, v4;
	v12 =	vld.idx.msk [tilespmem:v41+s17+$0x0], $0xffff  }
0x270: {  	v54 =	vld.idx.msk [tilespmem:v46+s16+$0x0], $0xffff;
	v5 =	vadd.f32 v6, v5;
	v6 =	vmul.f32 v7, v7;
	v7 =	vsub.f32 v45, v8  }
0x271: {  	v53 =	vor.u32 $0x1C, v3;
	v55 =	vor.u32 $0x1C, v4;
	v11 =	vld.idx.msk [tilespmem:v44+s17+$0x0], $0xffff  }
0x272: {  	v57 =	vld.idx.msk [tilespmem:v49+s16+$0x0], $0xffff;
	v5 =	vadd.f32 v6, v5;
	v6 =	vmul.f32 v7, v7;
	v7 =	vsub.f32 v48, v15  }
0x273: {  	v56 =	vor.u32 $0x1D, v3;
	v58 =	vor.u32 $0x1D, v4;
	v9 =	vld.idx.msk [tilespmem:v47+s17+$0x0], $0xffff  }
0x274: {  	v60 =	vld.idx.msk [tilespmem:v52+s16+$0x0], $0xffff;
	v5 =	vadd.f32 v6, v5;
	v6 =	vmul.f32 v7, v7;
	v7 =	vsub.f32 v51, v12  }
0x275: {  	v59 =	vor.u32 $0x1E, v3;
	v61 =	vor.u32 $0x1E, v4;
	v10 =	vld.idx.msk [tilespmem:v50+s17+$0x0], $0xffff  }
0x276: {  	v62 =	vld.idx.msk [tilespmem:v55+s16+$0x0], $0xffff;
	v5 =	vadd.f32 v6, v5;
	v6 =	vmul.f32 v7, v7;
	v7 =	vsub.f32 v54, v11  }
0x277: {  	v3 =	vor.u32 $0x1F, v3;
	v4 =	vor.u32 $0x1F, v4;
	v8 =	vld.idx.msk [tilespmem:v53+s17+$0x0], $0xffff  }
0x278: {  	v63 =	vld.idx.msk [tilespmem:v56+s17+$0x0], $0xffff;
	v5 =	vadd.f32 v6, v5;
	v6 =	vmul.f32 v7, v7;
	v7 =	vsub.f32 v57, v9  }
0x279: {  	v19 =	vld.idx.msk [tilespmem:v58+s16+$0x0], $0xffff  }
0x27a: {  	v20 =	vld.idx.msk [tilespmem:v61+s16+$0x0], $0xffff;
	v5 =	vadd.f32 v6, v5;
	v6 =	vmul.f32 v7, v7;
	v7 =	vsub.f32 v60, v10  }
0x27b: {  	v12 =	vld.idx.msk [tilespmem:v59+s17+$0x0], $0xffff  }
0x27c: {  	v3 =	vld.idx.msk [tilespmem:v3+s17+$0x0], $0xffff;
	v5 =	vadd.f32 v6, v5;
	v6 =	vmul.f32 v7, v7;
	v7 =	vsub.f32 v62, v8  }
0x27d: {  	v4 =	vld.idx.msk [tilespmem:v4+s16+$0x0], $0xffff  }
0x27e: {  	v5 =	vadd.f32 v6, v5;
	v6 =	vmul.f32 v7, v7;
	v7 =	vsub.f32 v19, v63;
	_ =	sdelay $0x1  }
0x27f: {  	v5 =	vadd.f32 v6, v5;
	v6 =	vmul.f32 v7, v7;
	v7 =	vsub.f32 v20, v12;
	_ =	sdelay $0x1  }
0x280: {  	v3 =	vsub.f32 v4, v3;
	v5 =	vadd.f32 v6, v5;
	v6 =	vmul.f32 v7, v7;
	_ =	sdelay $0x1  }
0x281: {  	v3 =	vmul.f32 v3, v3;
	v4 =	vadd.f32 v6, v5;
	_ =	sdelay $0x1  }
0x282: {  	v3 =	vadd.f32 v3, v4;
	_ =	sdelay $0x1  }
0x283: {  	v4 =	vmul.f32 $5.000000000e-01, v3;
	v5 =	vshra.s32 v3, $0x1  }
0x284: {  	v5 =	vsub.s32 $0x5F3759DF, v5  }
0x285: {  	v6 =	vmul.f32 v5, v4;
	_ =	sdelay $0x1  }
0x286: {  	v6 =	vmul.f32 v5, v6;
	_ =	sdelay $0x1  }
0x287: {  	v6 =	vsub.f32 $1.500000000e+00, v6;
	_ =	sdelay $0x1  }
0x288: {  	v5 =	vmul.f32 v5, v6;
	_ =	sdelay $0x1  }
0x289: {  	v6 =	vmul.f32 v5, v4;
	_ =	sdelay $0x1  }
0x28a: {  	v6 =	vmul.f32 v6, v5;
	_ =	sdelay $0x1  }
0x28b: {  	v6 =	vsub.f32 $1.500000000e+00, v6;
	_ =	sdelay $0x1  }
0x28c: {  	v5 =	vmul.f32 v6, v5;
	_ =	sdelay $0x1  }
0x28d: {  	v4 =	vmul.f32 v5, v4;
	_ =	sdelay $0x1  }
0x28e: {  	v4 =	vmul.f32 v4, v5;
	_ =	sdelay $0x1  }
0x28f: {  	v4 =	vsub.f32 $1.500000000e+00, v4;
	_ =	sdelay $0x1  }
0x290: {  	v4 =	vmul.f32 v4, v5;
	_ =	sdelay $0x1  }
0x291: {  	v3 =	vmul.f32 v4, v3;
	_ =	sdelay $0x1  }
0x292: {  	v3 =	vmul.f32 v3, v1;
	_ =	sdelay $0x1  }
0x293: {  	v3 =	vadd.f32 v3, v2  }
0x294: {  	s1 =	sadd.s32 $0x10, s29  }
0x295: {  	[tilespmem:s1+$0x0] =	vst v3  }
0x296: {  	[tilespmem:s18], [sflag:$0x1] =	stream.indirect.gather [hbm4b:s3+s15], $0x80, s24, s15, $0xb8;
	[tilespmem:$0x10A80] =	vst v63  }
0x297: {  	_ = 	snop  }
0x298: {  	[tilespmem:s20], [sflag:$0x1] =	stream.indirect.gather [hbm4b:s4+s15], $0x80, s25, s15, $0xb8;
	[tilespmem:$0x10A80] =	vst v63  }
0x299: {  	_ =	swait.ge [sflag:s21], $0x4000  }
0x29a: {  	[sflag:s21] =	ssyncset.done $0x0  }
0x29b: {  	[sflag:s21] =	ssyncadd.s32 $0xFFFFC000  }
0x29c: {  	_ =	swait.ge [sflag:s21], $0x4000  }
0x29d: {  	[sflag:s21] =	ssyncset.done $0x0  }
0x29e: {  	s1 =	simm.s32 $0x700;
	[sflag:s21] =	ssyncadd.s32 $0xFFFFC000  }
0x29f: {  	v3 =	vld [tilespmem:s1+$0x0]  }
0x2a0: {  	s1 =	simm.s32 $0x300  }
0x2a1: {  	v4 =	vld [tilespmem:s1+$0x0]  }
0x2a2: {  	s1 =	simm.s32 $0x0  }
0x2a3: {  	v5 =	vmov s1  }
0x2a4: {  	v5 =	vshll.u32 v5, $0x7;
	v3 =	vshll.u32 v3, $0x5  }
0x2a5: {  	v5 =	vor.u32 v0, v5;
	v6 =	vand.u32 $0xFFFFFF80, v3  }
0x2a6: {  	v4 =	vshll.u32 v4, $0x5;
	v3 =	vand.u32 $0x60, v3;
	v6 =	vadd.s32 v5, v6  }
0x2a7: {  	v7 =	vand.u32 $0xFFFFFF80, v4;
	v3 =	vor.u32 v3, v6  }
0x2a8: {  	v4 =	vand.u32 $0x60, v4;
	v5 =	vadd.s32 v5, v7;
	v6 =	vor.u32 $0x1, v3  }
0x2a9: {  	v4 =	vor.u32 v4, v5  }
0x2aa: {  	v5 =	vor.u32 $0x1, v4  }
0x2ab: {  	v7 =	vor.u32 $0x2, v3  }
0x2ac: {  	v22 =	vor.u32 $0x2, v4;
	v21 =	vld.idx.msk [tilespmem:v3+s17+$0x0], $0xffff  }
0x2ad: {  	v23 =	vor.u32 $0x3, v3;
	v6 =	vld.idx.msk [tilespmem:v6+s17+$0x0], $0xffff  }
0x2ae: {  	v25 =	vor.u32 $0x3, v4;
	v24 =	vld.idx.msk [tilespmem:v4+s16+$0x0], $0xffff  }
0x2af: {  	v26 =	vor.u32 $0x4, v3;
	v5 =	vld.idx.msk [tilespmem:v5+s16+$0x0], $0xffff  }
0x2b0: {  	v27 =	vor.u32 $0x4, v4;
	v7 =	vld.idx.msk [tilespmem:v7+s17+$0x0], $0xffff  }
0x2b1: {  	v28 =	vor.u32 $0x5, v3;
	v9 =	vld.idx.msk [tilespmem:v22+s16+$0x0], $0xffff  }
0x2b2: {  	v29 =	vor.u32 $0x5, v4;
	v10 =	vld.idx.msk [tilespmem:v23+s17+$0x0], $0xffff  }
0x2b3: {  	v30 =	vor.u32 $0x6, v3;
	v12 =	vld.idx.msk [tilespmem:v25+s16+$0x0], $0xffff  }
0x2b4: {  	v31 =	vor.u32 $0x6, v4;
	v13 =	vld.idx.msk [tilespmem:v26+s17+$0x0], $0xffff;
	v8 =	vsub.f32 v24, v21;
	v5 =	vsub.f32 v5, v6  }
0x2b5: {  	v32 =	vor.u32 $0x7, v3;
	v33 =	vor.u32 $0x7, v4;
	v6 =	vld.idx.msk [tilespmem:v27+s16+$0x0], $0xffff  }
0x2b6: {  	v15 =	vld.idx.msk [tilespmem:v28+s17+$0x0], $0xffff;
	v7 =	vsub.f32 v9, v7;
	v8 =	vmul.f32 v8, v8;
	v5 =	vmul.f32 v5, v5  }
0x2b7: {  	v34 =	vor.u32 $0x8, v3;
	v35 =	vor.u32 $0x8, v4;
	v16 =	vld.idx.msk [tilespmem:v29+s16+$0x0], $0xffff  }
0x2b8: {  	v17 =	vld.idx.msk [tilespmem:v30+s17+$0x0], $0xffff;
	v36 =	vsub.f32 v12, v10;
	v7 =	vmul.f32 v7, v7;
	v5 =	vadd.f32 v5, v8  }
0x2b9: {  	v37 =	vor.u32 $0x9, v3;
	v39 =	vor.u32 $0x9, v4;
	v38 =	vld.idx.msk [tilespmem:v31+s16+$0x0], $0xffff  }
0x2ba: {  	v11 =	vld.idx.msk [tilespmem:v32+s17+$0x0], $0xffff;
	v6 =	vsub.f32 v6, v13;
	v5 =	vadd.f32 v7, v5;
	v7 =	vmul.f32 v36, v36  }
0x2bb: {  	v40 =	vor.u32 $0xA, v3;
	v42 =	vor.u32 $0xA, v4;
	v41 =	vld.idx.msk [tilespmem:v33+s16+$0x0], $0xffff  }
0x2bc: {  	v44 =	vld.idx.msk [tilespmem:v35+s16+$0x0], $0xffff;
	v6 =	vmul.f32 v6, v6;
	v5 =	vadd.f32 v7, v5;
	v7 =	vsub.f32 v16, v15  }
0x2bd: {  	v43 =	vor.u32 $0xB, v3;
	v45 =	vor.u32 $0xB, v4;
	v9 =	vld.idx.msk [tilespmem:v34+s17+$0x0], $0xffff  }
0x2be: {  	v47 =	vld.idx.msk [tilespmem:v39+s16+$0x0], $0xffff;
	v5 =	vadd.f32 v6, v5;
	v6 =	vmul.f32 v7, v7;
	v7 =	vsub.f32 v38, v17  }
0x2bf: {  	v46 =	vor.u32 $0xC, v3;
	v48 =	vor.u32 $0xC, v4;
	v10 =	vld.idx.msk [tilespmem:v37+s17+$0x0], $0xffff  }
0x2c0: {  	v50 =	vld.idx.msk [tilespmem:v42+s16+$0x0], $0xffff;
	v5 =	vadd.f32 v6, v5;
	v6 =	vmul.f32 v7, v7;
	v7 =	vsub.f32 v41, v11  }
0x2c1: {  	v49 =	vor.u32 $0xD, v3;
	v51 =	vor.u32 $0xD, v4;
	v8 =	vld.idx.msk [tilespmem:v40+s17+$0x0], $0xffff  }
0x2c2: {  	v53 =	vld.idx.msk [tilespmem:v45+s16+$0x0], $0xffff;
	v5 =	vadd.f32 v6, v5;
	v6 =	vmul.f32 v7, v7;
	v7 =	vsub.f32 v44, v9  }
0x2c3: {  	v52 =	vor.u32 $0xE, v3;
	v54 =	vor.u32 $0xE, v4;
	v15 =	vld.idx.msk [tilespmem:v43+s17+$0x0], $0xffff  }
0x2c4: {  	v56 =	vld.idx.msk [tilespmem:v48+s16+$0x0], $0xffff;
	v5 =	vadd.f32 v6, v5;
	v6 =	vmul.f32 v7, v7;
	v7 =	vsub.f32 v47, v10  }
0x2c5: {  	v55 =	vor.u32 $0xF, v3;
	v57 =	vor.u32 $0xF, v4;
	v12 =	vld.idx.msk [tilespmem:v46+s17+$0x0], $0xffff  }
0x2c6: {  	v59 =	vld.idx.msk [tilespmem:v51+s16+$0x0], $0xffff;
	v5 =	vadd.f32 v6, v5;
	v6 =	vmul.f32 v7, v7;
	v7 =	vsub.f32 v50, v8  }
0x2c7: {  	v58 =	vor.u32 $0x10, v3;
	v60 =	vor.u32 $0x10, v4;
	v11 =	vld.idx.msk [tilespmem:v49+s17+$0x0], $0xffff  }
0x2c8: {  	v62 =	vld.idx.msk [tilespmem:v54+s16+$0x0], $0xffff;
	v5 =	vadd.f32 v6, v5;
	v6 =	vmul.f32 v7, v7;
	v7 =	vsub.f32 v53, v15  }
0x2c9: {  	v61 =	vor.u32 $0x11, v3;
	v63 =	vor.u32 $0x11, v4;
	v9 =	vld.idx.msk [tilespmem:v52+s17+$0x0], $0xffff  }
0x2ca: {  	v22 =	vld.idx.msk [tilespmem:v57+s16+$0x0], $0xffff;
	v5 =	vadd.f32 v6, v5;
	v6 =	vmul.f32 v7, v7;
	v7 =	vsub.f32 v56, v12  }
0x2cb: {  	v23 =	vor.u32 $0x12, v4;
	v21 =	vor.u32 $0x12, v3;
	v10 =	vld.idx.msk [tilespmem:v55+s17+$0x0], $0xffff  }
0x2cc: {  	v25 =	vld.idx.msk [tilespmem:v60+s16+$0x0], $0xffff;
	v5 =	vadd.f32 v6, v5;
	v6 =	vmul.f32 v7, v7;
	v7 =	vsub.f32 v59, v11  }
0x2cd: {  	v26 =	vor.u32 $0x13, v4;
	v24 =	vor.u32 $0x13, v3;
	v8 =	vld.idx.msk [tilespmem:v58+s17+$0x0], $0xffff  }
0x2ce: {  	v28 =	vld.idx.msk [tilespmem:v63+s16+$0x0], $0xffff;
	v5 =	vadd.f32 v6, v5;
	v6 =	vmul.f32 v7, v7;
	v7 =	vsub.f32 v62, v9  }
0x2cf: {  	v29 =	vor.u32 $0x14, v4;
	v27 =	vor.u32 $0x14, v3;
	v15 =	vld.idx.msk [tilespmem:v61+s17+$0x0], $0xffff  }
0x2d0: {  	v31 =	vld.idx.msk [tilespmem:v23+s16+$0x0], $0xffff;
	v5 =	vadd.f32 v6, v5;
	v6 =	vmul.f32 v7, v7;
	v7 =	vsub.f32 v22, v10  }
0x2d1: {  	v30 =	vor.u32 $0x15, v3;
	v32 =	vor.u32 $0x15, v4;
	v12 =	vld.idx.msk [tilespmem:v21+s17+$0x0], $0xffff  }
0x2d2: {  	v34 =	vld.idx.msk [tilespmem:v26+s16+$0x0], $0xffff;
	v5 =	vadd.f32 v6, v5;
	v6 =	vmul.f32 v7, v7;
	v7 =	vsub.f32 v25, v8  }
0x2d3: {  	v33 =	vor.u32 $0x16, v3;
	v35 =	vor.u32 $0x16, v4;
	v11 =	vld.idx.msk [tilespmem:v24+s17+$0x0], $0xffff  }
0x2d4: {  	v37 =	vld.idx.msk [tilespmem:v29+s16+$0x0], $0xffff;
	v5 =	vadd.f32 v6, v5;
	v6 =	vmul.f32 v7, v7;
	v7 =	vsub.f32 v28, v15  }
0x2d5: {  	v36 =	vor.u32 $0x17, v3;
	v38 =	vor.u32 $0x17, v4;
	v9 =	vld.idx.msk [tilespmem:v27+s17+$0x0], $0xffff  }
0x2d6: {  	v40 =	vld.idx.msk [tilespmem:v32+s16+$0x0], $0xffff;
	v5 =	vadd.f32 v6, v5;
	v6 =	vmul.f32 v7, v7;
	v7 =	vsub.f32 v31, v12  }
0x2d7: {  	v39 =	vor.u32 $0x18, v3;
	v41 =	vor.u32 $0x18, v4;
	v10 =	vld.idx.msk [tilespmem:v30+s17+$0x0], $0xffff  }
0x2d8: {  	v43 =	vld.idx.msk [tilespmem:v35+s16+$0x0], $0xffff;
	v5 =	vadd.f32 v6, v5;
	v6 =	vmul.f32 v7, v7;
	v7 =	vsub.f32 v34, v11  }
0x2d9: {  	v42 =	vor.u32 $0x19, v3;
	v44 =	vor.u32 $0x19, v4;
	v8 =	vld.idx.msk [tilespmem:v33+s17+$0x0], $0xffff  }
0x2da: {  	v46 =	vld.idx.msk [tilespmem:v38+s16+$0x0], $0xffff;
	v5 =	vadd.f32 v6, v5;
	v6 =	vmul.f32 v7, v7;
	v7 =	vsub.f32 v37, v9  }
0x2db: {  	v45 =	vor.u32 $0x1A, v3;
	v47 =	vor.u32 $0x1A, v4;
	v15 =	vld.idx.msk [tilespmem:v36+s17+$0x0], $0xffff  }
0x2dc: {  	v49 =	vld.idx.msk [tilespmem:v41+s16+$0x0], $0xffff;
	v5 =	vadd.f32 v6, v5;
	v6 =	vmul.f32 v7, v7;
	v7 =	vsub.f32 v40, v10  }
0x2dd: {  	v48 =	vor.u32 $0x1B, v3;
	v50 =	vor.u32 $0x1B, v4;
	v12 =	vld.idx.msk [tilespmem:v39+s17+$0x0], $0xffff  }
0x2de: {  	v52 =	vld.idx.msk [tilespmem:v44+s16+$0x0], $0xffff;
	v5 =	vadd.f32 v6, v5;
	v6 =	vmul.f32 v7, v7;
	v7 =	vsub.f32 v43, v8  }
0x2df: {  	v51 =	vor.u32 $0x1C, v3;
	v53 =	vor.u32 $0x1C, v4;
	v11 =	vld.idx.msk [tilespmem:v42+s17+$0x0], $0xffff  }
0x2e0: {  	v55 =	vld.idx.msk [tilespmem:v47+s16+$0x0], $0xffff;
	v5 =	vadd.f32 v6, v5;
	v6 =	vmul.f32 v7, v7;
	v7 =	vsub.f32 v46, v15  }
0x2e1: {  	v54 =	vor.u32 $0x1D, v3;
	v56 =	vor.u32 $0x1D, v4;
	v9 =	vld.idx.msk [tilespmem:v45+s17+$0x0], $0xffff  }
0x2e2: {  	v58 =	vld.idx.msk [tilespmem:v50+s16+$0x0], $0xffff;
	v5 =	vadd.f32 v6, v5;
	v6 =	vmul.f32 v7, v7;
	v7 =	vsub.f32 v49, v12  }
0x2e3: {  	v57 =	vor.u32 $0x1E, v3;
	v59 =	vor.u32 $0x1E, v4;
	v10 =	vld.idx.msk [tilespmem:v48+s17+$0x0], $0xffff  }
0x2e4: {  	v60 =	vld.idx.msk [tilespmem:v53+s16+$0x0], $0xffff;
	v5 =	vadd.f32 v6, v5;
	v6 =	vmul.f32 v7, v7;
	v7 =	vsub.f32 v52, v11  }
0x2e5: {  	v3 =	vor.u32 $0x1F, v3;
	v4 =	vor.u32 $0x1F, v4;
	v8 =	vld.idx.msk [tilespmem:v51+s17+$0x0], $0xffff  }
0x2e6: {  	v61 =	vld.idx.msk [tilespmem:v54+s17+$0x0], $0xffff;
	v5 =	vadd.f32 v6, v5;
	v6 =	vmul.f32 v7, v7;
	v7 =	vsub.f32 v55, v9  }
0x2e7: {  	v62 =	vld.idx.msk [tilespmem:v56+s16+$0x0], $0xffff  }
0x2e8: {  	v63 =	vld.idx.msk [tilespmem:v59+s16+$0x0], $0xffff;
	v5 =	vadd.f32 v6, v5;
	v6 =	vmul.f32 v7, v7;
	v7 =	vsub.f32 v58, v10  }
0x2e9: {  	v12 =	vld.idx.msk [tilespmem:v57+s17+$0x0], $0xffff  }
0x2ea: {  	v3 =	vld.idx.msk [tilespmem:v3+s17+$0x0], $0xffff;
	v5 =	vadd.f32 v6, v5;
	v6 =	vmul.f32 v7, v7;
	v7 =	vsub.f32 v60, v8  }
0x2eb: {  	v4 =	vld.idx.msk [tilespmem:v4+s16+$0x0], $0xffff  }
0x2ec: {  	v5 =	vadd.f32 v6, v5;
	v6 =	vmul.f32 v7, v7;
	v7 =	vsub.f32 v62, v61;
	_ =	sdelay $0x1  }
0x2ed: {  	v5 =	vadd.f32 v6, v5;
	v6 =	vmul.f32 v7, v7;
	v7 =	vsub.f32 v63, v12;
	_ =	sdelay $0x1  }
0x2ee: {  	v3 =	vsub.f32 v4, v3;
	v5 =	vadd.f32 v6, v5;
	v6 =	vmul.f32 v7, v7;
	_ =	sdelay $0x1  }
0x2ef: {  	v3 =	vmul.f32 v3, v3;
	v4 =	vadd.f32 v6, v5;
	_ =	sdelay $0x1  }
0x2f0: {  	v3 =	vadd.f32 v3, v4;
	_ =	sdelay $0x1  }
0x2f1: {  	v4 =	vmul.f32 $5.000000000e-01, v3;
	v5 =	vshra.s32 v3, $0x1  }
0x2f2: {  	v5 =	vsub.s32 $0x5F3759DF, v5  }
0x2f3: {  	v6 =	vmul.f32 v5, v4;
	_ =	sdelay $0x1  }
0x2f4: {  	v6 =	vmul.f32 v5, v6;
	_ =	sdelay $0x1  }
0x2f5: {  	v6 =	vsub.f32 $1.500000000e+00, v6;
	_ =	sdelay $0x1  }
0x2f6: {  	v5 =	vmul.f32 v5, v6;
	_ =	sdelay $0x1  }
0x2f7: {  	v6 =	vmul.f32 v5, v4;
	_ =	sdelay $0x1  }
0x2f8: {  	v6 =	vmul.f32 v6, v5;
	_ =	sdelay $0x1  }
0x2f9: {  	v6 =	vsub.f32 $1.500000000e+00, v6;
	_ =	sdelay $0x1  }
0x2fa: {  	v5 =	vmul.f32 v6, v5;
	_ =	sdelay $0x1  }
0x2fb: {  	v4 =	vmul.f32 v5, v4;
	_ =	sdelay $0x1  }
0x2fc: {  	v4 =	vmul.f32 v4, v5;
	_ =	sdelay $0x1  }
0x2fd: {  	v4 =	vsub.f32 $1.500000000e+00, v4;
	_ =	sdelay $0x1  }
0x2fe: {  	v4 =	vmul.f32 v4, v5;
	_ =	sdelay $0x1  }
0x2ff: {  	v3 =	vmul.f32 v4, v3;
	_ =	sdelay $0x1  }
0x300: {  	v3 =	vmul.f32 v3, v1;
	_ =	sdelay $0x1  }
0x301: {  	v3 =	vadd.f32 v3, v2  }
0x302: {  	s29 =	simm.s32 $0x10980  }
0x303: {  	s30 =	simm.s32 $0x710;
	[tilespmem:s29+$0x0] =	vst v3  }
0x304: {  	v4 =	vld [tilespmem:s30+$0x0]  }
0x305: {  	s0 =	simm.s32 $0x310  }
0x306: {  	s31 =	simm.s32 $0x10;
	s1 =	simm.s32 $0x20;
	v3 =	vld [tilespmem:s0+$0x0]  }
.LBB2_6:
0x307: {  	p0 =	sne.s32 s1, $0x70  }
0x308: {  	v5 =	vmov s31;
	s31 =	smov.u32 s1  }
0x309: {  	v5 =	vshll.u32 v5, $0x7;
	v4 =	vshll.u32 v4, $0x5  }
0x30a: {  	v5 =	vor.u32 v0, v5;
	v6 =	vand.u32 $0xFFFFFF80, v4  }
0x30b: {  	v4 =	vand.u32 $0x60, v4;
	v3 =	vshll.u32 v3, $0x5;
	v6 =	vadd.s32 v5, v6  }
0x30c: {  	v7 =	vand.u32 $0xFFFFFF80, v3;
	v4 =	vor.u32 v4, v6  }
0x30d: {  	v3 =	vand.u32 $0x60, v3;
	v5 =	vadd.s32 v5, v7;
	v6 =	vor.u32 $0x1, v4  }
0x30e: {  	v3 =	vor.u32 v3, v5  }
0x30f: {  	v5 =	vor.u32 $0x1, v3  }
0x310: {  	v7 =	vor.u32 $0x2, v4  }
0x311: {  	v9 =	vor.u32 $0x2, v3;
	v8 =	vld.idx.msk [tilespmem:v4+s17+$0x0], $0xffff  }
0x312: {  	v10 =	vor.u32 $0x3, v4;
	v6 =	vld.idx.msk [tilespmem:v6+s17+$0x0], $0xffff  }
0x313: {  	v12 =	vor.u32 $0x3, v3;
	v11 =	vld.idx.msk [tilespmem:v3+s16+$0x0], $0xffff  }
0x314: {  	v13 =	vor.u32 $0x4, v4;
	v5 =	vld.idx.msk [tilespmem:v5+s16+$0x0], $0xffff  }
0x315: {  	v14 =	vor.u32 $0x4, v3;
	v7 =	vld.idx.msk [tilespmem:v7+s17+$0x0], $0xffff  }
0x316: {  	v15 =	vor.u32 $0x5, v4;
	v9 =	vld.idx.msk [tilespmem:v9+s16+$0x0], $0xffff  }
0x317: {  	v16 =	vor.u32 $0x5, v3;
	v10 =	vld.idx.msk [tilespmem:v10+s17+$0x0], $0xffff  }
0x318: {  	v17 =	vor.u32 $0x6, v4;
	v12 =	vld.idx.msk [tilespmem:v12+s16+$0x0], $0xffff  }
0x319: {  	v18 =	vor.u32 $0x6, v3;
	v13 =	vld.idx.msk [tilespmem:v13+s17+$0x0], $0xffff  }
0x31a: {  	v8 =	vsub.f32 v11, v8;
	v11 =	vor.u32 $0x7, v4;
	v5 =	vsub.f32 v5, v6;
	v6 =	vld.idx.msk [tilespmem:v14+s16+$0x0], $0xffff  }
0x31b: {  	v19 =	vor.u32 $0x8, v4;
	v14 =	vld.idx.msk [tilespmem:v15+s17+$0x0], $0xffff;
	v15 =	vor.u32 $0x7, v3  }
0x31c: {  	v8 =	vmul.f32 v8, v8;
	v5 =	vmul.f32 v5, v5;
	v7 =	vsub.f32 v9, v7;
	v9 =	vld.idx.msk [tilespmem:v16+s16+$0x0], $0xffff  }
0x31d: {  	v20 =	vor.u32 $0x9, v4;
	v16 =	vld.idx.msk [tilespmem:v17+s17+$0x0], $0xffff;
	v17 =	vor.u32 $0x8, v3  }
0x31e: {  	v5 =	vadd.f32 v5, v8;
	v7 =	vmul.f32 v7, v7;
	v8 =	vsub.f32 v12, v10;
	v10 =	vld.idx.msk [tilespmem:v18+s16+$0x0], $0xffff  }
0x31f: {  	v12 =	vor.u32 $0x9, v3;
	v18 =	vor.u32 $0xA, v4;
	v11 =	vld.idx.msk [tilespmem:v11+s17+$0x0], $0xffff  }
0x320: {  	v5 =	vadd.f32 v7, v5;
	v7 =	vmul.f32 v8, v8;
	v6 =	vsub.f32 v6, v13;
	v8 =	vld.idx.msk [tilespmem:v15+s16+$0x0], $0xffff  }
0x321: {  	v15 =	vor.u32 $0xA, v3;
	v13 =	vld.idx.msk [tilespmem:v19+s17+$0x0], $0xffff;
	v19 =	vor.u32 $0xB, v4  }
0x322: {  	v5 =	vadd.f32 v7, v5;
	v6 =	vmul.f32 v6, v6;
	v7 =	vsub.f32 v9, v14;
	v9 =	vld.idx.msk [tilespmem:v17+s16+$0x0], $0xffff  }
0x323: {  	v17 =	vor.u32 $0xB, v3;
	v14 =	vld.idx.msk [tilespmem:v20+s17+$0x0], $0xffff;
	v20 =	vor.u32 $0xC, v4  }
0x324: {  	v5 =	vadd.f32 v6, v5;
	v6 =	vmul.f32 v7, v7;
	v7 =	vsub.f32 v10, v16;
	v10 =	vld.idx.msk [tilespmem:v12+s16+$0x0], $0xffff  }
0x325: {  	v16 =	vor.u32 $0xC, v3;
	v12 =	vld.idx.msk [tilespmem:v18+s17+$0x0], $0xffff;
	v18 =	vor.u32 $0xD, v4  }
0x326: {  	v5 =	vadd.f32 v6, v5;
	v6 =	vmul.f32 v7, v7;
	v7 =	vsub.f32 v8, v11;
	v8 =	vld.idx.msk [tilespmem:v15+s16+$0x0], $0xffff  }
0x327: {  	v15 =	vor.u32 $0xD, v3;
	v11 =	vld.idx.msk [tilespmem:v19+s17+$0x0], $0xffff;
	v19 =	vor.u32 $0xE, v4  }
0x328: {  	v5 =	vadd.f32 v6, v5;
	v6 =	vmul.f32 v7, v7;
	v7 =	vsub.f32 v9, v13;
	v9 =	vld.idx.msk [tilespmem:v17+s16+$0x0], $0xffff  }
0x329: {  	v17 =	vor.u32 $0xE, v3;
	v13 =	vld.idx.msk [tilespmem:v20+s17+$0x0], $0xffff;
	v20 =	vor.u32 $0xF, v4  }
0x32a: {  	v5 =	vadd.f32 v6, v5;
	v6 =	vmul.f32 v7, v7;
	v7 =	vsub.f32 v10, v14;
	v10 =	vld.idx.msk [tilespmem:v16+s16+$0x0], $0xffff  }
0x32b: {  	v16 =	vor.u32 $0xF, v3;
	v14 =	vld.idx.msk [tilespmem:v18+s17+$0x0], $0xffff;
	v18 =	vor.u32 $0x10, v4  }
0x32c: {  	v5 =	vadd.f32 v6, v5;
	v6 =	vmul.f32 v7, v7;
	v7 =	vsub.f32 v8, v12;
	v8 =	vld.idx.msk [tilespmem:v15+s16+$0x0], $0xffff  }
0x32d: {  	v15 =	vor.u32 $0x10, v3;
	v12 =	vld.idx.msk [tilespmem:v19+s17+$0x0], $0xffff;
	v19 =	vor.u32 $0x11, v4  }
0x32e: {  	v5 =	vadd.f32 v6, v5;
	v6 =	vmul.f32 v7, v7;
	v7 =	vsub.f32 v9, v11;
	v9 =	vld.idx.msk [tilespmem:v17+s16+$0x0], $0xffff  }
0x32f: {  	v17 =	vor.u32 $0x11, v3;
	v11 =	vld.idx.msk [tilespmem:v20+s17+$0x0], $0xffff;
	v20 =	vor.u32 $0x12, v4  }
0x330: {  	v5 =	vadd.f32 v6, v5;
	v6 =	vmul.f32 v7, v7;
	v7 =	vsub.f32 v10, v13;
	v10 =	vld.idx.msk [tilespmem:v16+s16+$0x0], $0xffff  }
0x331: {  	v16 =	vor.u32 $0x12, v3;
	v13 =	vld.idx.msk [tilespmem:v18+s17+$0x0], $0xffff;
	v18 =	vor.u32 $0x13, v4  }
0x332: {  	v5 =	vadd.f32 v6, v5;
	v6 =	vmul.f32 v7, v7;
	v7 =	vsub.f32 v8, v14;
	v8 =	vld.idx.msk [tilespmem:v15+s16+$0x0], $0xffff  }
0x333: {  	v15 =	vor.u32 $0x13, v3;
	v14 =	vld.idx.msk [tilespmem:v19+s17+$0x0], $0xffff;
	v19 =	vor.u32 $0x14, v4  }
0x334: {  	v5 =	vadd.f32 v6, v5;
	v6 =	vmul.f32 v7, v7;
	v7 =	vsub.f32 v9, v12;
	v9 =	vld.idx.msk [tilespmem:v17+s16+$0x0], $0xffff  }
0x335: {  	v17 =	vor.u32 $0x14, v3;
	v12 =	vld.idx.msk [tilespmem:v20+s17+$0x0], $0xffff;
	v20 =	vor.u32 $0x15, v4  }
0x336: {  	v5 =	vadd.f32 v6, v5;
	v6 =	vmul.f32 v7, v7;
	v7 =	vsub.f32 v10, v11;
	v10 =	vld.idx.msk [tilespmem:v16+s16+$0x0], $0xffff  }
0x337: {  	v16 =	vor.u32 $0x15, v3;
	v11 =	vld.idx.msk [tilespmem:v18+s17+$0x0], $0xffff;
	v18 =	vor.u32 $0x16, v4  }
0x338: {  	v5 =	vadd.f32 v6, v5;
	v6 =	vmul.f32 v7, v7;
	v7 =	vsub.f32 v8, v13;
	v8 =	vld.idx.msk [tilespmem:v15+s16+$0x0], $0xffff  }
0x339: {  	v15 =	vor.u32 $0x16, v3;
	v13 =	vld.idx.msk [tilespmem:v19+s17+$0x0], $0xffff;
	v19 =	vor.u32 $0x17, v4  }
0x33a: {  	v5 =	vadd.f32 v6, v5;
	v6 =	vmul.f32 v7, v7;
	v7 =	vsub.f32 v9, v14;
	v9 =	vld.idx.msk [tilespmem:v17+s16+$0x0], $0xffff  }
0x33b: {  	v17 =	vor.u32 $0x17, v3;
	v14 =	vld.idx.msk [tilespmem:v20+s17+$0x0], $0xffff;
	v20 =	vor.u32 $0x18, v4  }
0x33c: {  	v5 =	vadd.f32 v6, v5;
	v6 =	vmul.f32 v7, v7;
	v7 =	vsub.f32 v10, v12;
	v10 =	vld.idx.msk [tilespmem:v16+s16+$0x0], $0xffff  }
0x33d: {  	v16 =	vor.u32 $0x18, v3;
	v12 =	vld.idx.msk [tilespmem:v18+s17+$0x0], $0xffff;
	v18 =	vor.u32 $0x19, v4  }
0x33e: {  	v5 =	vadd.f32 v6, v5;
	v6 =	vmul.f32 v7, v7;
	v7 =	vsub.f32 v8, v11;
	v8 =	vld.idx.msk [tilespmem:v15+s16+$0x0], $0xffff  }
0x33f: {  	v15 =	vor.u32 $0x19, v3;
	v11 =	vld.idx.msk [tilespmem:v19+s17+$0x0], $0xffff;
	v19 =	vor.u32 $0x1A, v4  }
0x340: {  	v5 =	vadd.f32 v6, v5;
	v6 =	vmul.f32 v7, v7;
	v7 =	vsub.f32 v9, v13;
	v9 =	vld.idx.msk [tilespmem:v17+s16+$0x0], $0xffff  }
0x341: {  	v17 =	vor.u32 $0x1A, v3;
	v13 =	vld.idx.msk [tilespmem:v20+s17+$0x0], $0xffff;
	v20 =	vor.u32 $0x1B, v4  }
0x342: {  	v5 =	vadd.f32 v6, v5;
	v6 =	vmul.f32 v7, v7;
	v7 =	vsub.f32 v10, v14;
	v10 =	vld.idx.msk [tilespmem:v16+s16+$0x0], $0xffff  }
0x343: {  	v16 =	vor.u32 $0x1B, v3;
	v14 =	vld.idx.msk [tilespmem:v18+s17+$0x0], $0xffff;
	v18 =	vor.u32 $0x1C, v4  }
0x344: {  	v5 =	vadd.f32 v6, v5;
	v6 =	vmul.f32 v7, v7;
	v7 =	vsub.f32 v8, v12;
	v8 =	vld.idx.msk [tilespmem:v15+s16+$0x0], $0xffff  }
0x345: {  	v15 =	vor.u32 $0x1C, v3;
	v12 =	vld.idx.msk [tilespmem:v19+s17+$0x0], $0xffff;
	v19 =	vor.u32 $0x1D, v4  }
0x346: {  	v5 =	vadd.f32 v6, v5;
	v6 =	vmul.f32 v7, v7;
	v7 =	vsub.f32 v9, v11;
	v9 =	vld.idx.msk [tilespmem:v17+s16+$0x0], $0xffff  }
0x347: {  	v17 =	vor.u32 $0x1D, v3;
	v11 =	vld.idx.msk [tilespmem:v20+s17+$0x0], $0xffff;
	v20 =	vor.u32 $0x1E, v4  }
0x348: {  	v5 =	vadd.f32 v6, v5;
	v6 =	vmul.f32 v7, v7;
	v7 =	vsub.f32 v10, v13;
	v10 =	vld.idx.msk [tilespmem:v16+s16+$0x0], $0xffff  }
0x349: {  	v4 =	vor.u32 $0x1F, v4;
	v16 =	vor.u32 $0x1E, v3;
	v13 =	vld.idx.msk [tilespmem:v18+s17+$0x0], $0xffff  }
0x34a: {  	v5 =	vadd.f32 v6, v5;
	v6 =	vmul.f32 v7, v7;
	v7 =	vsub.f32 v8, v14;
	v8 =	vld.idx.msk [tilespmem:v15+s16+$0x0], $0xffff  }
0x34b: {  	v3 =	vor.u32 $0x1F, v3;
	v14 =	vld.idx.msk [tilespmem:v19+s17+$0x0], $0xffff  }
0x34c: {  	v5 =	vadd.f32 v6, v5;
	v6 =	vmul.f32 v7, v7;
	v7 =	vsub.f32 v9, v12;
	v9 =	vld.idx.msk [tilespmem:v17+s16+$0x0], $0xffff  }
0x34d: {  	v12 =	vld.idx.msk [tilespmem:v20+s17+$0x0], $0xffff  }
0x34e: {  	v5 =	vadd.f32 v6, v5;
	v6 =	vmul.f32 v7, v7;
	v7 =	vsub.f32 v10, v11;
	v10 =	vld.idx.msk [tilespmem:v16+s16+$0x0], $0xffff  }
0x34f: {  	v4 =	vld.idx.msk [tilespmem:v4+s17+$0x0], $0xffff  }
0x350: {  	v5 =	vadd.f32 v6, v5;
	v6 =	vmul.f32 v7, v7;
	v7 =	vsub.f32 v8, v13;
	v3 =	vld.idx.msk [tilespmem:v3+s16+$0x0], $0xffff;
	_ =	sdelay $0x1  }
0x351: {  	v5 =	vadd.f32 v6, v5;
	v6 =	vmul.f32 v7, v7;
	v7 =	vsub.f32 v9, v14;
	_ =	sdelay $0x1  }
0x352: {  	v5 =	vadd.f32 v6, v5;
	v6 =	vmul.f32 v7, v7;
	v7 =	vsub.f32 v10, v12;
	_ =	sdelay $0x1  }
0x353: {  	v5 =	vadd.f32 v6, v5;
	v6 =	vmul.f32 v7, v7;
	v3 =	vsub.f32 v3, v4;
	_ =	sdelay $0x1  }
0x354: {  	v4 =	vadd.f32 v6, v5;
	v3 =	vmul.f32 v3, v3;
	_ =	sdelay $0x1  }
0x355: {  	v3 =	vadd.f32 v3, v4;
	_ =	sdelay $0x1  }
0x356: {  	v4 =	vmul.f32 $5.000000000e-01, v3;
	v5 =	vshra.s32 v3, $0x1  }
0x357: {  	v5 =	vsub.s32 $0x5F3759DF, v5  }
0x358: {  	v6 =	vmul.f32 v5, v4;
	_ =	sdelay $0x1  }
0x359: {  	v6 =	vmul.f32 v5, v6;
	_ =	sdelay $0x1  }
0x35a: {  	v6 =	vsub.f32 $1.500000000e+00, v6;
	_ =	sdelay $0x1  }
0x35b: {  	v5 =	vmul.f32 v5, v6;
	_ =	sdelay $0x1  }
0x35c: {  	v6 =	vmul.f32 v5, v4;
	_ =	sdelay $0x1  }
0x35d: {  	v6 =	vmul.f32 v6, v5;
	_ =	sdelay $0x1  }
0x35e: {  	v6 =	vsub.f32 $1.500000000e+00, v6;
	_ =	sdelay $0x1  }
0x35f: {  	v5 =	vmul.f32 v6, v5;
	_ =	sdelay $0x1  }
0x360: {  	v4 =	vmul.f32 v5, v4;
	_ =	sdelay $0x1  }
0x361: {  	v4 =	vmul.f32 v4, v5;
	_ =	sdelay $0x1  }
0x362: {  	v4 =	vsub.f32 $1.500000000e+00, v4;
	_ =	sdelay $0x1  }
0x363: {  	v4 =	vmul.f32 v4, v5;
	_ =	sdelay $0x1  }
0x364: {  	v3 =	vmul.f32 v4, v3;
	_ =	sdelay $0x1  }
0x365: {  	v3 =	vmul.f32 v3, v1;
	_ =	sdelay $0x1  }
0x366: {  	v3 =	vadd.f32 v3, v2  }
.Ltmp2:
0x367: {  	s29 =	sadd.s32 $0x10, s29;
	(pc) =	sbr.rel @p0 .LBB2_6-.Ltmp2, $4  }
0x368: {  	s30 =	sadd.s32 $0x10, s30;
	[tilespmem:s29+$0x0] =	vst v3  }
0x369: {  	v4 =	vld [tilespmem:s30+$0x0]  }
0x36a: {  	s0 =	sadd.s32 $0x10, s0  }
0x36b: {  	s1 =	sadd.s32 $0x10, s1;
	v3 =	vld [tilespmem:s0+$0x0]  }
0x36c: {  	_ = 	snop  }
0x36d: {  	v5 =	vmov s31  }
0x36e: {  	v5 =	vshll.u32 v5, $0x7;
	v4 =	vshll.u32 v4, $0x5  }
0x36f: {  	v5 =	vor.u32 v0, v5;
	v6 =	vand.u32 $0xFFFFFF80, v4  }
0x370: {  	v7 =	vshll.u32 v3, $0x5;
	v3 =	vand.u32 $0x60, v4;
	v4 =	vadd.s32 v5, v6  }
0x371: {  	v6 =	vand.u32 $0xFFFFFF80, v7;
	v3 =	vor.u32 v3, v4  }
0x372: {  	v4 =	vand.u32 $0x60, v7;
	v5 =	vadd.s32 v5, v6;
	v6 =	vor.u32 $0x1, v3  }
0x373: {  	v4 =	vor.u32 v4, v5  }
0x374: {  	v5 =	vor.u32 $0x1, v4  }
0x375: {  	v7 =	vor.u32 $0x2, v3  }
0x376: {  	v9 =	vor.u32 $0x2, v4;
	v8 =	vld.idx.msk [tilespmem:v3+s17+$0x0], $0xffff  }
0x377: {  	v10 =	vor.u32 $0x3, v3;
	v6 =	vld.idx.msk [tilespmem:v6+s17+$0x0], $0xffff  }
0x378: {  	v12 =	vor.u32 $0x3, v4;
	v11 =	vld.idx.msk [tilespmem:v4+s16+$0x0], $0xffff  }
0x379: {  	v13 =	vor.u32 $0x4, v3;
	v5 =	vld.idx.msk [tilespmem:v5+s16+$0x0], $0xffff  }
0x37a: {  	v14 =	vor.u32 $0x4, v4;
	v7 =	vld.idx.msk [tilespmem:v7+s17+$0x0], $0xffff  }
0x37b: {  	v15 =	vor.u32 $0x5, v3;
	v9 =	vld.idx.msk [tilespmem:v9+s16+$0x0], $0xffff  }
0x37c: {  	v16 =	vor.u32 $0x5, v4;
	v10 =	vld.idx.msk [tilespmem:v10+s17+$0x0], $0xffff  }
0x37d: {  	v17 =	vor.u32 $0x6, v3;
	v12 =	vld.idx.msk [tilespmem:v12+s16+$0x0], $0xffff  }
0x37e: {  	v18 =	vor.u32 $0x6, v4;
	v13 =	vld.idx.msk [tilespmem:v13+s17+$0x0], $0xffff;
	v8 =	vsub.f32 v11, v8;
	v5 =	vsub.f32 v5, v6  }
0x37f: {  	v35 =	vor.u32 $0x7, v3;
	v36 =	vor.u32 $0x7, v4;
	v6 =	vld.idx.msk [tilespmem:v14+s16+$0x0], $0xffff  }
0x380: {  	v15 =	vld.idx.msk [tilespmem:v15+s17+$0x0], $0xffff;
	v7 =	vsub.f32 v9, v7;
	v8 =	vmul.f32 v8, v8;
	v5 =	vmul.f32 v5, v5  }
0x381: {  	v37 =	vor.u32 $0x8, v3;
	v19 =	vor.u32 $0x8, v4;
	v16 =	vld.idx.msk [tilespmem:v16+s16+$0x0], $0xffff  }
0x382: {  	v17 =	vld.idx.msk [tilespmem:v17+s17+$0x0], $0xffff;
	v38 =	vsub.f32 v12, v10;
	v7 =	vmul.f32 v7, v7;
	v5 =	vadd.f32 v5, v8  }
0x383: {  	v39 =	vor.u32 $0x9, v3;
	v41 =	vor.u32 $0x9, v4;
	v40 =	vld.idx.msk [tilespmem:v18+s16+$0x0], $0xffff  }
0x384: {  	v43 =	vld.idx.msk [tilespmem:v36+s16+$0x0], $0xffff;
	v6 =	vsub.f32 v6, v13;
	v5 =	vadd.f32 v7, v5;
	v7 =	vmul.f32 v38, v38  }
0x385: {  	v42 =	vor.u32 $0xA, v3;
	v44 =	vor.u32 $0xA, v4;
	v11 =	vld.idx.msk [tilespmem:v35+s17+$0x0], $0xffff  }
0x386: {  	v46 =	vld.idx.msk [tilespmem:v19+s16+$0x0], $0xffff;
	v6 =	vmul.f32 v6, v6;
	v5 =	vadd.f32 v7, v5;
	v7 =	vsub.f32 v16, v15  }
0x387: {  	v45 =	vor.u32 $0xB, v3;
	v47 =	vor.u32 $0xB, v4;
	v9 =	vld.idx.msk [tilespmem:v37+s17+$0x0], $0xffff  }
0x388: {  	v49 =	vld.idx.msk [tilespmem:v41+s16+$0x0], $0xffff;
	v5 =	vadd.f32 v6, v5;
	v6 =	vmul.f32 v7, v7;
	v7 =	vsub.f32 v40, v17  }
0x389: {  	v48 =	vor.u32 $0xC, v3;
	v50 =	vor.u32 $0xC, v4;
	v10 =	vld.idx.msk [tilespmem:v39+s17+$0x0], $0xffff  }
0x38a: {  	v52 =	vld.idx.msk [tilespmem:v44+s16+$0x0], $0xffff;
	v5 =	vadd.f32 v6, v5;
	v6 =	vmul.f32 v7, v7;
	v7 =	vsub.f32 v43, v11  }
0x38b: {  	v51 =	vor.u32 $0xD, v3;
	v53 =	vor.u32 $0xD, v4;
	v8 =	vld.idx.msk [tilespmem:v42+s17+$0x0], $0xffff  }
0x38c: {  	v55 =	vld.idx.msk [tilespmem:v47+s16+$0x0], $0xffff;
	v5 =	vadd.f32 v6, v5;
	v6 =	vmul.f32 v7, v7;
	v7 =	vsub.f32 v46, v9  }
0x38d: {  	v54 =	vor.u32 $0xE, v3;
	v56 =	vor.u32 $0xE, v4;
	v15 =	vld.idx.msk [tilespmem:v45+s17+$0x0], $0xffff  }
0x38e: {  	v58 =	vld.idx.msk [tilespmem:v50+s16+$0x0], $0xffff;
	v5 =	vadd.f32 v6, v5;
	v6 =	vmul.f32 v7, v7;
	v7 =	vsub.f32 v49, v10  }
0x38f: {  	v57 =	vor.u32 $0xF, v3;
	v59 =	vor.u32 $0xF, v4;
	v12 =	vld.idx.msk [tilespmem:v48+s17+$0x0], $0xffff  }
0x390: {  	v61 =	vld.idx.msk [tilespmem:v53+s16+$0x0], $0xffff;
	v5 =	vadd.f32 v6, v5;
	v6 =	vmul.f32 v7, v7;
	v7 =	vsub.f32 v52, v8  }
0x391: {  	v60 =	vor.u32 $0x10, v3;
	v62 =	vor.u32 $0x10, v4;
	v11 =	vld.idx.msk [tilespmem:v51+s17+$0x0], $0xffff  }
0x392: {  	v21 =	vld.idx.msk [tilespmem:v56+s16+$0x0], $0xffff;
	v5 =	vadd.f32 v6, v5;
	v6 =	vmul.f32 v7, v7;
	v7 =	vsub.f32 v55, v15  }
0x393: {  	v63 =	vor.u32 $0x11, v3;
	v22 =	vor.u32 $0x11, v4;
	v9 =	vld.idx.msk [tilespmem:v54+s17+$0x0], $0xffff  }
0x394: {  	v24 =	vld.idx.msk [tilespmem:v59+s16+$0x0], $0xffff;
	v5 =	vadd.f32 v6, v5;
	v6 =	vmul.f32 v7, v7;
	v7 =	vsub.f32 v58, v12  }
0x395: {  	v23 =	vor.u32 $0x12, v3;
	v25 =	vor.u32 $0x12, v4;
	v10 =	vld.idx.msk [tilespmem:v57+s17+$0x0], $0xffff  }
0x396: {  	v27 =	vld.idx.msk [tilespmem:v62+s16+$0x0], $0xffff;
	v5 =	vadd.f32 v6, v5;
	v6 =	vmul.f32 v7, v7;
	v7 =	vsub.f32 v61, v11  }
0x397: {  	v26 =	vor.u32 $0x13, v3;
	v28 =	vor.u32 $0x13, v4;
	v8 =	vld.idx.msk [tilespmem:v60+s17+$0x0], $0xffff  }
0x398: {  	v30 =	vld.idx.msk [tilespmem:v22+s16+$0x0], $0xffff;
	v5 =	vadd.f32 v6, v5;
	v6 =	vmul.f32 v7, v7;
	v7 =	vsub.f32 v21, v9  }
0x399: {  	v29 =	vor.u32 $0x14, v3;
	v31 =	vor.u32 $0x14, v4;
	v15 =	vld.idx.msk [tilespmem:v63+s17+$0x0], $0xffff  }
0x39a: {  	v33 =	vld.idx.msk [tilespmem:v25+s16+$0x0], $0xffff;
	v5 =	vadd.f32 v6, v5;
	v6 =	vmul.f32 v7, v7;
	v7 =	vsub.f32 v24, v10  }
0x39b: {  	v32 =	vor.u32 $0x15, v3;
	v34 =	vor.u32 $0x15, v4;
	v12 =	vld.idx.msk [tilespmem:v23+s17+$0x0], $0xffff  }
0x39c: {  	v36 =	vld.idx.msk [tilespmem:v28+s16+$0x0], $0xffff;
	v5 =	vadd.f32 v6, v5;
	v6 =	vmul.f32 v7, v7;
	v7 =	vsub.f32 v27, v8  }
0x39d: {  	v35 =	vor.u32 $0x16, v3;
	v37 =	vor.u32 $0x16, v4;
	v11 =	vld.idx.msk [tilespmem:v26+s17+$0x0], $0xffff  }
0x39e: {  	v39 =	vld.idx.msk [tilespmem:v31+s16+$0x0], $0xffff;
	v5 =	vadd.f32 v6, v5;
	v6 =	vmul.f32 v7, v7;
	v7 =	vsub.f32 v30, v15  }
0x39f: {  	v38 =	vor.u32 $0x17, v3;
	v40 =	vor.u32 $0x17, v4;
	v9 =	vld.idx.msk [tilespmem:v29+s17+$0x0], $0xffff  }
0x3a0: {  	v42 =	vld.idx.msk [tilespmem:v34+s16+$0x0], $0xffff;
	v5 =	vadd.f32 v6, v5;
	v6 =	vmul.f32 v7, v7;
	v7 =	vsub.f32 v33, v12  }
0x3a1: {  	v41 =	vor.u32 $0x18, v3;
	v43 =	vor.u32 $0x18, v4;
	v10 =	vld.idx.msk [tilespmem:v32+s17+$0x0], $0xffff  }
0x3a2: {  	v45 =	vld.idx.msk [tilespmem:v37+s16+$0x0], $0xffff;
	v5 =	vadd.f32 v6, v5;
	v6 =	vmul.f32 v7, v7;
	v7 =	vsub.f32 v36, v11  }
0x3a3: {  	v44 =	vor.u32 $0x19, v3;
	v46 =	vor.u32 $0x19, v4;
	v8 =	vld.idx.msk [tilespmem:v35+s17+$0x0], $0xffff  }
0x3a4: {  	v48 =	vld.idx.msk [tilespmem:v40+s16+$0x0], $0xffff;
	v5 =	vadd.f32 v6, v5;
	v6 =	vmul.f32 v7, v7;
	v7 =	vsub.f32 v39, v9  }
0x3a5: {  	v47 =	vor.u32 $0x1A, v3;
	v49 =	vor.u32 $0x1A, v4;
	v15 =	vld.idx.msk [tilespmem:v38+s17+$0x0], $0xffff  }
0x3a6: {  	v51 =	vld.idx.msk [tilespmem:v43+s16+$0x0], $0xffff;
	v5 =	vadd.f32 v6, v5;
	v6 =	vmul.f32 v7, v7;
	v7 =	vsub.f32 v42, v10  }
0x3a7: {  	v50 =	vor.u32 $0x1B, v3;
	v52 =	vor.u32 $0x1B, v4;
	v12 =	vld.idx.msk [tilespmem:v41+s17+$0x0], $0xffff  }
0x3a8: {  	v54 =	vld.idx.msk [tilespmem:v46+s16+$0x0], $0xffff;
	v5 =	vadd.f32 v6, v5;
	v6 =	vmul.f32 v7, v7;
	v7 =	vsub.f32 v45, v8  }
0x3a9: {  	v53 =	vor.u32 $0x1C, v3;
	v55 =	vor.u32 $0x1C, v4;
	v11 =	vld.idx.msk [tilespmem:v44+s17+$0x0], $0xffff  }
0x3aa: {  	v57 =	vld.idx.msk [tilespmem:v49+s16+$0x0], $0xffff;
	v5 =	vadd.f32 v6, v5;
	v6 =	vmul.f32 v7, v7;
	v7 =	vsub.f32 v48, v15  }
0x3ab: {  	v56 =	vor.u32 $0x1D, v3;
	v58 =	vor.u32 $0x1D, v4;
	v9 =	vld.idx.msk [tilespmem:v47+s17+$0x0], $0xffff  }
0x3ac: {  	v60 =	vld.idx.msk [tilespmem:v52+s16+$0x0], $0xffff;
	v5 =	vadd.f32 v6, v5;
	v6 =	vmul.f32 v7, v7;
	v7 =	vsub.f32 v51, v12  }
0x3ad: {  	v59 =	vor.u32 $0x1E, v3;
	v61 =	vor.u32 $0x1E, v4;
	v10 =	vld.idx.msk [tilespmem:v50+s17+$0x0], $0xffff  }
0x3ae: {  	v62 =	vld.idx.msk [tilespmem:v55+s16+$0x0], $0xffff;
	v5 =	vadd.f32 v6, v5;
	v6 =	vmul.f32 v7, v7;
	v7 =	vsub.f32 v54, v11  }
0x3af: {  	v3 =	vor.u32 $0x1F, v3;
	v4 =	vor.u32 $0x1F, v4;
	v8 =	vld.idx.msk [tilespmem:v53+s17+$0x0], $0xffff  }
0x3b0: {  	v63 =	vld.idx.msk [tilespmem:v56+s17+$0x0], $0xffff;
	v5 =	vadd.f32 v6, v5;
	v6 =	vmul.f32 v7, v7;
	v7 =	vsub.f32 v57, v9  }
0x3b1: {  	v19 =	vld.idx.msk [tilespmem:v58+s16+$0x0], $0xffff  }
0x3b2: {  	v20 =	vld.idx.msk [tilespmem:v61+s16+$0x0], $0xffff;
	v5 =	vadd.f32 v6, v5;
	v6 =	vmul.f32 v7, v7;
	v7 =	vsub.f32 v60, v10  }
0x3b3: {  	v12 =	vld.idx.msk [tilespmem:v59+s17+$0x0], $0xffff  }
0x3b4: {  	v3 =	vld.idx.msk [tilespmem:v3+s17+$0x0], $0xffff;
	v5 =	vadd.f32 v6, v5;
	v6 =	vmul.f32 v7, v7;
	v7 =	vsub.f32 v62, v8  }
0x3b5: {  	v4 =	vld.idx.msk [tilespmem:v4+s16+$0x0], $0xffff  }
0x3b6: {  	v5 =	vadd.f32 v6, v5;
	v6 =	vmul.f32 v7, v7;
	v7 =	vsub.f32 v19, v63;
	_ =	sdelay $0x1  }
0x3b7: {  	v5 =	vadd.f32 v6, v5;
	v6 =	vmul.f32 v7, v7;
	v7 =	vsub.f32 v20, v12;
	_ =	sdelay $0x1  }
0x3b8: {  	v3 =	vsub.f32 v4, v3;
	v5 =	vadd.f32 v6, v5;
	v6 =	vmul.f32 v7, v7;
	_ =	sdelay $0x1  }
0x3b9: {  	v3 =	vmul.f32 v3, v3;
	v4 =	vadd.f32 v6, v5;
	_ =	sdelay $0x1  }
0x3ba: {  	v3 =	vadd.f32 v3, v4;
	_ =	sdelay $0x1  }
0x3bb: {  	v4 =	vmul.f32 $5.000000000e-01, v3;
	v5 =	vshra.s32 v3, $0x1  }
0x3bc: {  	v5 =	vsub.s32 $0x5F3759DF, v5  }
0x3bd: {  	v6 =	vmul.f32 v5, v4;
	_ =	sdelay $0x1  }
0x3be: {  	v6 =	vmul.f32 v5, v6;
	_ =	sdelay $0x1  }
0x3bf: {  	v6 =	vsub.f32 $1.500000000e+00, v6;
	_ =	sdelay $0x1  }
0x3c0: {  	v5 =	vmul.f32 v5, v6;
	_ =	sdelay $0x1  }
0x3c1: {  	v6 =	vmul.f32 v5, v4;
	_ =	sdelay $0x1  }
0x3c2: {  	v6 =	vmul.f32 v6, v5;
	_ =	sdelay $0x1  }
0x3c3: {  	v6 =	vsub.f32 $1.500000000e+00, v6;
	_ =	sdelay $0x1  }
0x3c4: {  	v5 =	vmul.f32 v6, v5;
	_ =	sdelay $0x1  }
0x3c5: {  	v4 =	vmul.f32 v5, v4;
	_ =	sdelay $0x1  }
0x3c6: {  	v4 =	vmul.f32 v4, v5;
	_ =	sdelay $0x1  }
0x3c7: {  	v4 =	vsub.f32 $1.500000000e+00, v4;
	_ =	sdelay $0x1  }
0x3c8: {  	v4 =	vmul.f32 v4, v5;
	_ =	sdelay $0x1  }
0x3c9: {  	v3 =	vmul.f32 v4, v3;
	_ =	sdelay $0x1  }
0x3ca: {  	v3 =	vmul.f32 v3, v1;
	_ =	sdelay $0x1  }
0x3cb: {  	v3 =	vadd.f32 v3, v2  }
0x3cc: {  	s0 =	sadd.s32 $0x10, s29  }
0x3cd: {  	[tilespmem:s0+$0x0] =	vst v3  }
0x3ce: {  	_ =	swait.ge [sflag:s21], $0x4000  }
0x3cf: {  	[sflag:s21] =	ssyncset.done $0x0  }
0x3d0: {  	[sflag:s21] =	ssyncadd.s32 $0xFFFFC000  }
0x3d1: {  	_ =	swait.ge [sflag:s21], $0x4000  }
0x3d2: {  	[sflag:s21] =	ssyncset.done $0x0  }
0x3d3: {  	s1 =	simm.s32 $0x780;
	[sflag:s21] =	ssyncadd.s32 $0xFFFFC000  }
0x3d4: {  	s0 =	simm.s32 $0x380;
	v3 =	vld [tilespmem:s1+$0x0]  }
0x3d5: {  	v4 =	vld [tilespmem:s0+$0x0]  }
0x3d6: {  	s1 =	simm.s32 $0x0  }
0x3d7: {  	v5 =	vmov s1  }
0x3d8: {  	v5 =	vshll.u32 v5, $0x7  }
0x3d9: {  	v5 =	vor.u32 v0, v5;
	v3 =	vshll.u32 v3, $0x5  }
0x3da: {  	v5 =	vadd.s32 $0x4000, v5;
	v4 =	vshll.u32 v4, $0x5;
	v6 =	vand.u32 $0xFFFFFF80, v3  }
0x3db: {  	v3 =	vand.u32 $0x60, v3;
	v7 =	vand.u32 $0xFFFFFF80, v4;
	v6 =	vadd.s32 v5, v6  }
0x3dc: {  	v4 =	vand.u32 $0x60, v4;
	v5 =	vadd.s32 v5, v7;
	v3 =	vor.u32 v3, v6  }
0x3dd: {  	v4 =	vor.u32 v4, v5  }
0x3de: {  	v6 =	vor.u32 $0x1, v3  }
0x3df: {  	v5 =	vor.u32 $0x1, v4  }
0x3e0: {  	v7 =	vor.u32 $0x2, v3  }
0x3e1: {  	v22 =	vor.u32 $0x2, v4;
	v21 =	vld.idx.msk [tilespmem:v3+s17+$0x0], $0xffff  }
0x3e2: {  	v23 =	vor.u32 $0x3, v3;
	v24 =	vld.idx.msk [tilespmem:v4+s16+$0x0], $0xffff  }
0x3e3: {  	v25 =	vor.u32 $0x3, v4;
	v6 =	vld.idx.msk [tilespmem:v6+s17+$0x0], $0xffff  }
0x3e4: {  	v26 =	vor.u32 $0x4, v3;
	v5 =	vld.idx.msk [tilespmem:v5+s16+$0x0], $0xffff  }
0x3e5: {  	v27 =	vor.u32 $0x4, v4;
	v7 =	vld.idx.msk [tilespmem:v7+s17+$0x0], $0xffff  }
0x3e6: {  	v28 =	vor.u32 $0x5, v3;
	v9 =	vld.idx.msk [tilespmem:v22+s16+$0x0], $0xffff  }
0x3e7: {  	v29 =	vor.u32 $0x5, v4;
	v10 =	vld.idx.msk [tilespmem:v23+s17+$0x0], $0xffff  }
0x3e8: {  	v30 =	vor.u32 $0x6, v3;
	v12 =	vld.idx.msk [tilespmem:v25+s16+$0x0], $0xffff  }
0x3e9: {  	v31 =	vor.u32 $0x6, v4;
	v13 =	vld.idx.msk [tilespmem:v26+s17+$0x0], $0xffff;
	v8 =	vsub.f32 v24, v21;
	v5 =	vsub.f32 v5, v6  }
0x3ea: {  	v32 =	vor.u32 $0x7, v3;
	v33 =	vor.u32 $0x7, v4;
	v6 =	vld.idx.msk [tilespmem:v27+s16+$0x0], $0xffff  }
0x3eb: {  	v15 =	vld.idx.msk [tilespmem:v28+s17+$0x0], $0xffff;
	v7 =	vsub.f32 v9, v7;
	v8 =	vmul.f32 v8, v8;
	v5 =	vmul.f32 v5, v5  }
0x3ec: {  	v34 =	vor.u32 $0x8, v3;
	v35 =	vor.u32 $0x8, v4;
	v16 =	vld.idx.msk [tilespmem:v29+s16+$0x0], $0xffff  }
0x3ed: {  	v17 =	vld.idx.msk [tilespmem:v30+s17+$0x0], $0xffff;
	v36 =	vsub.f32 v12, v10;
	v7 =	vmul.f32 v7, v7;
	v5 =	vadd.f32 v5, v8  }
0x3ee: {  	v37 =	vor.u32 $0x9, v3;
	v39 =	vor.u32 $0x9, v4;
	v38 =	vld.idx.msk [tilespmem:v31+s16+$0x0], $0xffff  }
0x3ef: {  	v11 =	vld.idx.msk [tilespmem:v32+s17+$0x0], $0xffff;
	v6 =	vsub.f32 v6, v13;
	v5 =	vadd.f32 v7, v5;
	v7 =	vmul.f32 v36, v36  }
0x3f0: {  	v40 =	vor.u32 $0xA, v3;
	v42 =	vor.u32 $0xA, v4;
	v41 =	vld.idx.msk [tilespmem:v33+s16+$0x0], $0xffff  }
0x3f1: {  	v44 =	vld.idx.msk [tilespmem:v35+s16+$0x0], $0xffff;
	v6 =	vmul.f32 v6, v6;
	v5 =	vadd.f32 v7, v5;
	v7 =	vsub.f32 v16, v15  }
0x3f2: {  	v43 =	vor.u32 $0xB, v3;
	v45 =	vor.u32 $0xB, v4;
	v9 =	vld.idx.msk [tilespmem:v34+s17+$0x0], $0xffff  }
0x3f3: {  	v47 =	vld.idx.msk [tilespmem:v39+s16+$0x0], $0xffff;
	v5 =	vadd.f32 v6, v5;
	v6 =	vmul.f32 v7, v7;
	v7 =	vsub.f32 v38, v17  }
0x3f4: {  	v46 =	vor.u32 $0xC, v3;
	v48 =	vor.u32 $0xC, v4;
	v10 =	vld.idx.msk [tilespmem:v37+s17+$0x0], $0xffff  }
0x3f5: {  	v50 =	vld.idx.msk [tilespmem:v42+s16+$0x0], $0xffff;
	v5 =	vadd.f32 v6, v5;
	v6 =	vmul.f32 v7, v7;
	v7 =	vsub.f32 v41, v11  }
0x3f6: {  	v49 =	vor.u32 $0xD, v3;
	v51 =	vor.u32 $0xD, v4;
	v8 =	vld.idx.msk [tilespmem:v40+s17+$0x0], $0xffff  }
0x3f7: {  	v53 =	vld.idx.msk [tilespmem:v45+s16+$0x0], $0xffff;
	v5 =	vadd.f32 v6, v5;
	v6 =	vmul.f32 v7, v7;
	v7 =	vsub.f32 v44, v9  }
0x3f8: {  	v52 =	vor.u32 $0xE, v3;
	v54 =	vor.u32 $0xE, v4;
	v15 =	vld.idx.msk [tilespmem:v43+s17+$0x0], $0xffff  }
0x3f9: {  	v56 =	vld.idx.msk [tilespmem:v48+s16+$0x0], $0xffff;
	v5 =	vadd.f32 v6, v5;
	v6 =	vmul.f32 v7, v7;
	v7 =	vsub.f32 v47, v10  }
0x3fa: {  	v55 =	vor.u32 $0xF, v3;
	v57 =	vor.u32 $0xF, v4;
	v12 =	vld.idx.msk [tilespmem:v46+s17+$0x0], $0xffff  }
0x3fb: {  	v59 =	vld.idx.msk [tilespmem:v51+s16+$0x0], $0xffff;
	v5 =	vadd.f32 v6, v5;
	v6 =	vmul.f32 v7, v7;
	v7 =	vsub.f32 v50, v8  }
0x3fc: {  	v58 =	vor.u32 $0x10, v3;
	v60 =	vor.u32 $0x10, v4;
	v11 =	vld.idx.msk [tilespmem:v49+s17+$0x0], $0xffff  }
0x3fd: {  	v62 =	vld.idx.msk [tilespmem:v54+s16+$0x0], $0xffff;
	v5 =	vadd.f32 v6, v5;
	v6 =	vmul.f32 v7, v7;
	v7 =	vsub.f32 v53, v15  }
0x3fe: {  	v61 =	vor.u32 $0x11, v3;
	v63 =	vor.u32 $0x11, v4;
	v9 =	vld.idx.msk [tilespmem:v52+s17+$0x0], $0xffff  }
0x3ff: {  	v22 =	vld.idx.msk [tilespmem:v57+s16+$0x0], $0xffff;
	v5 =	vadd.f32 v6, v5;
	v6 =	vmul.f32 v7, v7;
	v7 =	vsub.f32 v56, v12  }
0x400: {  	v23 =	vor.u32 $0x12, v4;
	v21 =	vor.u32 $0x12, v3;
	v10 =	vld.idx.msk [tilespmem:v55+s17+$0x0], $0xffff  }
0x401: {  	v25 =	vld.idx.msk [tilespmem:v60+s16+$0x0], $0xffff;
	v5 =	vadd.f32 v6, v5;
	v6 =	vmul.f32 v7, v7;
	v7 =	vsub.f32 v59, v11  }
0x402: {  	v26 =	vor.u32 $0x13, v4;
	v24 =	vor.u32 $0x13, v3;
	v8 =	vld.idx.msk [tilespmem:v58+s17+$0x0], $0xffff  }
0x403: {  	v28 =	vld.idx.msk [tilespmem:v63+s16+$0x0], $0xffff;
	v5 =	vadd.f32 v6, v5;
	v6 =	vmul.f32 v7, v7;
	v7 =	vsub.f32 v62, v9  }
0x404: {  	v29 =	vor.u32 $0x14, v4;
	v27 =	vor.u32 $0x14, v3;
	v15 =	vld.idx.msk [tilespmem:v61+s17+$0x0], $0xffff  }
0x405: {  	v31 =	vld.idx.msk [tilespmem:v23+s16+$0x0], $0xffff;
	v5 =	vadd.f32 v6, v5;
	v6 =	vmul.f32 v7, v7;
	v7 =	vsub.f32 v22, v10  }
0x406: {  	v30 =	vor.u32 $0x15, v3;
	v32 =	vor.u32 $0x15, v4;
	v12 =	vld.idx.msk [tilespmem:v21+s17+$0x0], $0xffff  }
0x407: {  	v34 =	vld.idx.msk [tilespmem:v26+s16+$0x0], $0xffff;
	v5 =	vadd.f32 v6, v5;
	v6 =	vmul.f32 v7, v7;
	v7 =	vsub.f32 v25, v8  }
0x408: {  	v33 =	vor.u32 $0x16, v3;
	v35 =	vor.u32 $0x16, v4;
	v11 =	vld.idx.msk [tilespmem:v24+s17+$0x0], $0xffff  }
0x409: {  	v37 =	vld.idx.msk [tilespmem:v29+s16+$0x0], $0xffff;
	v5 =	vadd.f32 v6, v5;
	v6 =	vmul.f32 v7, v7;
	v7 =	vsub.f32 v28, v15  }
0x40a: {  	v36 =	vor.u32 $0x17, v3;
	v38 =	vor.u32 $0x17, v4;
	v9 =	vld.idx.msk [tilespmem:v27+s17+$0x0], $0xffff  }
0x40b: {  	v40 =	vld.idx.msk [tilespmem:v32+s16+$0x0], $0xffff;
	v5 =	vadd.f32 v6, v5;
	v6 =	vmul.f32 v7, v7;
	v7 =	vsub.f32 v31, v12  }
0x40c: {  	v39 =	vor.u32 $0x18, v3;
	v41 =	vor.u32 $0x18, v4;
	v10 =	vld.idx.msk [tilespmem:v30+s17+$0x0], $0xffff  }
0x40d: {  	v43 =	vld.idx.msk [tilespmem:v35+s16+$0x0], $0xffff;
	v5 =	vadd.f32 v6, v5;
	v6 =	vmul.f32 v7, v7;
	v7 =	vsub.f32 v34, v11  }
0x40e: {  	v42 =	vor.u32 $0x19, v3;
	v44 =	vor.u32 $0x19, v4;
	v8 =	vld.idx.msk [tilespmem:v33+s17+$0x0], $0xffff  }
0x40f: {  	v46 =	vld.idx.msk [tilespmem:v38+s16+$0x0], $0xffff;
	v5 =	vadd.f32 v6, v5;
	v6 =	vmul.f32 v7, v7;
	v7 =	vsub.f32 v37, v9  }
0x410: {  	v45 =	vor.u32 $0x1A, v3;
	v47 =	vor.u32 $0x1A, v4;
	v15 =	vld.idx.msk [tilespmem:v36+s17+$0x0], $0xffff  }
0x411: {  	v49 =	vld.idx.msk [tilespmem:v41+s16+$0x0], $0xffff;
	v5 =	vadd.f32 v6, v5;
	v6 =	vmul.f32 v7, v7;
	v7 =	vsub.f32 v40, v10  }
0x412: {  	v48 =	vor.u32 $0x1B, v3;
	v50 =	vor.u32 $0x1B, v4;
	v12 =	vld.idx.msk [tilespmem:v39+s17+$0x0], $0xffff  }
0x413: {  	v52 =	vld.idx.msk [tilespmem:v44+s16+$0x0], $0xffff;
	v5 =	vadd.f32 v6, v5;
	v6 =	vmul.f32 v7, v7;
	v7 =	vsub.f32 v43, v8  }
0x414: {  	v51 =	vor.u32 $0x1C, v3;
	v53 =	vor.u32 $0x1C, v4;
	v11 =	vld.idx.msk [tilespmem:v42+s17+$0x0], $0xffff  }
0x415: {  	v55 =	vld.idx.msk [tilespmem:v47+s16+$0x0], $0xffff;
	v5 =	vadd.f32 v6, v5;
	v6 =	vmul.f32 v7, v7;
	v7 =	vsub.f32 v46, v15  }
0x416: {  	v54 =	vor.u32 $0x1D, v3;
	v56 =	vor.u32 $0x1D, v4;
	v9 =	vld.idx.msk [tilespmem:v45+s17+$0x0], $0xffff  }
0x417: {  	v58 =	vld.idx.msk [tilespmem:v50+s16+$0x0], $0xffff;
	v5 =	vadd.f32 v6, v5;
	v6 =	vmul.f32 v7, v7;
	v7 =	vsub.f32 v49, v12  }
0x418: {  	v57 =	vor.u32 $0x1E, v3;
	v59 =	vor.u32 $0x1E, v4;
	v10 =	vld.idx.msk [tilespmem:v48+s17+$0x0], $0xffff  }
0x419: {  	v60 =	vld.idx.msk [tilespmem:v53+s16+$0x0], $0xffff;
	v5 =	vadd.f32 v6, v5;
	v6 =	vmul.f32 v7, v7;
	v7 =	vsub.f32 v52, v11  }
0x41a: {  	v3 =	vor.u32 $0x1F, v3;
	v4 =	vor.u32 $0x1F, v4;
	v8 =	vld.idx.msk [tilespmem:v51+s17+$0x0], $0xffff  }
0x41b: {  	v61 =	vld.idx.msk [tilespmem:v54+s17+$0x0], $0xffff;
	v5 =	vadd.f32 v6, v5;
	v6 =	vmul.f32 v7, v7;
	v7 =	vsub.f32 v55, v9  }
0x41c: {  	v62 =	vld.idx.msk [tilespmem:v56+s16+$0x0], $0xffff  }
0x41d: {  	v63 =	vld.idx.msk [tilespmem:v59+s16+$0x0], $0xffff;
	v5 =	vadd.f32 v6, v5;
	v6 =	vmul.f32 v7, v7;
	v7 =	vsub.f32 v58, v10  }
0x41e: {  	v12 =	vld.idx.msk [tilespmem:v57+s17+$0x0], $0xffff  }
0x41f: {  	v3 =	vld.idx.msk [tilespmem:v3+s17+$0x0], $0xffff;
	v5 =	vadd.f32 v6, v5;
	v6 =	vmul.f32 v7, v7;
	v7 =	vsub.f32 v60, v8  }
0x420: {  	v4 =	vld.idx.msk [tilespmem:v4+s16+$0x0], $0xffff  }
0x421: {  	v5 =	vadd.f32 v6, v5;
	v6 =	vmul.f32 v7, v7;
	v7 =	vsub.f32 v62, v61;
	_ =	sdelay $0x1  }
0x422: {  	v5 =	vadd.f32 v6, v5;
	v6 =	vmul.f32 v7, v7;
	v7 =	vsub.f32 v63, v12;
	_ =	sdelay $0x1  }
0x423: {  	v3 =	vsub.f32 v4, v3;
	v5 =	vadd.f32 v6, v5;
	v6 =	vmul.f32 v7, v7;
	_ =	sdelay $0x1  }
0x424: {  	v3 =	vmul.f32 v3, v3;
	v4 =	vadd.f32 v6, v5;
	_ =	sdelay $0x1  }
0x425: {  	v3 =	vadd.f32 v3, v4;
	_ =	sdelay $0x1  }
0x426: {  	v4 =	vmul.f32 $5.000000000e-01, v3;
	v5 =	vshra.s32 v3, $0x1  }
0x427: {  	v5 =	vsub.s32 $0x5F3759DF, v5  }
0x428: {  	v6 =	vmul.f32 v5, v4;
	_ =	sdelay $0x1  }
0x429: {  	v6 =	vmul.f32 v5, v6;
	_ =	sdelay $0x1  }
0x42a: {  	v6 =	vsub.f32 $1.500000000e+00, v6;
	_ =	sdelay $0x1  }
0x42b: {  	v5 =	vmul.f32 v5, v6;
	_ =	sdelay $0x1  }
0x42c: {  	v6 =	vmul.f32 v5, v4;
	_ =	sdelay $0x1  }
0x42d: {  	v6 =	vmul.f32 v6, v5;
	_ =	sdelay $0x1  }
0x42e: {  	v6 =	vsub.f32 $1.500000000e+00, v6;
	_ =	sdelay $0x1  }
0x42f: {  	v5 =	vmul.f32 v6, v5;
	_ =	sdelay $0x1  }
0x430: {  	v4 =	vmul.f32 v5, v4;
	_ =	sdelay $0x1  }
0x431: {  	v4 =	vmul.f32 v4, v5;
	_ =	sdelay $0x1  }
0x432: {  	v4 =	vsub.f32 $1.500000000e+00, v4;
	_ =	sdelay $0x1  }
0x433: {  	v4 =	vmul.f32 v4, v5;
	_ =	sdelay $0x1  }
0x434: {  	v3 =	vmul.f32 v4, v3;
	_ =	sdelay $0x1  }
0x435: {  	v3 =	vmul.f32 v3, v1;
	_ =	sdelay $0x1  }
0x436: {  	v3 =	vadd.f32 v3, v2  }
0x437: {  	s29 =	simm.s32 $0x10A00  }
0x438: {  	s30 =	simm.s32 $0x790;
	[tilespmem:s29+$0x0] =	vst v3  }
0x439: {  	v4 =	vld [tilespmem:s30+$0x0]  }
0x43a: {  	s31 =	simm.s32 $0x390  }
0x43b: {  	s0 =	simm.s32 $0x10;
	s1 =	simm.s32 $0x20;
	v3 =	vld [tilespmem:s31+$0x0]  }
.LBB2_8:
0x43c: {  	p0 =	sne.s32 s1, $0x70;
	v5 =	vmov s0;
	s0 =	smov.u32 s1  }
0x43d: {  	v5 =	vshll.u32 v5, $0x7  }
0x43e: {  	v5 =	vor.u32 v0, v5;
	v4 =	vshll.u32 v4, $0x5  }
0x43f: {  	v5 =	vadd.s32 $0x4000, v5;
	v6 =	vand.u32 $0xFFFFFF80, v4  }
0x440: {  	v4 =	vand.u32 $0x60, v4;
	v3 =	vshll.u32 v3, $0x5;
	v6 =	vadd.s32 v5, v6  }
0x441: {  	v7 =	vand.u32 $0xFFFFFF80, v3;
	v4 =	vor.u32 v4, v6  }
0x442: {  	v3 =	vand.u32 $0x60, v3;
	v5 =	vadd.s32 v5, v7;
	v6 =	vor.u32 $0x1, v4  }
0x443: {  	v3 =	vor.u32 v3, v5  }
0x444: {  	v5 =	vor.u32 $0x1, v3  }
0x445: {  	v7 =	vor.u32 $0x2, v4  }
0x446: {  	v9 =	vor.u32 $0x2, v3;
	v8 =	vld.idx.msk [tilespmem:v4+s17+$0x0], $0xffff  }
0x447: {  	v10 =	vor.u32 $0x3, v4;
	v6 =	vld.idx.msk [tilespmem:v6+s17+$0x0], $0xffff  }
0x448: {  	v12 =	vor.u32 $0x3, v3;
	v11 =	vld.idx.msk [tilespmem:v3+s16+$0x0], $0xffff  }
0x449: {  	v13 =	vor.u32 $0x4, v4;
	v5 =	vld.idx.msk [tilespmem:v5+s16+$0x0], $0xffff  }
0x44a: {  	v14 =	vor.u32 $0x4, v3;
	v7 =	vld.idx.msk [tilespmem:v7+s17+$0x0], $0xffff  }
0x44b: {  	v15 =	vor.u32 $0x5, v4;
	v9 =	vld.idx.msk [tilespmem:v9+s16+$0x0], $0xffff  }
0x44c: {  	v16 =	vor.u32 $0x5, v3;
	v10 =	vld.idx.msk [tilespmem:v10+s17+$0x0], $0xffff  }
0x44d: {  	v17 =	vor.u32 $0x6, v4;
	v12 =	vld.idx.msk [tilespmem:v12+s16+$0x0], $0xffff  }
0x44e: {  	v18 =	vor.u32 $0x6, v3;
	v13 =	vld.idx.msk [tilespmem:v13+s17+$0x0], $0xffff  }
0x44f: {  	v8 =	vsub.f32 v11, v8;
	v11 =	vor.u32 $0x7, v4;
	v5 =	vsub.f32 v5, v6;
	v6 =	vld.idx.msk [tilespmem:v14+s16+$0x0], $0xffff  }
0x450: {  	v19 =	vor.u32 $0x8, v4;
	v14 =	vld.idx.msk [tilespmem:v15+s17+$0x0], $0xffff;
	v15 =	vor.u32 $0x7, v3  }
0x451: {  	v8 =	vmul.f32 v8, v8;
	v5 =	vmul.f32 v5, v5;
	v7 =	vsub.f32 v9, v7;
	v9 =	vld.idx.msk [tilespmem:v16+s16+$0x0], $0xffff  }
0x452: {  	v20 =	vor.u32 $0x9, v4;
	v16 =	vld.idx.msk [tilespmem:v17+s17+$0x0], $0xffff;
	v17 =	vor.u32 $0x8, v3  }
0x453: {  	v5 =	vadd.f32 v5, v8;
	v7 =	vmul.f32 v7, v7;
	v8 =	vsub.f32 v12, v10;
	v10 =	vld.idx.msk [tilespmem:v18+s16+$0x0], $0xffff  }
0x454: {  	v12 =	vor.u32 $0x9, v3;
	v18 =	vor.u32 $0xA, v4;
	v11 =	vld.idx.msk [tilespmem:v11+s17+$0x0], $0xffff  }
0x455: {  	v5 =	vadd.f32 v7, v5;
	v7 =	vmul.f32 v8, v8;
	v6 =	vsub.f32 v6, v13;
	v8 =	vld.idx.msk [tilespmem:v15+s16+$0x0], $0xffff  }
0x456: {  	v15 =	vor.u32 $0xA, v3;
	v13 =	vld.idx.msk [tilespmem:v19+s17+$0x0], $0xffff;
	v19 =	vor.u32 $0xB, v4  }
0x457: {  	v5 =	vadd.f32 v7, v5;
	v6 =	vmul.f32 v6, v6;
	v7 =	vsub.f32 v9, v14;
	v9 =	vld.idx.msk [tilespmem:v17+s16+$0x0], $0xffff  }
0x458: {  	v17 =	vor.u32 $0xB, v3;
	v14 =	vld.idx.msk [tilespmem:v20+s17+$0x0], $0xffff;
	v20 =	vor.u32 $0xC, v4  }
0x459: {  	v5 =	vadd.f32 v6, v5;
	v6 =	vmul.f32 v7, v7;
	v7 =	vsub.f32 v10, v16;
	v10 =	vld.idx.msk [tilespmem:v12+s16+$0x0], $0xffff  }
0x45a: {  	v16 =	vor.u32 $0xC, v3;
	v12 =	vld.idx.msk [tilespmem:v18+s17+$0x0], $0xffff;
	v18 =	vor.u32 $0xD, v4  }
0x45b: {  	v5 =	vadd.f32 v6, v5;
	v6 =	vmul.f32 v7, v7;
	v7 =	vsub.f32 v8, v11;
	v8 =	vld.idx.msk [tilespmem:v15+s16+$0x0], $0xffff  }
0x45c: {  	v15 =	vor.u32 $0xD, v3;
	v11 =	vld.idx.msk [tilespmem:v19+s17+$0x0], $0xffff;
	v19 =	vor.u32 $0xE, v4  }
0x45d: {  	v5 =	vadd.f32 v6, v5;
	v6 =	vmul.f32 v7, v7;
	v7 =	vsub.f32 v9, v13;
	v9 =	vld.idx.msk [tilespmem:v17+s16+$0x0], $0xffff  }
0x45e: {  	v17 =	vor.u32 $0xE, v3;
	v13 =	vld.idx.msk [tilespmem:v20+s17+$0x0], $0xffff;
	v20 =	vor.u32 $0xF, v4  }
0x45f: {  	v5 =	vadd.f32 v6, v5;
	v6 =	vmul.f32 v7, v7;
	v7 =	vsub.f32 v10, v14;
	v10 =	vld.idx.msk [tilespmem:v16+s16+$0x0], $0xffff  }
0x460: {  	v16 =	vor.u32 $0xF, v3;
	v14 =	vld.idx.msk [tilespmem:v18+s17+$0x0], $0xffff;
	v18 =	vor.u32 $0x10, v4  }
0x461: {  	v5 =	vadd.f32 v6, v5;
	v6 =	vmul.f32 v7, v7;
	v7 =	vsub.f32 v8, v12;
	v8 =	vld.idx.msk [tilespmem:v15+s16+$0x0], $0xffff  }
0x462: {  	v15 =	vor.u32 $0x10, v3;
	v12 =	vld.idx.msk [tilespmem:v19+s17+$0x0], $0xffff;
	v19 =	vor.u32 $0x11, v4  }
0x463: {  	v5 =	vadd.f32 v6, v5;
	v6 =	vmul.f32 v7, v7;
	v7 =	vsub.f32 v9, v11;
	v9 =	vld.idx.msk [tilespmem:v17+s16+$0x0], $0xffff  }
0x464: {  	v17 =	vor.u32 $0x11, v3;
	v11 =	vld.idx.msk [tilespmem:v20+s17+$0x0], $0xffff;
	v20 =	vor.u32 $0x12, v4  }
0x465: {  	v5 =	vadd.f32 v6, v5;
	v6 =	vmul.f32 v7, v7;
	v7 =	vsub.f32 v10, v13;
	v10 =	vld.idx.msk [tilespmem:v16+s16+$0x0], $0xffff  }
0x466: {  	v16 =	vor.u32 $0x12, v3;
	v13 =	vld.idx.msk [tilespmem:v18+s17+$0x0], $0xffff;
	v18 =	vor.u32 $0x13, v4  }
0x467: {  	v5 =	vadd.f32 v6, v5;
	v6 =	vmul.f32 v7, v7;
	v7 =	vsub.f32 v8, v14;
	v8 =	vld.idx.msk [tilespmem:v15+s16+$0x0], $0xffff  }
0x468: {  	v15 =	vor.u32 $0x13, v3;
	v14 =	vld.idx.msk [tilespmem:v19+s17+$0x0], $0xffff;
	v19 =	vor.u32 $0x14, v4  }
0x469: {  	v5 =	vadd.f32 v6, v5;
	v6 =	vmul.f32 v7, v7;
	v7 =	vsub.f32 v9, v12;
	v9 =	vld.idx.msk [tilespmem:v17+s16+$0x0], $0xffff  }
0x46a: {  	v17 =	vor.u32 $0x14, v3;
	v12 =	vld.idx.msk [tilespmem:v20+s17+$0x0], $0xffff;
	v20 =	vor.u32 $0x15, v4  }
0x46b: {  	v5 =	vadd.f32 v6, v5;
	v6 =	vmul.f32 v7, v7;
	v7 =	vsub.f32 v10, v11;
	v10 =	vld.idx.msk [tilespmem:v16+s16+$0x0], $0xffff  }
0x46c: {  	v16 =	vor.u32 $0x15, v3;
	v11 =	vld.idx.msk [tilespmem:v18+s17+$0x0], $0xffff;
	v18 =	vor.u32 $0x16, v4  }
0x46d: {  	v5 =	vadd.f32 v6, v5;
	v6 =	vmul.f32 v7, v7;
	v7 =	vsub.f32 v8, v13;
	v8 =	vld.idx.msk [tilespmem:v15+s16+$0x0], $0xffff  }
0x46e: {  	v15 =	vor.u32 $0x16, v3;
	v13 =	vld.idx.msk [tilespmem:v19+s17+$0x0], $0xffff;
	v19 =	vor.u32 $0x17, v4  }
0x46f: {  	v5 =	vadd.f32 v6, v5;
	v6 =	vmul.f32 v7, v7;
	v7 =	vsub.f32 v9, v14;
	v9 =	vld.idx.msk [tilespmem:v17+s16+$0x0], $0xffff  }
0x470: {  	v17 =	vor.u32 $0x17, v3;
	v14 =	vld.idx.msk [tilespmem:v20+s17+$0x0], $0xffff;
	v20 =	vor.u32 $0x18, v4  }
0x471: {  	v5 =	vadd.f32 v6, v5;
	v6 =	vmul.f32 v7, v7;
	v7 =	vsub.f32 v10, v12;
	v10 =	vld.idx.msk [tilespmem:v16+s16+$0x0], $0xffff  }
0x472: {  	v16 =	vor.u32 $0x18, v3;
	v12 =	vld.idx.msk [tilespmem:v18+s17+$0x0], $0xffff;
	v18 =	vor.u32 $0x19, v4  }
0x473: {  	v5 =	vadd.f32 v6, v5;
	v6 =	vmul.f32 v7, v7;
	v7 =	vsub.f32 v8, v11;
	v8 =	vld.idx.msk [tilespmem:v15+s16+$0x0], $0xffff  }
0x474: {  	v15 =	vor.u32 $0x19, v3;
	v11 =	vld.idx.msk [tilespmem:v19+s17+$0x0], $0xffff;
	v19 =	vor.u32 $0x1A, v4  }
0x475: {  	v5 =	vadd.f32 v6, v5;
	v6 =	vmul.f32 v7, v7;
	v7 =	vsub.f32 v9, v13;
	v9 =	vld.idx.msk [tilespmem:v17+s16+$0x0], $0xffff  }
0x476: {  	v17 =	vor.u32 $0x1A, v3;
	v13 =	vld.idx.msk [tilespmem:v20+s17+$0x0], $0xffff;
	v20 =	vor.u32 $0x1B, v4  }
0x477: {  	v5 =	vadd.f32 v6, v5;
	v6 =	vmul.f32 v7, v7;
	v7 =	vsub.f32 v10, v14;
	v10 =	vld.idx.msk [tilespmem:v16+s16+$0x0], $0xffff  }
0x478: {  	v16 =	vor.u32 $0x1B, v3;
	v14 =	vld.idx.msk [tilespmem:v18+s17+$0x0], $0xffff;
	v18 =	vor.u32 $0x1C, v4  }
0x479: {  	v5 =	vadd.f32 v6, v5;
	v6 =	vmul.f32 v7, v7;
	v7 =	vsub.f32 v8, v12;
	v8 =	vld.idx.msk [tilespmem:v15+s16+$0x0], $0xffff  }
0x47a: {  	v15 =	vor.u32 $0x1C, v3;
	v12 =	vld.idx.msk [tilespmem:v19+s17+$0x0], $0xffff;
	v19 =	vor.u32 $0x1D, v4  }
0x47b: {  	v5 =	vadd.f32 v6, v5;
	v6 =	vmul.f32 v7, v7;
	v7 =	vsub.f32 v9, v11;
	v9 =	vld.idx.msk [tilespmem:v17+s16+$0x0], $0xffff  }
0x47c: {  	v17 =	vor.u32 $0x1D, v3;
	v11 =	vld.idx.msk [tilespmem:v20+s17+$0x0], $0xffff;
	v20 =	vor.u32 $0x1E, v4  }
0x47d: {  	v5 =	vadd.f32 v6, v5;
	v6 =	vmul.f32 v7, v7;
	v7 =	vsub.f32 v10, v13;
	v10 =	vld.idx.msk [tilespmem:v16+s16+$0x0], $0xffff  }
0x47e: {  	v4 =	vor.u32 $0x1F, v4;
	v16 =	vor.u32 $0x1E, v3;
	v13 =	vld.idx.msk [tilespmem:v18+s17+$0x0], $0xffff  }
0x47f: {  	v5 =	vadd.f32 v6, v5;
	v6 =	vmul.f32 v7, v7;
	v7 =	vsub.f32 v8, v14;
	v8 =	vld.idx.msk [tilespmem:v15+s16+$0x0], $0xffff  }
0x480: {  	v3 =	vor.u32 $0x1F, v3;
	v14 =	vld.idx.msk [tilespmem:v19+s17+$0x0], $0xffff  }
0x481: {  	v5 =	vadd.f32 v6, v5;
	v6 =	vmul.f32 v7, v7;
	v7 =	vsub.f32 v9, v12;
	v9 =	vld.idx.msk [tilespmem:v17+s16+$0x0], $0xffff  }
0x482: {  	v12 =	vld.idx.msk [tilespmem:v20+s17+$0x0], $0xffff  }
0x483: {  	v5 =	vadd.f32 v6, v5;
	v6 =	vmul.f32 v7, v7;
	v7 =	vsub.f32 v10, v11;
	v10 =	vld.idx.msk [tilespmem:v16+s16+$0x0], $0xffff  }
0x484: {  	v4 =	vld.idx.msk [tilespmem:v4+s17+$0x0], $0xffff  }
0x485: {  	v5 =	vadd.f32 v6, v5;
	v6 =	vmul.f32 v7, v7;
	v7 =	vsub.f32 v8, v13;
	v3 =	vld.idx.msk [tilespmem:v3+s16+$0x0], $0xffff;
	_ =	sdelay $0x1  }
0x486: {  	v5 =	vadd.f32 v6, v5;
	v6 =	vmul.f32 v7, v7;
	v7 =	vsub.f32 v9, v14;
	_ =	sdelay $0x1  }
0x487: {  	v5 =	vadd.f32 v6, v5;
	v6 =	vmul.f32 v7, v7;
	v7 =	vsub.f32 v10, v12;
	_ =	sdelay $0x1  }
0x488: {  	v5 =	vadd.f32 v6, v5;
	v6 =	vmul.f32 v7, v7;
	v3 =	vsub.f32 v3, v4;
	_ =	sdelay $0x1  }
0x489: {  	v4 =	vadd.f32 v6, v5;
	v3 =	vmul.f32 v3, v3;
	_ =	sdelay $0x1  }
0x48a: {  	v3 =	vadd.f32 v3, v4;
	_ =	sdelay $0x1  }
0x48b: {  	v4 =	vmul.f32 $5.000000000e-01, v3;
	v5 =	vshra.s32 v3, $0x1  }
0x48c: {  	v5 =	vsub.s32 $0x5F3759DF, v5  }
0x48d: {  	v6 =	vmul.f32 v5, v4;
	_ =	sdelay $0x1  }
0x48e: {  	v6 =	vmul.f32 v5, v6;
	_ =	sdelay $0x1  }
0x48f: {  	v6 =	vsub.f32 $1.500000000e+00, v6;
	_ =	sdelay $0x1  }
0x490: {  	v5 =	vmul.f32 v5, v6;
	_ =	sdelay $0x1  }
0x491: {  	v6 =	vmul.f32 v5, v4;
	_ =	sdelay $0x1  }
0x492: {  	v6 =	vmul.f32 v6, v5;
	_ =	sdelay $0x1  }
0x493: {  	v6 =	vsub.f32 $1.500000000e+00, v6;
	_ =	sdelay $0x1  }
0x494: {  	v5 =	vmul.f32 v6, v5;
	_ =	sdelay $0x1  }
0x495: {  	v4 =	vmul.f32 v5, v4;
	_ =	sdelay $0x1  }
0x496: {  	v4 =	vmul.f32 v4, v5;
	_ =	sdelay $0x1  }
0x497: {  	v4 =	vsub.f32 $1.500000000e+00, v4;
	_ =	sdelay $0x1  }
0x498: {  	v4 =	vmul.f32 v4, v5;
	_ =	sdelay $0x1  }
0x499: {  	v3 =	vmul.f32 v4, v3;
	_ =	sdelay $0x1  }
0x49a: {  	v3 =	vmul.f32 v3, v1;
	_ =	sdelay $0x1  }
0x49b: {  	v3 =	vadd.f32 v3, v2  }
.Ltmp3:
0x49c: {  	s29 =	sadd.s32 $0x10, s29;
	(pc) =	sbr.rel @p0 .LBB2_8-.Ltmp3, $4  }
0x49d: {  	s30 =	sadd.s32 $0x10, s30;
	[tilespmem:s29+$0x0] =	vst v3  }
0x49e: {  	v4 =	vld [tilespmem:s30+$0x0]  }
0x49f: {  	s31 =	sadd.s32 $0x10, s31  }
0x4a0: {  	s1 =	sadd.s32 $0x10, s1;
	v3 =	vld [tilespmem:s31+$0x0]  }
0x4a1: {  	v5 =	vmov s0  }
0x4a2: {  	v5 =	vshll.u32 v5, $0x7  }
0x4a3: {  	v5 =	vor.u32 v0, v5;
	v4 =	vshll.u32 v4, $0x5  }
0x4a4: {  	v5 =	vadd.s32 $0x4000, v5;
	v6 =	vand.u32 $0xFFFFFF80, v4  }
0x4a5: {  	v7 =	vshll.u32 v3, $0x5;
	v3 =	vand.u32 $0x60, v4;
	v57 =	vadd.s32 v5, v6  }
0x4a6: {  	v58 =	vand.u32 $0xFFFFFF80, v7;
	v3 =	vor.u32 v3, v57  }
0x4a7: {  	v59 =	vand.u32 $0x60, v7;
	v5 =	vadd.s32 v5, v58;
	v60 =	vor.u32 $0x1, v3  }
0x4a8: {  	v4 =	vor.u32 v59, v5  }
0x4a9: {  	v5 =	vor.u32 $0x1, v4  }
0x4aa: {  	v61 =	vor.u32 $0x2, v3  }
0x4ab: {  	v9 =	vor.u32 $0x2, v4;
	v8 =	vld.idx.msk [tilespmem:v3+s17+$0x0], $0xffff  }
0x4ac: {  	v10 =	vor.u32 $0x3, v3;
	v6 =	vld.idx.msk [tilespmem:v60+s17+$0x0], $0xffff  }
0x4ad: {  	v12 =	vor.u32 $0x3, v4;
	v11 =	vld.idx.msk [tilespmem:v4+s16+$0x0], $0xffff  }
0x4ae: {  	v13 =	vor.u32 $0x4, v3;
	v5 =	vld.idx.msk [tilespmem:v5+s16+$0x0], $0xffff  }
0x4af: {  	v14 =	vor.u32 $0x4, v4;
	v7 =	vld.idx.msk [tilespmem:v61+s17+$0x0], $0xffff  }
0x4b0: {  	v15 =	vor.u32 $0x5, v3;
	v9 =	vld.idx.msk [tilespmem:v9+s16+$0x0], $0xffff  }
0x4b1: {  	v16 =	vor.u32 $0x5, v4;
	v10 =	vld.idx.msk [tilespmem:v10+s17+$0x0], $0xffff  }
0x4b2: {  	v17 =	vor.u32 $0x6, v3;
	v12 =	vld.idx.msk [tilespmem:v12+s16+$0x0], $0xffff  }
0x4b3: {  	v18 =	vor.u32 $0x6, v4;
	v13 =	vld.idx.msk [tilespmem:v13+s17+$0x0], $0xffff;
	v8 =	vsub.f32 v11, v8;
	v5 =	vsub.f32 v5, v6  }
0x4b4: {  	v63 =	vor.u32 $0x7, v3;
	v21 =	vor.u32 $0x7, v4;
	v62 =	vld.idx.msk [tilespmem:v14+s16+$0x0], $0xffff  }
0x4b5: {  	v15 =	vld.idx.msk [tilespmem:v15+s17+$0x0], $0xffff;
	v7 =	vsub.f32 v9, v7;
	v8 =	vmul.f32 v8, v8;
	v5 =	vmul.f32 v5, v5  }
0x4b6: {  	v22 =	vor.u32 $0x8, v3;
	v19 =	vor.u32 $0x8, v4;
	v16 =	vld.idx.msk [tilespmem:v16+s16+$0x0], $0xffff  }
0x4b7: {  	v17 =	vld.idx.msk [tilespmem:v17+s17+$0x0], $0xffff;
	v23 =	vsub.f32 v12, v10;
	v7 =	vmul.f32 v7, v7;
	v5 =	vadd.f32 v5, v8  }
0x4b8: {  	v24 =	vor.u32 $0x9, v3;
	v26 =	vor.u32 $0x9, v4;
	v25 =	vld.idx.msk [tilespmem:v18+s16+$0x0], $0xffff  }
0x4b9: {  	v29 =	vld.idx.msk [tilespmem:v21+s16+$0x0], $0xffff;
	v6 =	vsub.f32 v62, v13;
	v27 =	vmul.f32 v23, v23;
	v5 =	vadd.f32 v7, v5  }
0x4ba: {  	v28 =	vor.u32 $0xA, v3;
	v30 =	vor.u32 $0xA, v4;
	v11 =	vld.idx.msk [tilespmem:v63+s17+$0x0], $0xffff  }
0x4bb: {  	v33 =	vld.idx.msk [tilespmem:v19+s16+$0x0], $0xffff;
	v31 =	vsub.f32 v16, v15;
	v6 =	vmul.f32 v6, v6;
	v5 =	vadd.f32 v27, v5  }
0x4bc: {  	v32 =	vor.u32 $0xB, v3;
	v34 =	vor.u32 $0xB, v4;
	v9 =	vld.idx.msk [tilespmem:v22+s17+$0x0], $0xffff  }
0x4bd: {  	v38 =	vld.idx.msk [tilespmem:v26+s16+$0x0], $0xffff;
	v36 =	vsub.f32 v25, v17;
	v35 =	vmul.f32 v31, v31;
	v5 =	vadd.f32 v6, v5  }
0x4be: {  	v37 =	vor.u32 $0xC, v3;
	v39 =	vor.u32 $0xC, v4;
	v10 =	vld.idx.msk [tilespmem:v24+s17+$0x0], $0xffff  }
0x4bf: {  	v43 =	vld.idx.msk [tilespmem:v30+s16+$0x0], $0xffff;
	v40 =	vmul.f32 v36, v36;
	v41 =	vsub.f32 v29, v11;
	v5 =	vadd.f32 v35, v5  }
0x4c0: {  	v42 =	vor.u32 $0xD, v3;
	v44 =	vor.u32 $0xD, v4;
	v8 =	vld.idx.msk [tilespmem:v28+s17+$0x0], $0xffff  }
0x4c1: {  	v48 =	vld.idx.msk [tilespmem:v34+s16+$0x0], $0xffff;
	v46 =	vsub.f32 v33, v9;
	v45 =	vmul.f32 v41, v41;
	v5 =	vadd.f32 v40, v5  }
0x4c2: {  	v47 =	vor.u32 $0xE, v3;
	v49 =	vor.u32 $0xE, v4;
	v15 =	vld.idx.msk [tilespmem:v32+s17+$0x0], $0xffff  }
0x4c3: {  	v53 =	vld.idx.msk [tilespmem:v39+s16+$0x0], $0xffff;
	v51 =	vsub.f32 v38, v10;
	v50 =	vmul.f32 v46, v46;
	v5 =	vadd.f32 v45, v5  }
0x4c4: {  	v52 =	vor.u32 $0xF, v3;
	v54 =	vor.u32 $0xF, v4;
	v12 =	vld.idx.msk [tilespmem:v37+s17+$0x0], $0xffff  }
0x4c5: {  	v58 =	vld.idx.msk [tilespmem:v44+s16+$0x0], $0xffff;
	v55 =	vmul.f32 v51, v51;
	v56 =	vsub.f32 v43, v8;
	v5 =	vadd.f32 v50, v5  }
0x4c6: {  	v57 =	vor.u32 $0x10, v3;
	v59 =	vor.u32 $0x10, v4;
	v11 =	vld.idx.msk [tilespmem:v42+s17+$0x0], $0xffff  }
0x4c7: {  	v63 =	vld.idx.msk [tilespmem:v49+s16+$0x0], $0xffff;
	v61 =	vsub.f32 v48, v15;
	v60 =	vmul.f32 v56, v56;
	v5 =	vadd.f32 v55, v5  }
0x4c8: {  	v21 =	vor.u32 $0x11, v4;
	v62 =	vor.u32 $0x11, v3;
	v9 =	vld.idx.msk [tilespmem:v47+s17+$0x0], $0xffff  }
0x4c9: {  	v25 =	vld.idx.msk [tilespmem:v54+s16+$0x0], $0xffff;
	v23 =	vsub.f32 v53, v12;
	v22 =	vmul.f32 v61, v61;
	v5 =	vadd.f32 v60, v5  }
0x4ca: {  	v26 =	vor.u32 $0x12, v4;
	v24 =	vor.u32 $0x12, v3;
	v10 =	vld.idx.msk [tilespmem:v52+s17+$0x0], $0xffff  }
0x4cb: {  	v30 =	vld.idx.msk [tilespmem:v59+s16+$0x0], $0xffff;
	v27 =	vmul.f32 v23, v23;
	v28 =	vsub.f32 v58, v11;
	v5 =	vadd.f32 v22, v5  }
0x4cc: {  	v31 =	vor.u32 $0x13, v4;
	v29 =	vor.u32 $0x13, v3;
	v8 =	vld.idx.msk [tilespmem:v57+s17+$0x0], $0xffff  }
0x4cd: {  	v15 =	vld.idx.msk [tilespmem:v62+s17+$0x0], $0xffff;
	v33 =	vsub.f32 v63, v9;
	v32 =	vmul.f32 v28, v28;
	v5 =	vadd.f32 v27, v5  }
0x4ce: {  	v34 =	vor.u32 $0x14, v3;
	v36 =	vor.u32 $0x14, v4;
	v35 =	vld.idx.msk [tilespmem:v21+s16+$0x0], $0xffff  }
0x4cf: {  	v12 =	vld.idx.msk [tilespmem:v24+s17+$0x0], $0xffff;
	v38 =	vsub.f32 v25, v10;
	v37 =	vmul.f32 v33, v33;
	v5 =	vadd.f32 v32, v5  }
0x4d0: {  	v39 =	vor.u32 $0x15, v3;
	v41 =	vor.u32 $0x15, v4;
	v40 =	vld.idx.msk [tilespmem:v26+s16+$0x0], $0xffff  }
0x4d1: {  	v11 =	vld.idx.msk [tilespmem:v29+s17+$0x0], $0xffff;
	v42 =	vmul.f32 v38, v38;
	v43 =	vsub.f32 v30, v8;
	v5 =	vadd.f32 v37, v5  }
0x4d2: {  	v44 =	vor.u32 $0x16, v3;
	v46 =	vor.u32 $0x16, v4;
	v45 =	vld.idx.msk [tilespmem:v31+s16+$0x0], $0xffff  }
0x4d3: {  	v9 =	vld.idx.msk [tilespmem:v34+s17+$0x0], $0xffff;
	v47 =	vmul.f32 v43, v43;
	v48 =	vsub.f32 v35, v15;
	v5 =	vadd.f32 v42, v5  }
0x4d4: {  	v49 =	vor.u32 $0x17, v3;
	v51 =	vor.u32 $0x17, v4;
	v50 =	vld.idx.msk [tilespmem:v36+s16+$0x0], $0xffff  }
0x4d5: {  	v10 =	vld.idx.msk [tilespmem:v39+s17+$0x0], $0xffff;
	v52 =	vmul.f32 v48, v48;
	v53 =	vsub.f32 v40, v12;
	v5 =	vadd.f32 v47, v5  }
0x4d6: {  	v54 =	vor.u32 $0x18, v3;
	v56 =	vor.u32 $0x18, v4;
	v55 =	vld.idx.msk [tilespmem:v41+s16+$0x0], $0xffff  }
0x4d7: {  	v8 =	vld.idx.msk [tilespmem:v44+s17+$0x0], $0xffff;
	v57 =	vmul.f32 v53, v53;
	v58 =	vsub.f32 v45, v11;
	v5 =	vadd.f32 v52, v5  }
0x4d8: {  	v59 =	vor.u32 $0x19, v3;
	v61 =	vor.u32 $0x19, v4;
	v60 =	vld.idx.msk [tilespmem:v46+s16+$0x0], $0xffff  }
0x4d9: {  	v15 =	vld.idx.msk [tilespmem:v49+s17+$0x0], $0xffff;
	v62 =	vmul.f32 v58, v58;
	v63 =	vsub.f32 v50, v9;
	v5 =	vadd.f32 v57, v5  }
0x4da: {  	v23 =	vor.u32 $0x1A, v4;
	v21 =	vor.u32 $0x1A, v3;
	v22 =	vld.idx.msk [tilespmem:v51+s16+$0x0], $0xffff  }
0x4db: {  	v12 =	vld.idx.msk [tilespmem:v54+s17+$0x0], $0xffff;
	v24 =	vmul.f32 v63, v63;
	v25 =	vsub.f32 v55, v10;
	v5 =	vadd.f32 v62, v5  }
0x4dc: {  	v28 =	vor.u32 $0x1B, v4;
	v26 =	vor.u32 $0x1B, v3;
	v27 =	vld.idx.msk [tilespmem:v56+s16+$0x0], $0xffff  }
0x4dd: {  	v11 =	vld.idx.msk [tilespmem:v59+s17+$0x0], $0xffff;
	v29 =	vmul.f32 v25, v25;
	v30 =	vsub.f32 v60, v8;
	v5 =	vadd.f32 v24, v5  }
0x4de: {  	v33 =	vor.u32 $0x1C, v4;
	v31 =	vor.u32 $0x1C, v3;
	v32 =	vld.idx.msk [tilespmem:v61+s16+$0x0], $0xffff  }
0x4df: {  	v9 =	vld.idx.msk [tilespmem:v21+s17+$0x0], $0xffff;
	v34 =	vmul.f32 v30, v30;
	v35 =	vsub.f32 v22, v15;
	v5 =	vadd.f32 v29, v5  }
0x4e0: {  	v38 =	vor.u32 $0x1D, v4;
	v36 =	vor.u32 $0x1D, v3;
	v37 =	vld.idx.msk [tilespmem:v23+s16+$0x0], $0xffff  }
0x4e1: {  	v10 =	vld.idx.msk [tilespmem:v26+s17+$0x0], $0xffff;
	v39 =	vmul.f32 v35, v35;
	v40 =	vsub.f32 v27, v12;
	v5 =	vadd.f32 v34, v5  }
0x4e2: {  	v43 =	vor.u32 $0x1E, v4;
	v41 =	vor.u32 $0x1E, v3;
	v42 =	vld.idx.msk [tilespmem:v28+s16+$0x0], $0xffff  }
0x4e3: {  	v46 =	vld.idx.msk [tilespmem:v33+s16+$0x0], $0xffff;
	v44 =	vmul.f32 v40, v40;
	v45 =	vsub.f32 v32, v11;
	v5 =	vadd.f32 v39, v5  }
0x4e4: {  	v4 =	vor.u32 $0x1F, v4;
	v3 =	vor.u32 $0x1F, v3;
	v8 =	vld.idx.msk [tilespmem:v31+s17+$0x0], $0xffff  }
0x4e5: {  	v50 =	vld.idx.msk [tilespmem:v38+s16+$0x0], $0xffff;
	v48 =	vmul.f32 v45, v45;
	v49 =	vsub.f32 v37, v9;
	v5 =	vadd.f32 v44, v5  }
0x4e6: {  	v47 =	vld.idx.msk [tilespmem:v36+s17+$0x0], $0xffff  }
0x4e7: {  	v53 =	vld.idx.msk [tilespmem:v43+s16+$0x0], $0xffff;
	v51 =	vmul.f32 v49, v49;
	v52 =	vsub.f32 v42, v10;
	v5 =	vadd.f32 v48, v5  }
0x4e8: {  	v12 =	vld.idx.msk [tilespmem:v41+s17+$0x0], $0xffff  }
0x4e9: {  	v4 =	vld.idx.msk [tilespmem:v4+s16+$0x0], $0xffff;
	v55 =	vsub.f32 v46, v8;
	v54 =	vmul.f32 v52, v52;
	v5 =	vadd.f32 v51, v5  }
0x4ea: {  	v3 =	vld.idx.msk [tilespmem:v3+s17+$0x0], $0xffff  }
0x4eb: {  	v56 =	vmul.f32 v55, v55;
	v57 =	vsub.f32 v50, v47;
	v5 =	vadd.f32 v54, v5;
	_ =	sdelay $0x1  }
0x4ec: {  	v59 =	vsub.f32 v53, v12;
	v58 =	vmul.f32 v57, v57;
	v5 =	vadd.f32 v56, v5;
	_ =	sdelay $0x1  }
0x4ed: {  	v3 =	vsub.f32 v4, v3;
	v60 =	vmul.f32 v59, v59;
	v5 =	vadd.f32 v58, v5;
	_ =	sdelay $0x1  }
0x4ee: {  	v3 =	vmul.f32 v3, v3;
	v61 =	vadd.f32 v60, v5;
	_ =	sdelay $0x1  }
0x4ef: {  	v3 =	vadd.f32 v3, v61;
	_ =	sdelay $0x1  }
0x4f0: {  	v4 =	vmul.f32 $5.000000000e-01, v3;
	v62 =	vshra.s32 v3, $0x1  }
0x4f1: {  	v5 =	vsub.s32 $0x5F3759DF, v62  }
0x4f2: {  	v63 =	vmul.f32 v5, v4;
	_ =	sdelay $0x1  }
0x4f3: {  	v6 =	vmul.f32 v5, v63;
	_ =	sdelay $0x1  }
0x4f4: {  	v6 =	vsub.f32 $1.500000000e+00, v6;
	_ =	sdelay $0x1  }
0x4f5: {  	v5 =	vmul.f32 v5, v6;
	_ =	sdelay $0x1  }
0x4f6: {  	v6 =	vmul.f32 v5, v4;
	_ =	sdelay $0x1  }
0x4f7: {  	v6 =	vmul.f32 v6, v5;
	_ =	sdelay $0x1  }
0x4f8: {  	v6 =	vsub.f32 $1.500000000e+00, v6;
	_ =	sdelay $0x1  }
0x4f9: {  	v5 =	vmul.f32 v6, v5;
	_ =	sdelay $0x1  }
0x4fa: {  	v4 =	vmul.f32 v5, v4;
	_ =	sdelay $0x1  }
0x4fb: {  	v4 =	vmul.f32 v4, v5;
	_ =	sdelay $0x1  }
0x4fc: {  	v4 =	vsub.f32 $1.500000000e+00, v4;
	_ =	sdelay $0x1  }
0x4fd: {  	v4 =	vmul.f32 v4, v5;
	_ =	sdelay $0x1  }
0x4fe: {  	v3 =	vmul.f32 v4, v3;
	_ =	sdelay $0x1  }
0x4ff: {  	v1 =	vmul.f32 v3, v1;
	_ =	sdelay $0x1  }
0x500: {  	s28 =	sadd.s32 $0x1, s28;
	v1 =	vadd.f32 v1, v2  }
0x501: {  	s31 =	sadd.s32 $0x10, s29;
	p0 =	sne.s32 s28, s11  }
.Ltmp4:
0x502: {  	[tilespmem:s31+$0x0] =	vst v1;
	(pc) =	sbr.rel @p0 .LBB2_1-.Ltmp4, $4  }
0x503: {  	[hbm4b:s10+s2] =	stream.linear.scatter [tilespmem:s26], [sflag:$0x2], $0x200, $0x38;
	[tilespmem:$0x10A80] =	vst v63  }
0x504: {  	_ =	swait.ge [sflag:s12], $0x200  }
0x505: {  	[sflag:s12] =	ssyncset.done $0x0  }
0x506: {  	[sflag:s12] =	ssyncadd.s32 $0xFFFFFE00  }
0x507: {  	_ =	sfence.sel $0x180000  }
0x508: {  	[bflag:$0x0] =	sbarrier.arrive $0xFFFF  }
0x509: {  	_ =	strace $0x90000047  }
0x50a: {  	s0 =	stileid.u32;
	[bflag:$0x2] =	sbarrier.arrive $0xFFFF  }
0x50b: {  	p0 =	sne.s32 s0, $0x0;
	s0 =	rddreg [dreg:$0x2]  }
0x50c: {  	s0 =	sadd.s32 @!p0 $0x100000, s0  }
0x50d: {  	[sflag:s0] =	ssyncadd.tile.s32 @!p0 $0x1;
	_ =	shalt  }
.Lfunc_end2:
_tile_overlayer_lowered:
.L_overlay_start_2:
0x50e: {  	(tag) =	ssettag $0x2  }
0x50f: {  	s0 =	rddreg [dreg:$0x0];
	s2 =	stileid.u32  }
0x510: {  	s1 =	rddreg [dreg:$0x1];
	p0 =	sne.s32 s2, $0x0  }
0x511: {  	s3 =	rddreg [dreg:$0x2];
	[bflag:$0x3] =	sbarrier.arrive $0xFFFF;
	s2 =	simm.s32 @!p0 $0x1C02  }
0x512: {  	[timem:s3], [sflag:s2] =	dma.local @!p0 [hbm:s0], s1  }
0x513: {  	s0 =	simm.s32 @!p0 $0x2  }
0x514: {  	_ =	swait.ge @!p0 [sflag:s0], s1  }
0x515: {  	s1 =	ssub.s32 @!p0 $0x0, s1;
	[sflag:s0] =	ssyncset.done @!p0 $0x0  }
0x516: {  	[sflag:s0] =	ssyncadd.s32 @!p0 s1  }
0x517: {  	[bflag:$0x3] =	sbarrier.arrive $0xFFFF  }
0x518: {  	_ =	shalt  }

</sc_bundles>
